<compile_context>
chip_gen: v7x
topology: tpu7x:2x2x1
jax: 0.10.2.dev20260603
libtpu: 0.0.44.dev20260713+nightly
codegen_flags: <defaults>
</compile_context>

<pallas_src>
import functools

import jax
import jax.numpy as jnp
from jax import lax
from jax.experimental import pallas as pl
from jax.experimental.pallas import tpu as pltpu
from jax.experimental.pallas import tpu_sc as plsc

N_NODES = 10000
D_FEAT = 128
D_HID = 128
D_OUT = 2

NC = 2
NS = 16
NW = NC * NS
N_PAD = 10240
RPT = N_PAD // NS
EC = 128
CH = 80
EPW = CH * EC
E_PAD = NW * EPW
NV = EPW // 16

BR = 256
GRID = N_PAD // BR

_MESH = plsc.VectorSubcoreMesh(core_axis_name="c", subcore_axis_name="s")
_NOLAYOUT = pltpu.CompilerParams(needs_layout_passes=False)


@functools.partial(
    pl.kernel,
    out_type=jax.ShapeDtypeStruct((NC, NS, N_PAD), jnp.float32),
    mesh=_MESH,
    compiler_params=_NOLAYOUT,
    scratch_types=[
        pltpu.VMEM((CH, EC), jnp.int32),
        pltpu.VMEM((N_PAD,), jnp.float32),
    ],
)
def _sc_degree(dst_hbm, zero_hbm, out_hbm, idx_v, acc):
    c = lax.axis_index("c")
    s = lax.axis_index("s")
    pltpu.sync_copy(zero_hbm, acc)
    pltpu.sync_copy(dst_hbm.at[c, s], idx_v)
    ones = jnp.ones((16,), jnp.float32)

    def body(j, carry):
        for k in range(EC // 16):
            ix = idx_v[j, pl.ds(k * 16, 16)]
            plsc.addupdate_scatter(acc, [ix], ones)
        return carry

    lax.fori_loop(0, CH, body, 0)
    pltpu.sync_copy(acc, out_hbm.at[c, s])


@functools.partial(
    pl.kernel,
    out_type=jax.ShapeDtypeStruct((NC, N_PAD, D_HID), jnp.float32),
    mesh=_MESH,
    scratch_types=[
        pltpu.VMEM((CH // 5, EC), jnp.int32),
        pltpu.VMEM((CH // 5, EC), jnp.int32),
        pltpu.VMEM((2, EC, D_HID), jnp.float32),
        pltpu.VMEM_SHARED((N_PAD, D_HID), jnp.float32),
        pltpu.SemaphoreType.DMA,
        pltpu.SemaphoreType.DMA,
    ],
)
def _sc_segsum_hid(table_hbm, src_hbm, dst_hbm, zero_hbm, out_hbm,
                   isrc, idst, rows, acc, s0, s1):
    c = lax.axis_index("c")
    s = lax.axis_index("s")
    sems = (s0, s1)
    base = s * RPT
    QC = CH // 5
    pltpu.sync_copy(zero_hbm, acc.at[pl.ds(base, RPT)])
    plsc.subcore_barrier()

    def g_start(j, b):
        pltpu.async_copy(table_hbm.at[isrc.at[j]], rows.at[b], sems[b])

    def g_wait(j, b):
        pltpu.make_async_copy(table_hbm.at[isrc.at[j]], rows.at[b],
                              sems[b]).wait()

    def scat(j, b):
        pltpu.async_copy(rows.at[b], acc.at[idst.at[j]], sems[b],
                         add=True).wait()

    for q in range(5):
        pltpu.sync_copy(src_hbm.at[c, s, pl.ds(q * QC, QC)], isrc)
        pltpu.sync_copy(dst_hbm.at[c, s, pl.ds(q * QC, QC)], idst)
        g_start(0, 0)
        g_start(1, 1)

        def group(g, carry):
            for b in range(2):
                j = 2 * g + b
                g_wait(j, b)
                scat(j, b)
                g_start(j + 2, b)
            return carry

        lax.fori_loop(0, QC // 2 - 1, group, 0)
        for b in range(2):
            j = QC - 2 + b
            g_wait(j, b)
            scat(j, b)
    plsc.subcore_barrier()
    pltpu.sync_copy(acc.at[pl.ds(base, RPT)],
                    out_hbm.at[c, pl.ds(base, RPT)])


@functools.partial(
    pl.kernel,
    out_type=jax.ShapeDtypeStruct((NC, NS, 2 * N_PAD), jnp.float32),
    mesh=_MESH,
    compiler_params=_NOLAYOUT,
    scratch_types=[
        pltpu.VMEM((CH, EC), jnp.int32),
        pltpu.VMEM((CH, EC), jnp.int32),
        pltpu.VMEM((2 * N_PAD,), jnp.float32),
        pltpu.VMEM((2 * N_PAD,), jnp.float32),
    ],
)
def _sc_segsum_out(table_hbm, src_hbm, dst_hbm, zero_hbm, out_hbm,
                   isrc, idst, table_v, acc):
    c = lax.axis_index("c")
    s = lax.axis_index("s")
    pltpu.sync_copy(table_hbm, table_v)
    pltpu.sync_copy(zero_hbm, acc)
    pltpu.sync_copy(src_hbm.at[c, s], isrc)
    pltpu.sync_copy(dst_hbm.at[c, s], idst)

    def body(j, carry):
        for k in range(EC // 16):
            sb = isrc[j, pl.ds(k * 16, 16)] * 2
            db = idst[j, pl.ds(k * 16, 16)] * 2
            g0 = plsc.load_gather(table_v, [sb])
            g1 = plsc.load_gather(table_v, [sb + 1])
            plsc.addupdate_scatter(acc, [db], g0)
            plsc.addupdate_scatter(acc, [db + 1], g1)
        return carry

    lax.fori_loop(0, CH, body, 0)
    pltpu.sync_copy(acc, out_hbm.at[c, s])


def _dinv_block(deg_blk):
    deg = jnp.sum(deg_blk, axis=1, keepdims=True) + 1.0
    return lax.rsqrt(deg)


def _tc_hs(x_ref, w_ref, deg_ref, hs_ref):
    dinv = _dinv_block(deg_ref[...])
    hs_ref[...] = jnp.dot(x_ref[...], w_ref[...],
                          preferred_element_type=jnp.float32) * dinv


def _tc_layer2(accp_ref, hs_ref, deg_ref, w2_ref, b1_ref, gs_ref):
    dinv = _dinv_block(deg_ref[...])
    out1 = dinv * (accp_ref[0] + accp_ref[1] + hs_ref[...]) + b1_ref[...]
    r = jnp.maximum(out1, 0.0)
    gs_ref[...] = jnp.dot(r, w2_ref[...],
                          preferred_element_type=jnp.float32) * dinv


def _tc_softmax(acc2_ref, gs_ref, deg_ref, b2_ref, out_ref):
    dinv = _dinv_block(deg_ref[...])
    acc2 = jnp.sum(acc2_ref[...], axis=2)
    t = dinv * (acc2 + gs_ref[...]) + b2_ref[...]
    l0 = t[:, 0:1]
    l1 = t[:, 1:2]
    m = jnp.maximum(l0, l1)
    e0 = jnp.exp(l0 - m)
    e1 = jnp.exp(l1 - m)
    inv = 1.0 / (e0 + e1)
    out_ref[...] = jnp.concatenate([e0 * inv, e1 * inv], axis=1)


def kernel(x, edge_index, W1, b1, W2, b2):
    ei = edge_index.astype(jnp.int32)
    src = jnp.concatenate(
        [ei[0], jnp.zeros((E_PAD - ei.shape[1],), jnp.int32)])
    dst = jnp.concatenate(
        [ei[1], jnp.full((E_PAD - ei.shape[1],), N_NODES, jnp.int32)])
    src128 = src.reshape(NC, NS, CH, EC)
    dst128 = dst.reshape(NC, NS, CH, EC)

    x_pad = jnp.zeros((N_PAD, D_FEAT), jnp.float32).at[:N_NODES].set(x)
    b1r = b1.reshape(1, D_HID)
    b2r = b2.reshape(1, D_OUT)
    zero1 = jnp.zeros((N_PAD,), jnp.float32)
    zero2 = jnp.zeros((2 * N_PAD,), jnp.float32)
    zero128 = jnp.zeros((RPT, D_HID), jnp.float32)

    degp = _sc_degree(dst128, zero1)
    deg_t = degp.reshape(NW, N_PAD).transpose(1, 0)

    hs = pl.pallas_call(
        _tc_hs,
        grid=(GRID,),
        in_specs=[
            pl.BlockSpec((BR, D_FEAT), lambda i: (i, 0)),
            pl.BlockSpec((D_FEAT, D_HID), lambda i: (0, 0)),
            pl.BlockSpec((BR, NW), lambda i: (i, 0)),
        ],
        out_specs=pl.BlockSpec((BR, D_HID), lambda i: (i, 0)),
        out_shape=jax.ShapeDtypeStruct((N_PAD, D_HID), jnp.float32),
    )(x_pad, W1, deg_t)

    accp = _sc_segsum_hid(hs, src128, dst128, zero128)

    gs = pl.pallas_call(
        _tc_layer2,
        grid=(GRID,),
        in_specs=[
            pl.BlockSpec((NC, BR, D_HID), lambda i: (0, i, 0)),
            pl.BlockSpec((BR, D_HID), lambda i: (i, 0)),
            pl.BlockSpec((BR, NW), lambda i: (i, 0)),
            pl.BlockSpec((D_HID, D_OUT), lambda i: (0, 0)),
            pl.BlockSpec((1, D_HID), lambda i: (0, 0)),
        ],
        out_specs=pl.BlockSpec((BR, D_OUT), lambda i: (i, 0)),
        out_shape=jax.ShapeDtypeStruct((N_PAD, D_OUT), jnp.float32),
    )(accp, hs, deg_t, W2, b1r)

    acc2p = _sc_segsum_out(gs.reshape(2 * N_PAD), src128, dst128, zero2)
    acc2_t = acc2p.reshape(NW, N_PAD, 2).transpose(1, 2, 0)

    out = pl.pallas_call(
        _tc_softmax,
        grid=(GRID,),
        in_specs=[
            pl.BlockSpec((BR, D_OUT, NW), lambda i: (i, 0, 0)),
            pl.BlockSpec((BR, D_OUT), lambda i: (i, 0)),
            pl.BlockSpec((BR, NW), lambda i: (i, 0)),
            pl.BlockSpec((1, D_OUT), lambda i: (0, 0)),
        ],
        out_specs=pl.BlockSpec((BR, D_OUT), lambda i: (i, 0)),
        out_shape=jax.ShapeDtypeStruct((N_PAD, D_OUT), jnp.float32),
    )(acc2_t, gs, deg_t, b2r)

    return out[:N_NODES]

# --- scband reference (transcript-rebuilt; emitter-appended) ---
"""Pipeline reference for scband-gcn-83640193122934 (READ-ONLY COPY).

The authoritative reference and input builder live on the scoring server;
editing this copy changes nothing except your own understanding.
"""

import jax, jax.numpy as jnp
import numpy as np

N_NODES = 10000
N_EDGES = 320000
D_FEAT = 128
D_HID = 128
D_OUT = 2


def gcn_conv(x, edge_index, W, b, num_nodes):
    # GCNConv: add self-loops, symmetric normalization, linear, aggregate, bias
    src = edge_index[0]
    dst = edge_index[1]
    loop = jnp.arange(num_nodes, dtype=edge_index.dtype)
    src_full = jnp.concatenate([src, loop])
    dst_full = jnp.concatenate([dst, loop])
    # degree computed on destination nodes (including self-loops)
    deg = jnp.zeros((num_nodes,), dtype=x.dtype).at[dst_full].add(1.0)
    dinv = jnp.where(deg > 0, jax.lax.rsqrt(deg), 0.0)
    norm = dinv[src_full] * dinv[dst_full]
    h = x @ W  # linear transform first (matches torch_geometric GCNConv)
    msg = jnp.take(h, src_full, axis=0) * norm[:, None]
    out = jax.ops.segment_sum(msg, dst_full, num_segments=num_nodes)
    return out + b


def setup_inputs(seed: int = 0) -> dict:
    key = jax.random.key(seed)
    k1, k2, k3, k4, k5, k6 = jax.random.split(key, 6)
    x = jax.random.normal(k1, (N_NODES, D_FEAT), dtype=jnp.float32)
    edge_index = jax.random.randint(k2, (2, N_EDGES), 0, N_NODES, dtype=jnp.int64)
    # glorot-style init for GCNConv weights
    W1 = jax.random.normal(k3, (D_FEAT, D_HID), dtype=jnp.float32) * (1.0 / np.sqrt(D_FEAT))
    b1 = jnp.zeros((D_HID,), dtype=jnp.float32)
    W2 = jax.random.normal(k4, (D_HID, D_OUT), dtype=jnp.float32) * (1.0 / np.sqrt(D_HID))
    b2 = jnp.zeros((D_OUT,), dtype=jnp.float32)
    return {"x": x, "edge_index": edge_index, "W1": W1, "b1": b1, "W2": W2, "b2": b2}


def reference(x, edge_index, W1, b1, W2, b2):
    h = gcn_conv(x, edge_index, W1, b1, N_NODES)
    h = jax.nn.relu(h)
    # dropout p=0.2 is identity in eval mode
    h = gcn_conv(h, edge_index, W2, b2, N_NODES)
    return jax.nn.softmax(h, axis=-1)

if __name__ == "__main__":
    import jax
    _d = setup_inputs()
    print(jax.jit(kernel)(*tuple(_d.values())))

</pallas_src>

<mosaic_0001>
#map = affine_map<(d0, d1) -> (0, 0)>
#map1 = affine_map<(d0, d1) -> (0, 0, 0, 0)>
#map2 = affine_map<(d0, d1) -> (0, 0, 0)>
module attributes {stable_mosaic.version = 14 : i64} {
  func.func @_sc_segsum_hid(%arg0: i32, %arg1: i32, %arg2: memref<10240x128xf32, #tpu.memory_space<hbm>>, %arg3: memref<2x16x80x128xi32, #tpu.memory_space<hbm>>, %arg4: memref<2x16x80x128xi32, #tpu.memory_space<hbm>>, %arg5: memref<640x128xf32, #tpu.memory_space<hbm>>, %arg6: memref<2x10240x128xf32, #tpu.memory_space<hbm>>, %arg7: memref<16x128xi32, #tpu.memory_space<vmem>>, %arg8: memref<16x128xi32, #tpu.memory_space<vmem>>, %arg9: memref<2x128x128xf32, #tpu.memory_space<vmem>>, %arg10: memref<10240x128xf32, #tpu.memory_space<vmem_shared>>, %arg11: memref<!tpu.dma_semaphore, #tpu.memory_space<semaphore_mem>>, %arg12: memref<!tpu.dma_semaphore, #tpu.memory_space<semaphore_mem>>) attributes {dimension_semantics = [#tpu.dimension_semantics<core_parallel>, #tpu.dimension_semantics<subcore_parallel>], iteration_bounds = array<i64: 2, 16>, scalar_prefetch = 0 : i64, scratch_operands = 6 : i64, tpu.core_type = #tpu.core_type<sc_vector_subcore>, window_params = [{transform_indices = #map}, {transform_indices = #map1}, {transform_indices = #map1}, {transform_indices = #map}, {transform_indices = #map2}]} {
    %mul3A = arith.constant 640 : i32
    %mul3A_0 = arith.muli %arg1, %mul3A : i32
    "tpu.region"() ({
      %run_scoped3A = tpu.sem_alloc : memref<!tpu.dma_semaphore, #tpu.memory_space<semaphore_mem>>
      %dma_start3A_509 = arith.constant 0 : i32
      %dma_start3A_510 = tpu.memref_slice %arg10[%mul3A_0, %dma_start3A_509] : memref<10240x128xf32, #tpu.memory_space<vmem_shared>> -> memref<640x128xf32, #tpu.memory_space<vmem_shared>>
      tpu.enqueue_dma source(%arg5 : memref<640x128xf32, #tpu.memory_space<hbm>>) target(%dma_start3A_510 : memref<640x128xf32, #tpu.memory_space<vmem_shared>>) target_semaphore(%run_scoped3A : memref<!tpu.dma_semaphore, #tpu.memory_space<semaphore_mem>>)
      %dma_wait3A_511 = arith.constant 0 : i32
      %dma_wait3A_512 = tpu.memref_slice %arg10[%mul3A_0, %dma_wait3A_511] : memref<10240x128xf32, #tpu.memory_space<vmem_shared>> -> memref<640x128xf32, #tpu.memory_space<vmem_shared>>
      tpu.wait_dma2 semaphore(%run_scoped3A : memref<!tpu.dma_semaphore, #tpu.memory_space<semaphore_mem>>) src(%arg5 : memref<640x128xf32, #tpu.memory_space<hbm>>) dst(%dma_wait3A_512 : memref<640x128xf32, #tpu.memory_space<vmem_shared>>)
      tpu.yield
    }) : () -> ()
    %barrier3A = arith.constant 0 : index
    tpu.barrier barrier_id(%barrier3A)
    "tpu.region"() ({
      %run_scoped3A = tpu.sem_alloc : memref<!tpu.dma_semaphore, #tpu.memory_space<semaphore_mem>>
      %dma_start3A_509 = arith.constant 0 : i32
      %dma_start3A_510 = arith.constant 0 : i32
      %dma_start3A_511 = tpu.memref_slice %arg3[%arg0, %arg1, %dma_start3A_509, %dma_start3A_510] : memref<2x16x80x128xi32, #tpu.memory_space<hbm>> -> memref<1x1x16x128xi32, #tpu.memory_space<hbm>>
      %dma_start3A_512 = tpu.memref_squeeze %dma_start3A_511 : memref<1x1x16x128xi32, #tpu.memory_space<hbm>> -> memref<16x128xi32, #tpu.memory_space<hbm>>
      %dma_start3A_513 = arith.constant 0 : i32
      %dma_start3A_514 = arith.constant 0 : i32
      %dma_start3A_515 = tpu.memref_slice %arg3[%arg0, %arg1, %dma_start3A_513, %dma_start3A_514] : memref<2x16x80x128xi32, #tpu.memory_space<hbm>> -> memref<1x1x16x128xi32, #tpu.memory_space<hbm>>
      %dma_start3A_516 = tpu.memref_squeeze %dma_start3A_515 : memref<1x1x16x128xi32, #tpu.memory_space<hbm>> -> memref<16x128xi32, #tpu.memory_space<hbm>>
      tpu.enqueue_dma source(%dma_start3A_516 : memref<16x128xi32, #tpu.memory_space<hbm>>) target(%arg7 : memref<16x128xi32, #tpu.memory_space<vmem>>) target_semaphore(%run_scoped3A : memref<!tpu.dma_semaphore, #tpu.memory_space<semaphore_mem>>)
      %dma_wait3A_517 = arith.constant 0 : i32
      %dma_wait3A_518 = arith.constant 0 : i32
      %dma_wait3A_519 = tpu.memref_slice %arg3[%arg0, %arg1, %dma_wait3A_517, %dma_wait3A_518] : memref<2x16x80x128xi32, #tpu.memory_space<hbm>> -> memref<1x1x16x128xi32, #tpu.memory_space<hbm>>
      %dma_wait3A_520 = tpu.memref_squeeze %dma_wait3A_519 : memref<1x1x16x128xi32, #tpu.memory_space<hbm>> -> memref<16x128xi32, #tpu.memory_space<hbm>>
      %dma_wait3A_521 = arith.constant 0 : i32
      %dma_wait3A_522 = arith.constant 0 : i32
      %dma_wait3A_523 = tpu.memref_slice %arg3[%arg0, %arg1, %dma_wait3A_521, %dma_wait3A_522] : memref<2x16x80x128xi32, #tpu.memory_space<hbm>> -> memref<1x1x16x128xi32, #tpu.memory_space<hbm>>
      %dma_wait3A_524 = tpu.memref_squeeze %dma_wait3A_523 : memref<1x1x16x128xi32, #tpu.memory_space<hbm>> -> memref<16x128xi32, #tpu.memory_space<hbm>>
      tpu.wait_dma2 semaphore(%run_scoped3A : memref<!tpu.dma_semaphore, #tpu.memory_space<semaphore_mem>>) src(%dma_wait3A_524 : memref<16x128xi32, #tpu.memory_space<hbm>>) dst(%arg7 : memref<16x128xi32, #tpu.memory_space<vmem>>)
      tpu.yield
    }) : () -> ()
    "tpu.region"() ({
      %run_scoped3A = tpu.sem_alloc : memref<!tpu.dma_semaphore, #tpu.memory_space<semaphore_mem>>
      %dma_start3A_509 = arith.constant 0 : i32
      %dma_start3A_510 = arith.constant 0 : i32
      %dma_start3A_511 = tpu.memref_slice %arg4[%arg0, %arg1, %dma_start3A_509, %dma_start3A_510] : memref<2x16x80x128xi32, #tpu.memory_space<hbm>> -> memref<1x1x16x128xi32, #tpu.memory_space<hbm>>
      %dma_start3A_512 = tpu.memref_squeeze %dma_start3A_511 : memref<1x1x16x128xi32, #tpu.memory_space<hbm>> -> memref<16x128xi32, #tpu.memory_space<hbm>>
      %dma_start3A_513 = arith.constant 0 : i32
      %dma_start3A_514 = arith.constant 0 : i32
      %dma_start3A_515 = tpu.memref_slice %arg4[%arg0, %arg1, %dma_start3A_513, %dma_start3A_514] : memref<2x16x80x128xi32, #tpu.memory_space<hbm>> -> memref<1x1x16x128xi32, #tpu.memory_space<hbm>>
      %dma_start3A_516 = tpu.memref_squeeze %dma_start3A_515 : memref<1x1x16x128xi32, #tpu.memory_space<hbm>> -> memref<16x128xi32, #tpu.memory_space<hbm>>
      tpu.enqueue_dma source(%dma_start3A_516 : memref<16x128xi32, #tpu.memory_space<hbm>>) target(%arg8 : memref<16x128xi32, #tpu.memory_space<vmem>>) target_semaphore(%run_scoped3A : memref<!tpu.dma_semaphore, #tpu.memory_space<semaphore_mem>>)
      %dma_wait3A_517 = arith.constant 0 : i32
      %dma_wait3A_518 = arith.constant 0 : i32
      %dma_wait3A_519 = tpu.memref_slice %arg4[%arg0, %arg1, %dma_wait3A_517, %dma_wait3A_518] : memref<2x16x80x128xi32, #tpu.memory_space<hbm>> -> memref<1x1x16x128xi32, #tpu.memory_space<hbm>>
      %dma_wait3A_520 = tpu.memref_squeeze %dma_wait3A_519 : memref<1x1x16x128xi32, #tpu.memory_space<hbm>> -> memref<16x128xi32, #tpu.memory_space<hbm>>
      %dma_wait3A_521 = arith.constant 0 : i32
      %dma_wait3A_522 = arith.constant 0 : i32
      %dma_wait3A_523 = tpu.memref_slice %arg4[%arg0, %arg1, %dma_wait3A_521, %dma_wait3A_522] : memref<2x16x80x128xi32, #tpu.memory_space<hbm>> -> memref<1x1x16x128xi32, #tpu.memory_space<hbm>>
      %dma_wait3A_524 = tpu.memref_squeeze %dma_wait3A_523 : memref<1x1x16x128xi32, #tpu.memory_space<hbm>> -> memref<16x128xi32, #tpu.memory_space<hbm>>
      tpu.wait_dma2 semaphore(%run_scoped3A : memref<!tpu.dma_semaphore, #tpu.memory_space<semaphore_mem>>) src(%dma_wait3A_524 : memref<16x128xi32, #tpu.memory_space<hbm>>) dst(%arg8 : memref<16x128xi32, #tpu.memory_space<vmem>>)
      tpu.yield
    }) : () -> ()
    %dma_start3A = arith.constant 0 : i32
    %dma_start3A_1 = arith.constant 0 : i32
    %dma_start3A_2 = arith.constant 0 : i32
    %dma_start3A_3 = arith.constant 0 : i32
    %dma_start3A_4 = tpu.memref_slice %arg9[%dma_start3A_1, %dma_start3A_2, %dma_start3A_3] : memref<2x128x128xf32, #tpu.memory_space<vmem>> -> memref<1x128x128xf32, #tpu.memory_space<vmem>>
    %dma_start3A_5 = tpu.memref_squeeze %dma_start3A_4 : memref<1x128x128xf32, #tpu.memory_space<vmem>> -> memref<128x128xf32, #tpu.memory_space<vmem>>
    %dma_start3A_6 = arith.constant 0 : i32
    %dma_start3A_7 = tpu.memref_slice %arg7[%dma_start3A, %dma_start3A_6] : memref<16x128xi32, #tpu.memory_space<vmem>> -> memref<1x128xi32, #tpu.memory_space<vmem>>
    %dma_start3A_8 = tpu.memref_squeeze %dma_start3A_7 : memref<1x128xi32, #tpu.memory_space<vmem>> -> memref<128xi32, #tpu.memory_space<vmem>>
    %dma_start3A_9 = arith.constant 0 : i32
    %dma_start3A_10 = arith.constant 0 : i32
    %dma_start3A_11 = tpu.memref_slice %arg2[%dma_start3A_9, %dma_start3A_10] : memref<10240x128xf32, #tpu.memory_space<hbm>> -> memref<10240x128xf32, #tpu.memory_space<hbm>>
    tpu.enqueue_indirect_dma source(%dma_start3A_11 : memref<10240x128xf32, #tpu.memory_space<hbm>>) target(%dma_start3A_5 : memref<128x128xf32, #tpu.memory_space<vmem>>) offsets(%dma_start3A_8 : memref<128xi32, #tpu.memory_space<vmem>>) semaphore(%arg11 : memref<!tpu.dma_semaphore, #tpu.memory_space<semaphore_mem>>)
    %dma_start3A_12 = arith.constant 1 : i32
    %dma_start3A_13 = arith.constant 1 : i32
    %dma_start3A_14 = arith.constant 0 : i32
    %dma_start3A_15 = arith.constant 0 : i32
    %dma_start3A_16 = tpu.memref_slice %arg9[%dma_start3A_13, %dma_start3A_14, %dma_start3A_15] : memref<2x128x128xf32, #tpu.memory_space<vmem>> -> memref<1x128x128xf32, #tpu.memory_space<vmem>>
    %dma_start3A_17 = tpu.memref_squeeze %dma_start3A_16 : memref<1x128x128xf32, #tpu.memory_space<vmem>> -> memref<128x128xf32, #tpu.memory_space<vmem>>
    %dma_start3A_18 = arith.constant 0 : i32
    %dma_start3A_19 = tpu.memref_slice %arg7[%dma_start3A_12, %dma_start3A_18] : memref<16x128xi32, #tpu.memory_space<vmem>> -> memref<1x128xi32, #tpu.memory_space<vmem>>
    %dma_start3A_20 = tpu.memref_squeeze %dma_start3A_19 : memref<1x128xi32, #tpu.memory_space<vmem>> -> memref<128xi32, #tpu.memory_space<vmem>>
    %dma_start3A_21 = arith.constant 0 : i32
    %dma_start3A_22 = arith.constant 0 : i32
    %dma_start3A_23 = tpu.memref_slice %arg2[%dma_start3A_21, %dma_start3A_22] : memref<10240x128xf32, #tpu.memory_space<hbm>> -> memref<10240x128xf32, #tpu.memory_space<hbm>>
    tpu.enqueue_indirect_dma source(%dma_start3A_23 : memref<10240x128xf32, #tpu.memory_space<hbm>>) target(%dma_start3A_17 : memref<128x128xf32, #tpu.memory_space<vmem>>) offsets(%dma_start3A_20 : memref<128xi32, #tpu.memory_space<vmem>>) semaphore(%arg12 : memref<!tpu.dma_semaphore, #tpu.memory_space<semaphore_mem>>)
    %scan3A = arith.constant 0 : i32
    %scan3A_24 = arith.constant 0 : i32
    %scan3A_25 = arith.constant 7 : i32
    %scan3A_26 = arith.addi %scan3A_24, %scan3A_25 : i32
    %scan3A_27 = arith.constant 1 : i32
    scf.for %scan3A_509 = %scan3A_24 to %scan3A_26 step %scan3A_27  : i32 {
      %mul3A_510 = arith.constant 2 : i32
      %mul3A_511 = arith.muli %mul3A_510, %scan3A_509 : i32
      %add3A = arith.constant 0 : i32
      %add3A_512 = arith.addi %mul3A_511, %add3A : i32
      %dma_wait3A_513 = arith.constant 0 : i32
      %dma_wait3A_514 = arith.constant 0 : i32
      %dma_wait3A_515 = arith.constant 0 : i32
      %dma_wait3A_516 = tpu.memref_slice %arg9[%dma_wait3A_513, %dma_wait3A_514, %dma_wait3A_515] : memref<2x128x128xf32, #tpu.memory_space<vmem>> -> memref<1x128x128xf32, #tpu.memory_space<vmem>>
      %dma_wait3A_517 = tpu.memref_squeeze %dma_wait3A_516 : memref<1x128x128xf32, #tpu.memory_space<vmem>> -> memref<128x128xf32, #tpu.memory_space<vmem>>
      %dma_wait3A_518 = arith.constant 0 : i32
      %dma_wait3A_519 = tpu.memref_slice %arg7[%add3A_512, %dma_wait3A_518] : memref<16x128xi32, #tpu.memory_space<vmem>> -> memref<1x128xi32, #tpu.memory_space<vmem>>
      %dma_wait3A_520 = tpu.memref_squeeze %dma_wait3A_519 : memref<1x128xi32, #tpu.memory_space<vmem>> -> memref<128xi32, #tpu.memory_space<vmem>>
      %dma_wait3A_521 = arith.constant 0 : i32
      %dma_wait3A_522 = arith.constant 0 : i32
      %dma_wait3A_523 = tpu.memref_slice %arg2[%dma_wait3A_521, %dma_wait3A_522] : memref<10240x128xf32, #tpu.memory_space<hbm>> -> memref<10240x128xf32, #tpu.memory_space<hbm>>
      tpu.wait_indirect_dma semaphore(%arg11 : memref<!tpu.dma_semaphore, #tpu.memory_space<semaphore_mem>>) src(%dma_wait3A_523 : memref<10240x128xf32, #tpu.memory_space<hbm>>) dst(%dma_wait3A_517 : memref<128x128xf32, #tpu.memory_space<vmem>>)
      %dma_start3A_524 = arith.constant 0 : i32
      %dma_start3A_525 = arith.constant 0 : i32
      %dma_start3A_526 = arith.constant 0 : i32
      %dma_start3A_527 = tpu.memref_slice %arg9[%dma_start3A_524, %dma_start3A_525, %dma_start3A_526] : memref<2x128x128xf32, #tpu.memory_space<vmem>> -> memref<1x128x128xf32, #tpu.memory_space<vmem>>
      %dma_start3A_528 = tpu.memref_squeeze %dma_start3A_527 : memref<1x128x128xf32, #tpu.memory_space<vmem>> -> memref<128x128xf32, #tpu.memory_space<vmem>>
      %dma_start3A_529 = arith.constant 0 : i32
      %dma_start3A_530 = tpu.memref_slice %arg8[%add3A_512, %dma_start3A_529] : memref<16x128xi32, #tpu.memory_space<vmem>> -> memref<1x128xi32, #tpu.memory_space<vmem>>
      %dma_start3A_531 = tpu.memref_squeeze %dma_start3A_530 : memref<1x128xi32, #tpu.memory_space<vmem>> -> memref<128xi32, #tpu.memory_space<vmem>>
      %dma_start3A_532 = arith.constant 0 : i32
      %dma_start3A_533 = arith.constant 0 : i32
      %dma_start3A_534 = tpu.memref_slice %arg10[%dma_start3A_532, %dma_start3A_533] : memref<10240x128xf32, #tpu.memory_space<vmem_shared>> -> memref<10240x128xf32, #tpu.memory_space<vmem_shared>>
      tpu.enqueue_indirect_dma source(%dma_start3A_528 : memref<128x128xf32, #tpu.memory_space<vmem>>) target(%dma_start3A_534 : memref<10240x128xf32, #tpu.memory_space<vmem_shared>>) offsets(%dma_start3A_531 : memref<128xi32, #tpu.memory_space<vmem>>) semaphore(%arg11 : memref<!tpu.dma_semaphore, #tpu.memory_space<semaphore_mem>>) {add = true}
      %dma_wait3A_535 = arith.constant 0 : i32
      %dma_wait3A_536 = arith.constant 0 : i32
      %dma_wait3A_537 = arith.constant 0 : i32
      %dma_wait3A_538 = tpu.memref_slice %arg9[%dma_wait3A_535, %dma_wait3A_536, %dma_wait3A_537] : memref<2x128x128xf32, #tpu.memory_space<vmem>> -> memref<1x128x128xf32, #tpu.memory_space<vmem>>
      %dma_wait3A_539 = tpu.memref_squeeze %dma_wait3A_538 : memref<1x128x128xf32, #tpu.memory_space<vmem>> -> memref<128x128xf32, #tpu.memory_space<vmem>>
      %dma_wait3A_540 = arith.constant 0 : i32
      %dma_wait3A_541 = tpu.memref_slice %arg8[%add3A_512, %dma_wait3A_540] : memref<16x128xi32, #tpu.memory_space<vmem>> -> memref<1x128xi32, #tpu.memory_space<vmem>>
      %dma_wait3A_542 = tpu.memref_squeeze %dma_wait3A_541 : memref<1x128xi32, #tpu.memory_space<vmem>> -> memref<128xi32, #tpu.memory_space<vmem>>
      %dma_wait3A_543 = arith.constant 0 : i32
      %dma_wait3A_544 = arith.constant 0 : i32
      %dma_wait3A_545 = tpu.memref_slice %arg10[%dma_wait3A_543, %dma_wait3A_544] : memref<10240x128xf32, #tpu.memory_space<vmem_shared>> -> memref<10240x128xf32, #tpu.memory_space<vmem_shared>>
      tpu.wait_indirect_dma semaphore(%arg11 : memref<!tpu.dma_semaphore, #tpu.memory_space<semaphore_mem>>) src(%dma_wait3A_539 : memref<128x128xf32, #tpu.memory_space<vmem>>) dst(%dma_wait3A_545 : memref<10240x128xf32, #tpu.memory_space<vmem_shared>>)
      %add3A_546 = arith.constant 2 : i32
      %add3A_547 = arith.addi %add3A_512, %add3A_546 : i32
      %dma_start3A_548 = arith.constant 0 : i32
      %dma_start3A_549 = arith.constant 0 : i32
      %dma_start3A_550 = arith.constant 0 : i32
      %dma_start3A_551 = tpu.memref_slice %arg9[%dma_start3A_548, %dma_start3A_549, %dma_start3A_550] : memref<2x128x128xf32, #tpu.memory_space<vmem>> -> memref<1x128x128xf32, #tpu.memory_space<vmem>>
      %dma_start3A_552 = tpu.memref_squeeze %dma_start3A_551 : memref<1x128x128xf32, #tpu.memory_space<vmem>> -> memref<128x128xf32, #tpu.memory_space<vmem>>
      %dma_start3A_553 = arith.constant 0 : i32
      %dma_start3A_554 = tpu.memref_slice %arg7[%add3A_547, %dma_start3A_553] : memref<16x128xi32, #tpu.memory_space<vmem>> -> memref<1x128xi32, #tpu.memory_space<vmem>>
      %dma_start3A_555 = tpu.memref_squeeze %dma_start3A_554 : memref<1x128xi32, #tpu.memory_space<vmem>> -> memref<128xi32, #tpu.memory_space<vmem>>
      %dma_start3A_556 = arith.constant 0 : i32
      %dma_start3A_557 = arith.constant 0 : i32
      %dma_start3A_558 = tpu.memref_slice %arg2[%dma_start3A_556, %dma_start3A_557] : memref<10240x128xf32, #tpu.memory_space<hbm>> -> memref<10240x128xf32, #tpu.memory_space<hbm>>
      tpu.enqueue_indirect_dma source(%dma_start3A_558 : memref<10240x128xf32, #tpu.memory_space<hbm>>) target(%dma_start3A_552 : memref<128x128xf32, #tpu.memory_space<vmem>>) offsets(%dma_start3A_555 : memref<128xi32, #tpu.memory_space<vmem>>) semaphore(%arg11 : memref<!tpu.dma_semaphore, #tpu.memory_space<semaphore_mem>>)
      %mul3A_559 = arith.constant 2 : i32
      %mul3A_560 = arith.muli %mul3A_559, %scan3A_509 : i32
      %add3A_561 = arith.constant 1 : i32
      %add3A_562 = arith.addi %mul3A_560, %add3A_561 : i32
      %dma_wait3A_563 = arith.constant 1 : i32
      %dma_wait3A_564 = arith.constant 0 : i32
      %dma_wait3A_565 = arith.constant 0 : i32
      %dma_wait3A_566 = tpu.memref_slice %arg9[%dma_wait3A_563, %dma_wait3A_564, %dma_wait3A_565] : memref<2x128x128xf32, #tpu.memory_space<vmem>> -> memref<1x128x128xf32, #tpu.memory_space<vmem>>
      %dma_wait3A_567 = tpu.memref_squeeze %dma_wait3A_566 : memref<1x128x128xf32, #tpu.memory_space<vmem>> -> memref<128x128xf32, #tpu.memory_space<vmem>>
      %dma_wait3A_568 = arith.constant 0 : i32
      %dma_wait3A_569 = tpu.memref_slice %arg7[%add3A_562, %dma_wait3A_568] : memref<16x128xi32, #tpu.memory_space<vmem>> -> memref<1x128xi32, #tpu.memory_space<vmem>>
      %dma_wait3A_570 = tpu.memref_squeeze %dma_wait3A_569 : memref<1x128xi32, #tpu.memory_space<vmem>> -> memref<128xi32, #tpu.memory_space<vmem>>
      %dma_wait3A_571 = arith.constant 0 : i32
      %dma_wait3A_572 = arith.constant 0 : i32
      %dma_wait3A_573 = tpu.memref_slice %arg2[%dma_wait3A_571, %dma_wait3A_572] : memref<10240x128xf32, #tpu.memory_space<hbm>> -> memref<10240x128xf32, #tpu.memory_space<hbm>>
      tpu.wait_indirect_dma semaphore(%arg12 : memref<!tpu.dma_semaphore, #tpu.memory_space<semaphore_mem>>) src(%dma_wait3A_573 : memref<10240x128xf32, #tpu.memory_space<hbm>>) dst(%dma_wait3A_567 : memref<128x128xf32, #tpu.memory_space<vmem>>)
      %dma_start3A_574 = arith.constant 1 : i32
      %dma_start3A_575 = arith.constant 0 : i32
      %dma_start3A_576 = arith.constant 0 : i32
      %dma_start3A_577 = tpu.memref_slice %arg9[%dma_start3A_574, %dma_start3A_575, %dma_start3A_576] : memref<2x128x128xf32, #tpu.memory_space<vmem>> -> memref<1x128x128xf32, #tpu.memory_space<vmem>>
      %dma_start3A_578 = tpu.memref_squeeze %dma_start3A_577 : memref<1x128x128xf32, #tpu.memory_space<vmem>> -> memref<128x128xf32, #tpu.memory_space<vmem>>
      %dma_start3A_579 = arith.constant 0 : i32
      %dma_start3A_580 = tpu.memref_slice %arg8[%add3A_562, %dma_start3A_579] : memref<16x128xi32, #tpu.memory_space<vmem>> -> memref<1x128xi32, #tpu.memory_space<vmem>>
      %dma_start3A_581 = tpu.memref_squeeze %dma_start3A_580 : memref<1x128xi32, #tpu.memory_space<vmem>> -> memref<128xi32, #tpu.memory_space<vmem>>
      %dma_start3A_582 = arith.constant 0 : i32
      %dma_start3A_583 = arith.constant 0 : i32
      %dma_start3A_584 = tpu.memref_slice %arg10[%dma_start3A_582, %dma_start3A_583] : memref<10240x128xf32, #tpu.memory_space<vmem_shared>> -> memref<10240x128xf32, #tpu.memory_space<vmem_shared>>
      tpu.enqueue_indirect_dma source(%dma_start3A_578 : memref<128x128xf32, #tpu.memory_space<vmem>>) target(%dma_start3A_584 : memref<10240x128xf32, #tpu.memory_space<vmem_shared>>) offsets(%dma_start3A_581 : memref<128xi32, #tpu.memory_space<vmem>>) semaphore(%arg12 : memref<!tpu.dma_semaphore, #tpu.memory_space<semaphore_mem>>) {add = true}
      %dma_wait3A_585 = arith.constant 1 : i32
      %dma_wait3A_586 = arith.constant 0 : i32
      %dma_wait3A_587 = arith.constant 0 : i32
      %dma_wait3A_588 = tpu.memref_slice %arg9[%dma_wait3A_585, %dma_wait3A_586, %dma_wait3A_587] : memref<2x128x128xf32, #tpu.memory_space<vmem>> -> memref<1x128x128xf32, #tpu.memory_space<vmem>>
      %dma_wait3A_589 = tpu.memref_squeeze %dma_wait3A_588 : memref<1x128x128xf32, #tpu.memory_space<vmem>> -> memref<128x128xf32, #tpu.memory_space<vmem>>
      %dma_wait3A_590 = arith.constant 0 : i32
      %dma_wait3A_591 = tpu.memref_slice %arg8[%add3A_562, %dma_wait3A_590] : memref<16x128xi32, #tpu.memory_space<vmem>> -> memref<1x128xi32, #tpu.memory_space<vmem>>
      %dma_wait3A_592 = tpu.memref_squeeze %dma_wait3A_591 : memref<1x128xi32, #tpu.memory_space<vmem>> -> memref<128xi32, #tpu.memory_space<vmem>>
      %dma_wait3A_593 = arith.constant 0 : i32
      %dma_wait3A_594 = arith.constant 0 : i32
      %dma_wait3A_595 = tpu.memref_slice %arg10[%dma_wait3A_593, %dma_wait3A_594] : memref<10240x128xf32, #tpu.memory_space<vmem_shared>> -> memref<10240x128xf32, #tpu.memory_space<vmem_shared>>
      tpu.wait_indirect_dma semaphore(%arg12 : memref<!tpu.dma_semaphore, #tpu.memory_space<semaphore_mem>>) src(%dma_wait3A_589 : memref<128x128xf32, #tpu.memory_space<vmem>>) dst(%dma_wait3A_595 : memref<10240x128xf32, #tpu.memory_space<vmem_shared>>)
      %add3A_596 = arith.constant 2 : i32
      %add3A_597 = arith.addi %add3A_562, %add3A_596 : i32
      %dma_start3A_598 = arith.constant 1 : i32
      %dma_start3A_599 = arith.constant 0 : i32
      %dma_start3A_600 = arith.constant 0 : i32
      %dma_start3A_601 = tpu.memref_slice %arg9[%dma_start3A_598, %dma_start3A_599, %dma_start3A_600] : memref<2x128x128xf32, #tpu.memory_space<vmem>> -> memref<1x128x128xf32, #tpu.memory_space<vmem>>
      %dma_start3A_602 = tpu.memref_squeeze %dma_start3A_601 : memref<1x128x128xf32, #tpu.memory_space<vmem>> -> memref<128x128xf32, #tpu.memory_space<vmem>>
      %dma_start3A_603 = arith.constant 0 : i32
      %dma_start3A_604 = tpu.memref_slice %arg7[%add3A_597, %dma_start3A_603] : memref<16x128xi32, #tpu.memory_space<vmem>> -> memref<1x128xi32, #tpu.memory_space<vmem>>
      %dma_start3A_605 = tpu.memref_squeeze %dma_start3A_604 : memref<1x128xi32, #tpu.memory_space<vmem>> -> memref<128xi32, #tpu.memory_space<vmem>>
      %dma_start3A_606 = arith.constant 0 : i32
      %dma_start3A_607 = arith.constant 0 : i32
      %dma_start3A_608 = tpu.memref_slice %arg2[%dma_start3A_606, %dma_start3A_607] : memref<10240x128xf32, #tpu.memory_space<hbm>> -> memref<10240x128xf32, #tpu.memory_space<hbm>>
      tpu.enqueue_indirect_dma source(%dma_start3A_608 : memref<10240x128xf32, #tpu.memory_space<hbm>>) target(%dma_start3A_602 : memref<128x128xf32, #tpu.memory_space<vmem>>) offsets(%dma_start3A_605 : memref<128xi32, #tpu.memory_space<vmem>>) semaphore(%arg12 : memref<!tpu.dma_semaphore, #tpu.memory_space<semaphore_mem>>)
    }
    %scan3A_28 = arith.constant 7 : i32
    %dma_wait3A = arith.constant 14 : i32
    %dma_wait3A_29 = arith.constant 0 : i32
    %dma_wait3A_30 = arith.constant 0 : i32
    %dma_wait3A_31 = arith.constant 0 : i32
    %dma_wait3A_32 = tpu.memref_slice %arg9[%dma_wait3A_29, %dma_wait3A_30, %dma_wait3A_31] : memref<2x128x128xf32, #tpu.memory_space<vmem>> -> memref<1x128x128xf32, #tpu.memory_space<vmem>>
    %dma_wait3A_33 = tpu.memref_squeeze %dma_wait3A_32 : memref<1x128x128xf32, #tpu.memory_space<vmem>> -> memref<128x128xf32, #tpu.memory_space<vmem>>
    %dma_wait3A_34 = arith.constant 0 : i32
    %dma_wait3A_35 = tpu.memref_slice %arg7[%dma_wait3A, %dma_wait3A_34] : memref<16x128xi32, #tpu.memory_space<vmem>> -> memref<1x128xi32, #tpu.memory_space<vmem>>
    %dma_wait3A_36 = tpu.memref_squeeze %dma_wait3A_35 : memref<1x128xi32, #tpu.memory_space<vmem>> -> memref<128xi32, #tpu.memory_space<vmem>>
    %dma_wait3A_37 = arith.constant 0 : i32
    %dma_wait3A_38 = arith.constant 0 : i32
    %dma_wait3A_39 = tpu.memref_slice %arg2[%dma_wait3A_37, %dma_wait3A_38] : memref<10240x128xf32, #tpu.memory_space<hbm>> -> memref<10240x128xf32, #tpu.memory_space<hbm>>
    tpu.wait_indirect_dma semaphore(%arg11 : memref<!tpu.dma_semaphore, #tpu.memory_space<semaphore_mem>>) src(%dma_wait3A_39 : memref<10240x128xf32, #tpu.memory_space<hbm>>) dst(%dma_wait3A_33 : memref<128x128xf32, #tpu.memory_space<vmem>>)
    %dma_start3A_40 = arith.constant 0 : i32
    %dma_start3A_41 = arith.constant 14 : i32
    %dma_start3A_42 = arith.constant 0 : i32
    %dma_start3A_43 = arith.constant 0 : i32
    %dma_start3A_44 = tpu.memref_slice %arg9[%dma_start3A_40, %dma_start3A_42, %dma_start3A_43] : memref<2x128x128xf32, #tpu.memory_space<vmem>> -> memref<1x128x128xf32, #tpu.memory_space<vmem>>
    %dma_start3A_45 = tpu.memref_squeeze %dma_start3A_44 : memref<1x128x128xf32, #tpu.memory_space<vmem>> -> memref<128x128xf32, #tpu.memory_space<vmem>>
    %dma_start3A_46 = arith.constant 0 : i32
    %dma_start3A_47 = tpu.memref_slice %arg8[%dma_start3A_41, %dma_start3A_46] : memref<16x128xi32, #tpu.memory_space<vmem>> -> memref<1x128xi32, #tpu.memory_space<vmem>>
    %dma_start3A_48 = tpu.memref_squeeze %dma_start3A_47 : memref<1x128xi32, #tpu.memory_space<vmem>> -> memref<128xi32, #tpu.memory_space<vmem>>
    %dma_start3A_49 = arith.constant 0 : i32
    %dma_start3A_50 = arith.constant 0 : i32
    %dma_start3A_51 = tpu.memref_slice %arg10[%dma_start3A_49, %dma_start3A_50] : memref<10240x128xf32, #tpu.memory_space<vmem_shared>> -> memref<10240x128xf32, #tpu.memory_space<vmem_shared>>
    tpu.enqueue_indirect_dma source(%dma_start3A_45 : memref<128x128xf32, #tpu.memory_space<vmem>>) target(%dma_start3A_51 : memref<10240x128xf32, #tpu.memory_space<vmem_shared>>) offsets(%dma_start3A_48 : memref<128xi32, #tpu.memory_space<vmem>>) semaphore(%arg11 : memref<!tpu.dma_semaphore, #tpu.memory_space<semaphore_mem>>) {add = true}
    %dma_wait3A_52 = arith.constant 0 : i32
    %dma_wait3A_53 = arith.constant 14 : i32
    %dma_wait3A_54 = arith.constant 0 : i32
    %dma_wait3A_55 = arith.constant 0 : i32
    %dma_wait3A_56 = tpu.memref_slice %arg9[%dma_wait3A_52, %dma_wait3A_54, %dma_wait3A_55] : memref<2x128x128xf32, #tpu.memory_space<vmem>> -> memref<1x128x128xf32, #tpu.memory_space<vmem>>
    %dma_wait3A_57 = tpu.memref_squeeze %dma_wait3A_56 : memref<1x128x128xf32, #tpu.memory_space<vmem>> -> memref<128x128xf32, #tpu.memory_space<vmem>>
    %dma_wait3A_58 = arith.constant 0 : i32
    %dma_wait3A_59 = tpu.memref_slice %arg8[%dma_wait3A_53, %dma_wait3A_58] : memref<16x128xi32, #tpu.memory_space<vmem>> -> memref<1x128xi32, #tpu.memory_space<vmem>>
    %dma_wait3A_60 = tpu.memref_squeeze %dma_wait3A_59 : memref<1x128xi32, #tpu.memory_space<vmem>> -> memref<128xi32, #tpu.memory_space<vmem>>
    %dma_wait3A_61 = arith.constant 0 : i32
    %dma_wait3A_62 = arith.constant 0 : i32
    %dma_wait3A_63 = tpu.memref_slice %arg10[%dma_wait3A_61, %dma_wait3A_62] : memref<10240x128xf32, #tpu.memory_space<vmem_shared>> -> memref<10240x128xf32, #tpu.memory_space<vmem_shared>>
    tpu.wait_indirect_dma semaphore(%arg11 : memref<!tpu.dma_semaphore, #tpu.memory_space<semaphore_mem>>) src(%dma_wait3A_57 : memref<128x128xf32, #tpu.memory_space<vmem>>) dst(%dma_wait3A_63 : memref<10240x128xf32, #tpu.memory_space<vmem_shared>>)
    %dma_wait3A_64 = arith.constant 15 : i32
    %dma_wait3A_65 = arith.constant 1 : i32
    %dma_wait3A_66 = arith.constant 0 : i32
    %dma_wait3A_67 = arith.constant 0 : i32
    %dma_wait3A_68 = tpu.memref_slice %arg9[%dma_wait3A_65, %dma_wait3A_66, %dma_wait3A_67] : memref<2x128x128xf32, #tpu.memory_space<vmem>> -> memref<1x128x128xf32, #tpu.memory_space<vmem>>
    %dma_wait3A_69 = tpu.memref_squeeze %dma_wait3A_68 : memref<1x128x128xf32, #tpu.memory_space<vmem>> -> memref<128x128xf32, #tpu.memory_space<vmem>>
    %dma_wait3A_70 = arith.constant 0 : i32
    %dma_wait3A_71 = tpu.memref_slice %arg7[%dma_wait3A_64, %dma_wait3A_70] : memref<16x128xi32, #tpu.memory_space<vmem>> -> memref<1x128xi32, #tpu.memory_space<vmem>>
    %dma_wait3A_72 = tpu.memref_squeeze %dma_wait3A_71 : memref<1x128xi32, #tpu.memory_space<vmem>> -> memref<128xi32, #tpu.memory_space<vmem>>
    %dma_wait3A_73 = arith.constant 0 : i32
    %dma_wait3A_74 = arith.constant 0 : i32
    %dma_wait3A_75 = tpu.memref_slice %arg2[%dma_wait3A_73, %dma_wait3A_74] : memref<10240x128xf32, #tpu.memory_space<hbm>> -> memref<10240x128xf32, #tpu.memory_space<hbm>>
    tpu.wait_indirect_dma semaphore(%arg12 : memref<!tpu.dma_semaphore, #tpu.memory_space<semaphore_mem>>) src(%dma_wait3A_75 : memref<10240x128xf32, #tpu.memory_space<hbm>>) dst(%dma_wait3A_69 : memref<128x128xf32, #tpu.memory_space<vmem>>)
    %dma_start3A_76 = arith.constant 1 : i32
    %dma_start3A_77 = arith.constant 15 : i32
    %dma_start3A_78 = arith.constant 0 : i32
    %dma_start3A_79 = arith.constant 0 : i32
    %dma_start3A_80 = tpu.memref_slice %arg9[%dma_start3A_76, %dma_start3A_78, %dma_start3A_79] : memref<2x128x128xf32, #tpu.memory_space<vmem>> -> memref<1x128x128xf32, #tpu.memory_space<vmem>>
    %dma_start3A_81 = tpu.memref_squeeze %dma_start3A_80 : memref<1x128x128xf32, #tpu.memory_space<vmem>> -> memref<128x128xf32, #tpu.memory_space<vmem>>
    %dma_start3A_82 = arith.constant 0 : i32
    %dma_start3A_83 = tpu.memref_slice %arg8[%dma_start3A_77, %dma_start3A_82] : memref<16x128xi32, #tpu.memory_space<vmem>> -> memref<1x128xi32, #tpu.memory_space<vmem>>
    %dma_start3A_84 = tpu.memref_squeeze %dma_start3A_83 : memref<1x128xi32, #tpu.memory_space<vmem>> -> memref<128xi32, #tpu.memory_space<vmem>>
    %dma_start3A_85 = arith.constant 0 : i32
    %dma_start3A_86 = arith.constant 0 : i32
    %dma_start3A_87 = tpu.memref_slice %arg10[%dma_start3A_85, %dma_start3A_86] : memref<10240x128xf32, #tpu.memory_space<vmem_shared>> -> memref<10240x128xf32, #tpu.memory_space<vmem_shared>>
    tpu.enqueue_indirect_dma source(%dma_start3A_81 : memref<128x128xf32, #tpu.memory_space<vmem>>) target(%dma_start3A_87 : memref<10240x128xf32, #tpu.memory_space<vmem_shared>>) offsets(%dma_start3A_84 : memref<128xi32, #tpu.memory_space<vmem>>) semaphore(%arg12 : memref<!tpu.dma_semaphore, #tpu.memory_space<semaphore_mem>>) {add = true}
    %dma_wait3A_88 = arith.constant 1 : i32
    %dma_wait3A_89 = arith.constant 15 : i32
    %dma_wait3A_90 = arith.constant 0 : i32
    %dma_wait3A_91 = arith.constant 0 : i32
    %dma_wait3A_92 = tpu.memref_slice %arg9[%dma_wait3A_88, %dma_wait3A_90, %dma_wait3A_91] : memref<2x128x128xf32, #tpu.memory_space<vmem>> -> memref<1x128x128xf32, #tpu.memory_space<vmem>>
    %dma_wait3A_93 = tpu.memref_squeeze %dma_wait3A_92 : memref<1x128x128xf32, #tpu.memory_space<vmem>> -> memref<128x128xf32, #tpu.memory_space<vmem>>
    %dma_wait3A_94 = arith.constant 0 : i32
    %dma_wait3A_95 = tpu.memref_slice %arg8[%dma_wait3A_89, %dma_wait3A_94] : memref<16x128xi32, #tpu.memory_space<vmem>> -> memref<1x128xi32, #tpu.memory_space<vmem>>
    %dma_wait3A_96 = tpu.memref_squeeze %dma_wait3A_95 : memref<1x128xi32, #tpu.memory_space<vmem>> -> memref<128xi32, #tpu.memory_space<vmem>>
    %dma_wait3A_97 = arith.constant 0 : i32
    %dma_wait3A_98 = arith.constant 0 : i32
    %dma_wait3A_99 = tpu.memref_slice %arg10[%dma_wait3A_97, %dma_wait3A_98] : memref<10240x128xf32, #tpu.memory_space<vmem_shared>> -> memref<10240x128xf32, #tpu.memory_space<vmem_shared>>
    tpu.wait_indirect_dma semaphore(%arg12 : memref<!tpu.dma_semaphore, #tpu.memory_space<semaphore_mem>>) src(%dma_wait3A_93 : memref<128x128xf32, #tpu.memory_space<vmem>>) dst(%dma_wait3A_99 : memref<10240x128xf32, #tpu.memory_space<vmem_shared>>)
    "tpu.region"() ({
      %run_scoped3A = tpu.sem_alloc : memref<!tpu.dma_semaphore, #tpu.memory_space<semaphore_mem>>
      %dma_start3A_509 = arith.constant 16 : i32
      %dma_start3A_510 = arith.constant 0 : i32
      %dma_start3A_511 = tpu.memref_slice %arg3[%arg0, %arg1, %dma_start3A_509, %dma_start3A_510] : memref<2x16x80x128xi32, #tpu.memory_space<hbm>> -> memref<1x1x16x128xi32, #tpu.memory_space<hbm>>
      %dma_start3A_512 = tpu.memref_squeeze %dma_start3A_511 : memref<1x1x16x128xi32, #tpu.memory_space<hbm>> -> memref<16x128xi32, #tpu.memory_space<hbm>>
      %dma_start3A_513 = arith.constant 16 : i32
      %dma_start3A_514 = arith.constant 0 : i32
      %dma_start3A_515 = tpu.memref_slice %arg3[%arg0, %arg1, %dma_start3A_513, %dma_start3A_514] : memref<2x16x80x128xi32, #tpu.memory_space<hbm>> -> memref<1x1x16x128xi32, #tpu.memory_space<hbm>>
      %dma_start3A_516 = tpu.memref_squeeze %dma_start3A_515 : memref<1x1x16x128xi32, #tpu.memory_space<hbm>> -> memref<16x128xi32, #tpu.memory_space<hbm>>
      tpu.enqueue_dma source(%dma_start3A_516 : memref<16x128xi32, #tpu.memory_space<hbm>>) target(%arg7 : memref<16x128xi32, #tpu.memory_space<vmem>>) target_semaphore(%run_scoped3A : memref<!tpu.dma_semaphore, #tpu.memory_space<semaphore_mem>>)
      %dma_wait3A_517 = arith.constant 16 : i32
      %dma_wait3A_518 = arith.constant 0 : i32
      %dma_wait3A_519 = tpu.memref_slice %arg3[%arg0, %arg1, %dma_wait3A_517, %dma_wait3A_518] : memref<2x16x80x128xi32, #tpu.memory_space<hbm>> -> memref<1x1x16x128xi32, #tpu.memory_space<hbm>>
      %dma_wait3A_520 = tpu.memref_squeeze %dma_wait3A_519 : memref<1x1x16x128xi32, #tpu.memory_space<hbm>> -> memref<16x128xi32, #tpu.memory_space<hbm>>
      %dma_wait3A_521 = arith.constant 16 : i32
      %dma_wait3A_522 = arith.constant 0 : i32
      %dma_wait3A_523 = tpu.memref_slice %arg3[%arg0, %arg1, %dma_wait3A_521, %dma_wait3A_522] : memref<2x16x80x128xi32, #tpu.memory_space<hbm>> -> memref<1x1x16x128xi32, #tpu.memory_space<hbm>>
      %dma_wait3A_524 = tpu.memref_squeeze %dma_wait3A_523 : memref<1x1x16x128xi32, #tpu.memory_space<hbm>> -> memref<16x128xi32, #tpu.memory_space<hbm>>
      tpu.wait_dma2 semaphore(%run_scoped3A : memref<!tpu.dma_semaphore, #tpu.memory_space<semaphore_mem>>) src(%dma_wait3A_524 : memref<16x128xi32, #tpu.memory_space<hbm>>) dst(%arg7 : memref<16x128xi32, #tpu.memory_space<vmem>>)
      tpu.yield
    }) : () -> ()
    "tpu.region"() ({
      %run_scoped3A = tpu.sem_alloc : memref<!tpu.dma_semaphore, #tpu.memory_space<semaphore_mem>>
      %dma_start3A_509 = arith.constant 16 : i32
      %dma_start3A_510 = arith.constant 0 : i32
      %dma_start3A_511 = tpu.memref_slice %arg4[%arg0, %arg1, %dma_start3A_509, %dma_start3A_510] : memref<2x16x80x128xi32, #tpu.memory_space<hbm>> -> memref<1x1x16x128xi32, #tpu.memory_space<hbm>>
      %dma_start3A_512 = tpu.memref_squeeze %dma_start3A_511 : memref<1x1x16x128xi32, #tpu.memory_space<hbm>> -> memref<16x128xi32, #tpu.memory_space<hbm>>
      %dma_start3A_513 = arith.constant 16 : i32
      %dma_start3A_514 = arith.constant 0 : i32
      %dma_start3A_515 = tpu.memref_slice %arg4[%arg0, %arg1, %dma_start3A_513, %dma_start3A_514] : memref<2x16x80x128xi32, #tpu.memory_space<hbm>> -> memref<1x1x16x128xi32, #tpu.memory_space<hbm>>
      %dma_start3A_516 = tpu.memref_squeeze %dma_start3A_515 : memref<1x1x16x128xi32, #tpu.memory_space<hbm>> -> memref<16x128xi32, #tpu.memory_space<hbm>>
      tpu.enqueue_dma source(%dma_start3A_516 : memref<16x128xi32, #tpu.memory_space<hbm>>) target(%arg8 : memref<16x128xi32, #tpu.memory_space<vmem>>) target_semaphore(%run_scoped3A : memref<!tpu.dma_semaphore, #tpu.memory_space<semaphore_mem>>)
      %dma_wait3A_517 = arith.constant 16 : i32
      %dma_wait3A_518 = arith.constant 0 : i32
      %dma_wait3A_519 = tpu.memref_slice %arg4[%arg0, %arg1, %dma_wait3A_517, %dma_wait3A_518] : memref<2x16x80x128xi32, #tpu.memory_space<hbm>> -> memref<1x1x16x128xi32, #tpu.memory_space<hbm>>
      %dma_wait3A_520 = tpu.memref_squeeze %dma_wait3A_519 : memref<1x1x16x128xi32, #tpu.memory_space<hbm>> -> memref<16x128xi32, #tpu.memory_space<hbm>>
      %dma_wait3A_521 = arith.constant 16 : i32
      %dma_wait3A_522 = arith.constant 0 : i32
      %dma_wait3A_523 = tpu.memref_slice %arg4[%arg0, %arg1, %dma_wait3A_521, %dma_wait3A_522] : memref<2x16x80x128xi32, #tpu.memory_space<hbm>> -> memref<1x1x16x128xi32, #tpu.memory_space<hbm>>
      %dma_wait3A_524 = tpu.memref_squeeze %dma_wait3A_523 : memref<1x1x16x128xi32, #tpu.memory_space<hbm>> -> memref<16x128xi32, #tpu.memory_space<hbm>>
      tpu.wait_dma2 semaphore(%run_scoped3A : memref<!tpu.dma_semaphore, #tpu.memory_space<semaphore_mem>>) src(%dma_wait3A_524 : memref<16x128xi32, #tpu.memory_space<hbm>>) dst(%arg8 : memref<16x128xi32, #tpu.memory_space<vmem>>)
      tpu.yield
    }) : () -> ()
    %dma_start3A_100 = arith.constant 0 : i32
    %dma_start3A_101 = arith.constant 0 : i32
    %dma_start3A_102 = arith.constant 0 : i32
    %dma_start3A_103 = arith.constant 0 : i32
    %dma_start3A_104 = tpu.memref_slice %arg9[%dma_start3A_101, %dma_start3A_102, %dma_start3A_103] : memref<2x128x128xf32, #tpu.memory_space<vmem>> -> memref<1x128x128xf32, #tpu.memory_space<vmem>>
    %dma_start3A_105 = tpu.memref_squeeze %dma_start3A_104 : memref<1x128x128xf32, #tpu.memory_space<vmem>> -> memref<128x128xf32, #tpu.memory_space<vmem>>
    %dma_start3A_106 = arith.constant 0 : i32
    %dma_start3A_107 = tpu.memref_slice %arg7[%dma_start3A_100, %dma_start3A_106] : memref<16x128xi32, #tpu.memory_space<vmem>> -> memref<1x128xi32, #tpu.memory_space<vmem>>
    %dma_start3A_108 = tpu.memref_squeeze %dma_start3A_107 : memref<1x128xi32, #tpu.memory_space<vmem>> -> memref<128xi32, #tpu.memory_space<vmem>>
    %dma_start3A_109 = arith.constant 0 : i32
    %dma_start3A_110 = arith.constant 0 : i32
    %dma_start3A_111 = tpu.memref_slice %arg2[%dma_start3A_109, %dma_start3A_110] : memref<10240x128xf32, #tpu.memory_space<hbm>> -> memref<10240x128xf32, #tpu.memory_space<hbm>>
    tpu.enqueue_indirect_dma source(%dma_start3A_111 : memref<10240x128xf32, #tpu.memory_space<hbm>>) target(%dma_start3A_105 : memref<128x128xf32, #tpu.memory_space<vmem>>) offsets(%dma_start3A_108 : memref<128xi32, #tpu.memory_space<vmem>>) semaphore(%arg11 : memref<!tpu.dma_semaphore, #tpu.memory_space<semaphore_mem>>)
    %dma_start3A_112 = arith.constant 1 : i32
    %dma_start3A_113 = arith.constant 1 : i32
    %dma_start3A_114 = arith.constant 0 : i32
    %dma_start3A_115 = arith.constant 0 : i32
    %dma_start3A_116 = tpu.memref_slice %arg9[%dma_start3A_113, %dma_start3A_114, %dma_start3A_115] : memref<2x128x128xf32, #tpu.memory_space<vmem>> -> memref<1x128x128xf32, #tpu.memory_space<vmem>>
    %dma_start3A_117 = tpu.memref_squeeze %dma_start3A_116 : memref<1x128x128xf32, #tpu.memory_space<vmem>> -> memref<128x128xf32, #tpu.memory_space<vmem>>
    %dma_start3A_118 = arith.constant 0 : i32
    %dma_start3A_119 = tpu.memref_slice %arg7[%dma_start3A_112, %dma_start3A_118] : memref<16x128xi32, #tpu.memory_space<vmem>> -> memref<1x128xi32, #tpu.memory_space<vmem>>
    %dma_start3A_120 = tpu.memref_squeeze %dma_start3A_119 : memref<1x128xi32, #tpu.memory_space<vmem>> -> memref<128xi32, #tpu.memory_space<vmem>>
    %dma_start3A_121 = arith.constant 0 : i32
    %dma_start3A_122 = arith.constant 0 : i32
    %dma_start3A_123 = tpu.memref_slice %arg2[%dma_start3A_121, %dma_start3A_122] : memref<10240x128xf32, #tpu.memory_space<hbm>> -> memref<10240x128xf32, #tpu.memory_space<hbm>>
    tpu.enqueue_indirect_dma source(%dma_start3A_123 : memref<10240x128xf32, #tpu.memory_space<hbm>>) target(%dma_start3A_117 : memref<128x128xf32, #tpu.memory_space<vmem>>) offsets(%dma_start3A_120 : memref<128xi32, #tpu.memory_space<vmem>>) semaphore(%arg12 : memref<!tpu.dma_semaphore, #tpu.memory_space<semaphore_mem>>)
    %scan3A_124 = arith.constant 0 : i32
    %scan3A_125 = arith.constant 0 : i32
    %scan3A_126 = arith.constant 7 : i32
    %scan3A_127 = arith.addi %scan3A_125, %scan3A_126 : i32
    %scan3A_128 = arith.constant 1 : i32
    scf.for %scan3A_509 = %scan3A_125 to %scan3A_127 step %scan3A_128  : i32 {
      %mul3A_510 = arith.constant 2 : i32
      %mul3A_511 = arith.muli %mul3A_510, %scan3A_509 : i32
      %add3A = arith.constant 0 : i32
      %add3A_512 = arith.addi %mul3A_511, %add3A : i32
      %dma_wait3A_513 = arith.constant 0 : i32
      %dma_wait3A_514 = arith.constant 0 : i32
      %dma_wait3A_515 = arith.constant 0 : i32
      %dma_wait3A_516 = tpu.memref_slice %arg9[%dma_wait3A_513, %dma_wait3A_514, %dma_wait3A_515] : memref<2x128x128xf32, #tpu.memory_space<vmem>> -> memref<1x128x128xf32, #tpu.memory_space<vmem>>
      %dma_wait3A_517 = tpu.memref_squeeze %dma_wait3A_516 : memref<1x128x128xf32, #tpu.memory_space<vmem>> -> memref<128x128xf32, #tpu.memory_space<vmem>>
      %dma_wait3A_518 = arith.constant 0 : i32
      %dma_wait3A_519 = tpu.memref_slice %arg7[%add3A_512, %dma_wait3A_518] : memref<16x128xi32, #tpu.memory_space<vmem>> -> memref<1x128xi32, #tpu.memory_space<vmem>>
      %dma_wait3A_520 = tpu.memref_squeeze %dma_wait3A_519 : memref<1x128xi32, #tpu.memory_space<vmem>> -> memref<128xi32, #tpu.memory_space<vmem>>
      %dma_wait3A_521 = arith.constant 0 : i32
      %dma_wait3A_522 = arith.constant 0 : i32
      %dma_wait3A_523 = tpu.memref_slice %arg2[%dma_wait3A_521, %dma_wait3A_522] : memref<10240x128xf32, #tpu.memory_space<hbm>> -> memref<10240x128xf32, #tpu.memory_space<hbm>>
      tpu.wait_indirect_dma semaphore(%arg11 : memref<!tpu.dma_semaphore, #tpu.memory_space<semaphore_mem>>) src(%dma_wait3A_523 : memref<10240x128xf32, #tpu.memory_space<hbm>>) dst(%dma_wait3A_517 : memref<128x128xf32, #tpu.memory_space<vmem>>)
      %dma_start3A_524 = arith.constant 0 : i32
      %dma_start3A_525 = arith.constant 0 : i32
      %dma_start3A_526 = arith.constant 0 : i32
      %dma_start3A_527 = tpu.memref_slice %arg9[%dma_start3A_524, %dma_start3A_525, %dma_start3A_526] : memref<2x128x128xf32, #tpu.memory_space<vmem>> -> memref<1x128x128xf32, #tpu.memory_space<vmem>>
      %dma_start3A_528 = tpu.memref_squeeze %dma_start3A_527 : memref<1x128x128xf32, #tpu.memory_space<vmem>> -> memref<128x128xf32, #tpu.memory_space<vmem>>
      %dma_start3A_529 = arith.constant 0 : i32
      %dma_start3A_530 = tpu.memref_slice %arg8[%add3A_512, %dma_start3A_529] : memref<16x128xi32, #tpu.memory_space<vmem>> -> memref<1x128xi32, #tpu.memory_space<vmem>>
      %dma_start3A_531 = tpu.memref_squeeze %dma_start3A_530 : memref<1x128xi32, #tpu.memory_space<vmem>> -> memref<128xi32, #tpu.memory_space<vmem>>
      %dma_start3A_532 = arith.constant 0 : i32
      %dma_start3A_533 = arith.constant 0 : i32
      %dma_start3A_534 = tpu.memref_slice %arg10[%dma_start3A_532, %dma_start3A_533] : memref<10240x128xf32, #tpu.memory_space<vmem_shared>> -> memref<10240x128xf32, #tpu.memory_space<vmem_shared>>
      tpu.enqueue_indirect_dma source(%dma_start3A_528 : memref<128x128xf32, #tpu.memory_space<vmem>>) target(%dma_start3A_534 : memref<10240x128xf32, #tpu.memory_space<vmem_shared>>) offsets(%dma_start3A_531 : memref<128xi32, #tpu.memory_space<vmem>>) semaphore(%arg11 : memref<!tpu.dma_semaphore, #tpu.memory_space<semaphore_mem>>) {add = true}
      %dma_wait3A_535 = arith.constant 0 : i32
      %dma_wait3A_536 = arith.constant 0 : i32
      %dma_wait3A_537 = arith.constant 0 : i32
      %dma_wait3A_538 = tpu.memref_slice %arg9[%dma_wait3A_535, %dma_wait3A_536, %dma_wait3A_537] : memref<2x128x128xf32, #tpu.memory_space<vmem>> -> memref<1x128x128xf32, #tpu.memory_space<vmem>>
      %dma_wait3A_539 = tpu.memref_squeeze %dma_wait3A_538 : memref<1x128x128xf32, #tpu.memory_space<vmem>> -> memref<128x128xf32, #tpu.memory_space<vmem>>
      %dma_wait3A_540 = arith.constant 0 : i32
      %dma_wait3A_541 = tpu.memref_slice %arg8[%add3A_512, %dma_wait3A_540] : memref<16x128xi32, #tpu.memory_space<vmem>> -> memref<1x128xi32, #tpu.memory_space<vmem>>
      %dma_wait3A_542 = tpu.memref_squeeze %dma_wait3A_541 : memref<1x128xi32, #tpu.memory_space<vmem>> -> memref<128xi32, #tpu.memory_space<vmem>>
      %dma_wait3A_543 = arith.constant 0 : i32
      %dma_wait3A_544 = arith.constant 0 : i32
      %dma_wait3A_545 = tpu.memref_slice %arg10[%dma_wait3A_543, %dma_wait3A_544] : memref<10240x128xf32, #tpu.memory_space<vmem_shared>> -> memref<10240x128xf32, #tpu.memory_space<vmem_shared>>
      tpu.wait_indirect_dma semaphore(%arg11 : memref<!tpu.dma_semaphore, #tpu.memory_space<semaphore_mem>>) src(%dma_wait3A_539 : memref<128x128xf32, #tpu.memory_space<vmem>>) dst(%dma_wait3A_545 : memref<10240x128xf32, #tpu.memory_space<vmem_shared>>)
      %add3A_546 = arith.constant 2 : i32
      %add3A_547 = arith.addi %add3A_512, %add3A_546 : i32
      %dma_start3A_548 = arith.constant 0 : i32
      %dma_start3A_549 = arith.constant 0 : i32
      %dma_start3A_550 = arith.constant 0 : i32
      %dma_start3A_551 = tpu.memref_slice %arg9[%dma_start3A_548, %dma_start3A_549, %dma_start3A_550] : memref<2x128x128xf32, #tpu.memory_space<vmem>> -> memref<1x128x128xf32, #tpu.memory_space<vmem>>
      %dma_start3A_552 = tpu.memref_squeeze %dma_start3A_551 : memref<1x128x128xf32, #tpu.memory_space<vmem>> -> memref<128x128xf32, #tpu.memory_space<vmem>>
      %dma_start3A_553 = arith.constant 0 : i32
      %dma_start3A_554 = tpu.memref_slice %arg7[%add3A_547, %dma_start3A_553] : memref<16x128xi32, #tpu.memory_space<vmem>> -> memref<1x128xi32, #tpu.memory_space<vmem>>
      %dma_start3A_555 = tpu.memref_squeeze %dma_start3A_554 : memref<1x128xi32, #tpu.memory_space<vmem>> -> memref<128xi32, #tpu.memory_space<vmem>>
      %dma_start3A_556 = arith.constant 0 : i32
      %dma_start3A_557 = arith.constant 0 : i32
      %dma_start3A_558 = tpu.memref_slice %arg2[%dma_start3A_556, %dma_start3A_557] : memref<10240x128xf32, #tpu.memory_space<hbm>> -> memref<10240x128xf32, #tpu.memory_space<hbm>>
      tpu.enqueue_indirect_dma source(%dma_start3A_558 : memref<10240x128xf32, #tpu.memory_space<hbm>>) target(%dma_start3A_552 : memref<128x128xf32, #tpu.memory_space<vmem>>) offsets(%dma_start3A_555 : memref<128xi32, #tpu.memory_space<vmem>>) semaphore(%arg11 : memref<!tpu.dma_semaphore, #tpu.memory_space<semaphore_mem>>)
      %mul3A_559 = arith.constant 2 : i32
      %mul3A_560 = arith.muli %mul3A_559, %scan3A_509 : i32
      %add3A_561 = arith.constant 1 : i32
      %add3A_562 = arith.addi %mul3A_560, %add3A_561 : i32
      %dma_wait3A_563 = arith.constant 1 : i32
      %dma_wait3A_564 = arith.constant 0 : i32
      %dma_wait3A_565 = arith.constant 0 : i32
      %dma_wait3A_566 = tpu.memref_slice %arg9[%dma_wait3A_563, %dma_wait3A_564, %dma_wait3A_565] : memref<2x128x128xf32, #tpu.memory_space<vmem>> -> memref<1x128x128xf32, #tpu.memory_space<vmem>>
      %dma_wait3A_567 = tpu.memref_squeeze %dma_wait3A_566 : memref<1x128x128xf32, #tpu.memory_space<vmem>> -> memref<128x128xf32, #tpu.memory_space<vmem>>
      %dma_wait3A_568 = arith.constant 0 : i32
      %dma_wait3A_569 = tpu.memref_slice %arg7[%add3A_562, %dma_wait3A_568] : memref<16x128xi32, #tpu.memory_space<vmem>> -> memref<1x128xi32, #tpu.memory_space<vmem>>
      %dma_wait3A_570 = tpu.memref_squeeze %dma_wait3A_569 : memref<1x128xi32, #tpu.memory_space<vmem>> -> memref<128xi32, #tpu.memory_space<vmem>>
      %dma_wait3A_571 = arith.constant 0 : i32
      %dma_wait3A_572 = arith.constant 0 : i32
      %dma_wait3A_573 = tpu.memref_slice %arg2[%dma_wait3A_571, %dma_wait3A_572] : memref<10240x128xf32, #tpu.memory_space<hbm>> -> memref<10240x128xf32, #tpu.memory_space<hbm>>
      tpu.wait_indirect_dma semaphore(%arg12 : memref<!tpu.dma_semaphore, #tpu.memory_space<semaphore_mem>>) src(%dma_wait3A_573 : memref<10240x128xf32, #tpu.memory_space<hbm>>) dst(%dma_wait3A_567 : memref<128x128xf32, #tpu.memory_space<vmem>>)
      %dma_start3A_574 = arith.constant 1 : i32
      %dma_start3A_575 = arith.constant 0 : i32
      %dma_start3A_576 = arith.constant 0 : i32
      %dma_start3A_577 = tpu.memref_slice %arg9[%dma_start3A_574, %dma_start3A_575, %dma_start3A_576] : memref<2x128x128xf32, #tpu.memory_space<vmem>> -> memref<1x128x128xf32, #tpu.memory_space<vmem>>
      %dma_start3A_578 = tpu.memref_squeeze %dma_start3A_577 : memref<1x128x128xf32, #tpu.memory_space<vmem>> -> memref<128x128xf32, #tpu.memory_space<vmem>>
      %dma_start3A_579 = arith.constant 0 : i32
      %dma_start3A_580 = tpu.memref_slice %arg8[%add3A_562, %dma_start3A_579] : memref<16x128xi32, #tpu.memory_space<vmem>> -> memref<1x128xi32, #tpu.memory_space<vmem>>
      %dma_start3A_581 = tpu.memref_squeeze %dma_start3A_580 : memref<1x128xi32, #tpu.memory_space<vmem>> -> memref<128xi32, #tpu.memory_space<vmem>>
      %dma_start3A_582 = arith.constant 0 : i32
      %dma_start3A_583 = arith.constant 0 : i32
      %dma_start3A_584 = tpu.memref_slice %arg10[%dma_start3A_582, %dma_start3A_583] : memref<10240x128xf32, #tpu.memory_space<vmem_shared>> -> memref<10240x128xf32, #tpu.memory_space<vmem_shared>>
      tpu.enqueue_indirect_dma source(%dma_start3A_578 : memref<128x128xf32, #tpu.memory_space<vmem>>) target(%dma_start3A_584 : memref<10240x128xf32, #tpu.memory_space<vmem_shared>>) offsets(%dma_start3A_581 : memref<128xi32, #tpu.memory_space<vmem>>) semaphore(%arg12 : memref<!tpu.dma_semaphore, #tpu.memory_space<semaphore_mem>>) {add = true}
      %dma_wait3A_585 = arith.constant 1 : i32
      %dma_wait3A_586 = arith.constant 0 : i32
      %dma_wait3A_587 = arith.constant 0 : i32
      %dma_wait3A_588 = tpu.memref_slice %arg9[%dma_wait3A_585, %dma_wait3A_586, %dma_wait3A_587] : memref<2x128x128xf32, #tpu.memory_space<vmem>> -> memref<1x128x128xf32, #tpu.memory_space<vmem>>
      %dma_wait3A_589 = tpu.memref_squeeze %dma_wait3A_588 : memref<1x128x128xf32, #tpu.memory_space<vmem>> -> memref<128x128xf32, #tpu.memory_space<vmem>>
      %dma_wait3A_590 = arith.constant 0 : i32
      %dma_wait3A_591 = tpu.memref_slice %arg8[%add3A_562, %dma_wait3A_590] : memref<16x128xi32, #tpu.memory_space<vmem>> -> memref<1x128xi32, #tpu.memory_space<vmem>>
      %dma_wait3A_592 = tpu.memref_squeeze %dma_wait3A_591 : memref<1x128xi32, #tpu.memory_space<vmem>> -> memref<128xi32, #tpu.memory_space<vmem>>
      %dma_wait3A_593 = arith.constant 0 : i32
      %dma_wait3A_594 = arith.constant 0 : i32
      %dma_wait3A_595 = tpu.memref_slice %arg10[%dma_wait3A_593, %dma_wait3A_594] : memref<10240x128xf32, #tpu.memory_space<vmem_shared>> -> memref<10240x128xf32, #tpu.memory_space<vmem_shared>>
      tpu.wait_indirect_dma semaphore(%arg12 : memref<!tpu.dma_semaphore, #tpu.memory_space<semaphore_mem>>) src(%dma_wait3A_589 : memref<128x128xf32, #tpu.memory_space<vmem>>) dst(%dma_wait3A_595 : memref<10240x128xf32, #tpu.memory_space<vmem_shared>>)
      %add3A_596 = arith.constant 2 : i32
      %add3A_597 = arith.addi %add3A_562, %add3A_596 : i32
      %dma_start3A_598 = arith.constant 1 : i32
      %dma_start3A_599 = arith.constant 0 : i32
      %dma_start3A_600 = arith.constant 0 : i32
      %dma_start3A_601 = tpu.memref_slice %arg9[%dma_start3A_598, %dma_start3A_599, %dma_start3A_600] : memref<2x128x128xf32, #tpu.memory_space<vmem>> -> memref<1x128x128xf32, #tpu.memory_space<vmem>>
      %dma_start3A_602 = tpu.memref_squeeze %dma_start3A_601 : memref<1x128x128xf32, #tpu.memory_space<vmem>> -> memref<128x128xf32, #tpu.memory_space<vmem>>
      %dma_start3A_603 = arith.constant 0 : i32
      %dma_start3A_604 = tpu.memref_slice %arg7[%add3A_597, %dma_start3A_603] : memref<16x128xi32, #tpu.memory_space<vmem>> -> memref<1x128xi32, #tpu.memory_space<vmem>>
      %dma_start3A_605 = tpu.memref_squeeze %dma_start3A_604 : memref<1x128xi32, #tpu.memory_space<vmem>> -> memref<128xi32, #tpu.memory_space<vmem>>
      %dma_start3A_606 = arith.constant 0 : i32
      %dma_start3A_607 = arith.constant 0 : i32
      %dma_start3A_608 = tpu.memref_slice %arg2[%dma_start3A_606, %dma_start3A_607] : memref<10240x128xf32, #tpu.memory_space<hbm>> -> memref<10240x128xf32, #tpu.memory_space<hbm>>
      tpu.enqueue_indirect_dma source(%dma_start3A_608 : memref<10240x128xf32, #tpu.memory_space<hbm>>) target(%dma_start3A_602 : memref<128x128xf32, #tpu.memory_space<vmem>>) offsets(%dma_start3A_605 : memref<128xi32, #tpu.memory_space<vmem>>) semaphore(%arg12 : memref<!tpu.dma_semaphore, #tpu.memory_space<semaphore_mem>>)
    }
    %scan3A_129 = arith.constant 7 : i32
    %dma_wait3A_130 = arith.constant 14 : i32
    %dma_wait3A_131 = arith.constant 0 : i32
    %dma_wait3A_132 = arith.constant 0 : i32
    %dma_wait3A_133 = arith.constant 0 : i32
    %dma_wait3A_134 = tpu.memref_slice %arg9[%dma_wait3A_131, %dma_wait3A_132, %dma_wait3A_133] : memref<2x128x128xf32, #tpu.memory_space<vmem>> -> memref<1x128x128xf32, #tpu.memory_space<vmem>>
    %dma_wait3A_135 = tpu.memref_squeeze %dma_wait3A_134 : memref<1x128x128xf32, #tpu.memory_space<vmem>> -> memref<128x128xf32, #tpu.memory_space<vmem>>
    %dma_wait3A_136 = arith.constant 0 : i32
    %dma_wait3A_137 = tpu.memref_slice %arg7[%dma_wait3A_130, %dma_wait3A_136] : memref<16x128xi32, #tpu.memory_space<vmem>> -> memref<1x128xi32, #tpu.memory_space<vmem>>
    %dma_wait3A_138 = tpu.memref_squeeze %dma_wait3A_137 : memref<1x128xi32, #tpu.memory_space<vmem>> -> memref<128xi32, #tpu.memory_space<vmem>>
    %dma_wait3A_139 = arith.constant 0 : i32
    %dma_wait3A_140 = arith.constant 0 : i32
    %dma_wait3A_141 = tpu.memref_slice %arg2[%dma_wait3A_139, %dma_wait3A_140] : memref<10240x128xf32, #tpu.memory_space<hbm>> -> memref<10240x128xf32, #tpu.memory_space<hbm>>
    tpu.wait_indirect_dma semaphore(%arg11 : memref<!tpu.dma_semaphore, #tpu.memory_space<semaphore_mem>>) src(%dma_wait3A_141 : memref<10240x128xf32, #tpu.memory_space<hbm>>) dst(%dma_wait3A_135 : memref<128x128xf32, #tpu.memory_space<vmem>>)
    %dma_start3A_142 = arith.constant 0 : i32
    %dma_start3A_143 = arith.constant 14 : i32
    %dma_start3A_144 = arith.constant 0 : i32
    %dma_start3A_145 = arith.constant 0 : i32
    %dma_start3A_146 = tpu.memref_slice %arg9[%dma_start3A_142, %dma_start3A_144, %dma_start3A_145] : memref<2x128x128xf32, #tpu.memory_space<vmem>> -> memref<1x128x128xf32, #tpu.memory_space<vmem>>
    %dma_start3A_147 = tpu.memref_squeeze %dma_start3A_146 : memref<1x128x128xf32, #tpu.memory_space<vmem>> -> memref<128x128xf32, #tpu.memory_space<vmem>>
    %dma_start3A_148 = arith.constant 0 : i32
    %dma_start3A_149 = tpu.memref_slice %arg8[%dma_start3A_143, %dma_start3A_148] : memref<16x128xi32, #tpu.memory_space<vmem>> -> memref<1x128xi32, #tpu.memory_space<vmem>>
    %dma_start3A_150 = tpu.memref_squeeze %dma_start3A_149 : memref<1x128xi32, #tpu.memory_space<vmem>> -> memref<128xi32, #tpu.memory_space<vmem>>
    %dma_start3A_151 = arith.constant 0 : i32
    %dma_start3A_152 = arith.constant 0 : i32
    %dma_start3A_153 = tpu.memref_slice %arg10[%dma_start3A_151, %dma_start3A_152] : memref<10240x128xf32, #tpu.memory_space<vmem_shared>> -> memref<10240x128xf32, #tpu.memory_space<vmem_shared>>
    tpu.enqueue_indirect_dma source(%dma_start3A_147 : memref<128x128xf32, #tpu.memory_space<vmem>>) target(%dma_start3A_153 : memref<10240x128xf32, #tpu.memory_space<vmem_shared>>) offsets(%dma_start3A_150 : memref<128xi32, #tpu.memory_space<vmem>>) semaphore(%arg11 : memref<!tpu.dma_semaphore, #tpu.memory_space<semaphore_mem>>) {add = true}
    %dma_wait3A_154 = arith.constant 0 : i32
    %dma_wait3A_155 = arith.constant 14 : i32
    %dma_wait3A_156 = arith.constant 0 : i32
    %dma_wait3A_157 = arith.constant 0 : i32
    %dma_wait3A_158 = tpu.memref_slice %arg9[%dma_wait3A_154, %dma_wait3A_156, %dma_wait3A_157] : memref<2x128x128xf32, #tpu.memory_space<vmem>> -> memref<1x128x128xf32, #tpu.memory_space<vmem>>
    %dma_wait3A_159 = tpu.memref_squeeze %dma_wait3A_158 : memref<1x128x128xf32, #tpu.memory_space<vmem>> -> memref<128x128xf32, #tpu.memory_space<vmem>>
    %dma_wait3A_160 = arith.constant 0 : i32
    %dma_wait3A_161 = tpu.memref_slice %arg8[%dma_wait3A_155, %dma_wait3A_160] : memref<16x128xi32, #tpu.memory_space<vmem>> -> memref<1x128xi32, #tpu.memory_space<vmem>>
    %dma_wait3A_162 = tpu.memref_squeeze %dma_wait3A_161 : memref<1x128xi32, #tpu.memory_space<vmem>> -> memref<128xi32, #tpu.memory_space<vmem>>
    %dma_wait3A_163 = arith.constant 0 : i32
    %dma_wait3A_164 = arith.constant 0 : i32
    %dma_wait3A_165 = tpu.memref_slice %arg10[%dma_wait3A_163, %dma_wait3A_164] : memref<10240x128xf32, #tpu.memory_space<vmem_shared>> -> memref<10240x128xf32, #tpu.memory_space<vmem_shared>>
    tpu.wait_indirect_dma semaphore(%arg11 : memref<!tpu.dma_semaphore, #tpu.memory_space<semaphore_mem>>) src(%dma_wait3A_159 : memref<128x128xf32, #tpu.memory_space<vmem>>) dst(%dma_wait3A_165 : memref<10240x128xf32, #tpu.memory_space<vmem_shared>>)
    %dma_wait3A_166 = arith.constant 15 : i32
    %dma_wait3A_167 = arith.constant 1 : i32
    %dma_wait3A_168 = arith.constant 0 : i32
    %dma_wait3A_169 = arith.constant 0 : i32
    %dma_wait3A_170 = tpu.memref_slice %arg9[%dma_wait3A_167, %dma_wait3A_168, %dma_wait3A_169] : memref<2x128x128xf32, #tpu.memory_space<vmem>> -> memref<1x128x128xf32, #tpu.memory_space<vmem>>
    %dma_wait3A_171 = tpu.memref_squeeze %dma_wait3A_170 : memref<1x128x128xf32, #tpu.memory_space<vmem>> -> memref<128x128xf32, #tpu.memory_space<vmem>>
    %dma_wait3A_172 = arith.constant 0 : i32
    %dma_wait3A_173 = tpu.memref_slice %arg7[%dma_wait3A_166, %dma_wait3A_172] : memref<16x128xi32, #tpu.memory_space<vmem>> -> memref<1x128xi32, #tpu.memory_space<vmem>>
    %dma_wait3A_174 = tpu.memref_squeeze %dma_wait3A_173 : memref<1x128xi32, #tpu.memory_space<vmem>> -> memref<128xi32, #tpu.memory_space<vmem>>
    %dma_wait3A_175 = arith.constant 0 : i32
    %dma_wait3A_176 = arith.constant 0 : i32
    %dma_wait3A_177 = tpu.memref_slice %arg2[%dma_wait3A_175, %dma_wait3A_176] : memref<10240x128xf32, #tpu.memory_space<hbm>> -> memref<10240x128xf32, #tpu.memory_space<hbm>>
    tpu.wait_indirect_dma semaphore(%arg12 : memref<!tpu.dma_semaphore, #tpu.memory_space<semaphore_mem>>) src(%dma_wait3A_177 : memref<10240x128xf32, #tpu.memory_space<hbm>>) dst(%dma_wait3A_171 : memref<128x128xf32, #tpu.memory_space<vmem>>)
    %dma_start3A_178 = arith.constant 1 : i32
    %dma_start3A_179 = arith.constant 15 : i32
    %dma_start3A_180 = arith.constant 0 : i32
    %dma_start3A_181 = arith.constant 0 : i32
    %dma_start3A_182 = tpu.memref_slice %arg9[%dma_start3A_178, %dma_start3A_180, %dma_start3A_181] : memref<2x128x128xf32, #tpu.memory_space<vmem>> -> memref<1x128x128xf32, #tpu.memory_space<vmem>>
    %dma_start3A_183 = tpu.memref_squeeze %dma_start3A_182 : memref<1x128x128xf32, #tpu.memory_space<vmem>> -> memref<128x128xf32, #tpu.memory_space<vmem>>
    %dma_start3A_184 = arith.constant 0 : i32
    %dma_start3A_185 = tpu.memref_slice %arg8[%dma_start3A_179, %dma_start3A_184] : memref<16x128xi32, #tpu.memory_space<vmem>> -> memref<1x128xi32, #tpu.memory_space<vmem>>
    %dma_start3A_186 = tpu.memref_squeeze %dma_start3A_185 : memref<1x128xi32, #tpu.memory_space<vmem>> -> memref<128xi32, #tpu.memory_space<vmem>>
    %dma_start3A_187 = arith.constant 0 : i32
    %dma_start3A_188 = arith.constant 0 : i32
    %dma_start3A_189 = tpu.memref_slice %arg10[%dma_start3A_187, %dma_start3A_188] : memref<10240x128xf32, #tpu.memory_space<vmem_shared>> -> memref<10240x128xf32, #tpu.memory_space<vmem_shared>>
    tpu.enqueue_indirect_dma source(%dma_start3A_183 : memref<128x128xf32, #tpu.memory_space<vmem>>) target(%dma_start3A_189 : memref<10240x128xf32, #tpu.memory_space<vmem_shared>>) offsets(%dma_start3A_186 : memref<128xi32, #tpu.memory_space<vmem>>) semaphore(%arg12 : memref<!tpu.dma_semaphore, #tpu.memory_space<semaphore_mem>>) {add = true}
    %dma_wait3A_190 = arith.constant 1 : i32
    %dma_wait3A_191 = arith.constant 15 : i32
    %dma_wait3A_192 = arith.constant 0 : i32
    %dma_wait3A_193 = arith.constant 0 : i32
    %dma_wait3A_194 = tpu.memref_slice %arg9[%dma_wait3A_190, %dma_wait3A_192, %dma_wait3A_193] : memref<2x128x128xf32, #tpu.memory_space<vmem>> -> memref<1x128x128xf32, #tpu.memory_space<vmem>>
    %dma_wait3A_195 = tpu.memref_squeeze %dma_wait3A_194 : memref<1x128x128xf32, #tpu.memory_space<vmem>> -> memref<128x128xf32, #tpu.memory_space<vmem>>
    %dma_wait3A_196 = arith.constant 0 : i32
    %dma_wait3A_197 = tpu.memref_slice %arg8[%dma_wait3A_191, %dma_wait3A_196] : memref<16x128xi32, #tpu.memory_space<vmem>> -> memref<1x128xi32, #tpu.memory_space<vmem>>
    %dma_wait3A_198 = tpu.memref_squeeze %dma_wait3A_197 : memref<1x128xi32, #tpu.memory_space<vmem>> -> memref<128xi32, #tpu.memory_space<vmem>>
    %dma_wait3A_199 = arith.constant 0 : i32
    %dma_wait3A_200 = arith.constant 0 : i32
    %dma_wait3A_201 = tpu.memref_slice %arg10[%dma_wait3A_199, %dma_wait3A_200] : memref<10240x128xf32, #tpu.memory_space<vmem_shared>> -> memref<10240x128xf32, #tpu.memory_space<vmem_shared>>
    tpu.wait_indirect_dma semaphore(%arg12 : memref<!tpu.dma_semaphore, #tpu.memory_space<semaphore_mem>>) src(%dma_wait3A_195 : memref<128x128xf32, #tpu.memory_space<vmem>>) dst(%dma_wait3A_201 : memref<10240x128xf32, #tpu.memory_space<vmem_shared>>)
    "tpu.region"() ({
      %run_scoped3A = tpu.sem_alloc : memref<!tpu.dma_semaphore, #tpu.memory_space<semaphore_mem>>
      %dma_start3A_509 = arith.constant 32 : i32
      %dma_start3A_510 = arith.constant 0 : i32
      %dma_start3A_511 = tpu.memref_slice %arg3[%arg0, %arg1, %dma_start3A_509, %dma_start3A_510] : memref<2x16x80x128xi32, #tpu.memory_space<hbm>> -> memref<1x1x16x128xi32, #tpu.memory_space<hbm>>
      %dma_start3A_512 = tpu.memref_squeeze %dma_start3A_511 : memref<1x1x16x128xi32, #tpu.memory_space<hbm>> -> memref<16x128xi32, #tpu.memory_space<hbm>>
      %dma_start3A_513 = arith.constant 32 : i32
      %dma_start3A_514 = arith.constant 0 : i32
      %dma_start3A_515 = tpu.memref_slice %arg3[%arg0, %arg1, %dma_start3A_513, %dma_start3A_514] : memref<2x16x80x128xi32, #tpu.memory_space<hbm>> -> memref<1x1x16x128xi32, #tpu.memory_space<hbm>>
      %dma_start3A_516 = tpu.memref_squeeze %dma_start3A_515 : memref<1x1x16x128xi32, #tpu.memory_space<hbm>> -> memref<16x128xi32, #tpu.memory_space<hbm>>
      tpu.enqueue_dma source(%dma_start3A_516 : memref<16x128xi32, #tpu.memory_space<hbm>>) target(%arg7 : memref<16x128xi32, #tpu.memory_space<vmem>>) target_semaphore(%run_scoped3A : memref<!tpu.dma_semaphore, #tpu.memory_space<semaphore_mem>>)
      %dma_wait3A_517 = arith.constant 32 : i32
      %dma_wait3A_518 = arith.constant 0 : i32
      %dma_wait3A_519 = tpu.memref_slice %arg3[%arg0, %arg1, %dma_wait3A_517, %dma_wait3A_518] : memref<2x16x80x128xi32, #tpu.memory_space<hbm>> -> memref<1x1x16x128xi32, #tpu.memory_space<hbm>>
      %dma_wait3A_520 = tpu.memref_squeeze %dma_wait3A_519 : memref<1x1x16x128xi32, #tpu.memory_space<hbm>> -> memref<16x128xi32, #tpu.memory_space<hbm>>
      %dma_wait3A_521 = arith.constant 32 : i32
      %dma_wait3A_522 = arith.constant 0 : i32
      %dma_wait3A_523 = tpu.memref_slice %arg3[%arg0, %arg1, %dma_wait3A_521, %dma_wait3A_522] : memref<2x16x80x128xi32, #tpu.memory_space<hbm>> -> memref<1x1x16x128xi32, #tpu.memory_space<hbm>>
      %dma_wait3A_524 = tpu.memref_squeeze %dma_wait3A_523 : memref<1x1x16x128xi32, #tpu.memory_space<hbm>> -> memref<16x128xi32, #tpu.memory_space<hbm>>
      tpu.wait_dma2 semaphore(%run_scoped3A : memref<!tpu.dma_semaphore, #tpu.memory_space<semaphore_mem>>) src(%dma_wait3A_524 : memref<16x128xi32, #tpu.memory_space<hbm>>) dst(%arg7 : memref<16x128xi32, #tpu.memory_space<vmem>>)
      tpu.yield
    }) : () -> ()
    "tpu.region"() ({
      %run_scoped3A = tpu.sem_alloc : memref<!tpu.dma_semaphore, #tpu.memory_space<semaphore_mem>>
      %dma_start3A_509 = arith.constant 32 : i32
      %dma_start3A_510 = arith.constant 0 : i32
      %dma_start3A_511 = tpu.memref_slice %arg4[%arg0, %arg1, %dma_start3A_509, %dma_start3A_510] : memref<2x16x80x128xi32, #tpu.memory_space<hbm>> -> memref<1x1x16x128xi32, #tpu.memory_space<hbm>>
      %dma_start3A_512 = tpu.memref_squeeze %dma_start3A_511 : memref<1x1x16x128xi32, #tpu.memory_space<hbm>> -> memref<16x128xi32, #tpu.memory_space<hbm>>
      %dma_start3A_513 = arith.constant 32 : i32
      %dma_start3A_514 = arith.constant 0 : i32
      %dma_start3A_515 = tpu.memref_slice %arg4[%arg0, %arg1, %dma_start3A_513, %dma_start3A_514] : memref<2x16x80x128xi32, #tpu.memory_space<hbm>> -> memref<1x1x16x128xi32, #tpu.memory_space<hbm>>
      %dma_start3A_516 = tpu.memref_squeeze %dma_start3A_515 : memref<1x1x16x128xi32, #tpu.memory_space<hbm>> -> memref<16x128xi32, #tpu.memory_space<hbm>>
      tpu.enqueue_dma source(%dma_start3A_516 : memref<16x128xi32, #tpu.memory_space<hbm>>) target(%arg8 : memref<16x128xi32, #tpu.memory_space<vmem>>) target_semaphore(%run_scoped3A : memref<!tpu.dma_semaphore, #tpu.memory_space<semaphore_mem>>)
      %dma_wait3A_517 = arith.constant 32 : i32
      %dma_wait3A_518 = arith.constant 0 : i32
      %dma_wait3A_519 = tpu.memref_slice %arg4[%arg0, %arg1, %dma_wait3A_517, %dma_wait3A_518] : memref<2x16x80x128xi32, #tpu.memory_space<hbm>> -> memref<1x1x16x128xi32, #tpu.memory_space<hbm>>
      %dma_wait3A_520 = tpu.memref_squeeze %dma_wait3A_519 : memref<1x1x16x128xi32, #tpu.memory_space<hbm>> -> memref<16x128xi32, #tpu.memory_space<hbm>>
      %dma_wait3A_521 = arith.constant 32 : i32
      %dma_wait3A_522 = arith.constant 0 : i32
      %dma_wait3A_523 = tpu.memref_slice %arg4[%arg0, %arg1, %dma_wait3A_521, %dma_wait3A_522] : memref<2x16x80x128xi32, #tpu.memory_space<hbm>> -> memref<1x1x16x128xi32, #tpu.memory_space<hbm>>
      %dma_wait3A_524 = tpu.memref_squeeze %dma_wait3A_523 : memref<1x1x16x128xi32, #tpu.memory_space<hbm>> -> memref<16x128xi32, #tpu.memory_space<hbm>>
      tpu.wait_dma2 semaphore(%run_scoped3A : memref<!tpu.dma_semaphore, #tpu.memory_space<semaphore_mem>>) src(%dma_wait3A_524 : memref<16x128xi32, #tpu.memory_space<hbm>>) dst(%arg8 : memref<16x128xi32, #tpu.memory_space<vmem>>)
      tpu.yield
    }) : () -> ()
    %dma_start3A_202 = arith.constant 0 : i32
    %dma_start3A_203 = arith.constant 0 : i32
    %dma_start3A_204 = arith.constant 0 : i32
    %dma_start3A_205 = arith.constant 0 : i32
    %dma_start3A_206 = tpu.memref_slice %arg9[%dma_start3A_203, %dma_start3A_204, %dma_start3A_205] : memref<2x128x128xf32, #tpu.memory_space<vmem>> -> memref<1x128x128xf32, #tpu.memory_space<vmem>>
    %dma_start3A_207 = tpu.memref_squeeze %dma_start3A_206 : memref<1x128x128xf32, #tpu.memory_space<vmem>> -> memref<128x128xf32, #tpu.memory_space<vmem>>
    %dma_start3A_208 = arith.constant 0 : i32
    %dma_start3A_209 = tpu.memref_slice %arg7[%dma_start3A_202, %dma_start3A_208] : memref<16x128xi32, #tpu.memory_space<vmem>> -> memref<1x128xi32, #tpu.memory_space<vmem>>
    %dma_start3A_210 = tpu.memref_squeeze %dma_start3A_209 : memref<1x128xi32, #tpu.memory_space<vmem>> -> memref<128xi32, #tpu.memory_space<vmem>>
    %dma_start3A_211 = arith.constant 0 : i32
    %dma_start3A_212 = arith.constant 0 : i32
    %dma_start3A_213 = tpu.memref_slice %arg2[%dma_start3A_211, %dma_start3A_212] : memref<10240x128xf32, #tpu.memory_space<hbm>> -> memref<10240x128xf32, #tpu.memory_space<hbm>>
    tpu.enqueue_indirect_dma source(%dma_start3A_213 : memref<10240x128xf32, #tpu.memory_space<hbm>>) target(%dma_start3A_207 : memref<128x128xf32, #tpu.memory_space<vmem>>) offsets(%dma_start3A_210 : memref<128xi32, #tpu.memory_space<vmem>>) semaphore(%arg11 : memref<!tpu.dma_semaphore, #tpu.memory_space<semaphore_mem>>)
    %dma_start3A_214 = arith.constant 1 : i32
    %dma_start3A_215 = arith.constant 1 : i32
    %dma_start3A_216 = arith.constant 0 : i32
    %dma_start3A_217 = arith.constant 0 : i32
    %dma_start3A_218 = tpu.memref_slice %arg9[%dma_start3A_215, %dma_start3A_216, %dma_start3A_217] : memref<2x128x128xf32, #tpu.memory_space<vmem>> -> memref<1x128x128xf32, #tpu.memory_space<vmem>>
    %dma_start3A_219 = tpu.memref_squeeze %dma_start3A_218 : memref<1x128x128xf32, #tpu.memory_space<vmem>> -> memref<128x128xf32, #tpu.memory_space<vmem>>
    %dma_start3A_220 = arith.constant 0 : i32
    %dma_start3A_221 = tpu.memref_slice %arg7[%dma_start3A_214, %dma_start3A_220] : memref<16x128xi32, #tpu.memory_space<vmem>> -> memref<1x128xi32, #tpu.memory_space<vmem>>
    %dma_start3A_222 = tpu.memref_squeeze %dma_start3A_221 : memref<1x128xi32, #tpu.memory_space<vmem>> -> memref<128xi32, #tpu.memory_space<vmem>>
    %dma_start3A_223 = arith.constant 0 : i32
    %dma_start3A_224 = arith.constant 0 : i32
    %dma_start3A_225 = tpu.memref_slice %arg2[%dma_start3A_223, %dma_start3A_224] : memref<10240x128xf32, #tpu.memory_space<hbm>> -> memref<10240x128xf32, #tpu.memory_space<hbm>>
    tpu.enqueue_indirect_dma source(%dma_start3A_225 : memref<10240x128xf32, #tpu.memory_space<hbm>>) target(%dma_start3A_219 : memref<128x128xf32, #tpu.memory_space<vmem>>) offsets(%dma_start3A_222 : memref<128xi32, #tpu.memory_space<vmem>>) semaphore(%arg12 : memref<!tpu.dma_semaphore, #tpu.memory_space<semaphore_mem>>)
    %scan3A_226 = arith.constant 0 : i32
    %scan3A_227 = arith.constant 0 : i32
    %scan3A_228 = arith.constant 7 : i32
    %scan3A_229 = arith.addi %scan3A_227, %scan3A_228 : i32
    %scan3A_230 = arith.constant 1 : i32
    scf.for %scan3A_509 = %scan3A_227 to %scan3A_229 step %scan3A_230  : i32 {
      %mul3A_510 = arith.constant 2 : i32
      %mul3A_511 = arith.muli %mul3A_510, %scan3A_509 : i32
      %add3A = arith.constant 0 : i32
      %add3A_512 = arith.addi %mul3A_511, %add3A : i32
      %dma_wait3A_513 = arith.constant 0 : i32
      %dma_wait3A_514 = arith.constant 0 : i32
      %dma_wait3A_515 = arith.constant 0 : i32
      %dma_wait3A_516 = tpu.memref_slice %arg9[%dma_wait3A_513, %dma_wait3A_514, %dma_wait3A_515] : memref<2x128x128xf32, #tpu.memory_space<vmem>> -> memref<1x128x128xf32, #tpu.memory_space<vmem>>
      %dma_wait3A_517 = tpu.memref_squeeze %dma_wait3A_516 : memref<1x128x128xf32, #tpu.memory_space<vmem>> -> memref<128x128xf32, #tpu.memory_space<vmem>>
      %dma_wait3A_518 = arith.constant 0 : i32
      %dma_wait3A_519 = tpu.memref_slice %arg7[%add3A_512, %dma_wait3A_518] : memref<16x128xi32, #tpu.memory_space<vmem>> -> memref<1x128xi32, #tpu.memory_space<vmem>>
      %dma_wait3A_520 = tpu.memref_squeeze %dma_wait3A_519 : memref<1x128xi32, #tpu.memory_space<vmem>> -> memref<128xi32, #tpu.memory_space<vmem>>
      %dma_wait3A_521 = arith.constant 0 : i32
      %dma_wait3A_522 = arith.constant 0 : i32
      %dma_wait3A_523 = tpu.memref_slice %arg2[%dma_wait3A_521, %dma_wait3A_522] : memref<10240x128xf32, #tpu.memory_space<hbm>> -> memref<10240x128xf32, #tpu.memory_space<hbm>>
      tpu.wait_indirect_dma semaphore(%arg11 : memref<!tpu.dma_semaphore, #tpu.memory_space<semaphore_mem>>) src(%dma_wait3A_523 : memref<10240x128xf32, #tpu.memory_space<hbm>>) dst(%dma_wait3A_517 : memref<128x128xf32, #tpu.memory_space<vmem>>)
      %dma_start3A_524 = arith.constant 0 : i32
      %dma_start3A_525 = arith.constant 0 : i32
      %dma_start3A_526 = arith.constant 0 : i32
      %dma_start3A_527 = tpu.memref_slice %arg9[%dma_start3A_524, %dma_start3A_525, %dma_start3A_526] : memref<2x128x128xf32, #tpu.memory_space<vmem>> -> memref<1x128x128xf32, #tpu.memory_space<vmem>>
      %dma_start3A_528 = tpu.memref_squeeze %dma_start3A_527 : memref<1x128x128xf32, #tpu.memory_space<vmem>> -> memref<128x128xf32, #tpu.memory_space<vmem>>
      %dma_start3A_529 = arith.constant 0 : i32
      %dma_start3A_530 = tpu.memref_slice %arg8[%add3A_512, %dma_start3A_529] : memref<16x128xi32, #tpu.memory_space<vmem>> -> memref<1x128xi32, #tpu.memory_space<vmem>>
      %dma_start3A_531 = tpu.memref_squeeze %dma_start3A_530 : memref<1x128xi32, #tpu.memory_space<vmem>> -> memref<128xi32, #tpu.memory_space<vmem>>
      %dma_start3A_532 = arith.constant 0 : i32
      %dma_start3A_533 = arith.constant 0 : i32
      %dma_start3A_534 = tpu.memref_slice %arg10[%dma_start3A_532, %dma_start3A_533] : memref<10240x128xf32, #tpu.memory_space<vmem_shared>> -> memref<10240x128xf32, #tpu.memory_space<vmem_shared>>
      tpu.enqueue_indirect_dma source(%dma_start3A_528 : memref<128x128xf32, #tpu.memory_space<vmem>>) target(%dma_start3A_534 : memref<10240x128xf32, #tpu.memory_space<vmem_shared>>) offsets(%dma_start3A_531 : memref<128xi32, #tpu.memory_space<vmem>>) semaphore(%arg11 : memref<!tpu.dma_semaphore, #tpu.memory_space<semaphore_mem>>) {add = true}
      %dma_wait3A_535 = arith.constant 0 : i32
      %dma_wait3A_536 = arith.constant 0 : i32
      %dma_wait3A_537 = arith.constant 0 : i32
      %dma_wait3A_538 = tpu.memref_slice %arg9[%dma_wait3A_535, %dma_wait3A_536, %dma_wait3A_537] : memref<2x128x128xf32, #tpu.memory_space<vmem>> -> memref<1x128x128xf32, #tpu.memory_space<vmem>>
      %dma_wait3A_539 = tpu.memref_squeeze %dma_wait3A_538 : memref<1x128x128xf32, #tpu.memory_space<vmem>> -> memref<128x128xf32, #tpu.memory_space<vmem>>
      %dma_wait3A_540 = arith.constant 0 : i32
      %dma_wait3A_541 = tpu.memref_slice %arg8[%add3A_512, %dma_wait3A_540] : memref<16x128xi32, #tpu.memory_space<vmem>> -> memref<1x128xi32, #tpu.memory_space<vmem>>
      %dma_wait3A_542 = tpu.memref_squeeze %dma_wait3A_541 : memref<1x128xi32, #tpu.memory_space<vmem>> -> memref<128xi32, #tpu.memory_space<vmem>>
      %dma_wait3A_543 = arith.constant 0 : i32
      %dma_wait3A_544 = arith.constant 0 : i32
      %dma_wait3A_545 = tpu.memref_slice %arg10[%dma_wait3A_543, %dma_wait3A_544] : memref<10240x128xf32, #tpu.memory_space<vmem_shared>> -> memref<10240x128xf32, #tpu.memory_space<vmem_shared>>
      tpu.wait_indirect_dma semaphore(%arg11 : memref<!tpu.dma_semaphore, #tpu.memory_space<semaphore_mem>>) src(%dma_wait3A_539 : memref<128x128xf32, #tpu.memory_space<vmem>>) dst(%dma_wait3A_545 : memref<10240x128xf32, #tpu.memory_space<vmem_shared>>)
      %add3A_546 = arith.constant 2 : i32
      %add3A_547 = arith.addi %add3A_512, %add3A_546 : i32
      %dma_start3A_548 = arith.constant 0 : i32
      %dma_start3A_549 = arith.constant 0 : i32
      %dma_start3A_550 = arith.constant 0 : i32
      %dma_start3A_551 = tpu.memref_slice %arg9[%dma_start3A_548, %dma_start3A_549, %dma_start3A_550] : memref<2x128x128xf32, #tpu.memory_space<vmem>> -> memref<1x128x128xf32, #tpu.memory_space<vmem>>
      %dma_start3A_552 = tpu.memref_squeeze %dma_start3A_551 : memref<1x128x128xf32, #tpu.memory_space<vmem>> -> memref<128x128xf32, #tpu.memory_space<vmem>>
      %dma_start3A_553 = arith.constant 0 : i32
      %dma_start3A_554 = tpu.memref_slice %arg7[%add3A_547, %dma_start3A_553] : memref<16x128xi32, #tpu.memory_space<vmem>> -> memref<1x128xi32, #tpu.memory_space<vmem>>
      %dma_start3A_555 = tpu.memref_squeeze %dma_start3A_554 : memref<1x128xi32, #tpu.memory_space<vmem>> -> memref<128xi32, #tpu.memory_space<vmem>>
      %dma_start3A_556 = arith.constant 0 : i32
      %dma_start3A_557 = arith.constant 0 : i32
      %dma_start3A_558 = tpu.memref_slice %arg2[%dma_start3A_556, %dma_start3A_557] : memref<10240x128xf32, #tpu.memory_space<hbm>> -> memref<10240x128xf32, #tpu.memory_space<hbm>>
      tpu.enqueue_indirect_dma source(%dma_start3A_558 : memref<10240x128xf32, #tpu.memory_space<hbm>>) target(%dma_start3A_552 : memref<128x128xf32, #tpu.memory_space<vmem>>) offsets(%dma_start3A_555 : memref<128xi32, #tpu.memory_space<vmem>>) semaphore(%arg11 : memref<!tpu.dma_semaphore, #tpu.memory_space<semaphore_mem>>)
      %mul3A_559 = arith.constant 2 : i32
      %mul3A_560 = arith.muli %mul3A_559, %scan3A_509 : i32
      %add3A_561 = arith.constant 1 : i32
      %add3A_562 = arith.addi %mul3A_560, %add3A_561 : i32
      %dma_wait3A_563 = arith.constant 1 : i32
      %dma_wait3A_564 = arith.constant 0 : i32
      %dma_wait3A_565 = arith.constant 0 : i32
      %dma_wait3A_566 = tpu.memref_slice %arg9[%dma_wait3A_563, %dma_wait3A_564, %dma_wait3A_565] : memref<2x128x128xf32, #tpu.memory_space<vmem>> -> memref<1x128x128xf32, #tpu.memory_space<vmem>>
      %dma_wait3A_567 = tpu.memref_squeeze %dma_wait3A_566 : memref<1x128x128xf32, #tpu.memory_space<vmem>> -> memref<128x128xf32, #tpu.memory_space<vmem>>
      %dma_wait3A_568 = arith.constant 0 : i32
      %dma_wait3A_569 = tpu.memref_slice %arg7[%add3A_562, %dma_wait3A_568] : memref<16x128xi32, #tpu.memory_space<vmem>> -> memref<1x128xi32, #tpu.memory_space<vmem>>
      %dma_wait3A_570 = tpu.memref_squeeze %dma_wait3A_569 : memref<1x128xi32, #tpu.memory_space<vmem>> -> memref<128xi32, #tpu.memory_space<vmem>>
      %dma_wait3A_571 = arith.constant 0 : i32
      %dma_wait3A_572 = arith.constant 0 : i32
      %dma_wait3A_573 = tpu.memref_slice %arg2[%dma_wait3A_571, %dma_wait3A_572] : memref<10240x128xf32, #tpu.memory_space<hbm>> -> memref<10240x128xf32, #tpu.memory_space<hbm>>
      tpu.wait_indirect_dma semaphore(%arg12 : memref<!tpu.dma_semaphore, #tpu.memory_space<semaphore_mem>>) src(%dma_wait3A_573 : memref<10240x128xf32, #tpu.memory_space<hbm>>) dst(%dma_wait3A_567 : memref<128x128xf32, #tpu.memory_space<vmem>>)
      %dma_start3A_574 = arith.constant 1 : i32
      %dma_start3A_575 = arith.constant 0 : i32
      %dma_start3A_576 = arith.constant 0 : i32
      %dma_start3A_577 = tpu.memref_slice %arg9[%dma_start3A_574, %dma_start3A_575, %dma_start3A_576] : memref<2x128x128xf32, #tpu.memory_space<vmem>> -> memref<1x128x128xf32, #tpu.memory_space<vmem>>
      %dma_start3A_578 = tpu.memref_squeeze %dma_start3A_577 : memref<1x128x128xf32, #tpu.memory_space<vmem>> -> memref<128x128xf32, #tpu.memory_space<vmem>>
      %dma_start3A_579 = arith.constant 0 : i32
      %dma_start3A_580 = tpu.memref_slice %arg8[%add3A_562, %dma_start3A_579] : memref<16x128xi32, #tpu.memory_space<vmem>> -> memref<1x128xi32, #tpu.memory_space<vmem>>
      %dma_start3A_581 = tpu.memref_squeeze %dma_start3A_580 : memref<1x128xi32, #tpu.memory_space<vmem>> -> memref<128xi32, #tpu.memory_space<vmem>>
      %dma_start3A_582 = arith.constant 0 : i32
      %dma_start3A_583 = arith.constant 0 : i32
      %dma_start3A_584 = tpu.memref_slice %arg10[%dma_start3A_582, %dma_start3A_583] : memref<10240x128xf32, #tpu.memory_space<vmem_shared>> -> memref<10240x128xf32, #tpu.memory_space<vmem_shared>>
      tpu.enqueue_indirect_dma source(%dma_start3A_578 : memref<128x128xf32, #tpu.memory_space<vmem>>) target(%dma_start3A_584 : memref<10240x128xf32, #tpu.memory_space<vmem_shared>>) offsets(%dma_start3A_581 : memref<128xi32, #tpu.memory_space<vmem>>) semaphore(%arg12 : memref<!tpu.dma_semaphore, #tpu.memory_space<semaphore_mem>>) {add = true}
      %dma_wait3A_585 = arith.constant 1 : i32
      %dma_wait3A_586 = arith.constant 0 : i32
      %dma_wait3A_587 = arith.constant 0 : i32
      %dma_wait3A_588 = tpu.memref_slice %arg9[%dma_wait3A_585, %dma_wait3A_586, %dma_wait3A_587] : memref<2x128x128xf32, #tpu.memory_space<vmem>> -> memref<1x128x128xf32, #tpu.memory_space<vmem>>
      %dma_wait3A_589 = tpu.memref_squeeze %dma_wait3A_588 : memref<1x128x128xf32, #tpu.memory_space<vmem>> -> memref<128x128xf32, #tpu.memory_space<vmem>>
      %dma_wait3A_590 = arith.constant 0 : i32
      %dma_wait3A_591 = tpu.memref_slice %arg8[%add3A_562, %dma_wait3A_590] : memref<16x128xi32, #tpu.memory_space<vmem>> -> memref<1x128xi32, #tpu.memory_space<vmem>>
      %dma_wait3A_592 = tpu.memref_squeeze %dma_wait3A_591 : memref<1x128xi32, #tpu.memory_space<vmem>> -> memref<128xi32, #tpu.memory_space<vmem>>
      %dma_wait3A_593 = arith.constant 0 : i32
      %dma_wait3A_594 = arith.constant 0 : i32
      %dma_wait3A_595 = tpu.memref_slice %arg10[%dma_wait3A_593, %dma_wait3A_594] : memref<10240x128xf32, #tpu.memory_space<vmem_shared>> -> memref<10240x128xf32, #tpu.memory_space<vmem_shared>>
      tpu.wait_indirect_dma semaphore(%arg12 : memref<!tpu.dma_semaphore, #tpu.memory_space<semaphore_mem>>) src(%dma_wait3A_589 : memref<128x128xf32, #tpu.memory_space<vmem>>) dst(%dma_wait3A_595 : memref<10240x128xf32, #tpu.memory_space<vmem_shared>>)
      %add3A_596 = arith.constant 2 : i32
      %add3A_597 = arith.addi %add3A_562, %add3A_596 : i32
      %dma_start3A_598 = arith.constant 1 : i32
      %dma_start3A_599 = arith.constant 0 : i32
      %dma_start3A_600 = arith.constant 0 : i32
      %dma_start3A_601 = tpu.memref_slice %arg9[%dma_start3A_598, %dma_start3A_599, %dma_start3A_600] : memref<2x128x128xf32, #tpu.memory_space<vmem>> -> memref<1x128x128xf32, #tpu.memory_space<vmem>>
      %dma_start3A_602 = tpu.memref_squeeze %dma_start3A_601 : memref<1x128x128xf32, #tpu.memory_space<vmem>> -> memref<128x128xf32, #tpu.memory_space<vmem>>
      %dma_start3A_603 = arith.constant 0 : i32
      %dma_start3A_604 = tpu.memref_slice %arg7[%add3A_597, %dma_start3A_603] : memref<16x128xi32, #tpu.memory_space<vmem>> -> memref<1x128xi32, #tpu.memory_space<vmem>>
      %dma_start3A_605 = tpu.memref_squeeze %dma_start3A_604 : memref<1x128xi32, #tpu.memory_space<vmem>> -> memref<128xi32, #tpu.memory_space<vmem>>
      %dma_start3A_606 = arith.constant 0 : i32
      %dma_start3A_607 = arith.constant 0 : i32
      %dma_start3A_608 = tpu.memref_slice %arg2[%dma_start3A_606, %dma_start3A_607] : memref<10240x128xf32, #tpu.memory_space<hbm>> -> memref<10240x128xf32, #tpu.memory_space<hbm>>
      tpu.enqueue_indirect_dma source(%dma_start3A_608 : memref<10240x128xf32, #tpu.memory_space<hbm>>) target(%dma_start3A_602 : memref<128x128xf32, #tpu.memory_space<vmem>>) offsets(%dma_start3A_605 : memref<128xi32, #tpu.memory_space<vmem>>) semaphore(%arg12 : memref<!tpu.dma_semaphore, #tpu.memory_space<semaphore_mem>>)
    }
    %scan3A_231 = arith.constant 7 : i32
    %dma_wait3A_232 = arith.constant 14 : i32
    %dma_wait3A_233 = arith.constant 0 : i32
    %dma_wait3A_234 = arith.constant 0 : i32
    %dma_wait3A_235 = arith.constant 0 : i32
    %dma_wait3A_236 = tpu.memref_slice %arg9[%dma_wait3A_233, %dma_wait3A_234, %dma_wait3A_235] : memref<2x128x128xf32, #tpu.memory_space<vmem>> -> memref<1x128x128xf32, #tpu.memory_space<vmem>>
    %dma_wait3A_237 = tpu.memref_squeeze %dma_wait3A_236 : memref<1x128x128xf32, #tpu.memory_space<vmem>> -> memref<128x128xf32, #tpu.memory_space<vmem>>
    %dma_wait3A_238 = arith.constant 0 : i32
    %dma_wait3A_239 = tpu.memref_slice %arg7[%dma_wait3A_232, %dma_wait3A_238] : memref<16x128xi32, #tpu.memory_space<vmem>> -> memref<1x128xi32, #tpu.memory_space<vmem>>
    %dma_wait3A_240 = tpu.memref_squeeze %dma_wait3A_239 : memref<1x128xi32, #tpu.memory_space<vmem>> -> memref<128xi32, #tpu.memory_space<vmem>>
    %dma_wait3A_241 = arith.constant 0 : i32
    %dma_wait3A_242 = arith.constant 0 : i32
    %dma_wait3A_243 = tpu.memref_slice %arg2[%dma_wait3A_241, %dma_wait3A_242] : memref<10240x128xf32, #tpu.memory_space<hbm>> -> memref<10240x128xf32, #tpu.memory_space<hbm>>
    tpu.wait_indirect_dma semaphore(%arg11 : memref<!tpu.dma_semaphore, #tpu.memory_space<semaphore_mem>>) src(%dma_wait3A_243 : memref<10240x128xf32, #tpu.memory_space<hbm>>) dst(%dma_wait3A_237 : memref<128x128xf32, #tpu.memory_space<vmem>>)
    %dma_start3A_244 = arith.constant 0 : i32
    %dma_start3A_245 = arith.constant 14 : i32
    %dma_start3A_246 = arith.constant 0 : i32
    %dma_start3A_247 = arith.constant 0 : i32
    %dma_start3A_248 = tpu.memref_slice %arg9[%dma_start3A_244, %dma_start3A_246, %dma_start3A_247] : memref<2x128x128xf32, #tpu.memory_space<vmem>> -> memref<1x128x128xf32, #tpu.memory_space<vmem>>
    %dma_start3A_249 = tpu.memref_squeeze %dma_start3A_248 : memref<1x128x128xf32, #tpu.memory_space<vmem>> -> memref<128x128xf32, #tpu.memory_space<vmem>>
    %dma_start3A_250 = arith.constant 0 : i32
    %dma_start3A_251 = tpu.memref_slice %arg8[%dma_start3A_245, %dma_start3A_250] : memref<16x128xi32, #tpu.memory_space<vmem>> -> memref<1x128xi32, #tpu.memory_space<vmem>>
    %dma_start3A_252 = tpu.memref_squeeze %dma_start3A_251 : memref<1x128xi32, #tpu.memory_space<vmem>> -> memref<128xi32, #tpu.memory_space<vmem>>
    %dma_start3A_253 = arith.constant 0 : i32
    %dma_start3A_254 = arith.constant 0 : i32
    %dma_start3A_255 = tpu.memref_slice %arg10[%dma_start3A_253, %dma_start3A_254] : memref<10240x128xf32, #tpu.memory_space<vmem_shared>> -> memref<10240x128xf32, #tpu.memory_space<vmem_shared>>
    tpu.enqueue_indirect_dma source(%dma_start3A_249 : memref<128x128xf32, #tpu.memory_space<vmem>>) target(%dma_start3A_255 : memref<10240x128xf32, #tpu.memory_space<vmem_shared>>) offsets(%dma_start3A_252 : memref<128xi32, #tpu.memory_space<vmem>>) semaphore(%arg11 : memref<!tpu.dma_semaphore, #tpu.memory_space<semaphore_mem>>) {add = true}
    %dma_wait3A_256 = arith.constant 0 : i32
    %dma_wait3A_257 = arith.constant 14 : i32
    %dma_wait3A_258 = arith.constant 0 : i32
    %dma_wait3A_259 = arith.constant 0 : i32
    %dma_wait3A_260 = tpu.memref_slice %arg9[%dma_wait3A_256, %dma_wait3A_258, %dma_wait3A_259] : memref<2x128x128xf32, #tpu.memory_space<vmem>> -> memref<1x128x128xf32, #tpu.memory_space<vmem>>
    %dma_wait3A_261 = tpu.memref_squeeze %dma_wait3A_260 : memref<1x128x128xf32, #tpu.memory_space<vmem>> -> memref<128x128xf32, #tpu.memory_space<vmem>>
    %dma_wait3A_262 = arith.constant 0 : i32
    %dma_wait3A_263 = tpu.memref_slice %arg8[%dma_wait3A_257, %dma_wait3A_262] : memref<16x128xi32, #tpu.memory_space<vmem>> -> memref<1x128xi32, #tpu.memory_space<vmem>>
    %dma_wait3A_264 = tpu.memref_squeeze %dma_wait3A_263 : memref<1x128xi32, #tpu.memory_space<vmem>> -> memref<128xi32, #tpu.memory_space<vmem>>
    %dma_wait3A_265 = arith.constant 0 : i32
    %dma_wait3A_266 = arith.constant 0 : i32
    %dma_wait3A_267 = tpu.memref_slice %arg10[%dma_wait3A_265, %dma_wait3A_266] : memref<10240x128xf32, #tpu.memory_space<vmem_shared>> -> memref<10240x128xf32, #tpu.memory_space<vmem_shared>>
    tpu.wait_indirect_dma semaphore(%arg11 : memref<!tpu.dma_semaphore, #tpu.memory_space<semaphore_mem>>) src(%dma_wait3A_261 : memref<128x128xf32, #tpu.memory_space<vmem>>) dst(%dma_wait3A_267 : memref<10240x128xf32, #tpu.memory_space<vmem_shared>>)
    %dma_wait3A_268 = arith.constant 15 : i32
    %dma_wait3A_269 = arith.constant 1 : i32
    %dma_wait3A_270 = arith.constant 0 : i32
    %dma_wait3A_271 = arith.constant 0 : i32
    %dma_wait3A_272 = tpu.memref_slice %arg9[%dma_wait3A_269, %dma_wait3A_270, %dma_wait3A_271] : memref<2x128x128xf32, #tpu.memory_space<vmem>> -> memref<1x128x128xf32, #tpu.memory_space<vmem>>
    %dma_wait3A_273 = tpu.memref_squeeze %dma_wait3A_272 : memref<1x128x128xf32, #tpu.memory_space<vmem>> -> memref<128x128xf32, #tpu.memory_space<vmem>>
    %dma_wait3A_274 = arith.constant 0 : i32
    %dma_wait3A_275 = tpu.memref_slice %arg7[%dma_wait3A_268, %dma_wait3A_274] : memref<16x128xi32, #tpu.memory_space<vmem>> -> memref<1x128xi32, #tpu.memory_space<vmem>>
    %dma_wait3A_276 = tpu.memref_squeeze %dma_wait3A_275 : memref<1x128xi32, #tpu.memory_space<vmem>> -> memref<128xi32, #tpu.memory_space<vmem>>
    %dma_wait3A_277 = arith.constant 0 : i32
    %dma_wait3A_278 = arith.constant 0 : i32
    %dma_wait3A_279 = tpu.memref_slice %arg2[%dma_wait3A_277, %dma_wait3A_278] : memref<10240x128xf32, #tpu.memory_space<hbm>> -> memref<10240x128xf32, #tpu.memory_space<hbm>>
    tpu.wait_indirect_dma semaphore(%arg12 : memref<!tpu.dma_semaphore, #tpu.memory_space<semaphore_mem>>) src(%dma_wait3A_279 : memref<10240x128xf32, #tpu.memory_space<hbm>>) dst(%dma_wait3A_273 : memref<128x128xf32, #tpu.memory_space<vmem>>)
    %dma_start3A_280 = arith.constant 1 : i32
    %dma_start3A_281 = arith.constant 15 : i32
    %dma_start3A_282 = arith.constant 0 : i32
    %dma_start3A_283 = arith.constant 0 : i32
    %dma_start3A_284 = tpu.memref_slice %arg9[%dma_start3A_280, %dma_start3A_282, %dma_start3A_283] : memref<2x128x128xf32, #tpu.memory_space<vmem>> -> memref<1x128x128xf32, #tpu.memory_space<vmem>>
    %dma_start3A_285 = tpu.memref_squeeze %dma_start3A_284 : memref<1x128x128xf32, #tpu.memory_space<vmem>> -> memref<128x128xf32, #tpu.memory_space<vmem>>
    %dma_start3A_286 = arith.constant 0 : i32
    %dma_start3A_287 = tpu.memref_slice %arg8[%dma_start3A_281, %dma_start3A_286] : memref<16x128xi32, #tpu.memory_space<vmem>> -> memref<1x128xi32, #tpu.memory_space<vmem>>
    %dma_start3A_288 = tpu.memref_squeeze %dma_start3A_287 : memref<1x128xi32, #tpu.memory_space<vmem>> -> memref<128xi32, #tpu.memory_space<vmem>>
    %dma_start3A_289 = arith.constant 0 : i32
    %dma_start3A_290 = arith.constant 0 : i32
    %dma_start3A_291 = tpu.memref_slice %arg10[%dma_start3A_289, %dma_start3A_290] : memref<10240x128xf32, #tpu.memory_space<vmem_shared>> -> memref<10240x128xf32, #tpu.memory_space<vmem_shared>>
    tpu.enqueue_indirect_dma source(%dma_start3A_285 : memref<128x128xf32, #tpu.memory_space<vmem>>) target(%dma_start3A_291 : memref<10240x128xf32, #tpu.memory_space<vmem_shared>>) offsets(%dma_start3A_288 : memref<128xi32, #tpu.memory_space<vmem>>) semaphore(%arg12 : memref<!tpu.dma_semaphore, #tpu.memory_space<semaphore_mem>>) {add = true}
    %dma_wait3A_292 = arith.constant 1 : i32
    %dma_wait3A_293 = arith.constant 15 : i32
    %dma_wait3A_294 = arith.constant 0 : i32
    %dma_wait3A_295 = arith.constant 0 : i32
    %dma_wait3A_296 = tpu.memref_slice %arg9[%dma_wait3A_292, %dma_wait3A_294, %dma_wait3A_295] : memref<2x128x128xf32, #tpu.memory_space<vmem>> -> memref<1x128x128xf32, #tpu.memory_space<vmem>>
    %dma_wait3A_297 = tpu.memref_squeeze %dma_wait3A_296 : memref<1x128x128xf32, #tpu.memory_space<vmem>> -> memref<128x128xf32, #tpu.memory_space<vmem>>
    %dma_wait3A_298 = arith.constant 0 : i32
    %dma_wait3A_299 = tpu.memref_slice %arg8[%dma_wait3A_293, %dma_wait3A_298] : memref<16x128xi32, #tpu.memory_space<vmem>> -> memref<1x128xi32, #tpu.memory_space<vmem>>
    %dma_wait3A_300 = tpu.memref_squeeze %dma_wait3A_299 : memref<1x128xi32, #tpu.memory_space<vmem>> -> memref<128xi32, #tpu.memory_space<vmem>>
    %dma_wait3A_301 = arith.constant 0 : i32
    %dma_wait3A_302 = arith.constant 0 : i32
    %dma_wait3A_303 = tpu.memref_slice %arg10[%dma_wait3A_301, %dma_wait3A_302] : memref<10240x128xf32, #tpu.memory_space<vmem_shared>> -> memref<10240x128xf32, #tpu.memory_space<vmem_shared>>
    tpu.wait_indirect_dma semaphore(%arg12 : memref<!tpu.dma_semaphore, #tpu.memory_space<semaphore_mem>>) src(%dma_wait3A_297 : memref<128x128xf32, #tpu.memory_space<vmem>>) dst(%dma_wait3A_303 : memref<10240x128xf32, #tpu.memory_space<vmem_shared>>)
    "tpu.region"() ({
      %run_scoped3A = tpu.sem_alloc : memref<!tpu.dma_semaphore, #tpu.memory_space<semaphore_mem>>
      %dma_start3A_509 = arith.constant 48 : i32
      %dma_start3A_510 = arith.constant 0 : i32
      %dma_start3A_511 = tpu.memref_slice %arg3[%arg0, %arg1, %dma_start3A_509, %dma_start3A_510] : memref<2x16x80x128xi32, #tpu.memory_space<hbm>> -> memref<1x1x16x128xi32, #tpu.memory_space<hbm>>
      %dma_start3A_512 = tpu.memref_squeeze %dma_start3A_511 : memref<1x1x16x128xi32, #tpu.memory_space<hbm>> -> memref<16x128xi32, #tpu.memory_space<hbm>>
      %dma_start3A_513 = arith.constant 48 : i32
      %dma_start3A_514 = arith.constant 0 : i32
      %dma_start3A_515 = tpu.memref_slice %arg3[%arg0, %arg1, %dma_start3A_513, %dma_start3A_514] : memref<2x16x80x128xi32, #tpu.memory_space<hbm>> -> memref<1x1x16x128xi32, #tpu.memory_space<hbm>>
      %dma_start3A_516 = tpu.memref_squeeze %dma_start3A_515 : memref<1x1x16x128xi32, #tpu.memory_space<hbm>> -> memref<16x128xi32, #tpu.memory_space<hbm>>
      tpu.enqueue_dma source(%dma_start3A_516 : memref<16x128xi32, #tpu.memory_space<hbm>>) target(%arg7 : memref<16x128xi32, #tpu.memory_space<vmem>>) target_semaphore(%run_scoped3A : memref<!tpu.dma_semaphore, #tpu.memory_space<semaphore_mem>>)
      %dma_wait3A_517 = arith.constant 48 : i32
      %dma_wait3A_518 = arith.constant 0 : i32
      %dma_wait3A_519 = tpu.memref_slice %arg3[%arg0, %arg1, %dma_wait3A_517, %dma_wait3A_518] : memref<2x16x80x128xi32, #tpu.memory_space<hbm>> -> memref<1x1x16x128xi32, #tpu.memory_space<hbm>>
      %dma_wait3A_520 = tpu.memref_squeeze %dma_wait3A_519 : memref<1x1x16x128xi32, #tpu.memory_space<hbm>> -> memref<16x128xi32, #tpu.memory_space<hbm>>
      %dma_wait3A_521 = arith.constant 48 : i32
      %dma_wait3A_522 = arith.constant 0 : i32
      %dma_wait3A_523 = tpu.memref_slice %arg3[%arg0, %arg1, %dma_wait3A_521, %dma_wait3A_522] : memref<2x16x80x128xi32, #tpu.memory_space<hbm>> -> memref<1x1x16x128xi32, #tpu.memory_space<hbm>>
      %dma_wait3A_524 = tpu.memref_squeeze %dma_wait3A_523 : memref<1x1x16x128xi32, #tpu.memory_space<hbm>> -> memref<16x128xi32, #tpu.memory_space<hbm>>
      tpu.wait_dma2 semaphore(%run_scoped3A : memref<!tpu.dma_semaphore, #tpu.memory_space<semaphore_mem>>) src(%dma_wait3A_524 : memref<16x128xi32, #tpu.memory_space<hbm>>) dst(%arg7 : memref<16x128xi32, #tpu.memory_space<vmem>>)
      tpu.yield
    }) : () -> ()
    "tpu.region"() ({
      %run_scoped3A = tpu.sem_alloc : memref<!tpu.dma_semaphore, #tpu.memory_space<semaphore_mem>>
      %dma_start3A_509 = arith.constant 48 : i32
      %dma_start3A_510 = arith.constant 0 : i32
      %dma_start3A_511 = tpu.memref_slice %arg4[%arg0, %arg1, %dma_start3A_509, %dma_start3A_510] : memref<2x16x80x128xi32, #tpu.memory_space<hbm>> -> memref<1x1x16x128xi32, #tpu.memory_space<hbm>>
      %dma_start3A_512 = tpu.memref_squeeze %dma_start3A_511 : memref<1x1x16x128xi32, #tpu.memory_space<hbm>> -> memref<16x128xi32, #tpu.memory_space<hbm>>
      %dma_start3A_513 = arith.constant 48 : i32
      %dma_start3A_514 = arith.constant 0 : i32
      %dma_start3A_515 = tpu.memref_slice %arg4[%arg0, %arg1, %dma_start3A_513, %dma_start3A_514] : memref<2x16x80x128xi32, #tpu.memory_space<hbm>> -> memref<1x1x16x128xi32, #tpu.memory_space<hbm>>
      %dma_start3A_516 = tpu.memref_squeeze %dma_start3A_515 : memref<1x1x16x128xi32, #tpu.memory_space<hbm>> -> memref<16x128xi32, #tpu.memory_space<hbm>>
      tpu.enqueue_dma source(%dma_start3A_516 : memref<16x128xi32, #tpu.memory_space<hbm>>) target(%arg8 : memref<16x128xi32, #tpu.memory_space<vmem>>) target_semaphore(%run_scoped3A : memref<!tpu.dma_semaphore, #tpu.memory_space<semaphore_mem>>)
      %dma_wait3A_517 = arith.constant 48 : i32
      %dma_wait3A_518 = arith.constant 0 : i32
      %dma_wait3A_519 = tpu.memref_slice %arg4[%arg0, %arg1, %dma_wait3A_517, %dma_wait3A_518] : memref<2x16x80x128xi32, #tpu.memory_space<hbm>> -> memref<1x1x16x128xi32, #tpu.memory_space<hbm>>
      %dma_wait3A_520 = tpu.memref_squeeze %dma_wait3A_519 : memref<1x1x16x128xi32, #tpu.memory_space<hbm>> -> memref<16x128xi32, #tpu.memory_space<hbm>>
      %dma_wait3A_521 = arith.constant 48 : i32
      %dma_wait3A_522 = arith.constant 0 : i32
      %dma_wait3A_523 = tpu.memref_slice %arg4[%arg0, %arg1, %dma_wait3A_521, %dma_wait3A_522] : memref<2x16x80x128xi32, #tpu.memory_space<hbm>> -> memref<1x1x16x128xi32, #tpu.memory_space<hbm>>
      %dma_wait3A_524 = tpu.memref_squeeze %dma_wait3A_523 : memref<1x1x16x128xi32, #tpu.memory_space<hbm>> -> memref<16x128xi32, #tpu.memory_space<hbm>>
      tpu.wait_dma2 semaphore(%run_scoped3A : memref<!tpu.dma_semaphore, #tpu.memory_space<semaphore_mem>>) src(%dma_wait3A_524 : memref<16x128xi32, #tpu.memory_space<hbm>>) dst(%arg8 : memref<16x128xi32, #tpu.memory_space<vmem>>)
      tpu.yield
    }) : () -> ()
    %dma_start3A_304 = arith.constant 0 : i32
    %dma_start3A_305 = arith.constant 0 : i32
    %dma_start3A_306 = arith.constant 0 : i32
    %dma_start3A_307 = arith.constant 0 : i32
    %dma_start3A_308 = tpu.memref_slice %arg9[%dma_start3A_305, %dma_start3A_306, %dma_start3A_307] : memref<2x128x128xf32, #tpu.memory_space<vmem>> -> memref<1x128x128xf32, #tpu.memory_space<vmem>>
    %dma_start3A_309 = tpu.memref_squeeze %dma_start3A_308 : memref<1x128x128xf32, #tpu.memory_space<vmem>> -> memref<128x128xf32, #tpu.memory_space<vmem>>
    %dma_start3A_310 = arith.constant 0 : i32
    %dma_start3A_311 = tpu.memref_slice %arg7[%dma_start3A_304, %dma_start3A_310] : memref<16x128xi32, #tpu.memory_space<vmem>> -> memref<1x128xi32, #tpu.memory_space<vmem>>
    %dma_start3A_312 = tpu.memref_squeeze %dma_start3A_311 : memref<1x128xi32, #tpu.memory_space<vmem>> -> memref<128xi32, #tpu.memory_space<vmem>>
    %dma_start3A_313 = arith.constant 0 : i32
    %dma_start3A_314 = arith.constant 0 : i32
    %dma_start3A_315 = tpu.memref_slice %arg2[%dma_start3A_313, %dma_start3A_314] : memref<10240x128xf32, #tpu.memory_space<hbm>> -> memref<10240x128xf32, #tpu.memory_space<hbm>>
    tpu.enqueue_indirect_dma source(%dma_start3A_315 : memref<10240x128xf32, #tpu.memory_space<hbm>>) target(%dma_start3A_309 : memref<128x128xf32, #tpu.memory_space<vmem>>) offsets(%dma_start3A_312 : memref<128xi32, #tpu.memory_space<vmem>>) semaphore(%arg11 : memref<!tpu.dma_semaphore, #tpu.memory_space<semaphore_mem>>)
    %dma_start3A_316 = arith.constant 1 : i32
    %dma_start3A_317 = arith.constant 1 : i32
    %dma_start3A_318 = arith.constant 0 : i32
    %dma_start3A_319 = arith.constant 0 : i32
    %dma_start3A_320 = tpu.memref_slice %arg9[%dma_start3A_317, %dma_start3A_318, %dma_start3A_319] : memref<2x128x128xf32, #tpu.memory_space<vmem>> -> memref<1x128x128xf32, #tpu.memory_space<vmem>>
    %dma_start3A_321 = tpu.memref_squeeze %dma_start3A_320 : memref<1x128x128xf32, #tpu.memory_space<vmem>> -> memref<128x128xf32, #tpu.memory_space<vmem>>
    %dma_start3A_322 = arith.constant 0 : i32
    %dma_start3A_323 = tpu.memref_slice %arg7[%dma_start3A_316, %dma_start3A_322] : memref<16x128xi32, #tpu.memory_space<vmem>> -> memref<1x128xi32, #tpu.memory_space<vmem>>
    %dma_start3A_324 = tpu.memref_squeeze %dma_start3A_323 : memref<1x128xi32, #tpu.memory_space<vmem>> -> memref<128xi32, #tpu.memory_space<vmem>>
    %dma_start3A_325 = arith.constant 0 : i32
    %dma_start3A_326 = arith.constant 0 : i32
    %dma_start3A_327 = tpu.memref_slice %arg2[%dma_start3A_325, %dma_start3A_326] : memref<10240x128xf32, #tpu.memory_space<hbm>> -> memref<10240x128xf32, #tpu.memory_space<hbm>>
    tpu.enqueue_indirect_dma source(%dma_start3A_327 : memref<10240x128xf32, #tpu.memory_space<hbm>>) target(%dma_start3A_321 : memref<128x128xf32, #tpu.memory_space<vmem>>) offsets(%dma_start3A_324 : memref<128xi32, #tpu.memory_space<vmem>>) semaphore(%arg12 : memref<!tpu.dma_semaphore, #tpu.memory_space<semaphore_mem>>)
    %scan3A_328 = arith.constant 0 : i32
    %scan3A_329 = arith.constant 0 : i32
    %scan3A_330 = arith.constant 7 : i32
    %scan3A_331 = arith.addi %scan3A_329, %scan3A_330 : i32
    %scan3A_332 = arith.constant 1 : i32
    scf.for %scan3A_509 = %scan3A_329 to %scan3A_331 step %scan3A_332  : i32 {
      %mul3A_510 = arith.constant 2 : i32
      %mul3A_511 = arith.muli %mul3A_510, %scan3A_509 : i32
      %add3A = arith.constant 0 : i32
      %add3A_512 = arith.addi %mul3A_511, %add3A : i32
      %dma_wait3A_513 = arith.constant 0 : i32
      %dma_wait3A_514 = arith.constant 0 : i32
      %dma_wait3A_515 = arith.constant 0 : i32
      %dma_wait3A_516 = tpu.memref_slice %arg9[%dma_wait3A_513, %dma_wait3A_514, %dma_wait3A_515] : memref<2x128x128xf32, #tpu.memory_space<vmem>> -> memref<1x128x128xf32, #tpu.memory_space<vmem>>
      %dma_wait3A_517 = tpu.memref_squeeze %dma_wait3A_516 : memref<1x128x128xf32, #tpu.memory_space<vmem>> -> memref<128x128xf32, #tpu.memory_space<vmem>>
      %dma_wait3A_518 = arith.constant 0 : i32
      %dma_wait3A_519 = tpu.memref_slice %arg7[%add3A_512, %dma_wait3A_518] : memref<16x128xi32, #tpu.memory_space<vmem>> -> memref<1x128xi32, #tpu.memory_space<vmem>>
      %dma_wait3A_520 = tpu.memref_squeeze %dma_wait3A_519 : memref<1x128xi32, #tpu.memory_space<vmem>> -> memref<128xi32, #tpu.memory_space<vmem>>
      %dma_wait3A_521 = arith.constant 0 : i32
      %dma_wait3A_522 = arith.constant 0 : i32
      %dma_wait3A_523 = tpu.memref_slice %arg2[%dma_wait3A_521, %dma_wait3A_522] : memref<10240x128xf32, #tpu.memory_space<hbm>> -> memref<10240x128xf32, #tpu.memory_space<hbm>>
      tpu.wait_indirect_dma semaphore(%arg11 : memref<!tpu.dma_semaphore, #tpu.memory_space<semaphore_mem>>) src(%dma_wait3A_523 : memref<10240x128xf32, #tpu.memory_space<hbm>>) dst(%dma_wait3A_517 : memref<128x128xf32, #tpu.memory_space<vmem>>)
      %dma_start3A_524 = arith.constant 0 : i32
      %dma_start3A_525 = arith.constant 0 : i32
      %dma_start3A_526 = arith.constant 0 : i32
      %dma_start3A_527 = tpu.memref_slice %arg9[%dma_start3A_524, %dma_start3A_525, %dma_start3A_526] : memref<2x128x128xf32, #tpu.memory_space<vmem>> -> memref<1x128x128xf32, #tpu.memory_space<vmem>>
      %dma_start3A_528 = tpu.memref_squeeze %dma_start3A_527 : memref<1x128x128xf32, #tpu.memory_space<vmem>> -> memref<128x128xf32, #tpu.memory_space<vmem>>
      %dma_start3A_529 = arith.constant 0 : i32
      %dma_start3A_530 = tpu.memref_slice %arg8[%add3A_512, %dma_start3A_529] : memref<16x128xi32, #tpu.memory_space<vmem>> -> memref<1x128xi32, #tpu.memory_space<vmem>>
      %dma_start3A_531 = tpu.memref_squeeze %dma_start3A_530 : memref<1x128xi32, #tpu.memory_space<vmem>> -> memref<128xi32, #tpu.memory_space<vmem>>
      %dma_start3A_532 = arith.constant 0 : i32
      %dma_start3A_533 = arith.constant 0 : i32
      %dma_start3A_534 = tpu.memref_slice %arg10[%dma_start3A_532, %dma_start3A_533] : memref<10240x128xf32, #tpu.memory_space<vmem_shared>> -> memref<10240x128xf32, #tpu.memory_space<vmem_shared>>
      tpu.enqueue_indirect_dma source(%dma_start3A_528 : memref<128x128xf32, #tpu.memory_space<vmem>>) target(%dma_start3A_534 : memref<10240x128xf32, #tpu.memory_space<vmem_shared>>) offsets(%dma_start3A_531 : memref<128xi32, #tpu.memory_space<vmem>>) semaphore(%arg11 : memref<!tpu.dma_semaphore, #tpu.memory_space<semaphore_mem>>) {add = true}
      %dma_wait3A_535 = arith.constant 0 : i32
      %dma_wait3A_536 = arith.constant 0 : i32
      %dma_wait3A_537 = arith.constant 0 : i32
      %dma_wait3A_538 = tpu.memref_slice %arg9[%dma_wait3A_535, %dma_wait3A_536, %dma_wait3A_537] : memref<2x128x128xf32, #tpu.memory_space<vmem>> -> memref<1x128x128xf32, #tpu.memory_space<vmem>>
      %dma_wait3A_539 = tpu.memref_squeeze %dma_wait3A_538 : memref<1x128x128xf32, #tpu.memory_space<vmem>> -> memref<128x128xf32, #tpu.memory_space<vmem>>
      %dma_wait3A_540 = arith.constant 0 : i32
      %dma_wait3A_541 = tpu.memref_slice %arg8[%add3A_512, %dma_wait3A_540] : memref<16x128xi32, #tpu.memory_space<vmem>> -> memref<1x128xi32, #tpu.memory_space<vmem>>
      %dma_wait3A_542 = tpu.memref_squeeze %dma_wait3A_541 : memref<1x128xi32, #tpu.memory_space<vmem>> -> memref<128xi32, #tpu.memory_space<vmem>>
      %dma_wait3A_543 = arith.constant 0 : i32
      %dma_wait3A_544 = arith.constant 0 : i32
      %dma_wait3A_545 = tpu.memref_slice %arg10[%dma_wait3A_543, %dma_wait3A_544] : memref<10240x128xf32, #tpu.memory_space<vmem_shared>> -> memref<10240x128xf32, #tpu.memory_space<vmem_shared>>
      tpu.wait_indirect_dma semaphore(%arg11 : memref<!tpu.dma_semaphore, #tpu.memory_space<semaphore_mem>>) src(%dma_wait3A_539 : memref<128x128xf32, #tpu.memory_space<vmem>>) dst(%dma_wait3A_545 : memref<10240x128xf32, #tpu.memory_space<vmem_shared>>)
      %add3A_546 = arith.constant 2 : i32
      %add3A_547 = arith.addi %add3A_512, %add3A_546 : i32
      %dma_start3A_548 = arith.constant 0 : i32
      %dma_start3A_549 = arith.constant 0 : i32
      %dma_start3A_550 = arith.constant 0 : i32
      %dma_start3A_551 = tpu.memref_slice %arg9[%dma_start3A_548, %dma_start3A_549, %dma_start3A_550] : memref<2x128x128xf32, #tpu.memory_space<vmem>> -> memref<1x128x128xf32, #tpu.memory_space<vmem>>
      %dma_start3A_552 = tpu.memref_squeeze %dma_start3A_551 : memref<1x128x128xf32, #tpu.memory_space<vmem>> -> memref<128x128xf32, #tpu.memory_space<vmem>>
      %dma_start3A_553 = arith.constant 0 : i32
      %dma_start3A_554 = tpu.memref_slice %arg7[%add3A_547, %dma_start3A_553] : memref<16x128xi32, #tpu.memory_space<vmem>> -> memref<1x128xi32, #tpu.memory_space<vmem>>
      %dma_start3A_555 = tpu.memref_squeeze %dma_start3A_554 : memref<1x128xi32, #tpu.memory_space<vmem>> -> memref<128xi32, #tpu.memory_space<vmem>>
      %dma_start3A_556 = arith.constant 0 : i32
      %dma_start3A_557 = arith.constant 0 : i32
      %dma_start3A_558 = tpu.memref_slice %arg2[%dma_start3A_556, %dma_start3A_557] : memref<10240x128xf32, #tpu.memory_space<hbm>> -> memref<10240x128xf32, #tpu.memory_space<hbm>>
      tpu.enqueue_indirect_dma source(%dma_start3A_558 : memref<10240x128xf32, #tpu.memory_space<hbm>>) target(%dma_start3A_552 : memref<128x128xf32, #tpu.memory_space<vmem>>) offsets(%dma_start3A_555 : memref<128xi32, #tpu.memory_space<vmem>>) semaphore(%arg11 : memref<!tpu.dma_semaphore, #tpu.memory_space<semaphore_mem>>)
      %mul3A_559 = arith.constant 2 : i32
      %mul3A_560 = arith.muli %mul3A_559, %scan3A_509 : i32
      %add3A_561 = arith.constant 1 : i32
      %add3A_562 = arith.addi %mul3A_560, %add3A_561 : i32
      %dma_wait3A_563 = arith.constant 1 : i32
      %dma_wait3A_564 = arith.constant 0 : i32
      %dma_wait3A_565 = arith.constant 0 : i32
      %dma_wait3A_566 = tpu.memref_slice %arg9[%dma_wait3A_563, %dma_wait3A_564, %dma_wait3A_565] : memref<2x128x128xf32, #tpu.memory_space<vmem>> -> memref<1x128x128xf32, #tpu.memory_space<vmem>>
      %dma_wait3A_567 = tpu.memref_squeeze %dma_wait3A_566 : memref<1x128x128xf32, #tpu.memory_space<vmem>> -> memref<128x128xf32, #tpu.memory_space<vmem>>
      %dma_wait3A_568 = arith.constant 0 : i32
      %dma_wait3A_569 = tpu.memref_slice %arg7[%add3A_562, %dma_wait3A_568] : memref<16x128xi32, #tpu.memory_space<vmem>> -> memref<1x128xi32, #tpu.memory_space<vmem>>
      %dma_wait3A_570 = tpu.memref_squeeze %dma_wait3A_569 : memref<1x128xi32, #tpu.memory_space<vmem>> -> memref<128xi32, #tpu.memory_space<vmem>>
      %dma_wait3A_571 = arith.constant 0 : i32
      %dma_wait3A_572 = arith.constant 0 : i32
      %dma_wait3A_573 = tpu.memref_slice %arg2[%dma_wait3A_571, %dma_wait3A_572] : memref<10240x128xf32, #tpu.memory_space<hbm>> -> memref<10240x128xf32, #tpu.memory_space<hbm>>
      tpu.wait_indirect_dma semaphore(%arg12 : memref<!tpu.dma_semaphore, #tpu.memory_space<semaphore_mem>>) src(%dma_wait3A_573 : memref<10240x128xf32, #tpu.memory_space<hbm>>) dst(%dma_wait3A_567 : memref<128x128xf32, #tpu.memory_space<vmem>>)
      %dma_start3A_574 = arith.constant 1 : i32
      %dma_start3A_575 = arith.constant 0 : i32
      %dma_start3A_576 = arith.constant 0 : i32
      %dma_start3A_577 = tpu.memref_slice %arg9[%dma_start3A_574, %dma_start3A_575, %dma_start3A_576] : memref<2x128x128xf32, #tpu.memory_space<vmem>> -> memref<1x128x128xf32, #tpu.memory_space<vmem>>
      %dma_start3A_578 = tpu.memref_squeeze %dma_start3A_577 : memref<1x128x128xf32, #tpu.memory_space<vmem>> -> memref<128x128xf32, #tpu.memory_space<vmem>>
      %dma_start3A_579 = arith.constant 0 : i32
      %dma_start3A_580 = tpu.memref_slice %arg8[%add3A_562, %dma_start3A_579] : memref<16x128xi32, #tpu.memory_space<vmem>> -> memref<1x128xi32, #tpu.memory_space<vmem>>
      %dma_start3A_581 = tpu.memref_squeeze %dma_start3A_580 : memref<1x128xi32, #tpu.memory_space<vmem>> -> memref<128xi32, #tpu.memory_space<vmem>>
      %dma_start3A_582 = arith.constant 0 : i32
      %dma_start3A_583 = arith.constant 0 : i32
      %dma_start3A_584 = tpu.memref_slice %arg10[%dma_start3A_582, %dma_start3A_583] : memref<10240x128xf32, #tpu.memory_space<vmem_shared>> -> memref<10240x128xf32, #tpu.memory_space<vmem_shared>>
      tpu.enqueue_indirect_dma source(%dma_start3A_578 : memref<128x128xf32, #tpu.memory_space<vmem>>) target(%dma_start3A_584 : memref<10240x128xf32, #tpu.memory_space<vmem_shared>>) offsets(%dma_start3A_581 : memref<128xi32, #tpu.memory_space<vmem>>) semaphore(%arg12 : memref<!tpu.dma_semaphore, #tpu.memory_space<semaphore_mem>>) {add = true}
      %dma_wait3A_585 = arith.constant 1 : i32
      %dma_wait3A_586 = arith.constant 0 : i32
      %dma_wait3A_587 = arith.constant 0 : i32
      %dma_wait3A_588 = tpu.memref_slice %arg9[%dma_wait3A_585, %dma_wait3A_586, %dma_wait3A_587] : memref<2x128x128xf32, #tpu.memory_space<vmem>> -> memref<1x128x128xf32, #tpu.memory_space<vmem>>
      %dma_wait3A_589 = tpu.memref_squeeze %dma_wait3A_588 : memref<1x128x128xf32, #tpu.memory_space<vmem>> -> memref<128x128xf32, #tpu.memory_space<vmem>>
      %dma_wait3A_590 = arith.constant 0 : i32
      %dma_wait3A_591 = tpu.memref_slice %arg8[%add3A_562, %dma_wait3A_590] : memref<16x128xi32, #tpu.memory_space<vmem>> -> memref<1x128xi32, #tpu.memory_space<vmem>>
      %dma_wait3A_592 = tpu.memref_squeeze %dma_wait3A_591 : memref<1x128xi32, #tpu.memory_space<vmem>> -> memref<128xi32, #tpu.memory_space<vmem>>
      %dma_wait3A_593 = arith.constant 0 : i32
      %dma_wait3A_594 = arith.constant 0 : i32
      %dma_wait3A_595 = tpu.memref_slice %arg10[%dma_wait3A_593, %dma_wait3A_594] : memref<10240x128xf32, #tpu.memory_space<vmem_shared>> -> memref<10240x128xf32, #tpu.memory_space<vmem_shared>>
      tpu.wait_indirect_dma semaphore(%arg12 : memref<!tpu.dma_semaphore, #tpu.memory_space<semaphore_mem>>) src(%dma_wait3A_589 : memref<128x128xf32, #tpu.memory_space<vmem>>) dst(%dma_wait3A_595 : memref<10240x128xf32, #tpu.memory_space<vmem_shared>>)
      %add3A_596 = arith.constant 2 : i32
      %add3A_597 = arith.addi %add3A_562, %add3A_596 : i32
      %dma_start3A_598 = arith.constant 1 : i32
      %dma_start3A_599 = arith.constant 0 : i32
      %dma_start3A_600 = arith.constant 0 : i32
      %dma_start3A_601 = tpu.memref_slice %arg9[%dma_start3A_598, %dma_start3A_599, %dma_start3A_600] : memref<2x128x128xf32, #tpu.memory_space<vmem>> -> memref<1x128x128xf32, #tpu.memory_space<vmem>>
      %dma_start3A_602 = tpu.memref_squeeze %dma_start3A_601 : memref<1x128x128xf32, #tpu.memory_space<vmem>> -> memref<128x128xf32, #tpu.memory_space<vmem>>
      %dma_start3A_603 = arith.constant 0 : i32
      %dma_start3A_604 = tpu.memref_slice %arg7[%add3A_597, %dma_start3A_603] : memref<16x128xi32, #tpu.memory_space<vmem>> -> memref<1x128xi32, #tpu.memory_space<vmem>>
      %dma_start3A_605 = tpu.memref_squeeze %dma_start3A_604 : memref<1x128xi32, #tpu.memory_space<vmem>> -> memref<128xi32, #tpu.memory_space<vmem>>
      %dma_start3A_606 = arith.constant 0 : i32
      %dma_start3A_607 = arith.constant 0 : i32
      %dma_start3A_608 = tpu.memref_slice %arg2[%dma_start3A_606, %dma_start3A_607] : memref<10240x128xf32, #tpu.memory_space<hbm>> -> memref<10240x128xf32, #tpu.memory_space<hbm>>
      tpu.enqueue_indirect_dma source(%dma_start3A_608 : memref<10240x128xf32, #tpu.memory_space<hbm>>) target(%dma_start3A_602 : memref<128x128xf32, #tpu.memory_space<vmem>>) offsets(%dma_start3A_605 : memref<128xi32, #tpu.memory_space<vmem>>) semaphore(%arg12 : memref<!tpu.dma_semaphore, #tpu.memory_space<semaphore_mem>>)
    }
    %scan3A_333 = arith.constant 7 : i32
    %dma_wait3A_334 = arith.constant 14 : i32
    %dma_wait3A_335 = arith.constant 0 : i32
    %dma_wait3A_336 = arith.constant 0 : i32
    %dma_wait3A_337 = arith.constant 0 : i32
    %dma_wait3A_338 = tpu.memref_slice %arg9[%dma_wait3A_335, %dma_wait3A_336, %dma_wait3A_337] : memref<2x128x128xf32, #tpu.memory_space<vmem>> -> memref<1x128x128xf32, #tpu.memory_space<vmem>>
    %dma_wait3A_339 = tpu.memref_squeeze %dma_wait3A_338 : memref<1x128x128xf32, #tpu.memory_space<vmem>> -> memref<128x128xf32, #tpu.memory_space<vmem>>
    %dma_wait3A_340 = arith.constant 0 : i32
    %dma_wait3A_341 = tpu.memref_slice %arg7[%dma_wait3A_334, %dma_wait3A_340] : memref<16x128xi32, #tpu.memory_space<vmem>> -> memref<1x128xi32, #tpu.memory_space<vmem>>
    %dma_wait3A_342 = tpu.memref_squeeze %dma_wait3A_341 : memref<1x128xi32, #tpu.memory_space<vmem>> -> memref<128xi32, #tpu.memory_space<vmem>>
    %dma_wait3A_343 = arith.constant 0 : i32
    %dma_wait3A_344 = arith.constant 0 : i32
    %dma_wait3A_345 = tpu.memref_slice %arg2[%dma_wait3A_343, %dma_wait3A_344] : memref<10240x128xf32, #tpu.memory_space<hbm>> -> memref<10240x128xf32, #tpu.memory_space<hbm>>
    tpu.wait_indirect_dma semaphore(%arg11 : memref<!tpu.dma_semaphore, #tpu.memory_space<semaphore_mem>>) src(%dma_wait3A_345 : memref<10240x128xf32, #tpu.memory_space<hbm>>) dst(%dma_wait3A_339 : memref<128x128xf32, #tpu.memory_space<vmem>>)
    %dma_start3A_346 = arith.constant 0 : i32
    %dma_start3A_347 = arith.constant 14 : i32
    %dma_start3A_348 = arith.constant 0 : i32
    %dma_start3A_349 = arith.constant 0 : i32
    %dma_start3A_350 = tpu.memref_slice %arg9[%dma_start3A_346, %dma_start3A_348, %dma_start3A_349] : memref<2x128x128xf32, #tpu.memory_space<vmem>> -> memref<1x128x128xf32, #tpu.memory_space<vmem>>
    %dma_start3A_351 = tpu.memref_squeeze %dma_start3A_350 : memref<1x128x128xf32, #tpu.memory_space<vmem>> -> memref<128x128xf32, #tpu.memory_space<vmem>>
    %dma_start3A_352 = arith.constant 0 : i32
    %dma_start3A_353 = tpu.memref_slice %arg8[%dma_start3A_347, %dma_start3A_352] : memref<16x128xi32, #tpu.memory_space<vmem>> -> memref<1x128xi32, #tpu.memory_space<vmem>>
    %dma_start3A_354 = tpu.memref_squeeze %dma_start3A_353 : memref<1x128xi32, #tpu.memory_space<vmem>> -> memref<128xi32, #tpu.memory_space<vmem>>
    %dma_start3A_355 = arith.constant 0 : i32
    %dma_start3A_356 = arith.constant 0 : i32
    %dma_start3A_357 = tpu.memref_slice %arg10[%dma_start3A_355, %dma_start3A_356] : memref<10240x128xf32, #tpu.memory_space<vmem_shared>> -> memref<10240x128xf32, #tpu.memory_space<vmem_shared>>
    tpu.enqueue_indirect_dma source(%dma_start3A_351 : memref<128x128xf32, #tpu.memory_space<vmem>>) target(%dma_start3A_357 : memref<10240x128xf32, #tpu.memory_space<vmem_shared>>) offsets(%dma_start3A_354 : memref<128xi32, #tpu.memory_space<vmem>>) semaphore(%arg11 : memref<!tpu.dma_semaphore, #tpu.memory_space<semaphore_mem>>) {add = true}
    %dma_wait3A_358 = arith.constant 0 : i32
    %dma_wait3A_359 = arith.constant 14 : i32
    %dma_wait3A_360 = arith.constant 0 : i32
    %dma_wait3A_361 = arith.constant 0 : i32
    %dma_wait3A_362 = tpu.memref_slice %arg9[%dma_wait3A_358, %dma_wait3A_360, %dma_wait3A_361] : memref<2x128x128xf32, #tpu.memory_space<vmem>> -> memref<1x128x128xf32, #tpu.memory_space<vmem>>
    %dma_wait3A_363 = tpu.memref_squeeze %dma_wait3A_362 : memref<1x128x128xf32, #tpu.memory_space<vmem>> -> memref<128x128xf32, #tpu.memory_space<vmem>>
    %dma_wait3A_364 = arith.constant 0 : i32
    %dma_wait3A_365 = tpu.memref_slice %arg8[%dma_wait3A_359, %dma_wait3A_364] : memref<16x128xi32, #tpu.memory_space<vmem>> -> memref<1x128xi32, #tpu.memory_space<vmem>>
    %dma_wait3A_366 = tpu.memref_squeeze %dma_wait3A_365 : memref<1x128xi32, #tpu.memory_space<vmem>> -> memref<128xi32, #tpu.memory_space<vmem>>
    %dma_wait3A_367 = arith.constant 0 : i32
    %dma_wait3A_368 = arith.constant 0 : i32
    %dma_wait3A_369 = tpu.memref_slice %arg10[%dma_wait3A_367, %dma_wait3A_368] : memref<10240x128xf32, #tpu.memory_space<vmem_shared>> -> memref<10240x128xf32, #tpu.memory_space<vmem_shared>>
    tpu.wait_indirect_dma semaphore(%arg11 : memref<!tpu.dma_semaphore, #tpu.memory_space<semaphore_mem>>) src(%dma_wait3A_363 : memref<128x128xf32, #tpu.memory_space<vmem>>) dst(%dma_wait3A_369 : memref<10240x128xf32, #tpu.memory_space<vmem_shared>>)
    %dma_wait3A_370 = arith.constant 15 : i32
    %dma_wait3A_371 = arith.constant 1 : i32
    %dma_wait3A_372 = arith.constant 0 : i32
    %dma_wait3A_373 = arith.constant 0 : i32
    %dma_wait3A_374 = tpu.memref_slice %arg9[%dma_wait3A_371, %dma_wait3A_372, %dma_wait3A_373] : memref<2x128x128xf32, #tpu.memory_space<vmem>> -> memref<1x128x128xf32, #tpu.memory_space<vmem>>
    %dma_wait3A_375 = tpu.memref_squeeze %dma_wait3A_374 : memref<1x128x128xf32, #tpu.memory_space<vmem>> -> memref<128x128xf32, #tpu.memory_space<vmem>>
    %dma_wait3A_376 = arith.constant 0 : i32
    %dma_wait3A_377 = tpu.memref_slice %arg7[%dma_wait3A_370, %dma_wait3A_376] : memref<16x128xi32, #tpu.memory_space<vmem>> -> memref<1x128xi32, #tpu.memory_space<vmem>>
    %dma_wait3A_378 = tpu.memref_squeeze %dma_wait3A_377 : memref<1x128xi32, #tpu.memory_space<vmem>> -> memref<128xi32, #tpu.memory_space<vmem>>
    %dma_wait3A_379 = arith.constant 0 : i32
    %dma_wait3A_380 = arith.constant 0 : i32
    %dma_wait3A_381 = tpu.memref_slice %arg2[%dma_wait3A_379, %dma_wait3A_380] : memref<10240x128xf32, #tpu.memory_space<hbm>> -> memref<10240x128xf32, #tpu.memory_space<hbm>>
    tpu.wait_indirect_dma semaphore(%arg12 : memref<!tpu.dma_semaphore, #tpu.memory_space<semaphore_mem>>) src(%dma_wait3A_381 : memref<10240x128xf32, #tpu.memory_space<hbm>>) dst(%dma_wait3A_375 : memref<128x128xf32, #tpu.memory_space<vmem>>)
    %dma_start3A_382 = arith.constant 1 : i32
    %dma_start3A_383 = arith.constant 15 : i32
    %dma_start3A_384 = arith.constant 0 : i32
    %dma_start3A_385 = arith.constant 0 : i32
    %dma_start3A_386 = tpu.memref_slice %arg9[%dma_start3A_382, %dma_start3A_384, %dma_start3A_385] : memref<2x128x128xf32, #tpu.memory_space<vmem>> -> memref<1x128x128xf32, #tpu.memory_space<vmem>>
    %dma_start3A_387 = tpu.memref_squeeze %dma_start3A_386 : memref<1x128x128xf32, #tpu.memory_space<vmem>> -> memref<128x128xf32, #tpu.memory_space<vmem>>
    %dma_start3A_388 = arith.constant 0 : i32
    %dma_start3A_389 = tpu.memref_slice %arg8[%dma_start3A_383, %dma_start3A_388] : memref<16x128xi32, #tpu.memory_space<vmem>> -> memref<1x128xi32, #tpu.memory_space<vmem>>
    %dma_start3A_390 = tpu.memref_squeeze %dma_start3A_389 : memref<1x128xi32, #tpu.memory_space<vmem>> -> memref<128xi32, #tpu.memory_space<vmem>>
    %dma_start3A_391 = arith.constant 0 : i32
    %dma_start3A_392 = arith.constant 0 : i32
    %dma_start3A_393 = tpu.memref_slice %arg10[%dma_start3A_391, %dma_start3A_392] : memref<10240x128xf32, #tpu.memory_space<vmem_shared>> -> memref<10240x128xf32, #tpu.memory_space<vmem_shared>>
    tpu.enqueue_indirect_dma source(%dma_start3A_387 : memref<128x128xf32, #tpu.memory_space<vmem>>) target(%dma_start3A_393 : memref<10240x128xf32, #tpu.memory_space<vmem_shared>>) offsets(%dma_start3A_390 : memref<128xi32, #tpu.memory_space<vmem>>) semaphore(%arg12 : memref<!tpu.dma_semaphore, #tpu.memory_space<semaphore_mem>>) {add = true}
    %dma_wait3A_394 = arith.constant 1 : i32
    %dma_wait3A_395 = arith.constant 15 : i32
    %dma_wait3A_396 = arith.constant 0 : i32
    %dma_wait3A_397 = arith.constant 0 : i32
    %dma_wait3A_398 = tpu.memref_slice %arg9[%dma_wait3A_394, %dma_wait3A_396, %dma_wait3A_397] : memref<2x128x128xf32, #tpu.memory_space<vmem>> -> memref<1x128x128xf32, #tpu.memory_space<vmem>>
    %dma_wait3A_399 = tpu.memref_squeeze %dma_wait3A_398 : memref<1x128x128xf32, #tpu.memory_space<vmem>> -> memref<128x128xf32, #tpu.memory_space<vmem>>
    %dma_wait3A_400 = arith.constant 0 : i32
    %dma_wait3A_401 = tpu.memref_slice %arg8[%dma_wait3A_395, %dma_wait3A_400] : memref<16x128xi32, #tpu.memory_space<vmem>> -> memref<1x128xi32, #tpu.memory_space<vmem>>
    %dma_wait3A_402 = tpu.memref_squeeze %dma_wait3A_401 : memref<1x128xi32, #tpu.memory_space<vmem>> -> memref<128xi32, #tpu.memory_space<vmem>>
    %dma_wait3A_403 = arith.constant 0 : i32
    %dma_wait3A_404 = arith.constant 0 : i32
    %dma_wait3A_405 = tpu.memref_slice %arg10[%dma_wait3A_403, %dma_wait3A_404] : memref<10240x128xf32, #tpu.memory_space<vmem_shared>> -> memref<10240x128xf32, #tpu.memory_space<vmem_shared>>
    tpu.wait_indirect_dma semaphore(%arg12 : memref<!tpu.dma_semaphore, #tpu.memory_space<semaphore_mem>>) src(%dma_wait3A_399 : memref<128x128xf32, #tpu.memory_space<vmem>>) dst(%dma_wait3A_405 : memref<10240x128xf32, #tpu.memory_space<vmem_shared>>)
    "tpu.region"() ({
      %run_scoped3A = tpu.sem_alloc : memref<!tpu.dma_semaphore, #tpu.memory_space<semaphore_mem>>
      %dma_start3A_509 = arith.constant 64 : i32
      %dma_start3A_510 = arith.constant 0 : i32
      %dma_start3A_511 = tpu.memref_slice %arg3[%arg0, %arg1, %dma_start3A_509, %dma_start3A_510] : memref<2x16x80x128xi32, #tpu.memory_space<hbm>> -> memref<1x1x16x128xi32, #tpu.memory_space<hbm>>
      %dma_start3A_512 = tpu.memref_squeeze %dma_start3A_511 : memref<1x1x16x128xi32, #tpu.memory_space<hbm>> -> memref<16x128xi32, #tpu.memory_space<hbm>>
      %dma_start3A_513 = arith.constant 64 : i32
      %dma_start3A_514 = arith.constant 0 : i32
      %dma_start3A_515 = tpu.memref_slice %arg3[%arg0, %arg1, %dma_start3A_513, %dma_start3A_514] : memref<2x16x80x128xi32, #tpu.memory_space<hbm>> -> memref<1x1x16x128xi32, #tpu.memory_space<hbm>>
      %dma_start3A_516 = tpu.memref_squeeze %dma_start3A_515 : memref<1x1x16x128xi32, #tpu.memory_space<hbm>> -> memref<16x128xi32, #tpu.memory_space<hbm>>
      tpu.enqueue_dma source(%dma_start3A_516 : memref<16x128xi32, #tpu.memory_space<hbm>>) target(%arg7 : memref<16x128xi32, #tpu.memory_space<vmem>>) target_semaphore(%run_scoped3A : memref<!tpu.dma_semaphore, #tpu.memory_space<semaphore_mem>>)
      %dma_wait3A_517 = arith.constant 64 : i32
      %dma_wait3A_518 = arith.constant 0 : i32
      %dma_wait3A_519 = tpu.memref_slice %arg3[%arg0, %arg1, %dma_wait3A_517, %dma_wait3A_518] : memref<2x16x80x128xi32, #tpu.memory_space<hbm>> -> memref<1x1x16x128xi32, #tpu.memory_space<hbm>>
      %dma_wait3A_520 = tpu.memref_squeeze %dma_wait3A_519 : memref<1x1x16x128xi32, #tpu.memory_space<hbm>> -> memref<16x128xi32, #tpu.memory_space<hbm>>
      %dma_wait3A_521 = arith.constant 64 : i32
      %dma_wait3A_522 = arith.constant 0 : i32
      %dma_wait3A_523 = tpu.memref_slice %arg3[%arg0, %arg1, %dma_wait3A_521, %dma_wait3A_522] : memref<2x16x80x128xi32, #tpu.memory_space<hbm>> -> memref<1x1x16x128xi32, #tpu.memory_space<hbm>>
      %dma_wait3A_524 = tpu.memref_squeeze %dma_wait3A_523 : memref<1x1x16x128xi32, #tpu.memory_space<hbm>> -> memref<16x128xi32, #tpu.memory_space<hbm>>
      tpu.wait_dma2 semaphore(%run_scoped3A : memref<!tpu.dma_semaphore, #tpu.memory_space<semaphore_mem>>) src(%dma_wait3A_524 : memref<16x128xi32, #tpu.memory_space<hbm>>) dst(%arg7 : memref<16x128xi32, #tpu.memory_space<vmem>>)
      tpu.yield
    }) : () -> ()
    "tpu.region"() ({
      %run_scoped3A = tpu.sem_alloc : memref<!tpu.dma_semaphore, #tpu.memory_space<semaphore_mem>>
      %dma_start3A_509 = arith.constant 64 : i32
      %dma_start3A_510 = arith.constant 0 : i32
      %dma_start3A_511 = tpu.memref_slice %arg4[%arg0, %arg1, %dma_start3A_509, %dma_start3A_510] : memref<2x16x80x128xi32, #tpu.memory_space<hbm>> -> memref<1x1x16x128xi32, #tpu.memory_space<hbm>>
      %dma_start3A_512 = tpu.memref_squeeze %dma_start3A_511 : memref<1x1x16x128xi32, #tpu.memory_space<hbm>> -> memref<16x128xi32, #tpu.memory_space<hbm>>
      %dma_start3A_513 = arith.constant 64 : i32
      %dma_start3A_514 = arith.constant 0 : i32
      %dma_start3A_515 = tpu.memref_slice %arg4[%arg0, %arg1, %dma_start3A_513, %dma_start3A_514] : memref<2x16x80x128xi32, #tpu.memory_space<hbm>> -> memref<1x1x16x128xi32, #tpu.memory_space<hbm>>
      %dma_start3A_516 = tpu.memref_squeeze %dma_start3A_515 : memref<1x1x16x128xi32, #tpu.memory_space<hbm>> -> memref<16x128xi32, #tpu.memory_space<hbm>>
      tpu.enqueue_dma source(%dma_start3A_516 : memref<16x128xi32, #tpu.memory_space<hbm>>) target(%arg8 : memref<16x128xi32, #tpu.memory_space<vmem>>) target_semaphore(%run_scoped3A : memref<!tpu.dma_semaphore, #tpu.memory_space<semaphore_mem>>)
      %dma_wait3A_517 = arith.constant 64 : i32
      %dma_wait3A_518 = arith.constant 0 : i32
      %dma_wait3A_519 = tpu.memref_slice %arg4[%arg0, %arg1, %dma_wait3A_517, %dma_wait3A_518] : memref<2x16x80x128xi32, #tpu.memory_space<hbm>> -> memref<1x1x16x128xi32, #tpu.memory_space<hbm>>
      %dma_wait3A_520 = tpu.memref_squeeze %dma_wait3A_519 : memref<1x1x16x128xi32, #tpu.memory_space<hbm>> -> memref<16x128xi32, #tpu.memory_space<hbm>>
      %dma_wait3A_521 = arith.constant 64 : i32
      %dma_wait3A_522 = arith.constant 0 : i32
      %dma_wait3A_523 = tpu.memref_slice %arg4[%arg0, %arg1, %dma_wait3A_521, %dma_wait3A_522] : memref<2x16x80x128xi32, #tpu.memory_space<hbm>> -> memref<1x1x16x128xi32, #tpu.memory_space<hbm>>
      %dma_wait3A_524 = tpu.memref_squeeze %dma_wait3A_523 : memref<1x1x16x128xi32, #tpu.memory_space<hbm>> -> memref<16x128xi32, #tpu.memory_space<hbm>>
      tpu.wait_dma2 semaphore(%run_scoped3A : memref<!tpu.dma_semaphore, #tpu.memory_space<semaphore_mem>>) src(%dma_wait3A_524 : memref<16x128xi32, #tpu.memory_space<hbm>>) dst(%arg8 : memref<16x128xi32, #tpu.memory_space<vmem>>)
      tpu.yield
    }) : () -> ()
    %dma_start3A_406 = arith.constant 0 : i32
    %dma_start3A_407 = arith.constant 0 : i32
    %dma_start3A_408 = arith.constant 0 : i32
    %dma_start3A_409 = arith.constant 0 : i32
    %dma_start3A_410 = tpu.memref_slice %arg9[%dma_start3A_407, %dma_start3A_408, %dma_start3A_409] : memref<2x128x128xf32, #tpu.memory_space<vmem>> -> memref<1x128x128xf32, #tpu.memory_space<vmem>>
    %dma_start3A_411 = tpu.memref_squeeze %dma_start3A_410 : memref<1x128x128xf32, #tpu.memory_space<vmem>> -> memref<128x128xf32, #tpu.memory_space<vmem>>
    %dma_start3A_412 = arith.constant 0 : i32
    %dma_start3A_413 = tpu.memref_slice %arg7[%dma_start3A_406, %dma_start3A_412] : memref<16x128xi32, #tpu.memory_space<vmem>> -> memref<1x128xi32, #tpu.memory_space<vmem>>
    %dma_start3A_414 = tpu.memref_squeeze %dma_start3A_413 : memref<1x128xi32, #tpu.memory_space<vmem>> -> memref<128xi32, #tpu.memory_space<vmem>>
    %dma_start3A_415 = arith.constant 0 : i32
    %dma_start3A_416 = arith.constant 0 : i32
    %dma_start3A_417 = tpu.memref_slice %arg2[%dma_start3A_415, %dma_start3A_416] : memref<10240x128xf32, #tpu.memory_space<hbm>> -> memref<10240x128xf32, #tpu.memory_space<hbm>>
    tpu.enqueue_indirect_dma source(%dma_start3A_417 : memref<10240x128xf32, #tpu.memory_space<hbm>>) target(%dma_start3A_411 : memref<128x128xf32, #tpu.memory_space<vmem>>) offsets(%dma_start3A_414 : memref<128xi32, #tpu.memory_space<vmem>>) semaphore(%arg11 : memref<!tpu.dma_semaphore, #tpu.memory_space<semaphore_mem>>)
    %dma_start3A_418 = arith.constant 1 : i32
    %dma_start3A_419 = arith.constant 1 : i32
    %dma_start3A_420 = arith.constant 0 : i32
    %dma_start3A_421 = arith.constant 0 : i32
    %dma_start3A_422 = tpu.memref_slice %arg9[%dma_start3A_419, %dma_start3A_420, %dma_start3A_421] : memref<2x128x128xf32, #tpu.memory_space<vmem>> -> memref<1x128x128xf32, #tpu.memory_space<vmem>>
    %dma_start3A_423 = tpu.memref_squeeze %dma_start3A_422 : memref<1x128x128xf32, #tpu.memory_space<vmem>> -> memref<128x128xf32, #tpu.memory_space<vmem>>
    %dma_start3A_424 = arith.constant 0 : i32
    %dma_start3A_425 = tpu.memref_slice %arg7[%dma_start3A_418, %dma_start3A_424] : memref<16x128xi32, #tpu.memory_space<vmem>> -> memref<1x128xi32, #tpu.memory_space<vmem>>
    %dma_start3A_426 = tpu.memref_squeeze %dma_start3A_425 : memref<1x128xi32, #tpu.memory_space<vmem>> -> memref<128xi32, #tpu.memory_space<vmem>>
    %dma_start3A_427 = arith.constant 0 : i32
    %dma_start3A_428 = arith.constant 0 : i32
    %dma_start3A_429 = tpu.memref_slice %arg2[%dma_start3A_427, %dma_start3A_428] : memref<10240x128xf32, #tpu.memory_space<hbm>> -> memref<10240x128xf32, #tpu.memory_space<hbm>>
    tpu.enqueue_indirect_dma source(%dma_start3A_429 : memref<10240x128xf32, #tpu.memory_space<hbm>>) target(%dma_start3A_423 : memref<128x128xf32, #tpu.memory_space<vmem>>) offsets(%dma_start3A_426 : memref<128xi32, #tpu.memory_space<vmem>>) semaphore(%arg12 : memref<!tpu.dma_semaphore, #tpu.memory_space<semaphore_mem>>)
    %scan3A_430 = arith.constant 0 : i32
    %scan3A_431 = arith.constant 0 : i32
    %scan3A_432 = arith.constant 7 : i32
    %scan3A_433 = arith.addi %scan3A_431, %scan3A_432 : i32
    %scan3A_434 = arith.constant 1 : i32
    scf.for %scan3A_509 = %scan3A_431 to %scan3A_433 step %scan3A_434  : i32 {
      %mul3A_510 = arith.constant 2 : i32
      %mul3A_511 = arith.muli %mul3A_510, %scan3A_509 : i32
      %add3A = arith.constant 0 : i32
      %add3A_512 = arith.addi %mul3A_511, %add3A : i32
      %dma_wait3A_513 = arith.constant 0 : i32
      %dma_wait3A_514 = arith.constant 0 : i32
      %dma_wait3A_515 = arith.constant 0 : i32
      %dma_wait3A_516 = tpu.memref_slice %arg9[%dma_wait3A_513, %dma_wait3A_514, %dma_wait3A_515] : memref<2x128x128xf32, #tpu.memory_space<vmem>> -> memref<1x128x128xf32, #tpu.memory_space<vmem>>
      %dma_wait3A_517 = tpu.memref_squeeze %dma_wait3A_516 : memref<1x128x128xf32, #tpu.memory_space<vmem>> -> memref<128x128xf32, #tpu.memory_space<vmem>>
      %dma_wait3A_518 = arith.constant 0 : i32
      %dma_wait3A_519 = tpu.memref_slice %arg7[%add3A_512, %dma_wait3A_518] : memref<16x128xi32, #tpu.memory_space<vmem>> -> memref<1x128xi32, #tpu.memory_space<vmem>>
      %dma_wait3A_520 = tpu.memref_squeeze %dma_wait3A_519 : memref<1x128xi32, #tpu.memory_space<vmem>> -> memref<128xi32, #tpu.memory_space<vmem>>
      %dma_wait3A_521 = arith.constant 0 : i32
      %dma_wait3A_522 = arith.constant 0 : i32
      %dma_wait3A_523 = tpu.memref_slice %arg2[%dma_wait3A_521, %dma_wait3A_522] : memref<10240x128xf32, #tpu.memory_space<hbm>> -> memref<10240x128xf32, #tpu.memory_space<hbm>>
      tpu.wait_indirect_dma semaphore(%arg11 : memref<!tpu.dma_semaphore, #tpu.memory_space<semaphore_mem>>) src(%dma_wait3A_523 : memref<10240x128xf32, #tpu.memory_space<hbm>>) dst(%dma_wait3A_517 : memref<128x128xf32, #tpu.memory_space<vmem>>)
      %dma_start3A_524 = arith.constant 0 : i32
      %dma_start3A_525 = arith.constant 0 : i32
      %dma_start3A_526 = arith.constant 0 : i32
      %dma_start3A_527 = tpu.memref_slice %arg9[%dma_start3A_524, %dma_start3A_525, %dma_start3A_526] : memref<2x128x128xf32, #tpu.memory_space<vmem>> -> memref<1x128x128xf32, #tpu.memory_space<vmem>>
      %dma_start3A_528 = tpu.memref_squeeze %dma_start3A_527 : memref<1x128x128xf32, #tpu.memory_space<vmem>> -> memref<128x128xf32, #tpu.memory_space<vmem>>
      %dma_start3A_529 = arith.constant 0 : i32
      %dma_start3A_530 = tpu.memref_slice %arg8[%add3A_512, %dma_start3A_529] : memref<16x128xi32, #tpu.memory_space<vmem>> -> memref<1x128xi32, #tpu.memory_space<vmem>>
      %dma_start3A_531 = tpu.memref_squeeze %dma_start3A_530 : memref<1x128xi32, #tpu.memory_space<vmem>> -> memref<128xi32, #tpu.memory_space<vmem>>
      %dma_start3A_532 = arith.constant 0 : i32
      %dma_start3A_533 = arith.constant 0 : i32
      %dma_start3A_534 = tpu.memref_slice %arg10[%dma_start3A_532, %dma_start3A_533] : memref<10240x128xf32, #tpu.memory_space<vmem_shared>> -> memref<10240x128xf32, #tpu.memory_space<vmem_shared>>
      tpu.enqueue_indirect_dma source(%dma_start3A_528 : memref<128x128xf32, #tpu.memory_space<vmem>>) target(%dma_start3A_534 : memref<10240x128xf32, #tpu.memory_space<vmem_shared>>) offsets(%dma_start3A_531 : memref<128xi32, #tpu.memory_space<vmem>>) semaphore(%arg11 : memref<!tpu.dma_semaphore, #tpu.memory_space<semaphore_mem>>) {add = true}
      %dma_wait3A_535 = arith.constant 0 : i32
      %dma_wait3A_536 = arith.constant 0 : i32
      %dma_wait3A_537 = arith.constant 0 : i32
      %dma_wait3A_538 = tpu.memref_slice %arg9[%dma_wait3A_535, %dma_wait3A_536, %dma_wait3A_537] : memref<2x128x128xf32, #tpu.memory_space<vmem>> -> memref<1x128x128xf32, #tpu.memory_space<vmem>>
      %dma_wait3A_539 = tpu.memref_squeeze %dma_wait3A_538 : memref<1x128x128xf32, #tpu.memory_space<vmem>> -> memref<128x128xf32, #tpu.memory_space<vmem>>
      %dma_wait3A_540 = arith.constant 0 : i32
      %dma_wait3A_541 = tpu.memref_slice %arg8[%add3A_512, %dma_wait3A_540] : memref<16x128xi32, #tpu.memory_space<vmem>> -> memref<1x128xi32, #tpu.memory_space<vmem>>
      %dma_wait3A_542 = tpu.memref_squeeze %dma_wait3A_541 : memref<1x128xi32, #tpu.memory_space<vmem>> -> memref<128xi32, #tpu.memory_space<vmem>>
      %dma_wait3A_543 = arith.constant 0 : i32
      %dma_wait3A_544 = arith.constant 0 : i32
      %dma_wait3A_545 = tpu.memref_slice %arg10[%dma_wait3A_543, %dma_wait3A_544] : memref<10240x128xf32, #tpu.memory_space<vmem_shared>> -> memref<10240x128xf32, #tpu.memory_space<vmem_shared>>
      tpu.wait_indirect_dma semaphore(%arg11 : memref<!tpu.dma_semaphore, #tpu.memory_space<semaphore_mem>>) src(%dma_wait3A_539 : memref<128x128xf32, #tpu.memory_space<vmem>>) dst(%dma_wait3A_545 : memref<10240x128xf32, #tpu.memory_space<vmem_shared>>)
      %add3A_546 = arith.constant 2 : i32
      %add3A_547 = arith.addi %add3A_512, %add3A_546 : i32
      %dma_start3A_548 = arith.constant 0 : i32
      %dma_start3A_549 = arith.constant 0 : i32
      %dma_start3A_550 = arith.constant 0 : i32
      %dma_start3A_551 = tpu.memref_slice %arg9[%dma_start3A_548, %dma_start3A_549, %dma_start3A_550] : memref<2x128x128xf32, #tpu.memory_space<vmem>> -> memref<1x128x128xf32, #tpu.memory_space<vmem>>
      %dma_start3A_552 = tpu.memref_squeeze %dma_start3A_551 : memref<1x128x128xf32, #tpu.memory_space<vmem>> -> memref<128x128xf32, #tpu.memory_space<vmem>>
      %dma_start3A_553 = arith.constant 0 : i32
      %dma_start3A_554 = tpu.memref_slice %arg7[%add3A_547, %dma_start3A_553] : memref<16x128xi32, #tpu.memory_space<vmem>> -> memref<1x128xi32, #tpu.memory_space<vmem>>
      %dma_start3A_555 = tpu.memref_squeeze %dma_start3A_554 : memref<1x128xi32, #tpu.memory_space<vmem>> -> memref<128xi32, #tpu.memory_space<vmem>>
      %dma_start3A_556 = arith.constant 0 : i32
      %dma_start3A_557 = arith.constant 0 : i32
      %dma_start3A_558 = tpu.memref_slice %arg2[%dma_start3A_556, %dma_start3A_557] : memref<10240x128xf32, #tpu.memory_space<hbm>> -> memref<10240x128xf32, #tpu.memory_space<hbm>>
      tpu.enqueue_indirect_dma source(%dma_start3A_558 : memref<10240x128xf32, #tpu.memory_space<hbm>>) target(%dma_start3A_552 : memref<128x128xf32, #tpu.memory_space<vmem>>) offsets(%dma_start3A_555 : memref<128xi32, #tpu.memory_space<vmem>>) semaphore(%arg11 : memref<!tpu.dma_semaphore, #tpu.memory_space<semaphore_mem>>)
      %mul3A_559 = arith.constant 2 : i32
      %mul3A_560 = arith.muli %mul3A_559, %scan3A_509 : i32
      %add3A_561 = arith.constant 1 : i32
      %add3A_562 = arith.addi %mul3A_560, %add3A_561 : i32
      %dma_wait3A_563 = arith.constant 1 : i32
      %dma_wait3A_564 = arith.constant 0 : i32
      %dma_wait3A_565 = arith.constant 0 : i32
      %dma_wait3A_566 = tpu.memref_slice %arg9[%dma_wait3A_563, %dma_wait3A_564, %dma_wait3A_565] : memref<2x128x128xf32, #tpu.memory_space<vmem>> -> memref<1x128x128xf32, #tpu.memory_space<vmem>>
      %dma_wait3A_567 = tpu.memref_squeeze %dma_wait3A_566 : memref<1x128x128xf32, #tpu.memory_space<vmem>> -> memref<128x128xf32, #tpu.memory_space<vmem>>
      %dma_wait3A_568 = arith.constant 0 : i32
      %dma_wait3A_569 = tpu.memref_slice %arg7[%add3A_562, %dma_wait3A_568] : memref<16x128xi32, #tpu.memory_space<vmem>> -> memref<1x128xi32, #tpu.memory_space<vmem>>
      %dma_wait3A_570 = tpu.memref_squeeze %dma_wait3A_569 : memref<1x128xi32, #tpu.memory_space<vmem>> -> memref<128xi32, #tpu.memory_space<vmem>>
      %dma_wait3A_571 = arith.constant 0 : i32
      %dma_wait3A_572 = arith.constant 0 : i32
      %dma_wait3A_573 = tpu.memref_slice %arg2[%dma_wait3A_571, %dma_wait3A_572] : memref<10240x128xf32, #tpu.memory_space<hbm>> -> memref<10240x128xf32, #tpu.memory_space<hbm>>
      tpu.wait_indirect_dma semaphore(%arg12 : memref<!tpu.dma_semaphore, #tpu.memory_space<semaphore_mem>>) src(%dma_wait3A_573 : memref<10240x128xf32, #tpu.memory_space<hbm>>) dst(%dma_wait3A_567 : memref<128x128xf32, #tpu.memory_space<vmem>>)
      %dma_start3A_574 = arith.constant 1 : i32
      %dma_start3A_575 = arith.constant 0 : i32
      %dma_start3A_576 = arith.constant 0 : i32
      %dma_start3A_577 = tpu.memref_slice %arg9[%dma_start3A_574, %dma_start3A_575, %dma_start3A_576] : memref<2x128x128xf32, #tpu.memory_space<vmem>> -> memref<1x128x128xf32, #tpu.memory_space<vmem>>
      %dma_start3A_578 = tpu.memref_squeeze %dma_start3A_577 : memref<1x128x128xf32, #tpu.memory_space<vmem>> -> memref<128x128xf32, #tpu.memory_space<vmem>>
      %dma_start3A_579 = arith.constant 0 : i32
      %dma_start3A_580 = tpu.memref_slice %arg8[%add3A_562, %dma_start3A_579] : memref<16x128xi32, #tpu.memory_space<vmem>> -> memref<1x128xi32, #tpu.memory_space<vmem>>
      %dma_start3A_581 = tpu.memref_squeeze %dma_start3A_580 : memref<1x128xi32, #tpu.memory_space<vmem>> -> memref<128xi32, #tpu.memory_space<vmem>>
      %dma_start3A_582 = arith.constant 0 : i32
      %dma_start3A_583 = arith.constant 0 : i32
      %dma_start3A_584 = tpu.memref_slice %arg10[%dma_start3A_582, %dma_start3A_583] : memref<10240x128xf32, #tpu.memory_space<vmem_shared>> -> memref<10240x128xf32, #tpu.memory_space<vmem_shared>>
      tpu.enqueue_indirect_dma source(%dma_start3A_578 : memref<128x128xf32, #tpu.memory_space<vmem>>) target(%dma_start3A_584 : memref<10240x128xf32, #tpu.memory_space<vmem_shared>>) offsets(%dma_start3A_581 : memref<128xi32, #tpu.memory_space<vmem>>) semaphore(%arg12 : memref<!tpu.dma_semaphore, #tpu.memory_space<semaphore_mem>>) {add = true}
      %dma_wait3A_585 = arith.constant 1 : i32
      %dma_wait3A_586 = arith.constant 0 : i32
      %dma_wait3A_587 = arith.constant 0 : i32
      %dma_wait3A_588 = tpu.memref_slice %arg9[%dma_wait3A_585, %dma_wait3A_586, %dma_wait3A_587] : memref<2x128x128xf32, #tpu.memory_space<vmem>> -> memref<1x128x128xf32, #tpu.memory_space<vmem>>
      %dma_wait3A_589 = tpu.memref_squeeze %dma_wait3A_588 : memref<1x128x128xf32, #tpu.memory_space<vmem>> -> memref<128x128xf32, #tpu.memory_space<vmem>>
      %dma_wait3A_590 = arith.constant 0 : i32
      %dma_wait3A_591 = tpu.memref_slice %arg8[%add3A_562, %dma_wait3A_590] : memref<16x128xi32, #tpu.memory_space<vmem>> -> memref<1x128xi32, #tpu.memory_space<vmem>>
      %dma_wait3A_592 = tpu.memref_squeeze %dma_wait3A_591 : memref<1x128xi32, #tpu.memory_space<vmem>> -> memref<128xi32, #tpu.memory_space<vmem>>
      %dma_wait3A_593 = arith.constant 0 : i32
      %dma_wait3A_594 = arith.constant 0 : i32
      %dma_wait3A_595 = tpu.memref_slice %arg10[%dma_wait3A_593, %dma_wait3A_594] : memref<10240x128xf32, #tpu.memory_space<vmem_shared>> -> memref<10240x128xf32, #tpu.memory_space<vmem_shared>>
      tpu.wait_indirect_dma semaphore(%arg12 : memref<!tpu.dma_semaphore, #tpu.memory_space<semaphore_mem>>) src(%dma_wait3A_589 : memref<128x128xf32, #tpu.memory_space<vmem>>) dst(%dma_wait3A_595 : memref<10240x128xf32, #tpu.memory_space<vmem_shared>>)
      %add3A_596 = arith.constant 2 : i32
      %add3A_597 = arith.addi %add3A_562, %add3A_596 : i32
      %dma_start3A_598 = arith.constant 1 : i32
      %dma_start3A_599 = arith.constant 0 : i32
      %dma_start3A_600 = arith.constant 0 : i32
      %dma_start3A_601 = tpu.memref_slice %arg9[%dma_start3A_598, %dma_start3A_599, %dma_start3A_600] : memref<2x128x128xf32, #tpu.memory_space<vmem>> -> memref<1x128x128xf32, #tpu.memory_space<vmem>>
      %dma_start3A_602 = tpu.memref_squeeze %dma_start3A_601 : memref<1x128x128xf32, #tpu.memory_space<vmem>> -> memref<128x128xf32, #tpu.memory_space<vmem>>
      %dma_start3A_603 = arith.constant 0 : i32
      %dma_start3A_604 = tpu.memref_slice %arg7[%add3A_597, %dma_start3A_603] : memref<16x128xi32, #tpu.memory_space<vmem>> -> memref<1x128xi32, #tpu.memory_space<vmem>>
      %dma_start3A_605 = tpu.memref_squeeze %dma_start3A_604 : memref<1x128xi32, #tpu.memory_space<vmem>> -> memref<128xi32, #tpu.memory_space<vmem>>
      %dma_start3A_606 = arith.constant 0 : i32
      %dma_start3A_607 = arith.constant 0 : i32
      %dma_start3A_608 = tpu.memref_slice %arg2[%dma_start3A_606, %dma_start3A_607] : memref<10240x128xf32, #tpu.memory_space<hbm>> -> memref<10240x128xf32, #tpu.memory_space<hbm>>
      tpu.enqueue_indirect_dma source(%dma_start3A_608 : memref<10240x128xf32, #tpu.memory_space<hbm>>) target(%dma_start3A_602 : memref<128x128xf32, #tpu.memory_space<vmem>>) offsets(%dma_start3A_605 : memref<128xi32, #tpu.memory_space<vmem>>) semaphore(%arg12 : memref<!tpu.dma_semaphore, #tpu.memory_space<semaphore_mem>>)
    }
    %scan3A_435 = arith.constant 7 : i32
    %dma_wait3A_436 = arith.constant 14 : i32
    %dma_wait3A_437 = arith.constant 0 : i32
    %dma_wait3A_438 = arith.constant 0 : i32
    %dma_wait3A_439 = arith.constant 0 : i32
    %dma_wait3A_440 = tpu.memref_slice %arg9[%dma_wait3A_437, %dma_wait3A_438, %dma_wait3A_439] : memref<2x128x128xf32, #tpu.memory_space<vmem>> -> memref<1x128x128xf32, #tpu.memory_space<vmem>>
    %dma_wait3A_441 = tpu.memref_squeeze %dma_wait3A_440 : memref<1x128x128xf32, #tpu.memory_space<vmem>> -> memref<128x128xf32, #tpu.memory_space<vmem>>
    %dma_wait3A_442 = arith.constant 0 : i32
    %dma_wait3A_443 = tpu.memref_slice %arg7[%dma_wait3A_436, %dma_wait3A_442] : memref<16x128xi32, #tpu.memory_space<vmem>> -> memref<1x128xi32, #tpu.memory_space<vmem>>
    %dma_wait3A_444 = tpu.memref_squeeze %dma_wait3A_443 : memref<1x128xi32, #tpu.memory_space<vmem>> -> memref<128xi32, #tpu.memory_space<vmem>>
    %dma_wait3A_445 = arith.constant 0 : i32
    %dma_wait3A_446 = arith.constant 0 : i32
    %dma_wait3A_447 = tpu.memref_slice %arg2[%dma_wait3A_445, %dma_wait3A_446] : memref<10240x128xf32, #tpu.memory_space<hbm>> -> memref<10240x128xf32, #tpu.memory_space<hbm>>
    tpu.wait_indirect_dma semaphore(%arg11 : memref<!tpu.dma_semaphore, #tpu.memory_space<semaphore_mem>>) src(%dma_wait3A_447 : memref<10240x128xf32, #tpu.memory_space<hbm>>) dst(%dma_wait3A_441 : memref<128x128xf32, #tpu.memory_space<vmem>>)
    %dma_start3A_448 = arith.constant 0 : i32
    %dma_start3A_449 = arith.constant 14 : i32
    %dma_start3A_450 = arith.constant 0 : i32
    %dma_start3A_451 = arith.constant 0 : i32
    %dma_start3A_452 = tpu.memref_slice %arg9[%dma_start3A_448, %dma_start3A_450, %dma_start3A_451] : memref<2x128x128xf32, #tpu.memory_space<vmem>> -> memref<1x128x128xf32, #tpu.memory_space<vmem>>
    %dma_start3A_453 = tpu.memref_squeeze %dma_start3A_452 : memref<1x128x128xf32, #tpu.memory_space<vmem>> -> memref<128x128xf32, #tpu.memory_space<vmem>>
    %dma_start3A_454 = arith.constant 0 : i32
    %dma_start3A_455 = tpu.memref_slice %arg8[%dma_start3A_449, %dma_start3A_454] : memref<16x128xi32, #tpu.memory_space<vmem>> -> memref<1x128xi32, #tpu.memory_space<vmem>>
    %dma_start3A_456 = tpu.memref_squeeze %dma_start3A_455 : memref<1x128xi32, #tpu.memory_space<vmem>> -> memref<128xi32, #tpu.memory_space<vmem>>
    %dma_start3A_457 = arith.constant 0 : i32
    %dma_start3A_458 = arith.constant 0 : i32
    %dma_start3A_459 = tpu.memref_slice %arg10[%dma_start3A_457, %dma_start3A_458] : memref<10240x128xf32, #tpu.memory_space<vmem_shared>> -> memref<10240x128xf32, #tpu.memory_space<vmem_shared>>
    tpu.enqueue_indirect_dma source(%dma_start3A_453 : memref<128x128xf32, #tpu.memory_space<vmem>>) target(%dma_start3A_459 : memref<10240x128xf32, #tpu.memory_space<vmem_shared>>) offsets(%dma_start3A_456 : memref<128xi32, #tpu.memory_space<vmem>>) semaphore(%arg11 : memref<!tpu.dma_semaphore, #tpu.memory_space<semaphore_mem>>) {add = true}
    %dma_wait3A_460 = arith.constant 0 : i32
    %dma_wait3A_461 = arith.constant 14 : i32
    %dma_wait3A_462 = arith.constant 0 : i32
    %dma_wait3A_463 = arith.constant 0 : i32
    %dma_wait3A_464 = tpu.memref_slice %arg9[%dma_wait3A_460, %dma_wait3A_462, %dma_wait3A_463] : memref<2x128x128xf32, #tpu.memory_space<vmem>> -> memref<1x128x128xf32, #tpu.memory_space<vmem>>
    %dma_wait3A_465 = tpu.memref_squeeze %dma_wait3A_464 : memref<1x128x128xf32, #tpu.memory_space<vmem>> -> memref<128x128xf32, #tpu.memory_space<vmem>>
    %dma_wait3A_466 = arith.constant 0 : i32
    %dma_wait3A_467 = tpu.memref_slice %arg8[%dma_wait3A_461, %dma_wait3A_466] : memref<16x128xi32, #tpu.memory_space<vmem>> -> memref<1x128xi32, #tpu.memory_space<vmem>>
    %dma_wait3A_468 = tpu.memref_squeeze %dma_wait3A_467 : memref<1x128xi32, #tpu.memory_space<vmem>> -> memref<128xi32, #tpu.memory_space<vmem>>
    %dma_wait3A_469 = arith.constant 0 : i32
    %dma_wait3A_470 = arith.constant 0 : i32
    %dma_wait3A_471 = tpu.memref_slice %arg10[%dma_wait3A_469, %dma_wait3A_470] : memref<10240x128xf32, #tpu.memory_space<vmem_shared>> -> memref<10240x128xf32, #tpu.memory_space<vmem_shared>>
    tpu.wait_indirect_dma semaphore(%arg11 : memref<!tpu.dma_semaphore, #tpu.memory_space<semaphore_mem>>) src(%dma_wait3A_465 : memref<128x128xf32, #tpu.memory_space<vmem>>) dst(%dma_wait3A_471 : memref<10240x128xf32, #tpu.memory_space<vmem_shared>>)
    %dma_wait3A_472 = arith.constant 15 : i32
    %dma_wait3A_473 = arith.constant 1 : i32
    %dma_wait3A_474 = arith.constant 0 : i32
    %dma_wait3A_475 = arith.constant 0 : i32
    %dma_wait3A_476 = tpu.memref_slice %arg9[%dma_wait3A_473, %dma_wait3A_474, %dma_wait3A_475] : memref<2x128x128xf32, #tpu.memory_space<vmem>> -> memref<1x128x128xf32, #tpu.memory_space<vmem>>
    %dma_wait3A_477 = tpu.memref_squeeze %dma_wait3A_476 : memref<1x128x128xf32, #tpu.memory_space<vmem>> -> memref<128x128xf32, #tpu.memory_space<vmem>>
    %dma_wait3A_478 = arith.constant 0 : i32
    %dma_wait3A_479 = tpu.memref_slice %arg7[%dma_wait3A_472, %dma_wait3A_478] : memref<16x128xi32, #tpu.memory_space<vmem>> -> memref<1x128xi32, #tpu.memory_space<vmem>>
    %dma_wait3A_480 = tpu.memref_squeeze %dma_wait3A_479 : memref<1x128xi32, #tpu.memory_space<vmem>> -> memref<128xi32, #tpu.memory_space<vmem>>
    %dma_wait3A_481 = arith.constant 0 : i32
    %dma_wait3A_482 = arith.constant 0 : i32
    %dma_wait3A_483 = tpu.memref_slice %arg2[%dma_wait3A_481, %dma_wait3A_482] : memref<10240x128xf32, #tpu.memory_space<hbm>> -> memref<10240x128xf32, #tpu.memory_space<hbm>>
    tpu.wait_indirect_dma semaphore(%arg12 : memref<!tpu.dma_semaphore, #tpu.memory_space<semaphore_mem>>) src(%dma_wait3A_483 : memref<10240x128xf32, #tpu.memory_space<hbm>>) dst(%dma_wait3A_477 : memref<128x128xf32, #tpu.memory_space<vmem>>)
    %dma_start3A_484 = arith.constant 1 : i32
    %dma_start3A_485 = arith.constant 15 : i32
    %dma_start3A_486 = arith.constant 0 : i32
    %dma_start3A_487 = arith.constant 0 : i32
    %dma_start3A_488 = tpu.memref_slice %arg9[%dma_start3A_484, %dma_start3A_486, %dma_start3A_487] : memref<2x128x128xf32, #tpu.memory_space<vmem>> -> memref<1x128x128xf32, #tpu.memory_space<vmem>>
    %dma_start3A_489 = tpu.memref_squeeze %dma_start3A_488 : memref<1x128x128xf32, #tpu.memory_space<vmem>> -> memref<128x128xf32, #tpu.memory_space<vmem>>
    %dma_start3A_490 = arith.constant 0 : i32
    %dma_start3A_491 = tpu.memref_slice %arg8[%dma_start3A_485, %dma_start3A_490] : memref<16x128xi32, #tpu.memory_space<vmem>> -> memref<1x128xi32, #tpu.memory_space<vmem>>
    %dma_start3A_492 = tpu.memref_squeeze %dma_start3A_491 : memref<1x128xi32, #tpu.memory_space<vmem>> -> memref<128xi32, #tpu.memory_space<vmem>>
    %dma_start3A_493 = arith.constant 0 : i32
    %dma_start3A_494 = arith.constant 0 : i32
    %dma_start3A_495 = tpu.memref_slice %arg10[%dma_start3A_493, %dma_start3A_494] : memref<10240x128xf32, #tpu.memory_space<vmem_shared>> -> memref<10240x128xf32, #tpu.memory_space<vmem_shared>>
    tpu.enqueue_indirect_dma source(%dma_start3A_489 : memref<128x128xf32, #tpu.memory_space<vmem>>) target(%dma_start3A_495 : memref<10240x128xf32, #tpu.memory_space<vmem_shared>>) offsets(%dma_start3A_492 : memref<128xi32, #tpu.memory_space<vmem>>) semaphore(%arg12 : memref<!tpu.dma_semaphore, #tpu.memory_space<semaphore_mem>>) {add = true}
    %dma_wait3A_496 = arith.constant 1 : i32
    %dma_wait3A_497 = arith.constant 15 : i32
    %dma_wait3A_498 = arith.constant 0 : i32
    %dma_wait3A_499 = arith.constant 0 : i32
    %dma_wait3A_500 = tpu.memref_slice %arg9[%dma_wait3A_496, %dma_wait3A_498, %dma_wait3A_499] : memref<2x128x128xf32, #tpu.memory_space<vmem>> -> memref<1x128x128xf32, #tpu.memory_space<vmem>>
    %dma_wait3A_501 = tpu.memref_squeeze %dma_wait3A_500 : memref<1x128x128xf32, #tpu.memory_space<vmem>> -> memref<128x128xf32, #tpu.memory_space<vmem>>
    %dma_wait3A_502 = arith.constant 0 : i32
    %dma_wait3A_503 = tpu.memref_slice %arg8[%dma_wait3A_497, %dma_wait3A_502] : memref<16x128xi32, #tpu.memory_space<vmem>> -> memref<1x128xi32, #tpu.memory_space<vmem>>
    %dma_wait3A_504 = tpu.memref_squeeze %dma_wait3A_503 : memref<1x128xi32, #tpu.memory_space<vmem>> -> memref<128xi32, #tpu.memory_space<vmem>>
    %dma_wait3A_505 = arith.constant 0 : i32
    %dma_wait3A_506 = arith.constant 0 : i32
    %dma_wait3A_507 = tpu.memref_slice %arg10[%dma_wait3A_505, %dma_wait3A_506] : memref<10240x128xf32, #tpu.memory_space<vmem_shared>> -> memref<10240x128xf32, #tpu.memory_space<vmem_shared>>
    tpu.wait_indirect_dma semaphore(%arg12 : memref<!tpu.dma_semaphore, #tpu.memory_space<semaphore_mem>>) src(%dma_wait3A_501 : memref<128x128xf32, #tpu.memory_space<vmem>>) dst(%dma_wait3A_507 : memref<10240x128xf32, #tpu.memory_space<vmem_shared>>)
    %barrier3A_508 = arith.constant 0 : index
    tpu.barrier barrier_id(%barrier3A_508)
    "tpu.region"() ({
      %run_scoped3A = tpu.sem_alloc : memref<!tpu.dma_semaphore, #tpu.memory_space<semaphore_mem>>
      %dma_start3A_509 = arith.constant 0 : i32
      %dma_start3A_510 = tpu.memref_slice %arg6[%arg0, %mul3A_0, %dma_start3A_509] : memref<2x10240x128xf32, #tpu.memory_space<hbm>> -> memref<1x640x128xf32, #tpu.memory_space<hbm>>
      %dma_start3A_511 = tpu.memref_squeeze %dma_start3A_510 : memref<1x640x128xf32, #tpu.memory_space<hbm>> -> memref<640x128xf32, #tpu.memory_space<hbm>>
      %dma_start3A_512 = arith.constant 0 : i32
      %dma_start3A_513 = tpu.memref_slice %arg10[%mul3A_0, %dma_start3A_512] : memref<10240x128xf32, #tpu.memory_space<vmem_shared>> -> memref<640x128xf32, #tpu.memory_space<vmem_shared>>
      tpu.enqueue_dma source(%dma_start3A_513 : memref<640x128xf32, #tpu.memory_space<vmem_shared>>) target(%dma_start3A_511 : memref<640x128xf32, #tpu.memory_space<hbm>>) target_semaphore(%run_scoped3A : memref<!tpu.dma_semaphore, #tpu.memory_space<semaphore_mem>>)
      %dma_wait3A_514 = arith.constant 0 : i32
      %dma_wait3A_515 = tpu.memref_slice %arg6[%arg0, %mul3A_0, %dma_wait3A_514] : memref<2x10240x128xf32, #tpu.memory_space<hbm>> -> memref<1x640x128xf32, #tpu.memory_space<hbm>>
      %dma_wait3A_516 = tpu.memref_squeeze %dma_wait3A_515 : memref<1x640x128xf32, #tpu.memory_space<hbm>> -> memref<640x128xf32, #tpu.memory_space<hbm>>
      %dma_wait3A_517 = arith.constant 0 : i32
      %dma_wait3A_518 = tpu.memref_slice %arg10[%mul3A_0, %dma_wait3A_517] : memref<10240x128xf32, #tpu.memory_space<vmem_shared>> -> memref<640x128xf32, #tpu.memory_space<vmem_shared>>
      tpu.wait_dma2 semaphore(%run_scoped3A : memref<!tpu.dma_semaphore, #tpu.memory_space<semaphore_mem>>) src(%dma_wait3A_518 : memref<640x128xf32, #tpu.memory_space<vmem_shared>>) dst(%dma_wait3A_516 : memref<640x128xf32, #tpu.memory_space<hbm>>)
      tpu.yield
    }) : () -> ()
    return
  }
}

#map = affine_map<(d0, d1) -> (0, 0, 0, 0)>
#map1 = affine_map<(d0, d1) -> (0)>
#map2 = affine_map<(d0, d1) -> (0, 0, 0)>
module attributes {stable_mosaic.version = 14 : i64} {
  func.func @_sc_degree(%arg0: i32, %arg1: i32, %arg2: memref<2x16x80x128xi32, #tpu.memory_space<hbm>>, %arg3: memref<10240xf32, #tpu.memory_space<hbm>>, %arg4: memref<2x16x10240xf32, #tpu.memory_space<hbm>>, %arg5: memref<80x128xi32, #tpu.memory_space<vmem>>, %arg6: memref<10240xf32, #tpu.memory_space<vmem>>) attributes {dimension_semantics = [#tpu.dimension_semantics<core_parallel>, #tpu.dimension_semantics<subcore_parallel>], iteration_bounds = array<i64: 2, 16>, scalar_prefetch = 0 : i64, scratch_operands = 2 : i64, tpu.core_type = #tpu.core_type<sc_vector_subcore>, window_params = [{transform_indices = #map}, {transform_indices = #map1}, {transform_indices = #map2}]} {
    "tpu.region"() ({
      %run_scoped3A = tpu.sem_alloc : memref<!tpu.dma_semaphore, #tpu.memory_space<semaphore_mem>>
      tpu.enqueue_dma source(%arg3 : memref<10240xf32, #tpu.memory_space<hbm>>) target(%arg6 : memref<10240xf32, #tpu.memory_space<vmem>>) target_semaphore(%run_scoped3A : memref<!tpu.dma_semaphore, #tpu.memory_space<semaphore_mem>>)
      tpu.wait_dma2 semaphore(%run_scoped3A : memref<!tpu.dma_semaphore, #tpu.memory_space<semaphore_mem>>) src(%arg3 : memref<10240xf32, #tpu.memory_space<hbm>>) dst(%arg6 : memref<10240xf32, #tpu.memory_space<vmem>>)
      tpu.yield
    }) : () -> ()
    "tpu.region"() ({
      %run_scoped3A = tpu.sem_alloc : memref<!tpu.dma_semaphore, #tpu.memory_space<semaphore_mem>>
      %dma_start3A = arith.constant 0 : i32
      %dma_start3A_6 = arith.constant 0 : i32
      %dma_start3A_7 = tpu.memref_slice %arg2[%arg0, %arg1, %dma_start3A, %dma_start3A_6] : memref<2x16x80x128xi32, #tpu.memory_space<hbm>> -> memref<1x1x80x128xi32, #tpu.memory_space<hbm>>
      %dma_start3A_8 = tpu.memref_squeeze %dma_start3A_7 : memref<1x1x80x128xi32, #tpu.memory_space<hbm>> -> memref<80x128xi32, #tpu.memory_space<hbm>>
      %dma_start3A_9 = arith.constant 0 : i32
      %dma_start3A_10 = arith.constant 0 : i32
      %dma_start3A_11 = tpu.memref_slice %arg2[%arg0, %arg1, %dma_start3A_9, %dma_start3A_10] : memref<2x16x80x128xi32, #tpu.memory_space<hbm>> -> memref<1x1x80x128xi32, #tpu.memory_space<hbm>>
      %dma_start3A_12 = tpu.memref_squeeze %dma_start3A_11 : memref<1x1x80x128xi32, #tpu.memory_space<hbm>> -> memref<80x128xi32, #tpu.memory_space<hbm>>
      tpu.enqueue_dma source(%dma_start3A_12 : memref<80x128xi32, #tpu.memory_space<hbm>>) target(%arg5 : memref<80x128xi32, #tpu.memory_space<vmem>>) target_semaphore(%run_scoped3A : memref<!tpu.dma_semaphore, #tpu.memory_space<semaphore_mem>>)
      %dma_wait3A = arith.constant 0 : i32
      %dma_wait3A_13 = arith.constant 0 : i32
      %dma_wait3A_14 = tpu.memref_slice %arg2[%arg0, %arg1, %dma_wait3A, %dma_wait3A_13] : memref<2x16x80x128xi32, #tpu.memory_space<hbm>> -> memref<1x1x80x128xi32, #tpu.memory_space<hbm>>
      %dma_wait3A_15 = tpu.memref_squeeze %dma_wait3A_14 : memref<1x1x80x128xi32, #tpu.memory_space<hbm>> -> memref<80x128xi32, #tpu.memory_space<hbm>>
      %dma_wait3A_16 = arith.constant 0 : i32
      %dma_wait3A_17 = arith.constant 0 : i32
      %dma_wait3A_18 = tpu.memref_slice %arg2[%arg0, %arg1, %dma_wait3A_16, %dma_wait3A_17] : memref<2x16x80x128xi32, #tpu.memory_space<hbm>> -> memref<1x1x80x128xi32, #tpu.memory_space<hbm>>
      %dma_wait3A_19 = tpu.memref_squeeze %dma_wait3A_18 : memref<1x1x80x128xi32, #tpu.memory_space<hbm>> -> memref<80x128xi32, #tpu.memory_space<hbm>>
      tpu.wait_dma2 semaphore(%run_scoped3A : memref<!tpu.dma_semaphore, #tpu.memory_space<semaphore_mem>>) src(%dma_wait3A_19 : memref<80x128xi32, #tpu.memory_space<hbm>>) dst(%arg5 : memref<80x128xi32, #tpu.memory_space<vmem>>)
      tpu.yield
    }) : () -> ()
    %broadcast_in_dim3A = arith.constant 1.000000e+00 : f32
    %broadcast_in_dim3A_0 = vector.broadcast %broadcast_in_dim3A : f32 to vector<16xf32>
    %scan3A = arith.constant 0 : i32
    %scan3A_1 = arith.constant 0 : i32
    %scan3A_2 = arith.constant 80 : i32
    %scan3A_3 = arith.addi %scan3A_1, %scan3A_2 : i32
    %scan3A_4 = arith.constant 1 : i32
    scf.for %scan3A_6 = %scan3A_1 to %scan3A_3 step %scan3A_4  : i32 {
      %get3A = arith.index_cast %scan3A_6 : i32 to index
      %get3A_7 = arith.constant 0 : index
      %get3A_8 = tpu.vector_load %arg5[%get3A, %get3A_7] {strides = array<i32>} : memref<80x128xi32, #tpu.memory_space<vmem>>, vector<16xi32>,
      tpu.vector_store_idx %arg6[%get3A_8], %broadcast_in_dim3A_0 {add = true} : memref<10240xf32, #tpu.memory_space<vmem>>[vector<16xi32>], vector<16xf32>,
      %get3A_9 = arith.index_cast %scan3A_6 : i32 to index
      %get3A_10 = arith.constant 16 : index
      %get3A_11 = tpu.vector_load %arg5[%get3A_9, %get3A_10] {strides = array<i32>} : memref<80x128xi32, #tpu.memory_space<vmem>>, vector<16xi32>,
      tpu.vector_store_idx %arg6[%get3A_11], %broadcast_in_dim3A_0 {add = true} : memref<10240xf32, #tpu.memory_space<vmem>>[vector<16xi32>], vector<16xf32>,
      %get3A_12 = arith.index_cast %scan3A_6 : i32 to index
      %get3A_13 = arith.constant 32 : index
      %get3A_14 = tpu.vector_load %arg5[%get3A_12, %get3A_13] {strides = array<i32>} : memref<80x128xi32, #tpu.memory_space<vmem>>, vector<16xi32>,
      tpu.vector_store_idx %arg6[%get3A_14], %broadcast_in_dim3A_0 {add = true} : memref<10240xf32, #tpu.memory_space<vmem>>[vector<16xi32>], vector<16xf32>,
      %get3A_15 = arith.index_cast %scan3A_6 : i32 to index
      %get3A_16 = arith.constant 48 : index
      %get3A_17 = tpu.vector_load %arg5[%get3A_15, %get3A_16] {strides = array<i32>} : memref<80x128xi32, #tpu.memory_space<vmem>>, vector<16xi32>,
      tpu.vector_store_idx %arg6[%get3A_17], %broadcast_in_dim3A_0 {add = true} : memref<10240xf32, #tpu.memory_space<vmem>>[vector<16xi32>], vector<16xf32>,
      %get3A_18 = arith.index_cast %scan3A_6 : i32 to index
      %get3A_19 = arith.constant 64 : index
      %get3A_20 = tpu.vector_load %arg5[%get3A_18, %get3A_19] {strides = array<i32>} : memref<80x128xi32, #tpu.memory_space<vmem>>, vector<16xi32>,
      tpu.vector_store_idx %arg6[%get3A_20], %broadcast_in_dim3A_0 {add = true} : memref<10240xf32, #tpu.memory_space<vmem>>[vector<16xi32>], vector<16xf32>,
      %get3A_21 = arith.index_cast %scan3A_6 : i32 to index
      %get3A_22 = arith.constant 80 : index
      %get3A_23 = tpu.vector_load %arg5[%get3A_21, %get3A_22] {strides = array<i32>} : memref<80x128xi32, #tpu.memory_space<vmem>>, vector<16xi32>,
      tpu.vector_store_idx %arg6[%get3A_23], %broadcast_in_dim3A_0 {add = true} : memref<10240xf32, #tpu.memory_space<vmem>>[vector<16xi32>], vector<16xf32>,
      %get3A_24 = arith.index_cast %scan3A_6 : i32 to index
      %get3A_25 = arith.constant 96 : index
      %get3A_26 = tpu.vector_load %arg5[%get3A_24, %get3A_25] {strides = array<i32>} : memref<80x128xi32, #tpu.memory_space<vmem>>, vector<16xi32>,
      tpu.vector_store_idx %arg6[%get3A_26], %broadcast_in_dim3A_0 {add = true} : memref<10240xf32, #tpu.memory_space<vmem>>[vector<16xi32>], vector<16xf32>,
      %get3A_27 = arith.index_cast %scan3A_6 : i32 to index
      %get3A_28 = arith.constant 112 : index
      %get3A_29 = tpu.vector_load %arg5[%get3A_27, %get3A_28] {strides = array<i32>} : memref<80x128xi32, #tpu.memory_space<vmem>>, vector<16xi32>,
      tpu.vector_store_idx %arg6[%get3A_29], %broadcast_in_dim3A_0 {add = true} : memref<10240xf32, #tpu.memory_space<vmem>>[vector<16xi32>], vector<16xf32>,
    }
    %scan3A_5 = arith.constant 80 : i32
    "tpu.region"() ({
      %run_scoped3A = tpu.sem_alloc : memref<!tpu.dma_semaphore, #tpu.memory_space<semaphore_mem>>
      %dma_start3A = arith.constant 0 : i32
      %dma_start3A_6 = tpu.memref_slice %arg4[%arg0, %arg1, %dma_start3A] : memref<2x16x10240xf32, #tpu.memory_space<hbm>> -> memref<1x1x10240xf32, #tpu.memory_space<hbm>>
      %dma_start3A_7 = tpu.memref_squeeze %dma_start3A_6 : memref<1x1x10240xf32, #tpu.memory_space<hbm>> -> memref<10240xf32, #tpu.memory_space<hbm>>
      %dma_start3A_8 = arith.constant 0 : i32
      %dma_start3A_9 = tpu.memref_slice %arg4[%arg0, %arg1, %dma_start3A_8] : memref<2x16x10240xf32, #tpu.memory_space<hbm>> -> memref<1x1x10240xf32, #tpu.memory_space<hbm>>
      %dma_start3A_10 = tpu.memref_squeeze %dma_start3A_9 : memref<1x1x10240xf32, #tpu.memory_space<hbm>> -> memref<10240xf32, #tpu.memory_space<hbm>>
      tpu.enqueue_dma source(%arg6 : memref<10240xf32, #tpu.memory_space<vmem>>) target(%dma_start3A_10 : memref<10240xf32, #tpu.memory_space<hbm>>) target_semaphore(%run_scoped3A : memref<!tpu.dma_semaphore, #tpu.memory_space<semaphore_mem>>)
      %dma_wait3A = arith.constant 0 : i32
      %dma_wait3A_11 = tpu.memref_slice %arg4[%arg0, %arg1, %dma_wait3A] : memref<2x16x10240xf32, #tpu.memory_space<hbm>> -> memref<1x1x10240xf32, #tpu.memory_space<hbm>>
      %dma_wait3A_12 = tpu.memref_squeeze %dma_wait3A_11 : memref<1x1x10240xf32, #tpu.memory_space<hbm>> -> memref<10240xf32, #tpu.memory_space<hbm>>
      %dma_wait3A_13 = arith.constant 0 : i32
      %dma_wait3A_14 = tpu.memref_slice %arg4[%arg0, %arg1, %dma_wait3A_13] : memref<2x16x10240xf32, #tpu.memory_space<hbm>> -> memref<1x1x10240xf32, #tpu.memory_space<hbm>>
      %dma_wait3A_15 = tpu.memref_squeeze %dma_wait3A_14 : memref<1x1x10240xf32, #tpu.memory_space<hbm>> -> memref<10240xf32, #tpu.memory_space<hbm>>
      tpu.wait_dma2 semaphore(%run_scoped3A : memref<!tpu.dma_semaphore, #tpu.memory_space<semaphore_mem>>) src(%arg6 : memref<10240xf32, #tpu.memory_space<vmem>>) dst(%dma_wait3A_15 : memref<10240xf32, #tpu.memory_space<hbm>>)
      tpu.yield
    }) : () -> ()
    return
  }
}

#map = affine_map<(d0, d1) -> (0)>
#map1 = affine_map<(d0, d1) -> (0, 0, 0, 0)>
#map2 = affine_map<(d0, d1) -> (0, 0, 0)>
module attributes {stable_mosaic.version = 14 : i64} {
  func.func @_sc_segsum_out(%arg0: i32, %arg1: i32, %arg2: memref<20480xf32, #tpu.memory_space<hbm>>, %arg3: memref<2x16x80x128xi32, #tpu.memory_space<hbm>>, %arg4: memref<2x16x80x128xi32, #tpu.memory_space<hbm>>, %arg5: memref<20480xf32, #tpu.memory_space<hbm>>, %arg6: memref<2x16x20480xf32, #tpu.memory_space<hbm>>, %arg7: memref<80x128xi32, #tpu.memory_space<vmem>>, %arg8: memref<80x128xi32, #tpu.memory_space<vmem>>, %arg9: memref<20480xf32, #tpu.memory_space<vmem>>, %arg10: memref<20480xf32, #tpu.memory_space<vmem>>) attributes {dimension_semantics = [#tpu.dimension_semantics<core_parallel>, #tpu.dimension_semantics<subcore_parallel>], iteration_bounds = array<i64: 2, 16>, scalar_prefetch = 0 : i64, scratch_operands = 4 : i64, tpu.core_type = #tpu.core_type<sc_vector_subcore>, window_params = [{transform_indices = #map}, {transform_indices = #map1}, {transform_indices = #map1}, {transform_indices = #map}, {transform_indices = #map2}]} {
    "tpu.region"() ({
      %run_scoped3A = tpu.sem_alloc : memref<!tpu.dma_semaphore, #tpu.memory_space<semaphore_mem>>
      tpu.enqueue_dma source(%arg2 : memref<20480xf32, #tpu.memory_space<hbm>>) target(%arg9 : memref<20480xf32, #tpu.memory_space<vmem>>) target_semaphore(%run_scoped3A : memref<!tpu.dma_semaphore, #tpu.memory_space<semaphore_mem>>)
      tpu.wait_dma2 semaphore(%run_scoped3A : memref<!tpu.dma_semaphore, #tpu.memory_space<semaphore_mem>>) src(%arg2 : memref<20480xf32, #tpu.memory_space<hbm>>) dst(%arg9 : memref<20480xf32, #tpu.memory_space<vmem>>)
      tpu.yield
    }) : () -> ()
    "tpu.region"() ({
      %run_scoped3A = tpu.sem_alloc : memref<!tpu.dma_semaphore, #tpu.memory_space<semaphore_mem>>
      tpu.enqueue_dma source(%arg5 : memref<20480xf32, #tpu.memory_space<hbm>>) target(%arg10 : memref<20480xf32, #tpu.memory_space<vmem>>) target_semaphore(%run_scoped3A : memref<!tpu.dma_semaphore, #tpu.memory_space<semaphore_mem>>)
      tpu.wait_dma2 semaphore(%run_scoped3A : memref<!tpu.dma_semaphore, #tpu.memory_space<semaphore_mem>>) src(%arg5 : memref<20480xf32, #tpu.memory_space<hbm>>) dst(%arg10 : memref<20480xf32, #tpu.memory_space<vmem>>)
      tpu.yield
    }) : () -> ()
    "tpu.region"() ({
      %run_scoped3A = tpu.sem_alloc : memref<!tpu.dma_semaphore, #tpu.memory_space<semaphore_mem>>
      %dma_start3A = arith.constant 0 : i32
      %dma_start3A_5 = arith.constant 0 : i32
      %dma_start3A_6 = tpu.memref_slice %arg3[%arg0, %arg1, %dma_start3A, %dma_start3A_5] : memref<2x16x80x128xi32, #tpu.memory_space<hbm>> -> memref<1x1x80x128xi32, #tpu.memory_space<hbm>>
      %dma_start3A_7 = tpu.memref_squeeze %dma_start3A_6 : memref<1x1x80x128xi32, #tpu.memory_space<hbm>> -> memref<80x128xi32, #tpu.memory_space<hbm>>
      %dma_start3A_8 = arith.constant 0 : i32
      %dma_start3A_9 = arith.constant 0 : i32
      %dma_start3A_10 = tpu.memref_slice %arg3[%arg0, %arg1, %dma_start3A_8, %dma_start3A_9] : memref<2x16x80x128xi32, #tpu.memory_space<hbm>> -> memref<1x1x80x128xi32, #tpu.memory_space<hbm>>
      %dma_start3A_11 = tpu.memref_squeeze %dma_start3A_10 : memref<1x1x80x128xi32, #tpu.memory_space<hbm>> -> memref<80x128xi32, #tpu.memory_space<hbm>>
      tpu.enqueue_dma source(%dma_start3A_11 : memref<80x128xi32, #tpu.memory_space<hbm>>) target(%arg7 : memref<80x128xi32, #tpu.memory_space<vmem>>) target_semaphore(%run_scoped3A : memref<!tpu.dma_semaphore, #tpu.memory_space<semaphore_mem>>)
      %dma_wait3A = arith.constant 0 : i32
      %dma_wait3A_12 = arith.constant 0 : i32
      %dma_wait3A_13 = tpu.memref_slice %arg3[%arg0, %arg1, %dma_wait3A, %dma_wait3A_12] : memref<2x16x80x128xi32, #tpu.memory_space<hbm>> -> memref<1x1x80x128xi32, #tpu.memory_space<hbm>>
      %dma_wait3A_14 = tpu.memref_squeeze %dma_wait3A_13 : memref<1x1x80x128xi32, #tpu.memory_space<hbm>> -> memref<80x128xi32, #tpu.memory_space<hbm>>
      %dma_wait3A_15 = arith.constant 0 : i32
      %dma_wait3A_16 = arith.constant 0 : i32
      %dma_wait3A_17 = tpu.memref_slice %arg3[%arg0, %arg1, %dma_wait3A_15, %dma_wait3A_16] : memref<2x16x80x128xi32, #tpu.memory_space<hbm>> -> memref<1x1x80x128xi32, #tpu.memory_space<hbm>>
      %dma_wait3A_18 = tpu.memref_squeeze %dma_wait3A_17 : memref<1x1x80x128xi32, #tpu.memory_space<hbm>> -> memref<80x128xi32, #tpu.memory_space<hbm>>
      tpu.wait_dma2 semaphore(%run_scoped3A : memref<!tpu.dma_semaphore, #tpu.memory_space<semaphore_mem>>) src(%dma_wait3A_18 : memref<80x128xi32, #tpu.memory_space<hbm>>) dst(%arg7 : memref<80x128xi32, #tpu.memory_space<vmem>>)
      tpu.yield
    }) : () -> ()
    "tpu.region"() ({
      %run_scoped3A = tpu.sem_alloc : memref<!tpu.dma_semaphore, #tpu.memory_space<semaphore_mem>>
      %dma_start3A = arith.constant 0 : i32
      %dma_start3A_5 = arith.constant 0 : i32
      %dma_start3A_6 = tpu.memref_slice %arg4[%arg0, %arg1, %dma_start3A, %dma_start3A_5] : memref<2x16x80x128xi32, #tpu.memory_space<hbm>> -> memref<1x1x80x128xi32, #tpu.memory_space<hbm>>
      %dma_start3A_7 = tpu.memref_squeeze %dma_start3A_6 : memref<1x1x80x128xi32, #tpu.memory_space<hbm>> -> memref<80x128xi32, #tpu.memory_space<hbm>>
      %dma_start3A_8 = arith.constant 0 : i32
      %dma_start3A_9 = arith.constant 0 : i32
      %dma_start3A_10 = tpu.memref_slice %arg4[%arg0, %arg1, %dma_start3A_8, %dma_start3A_9] : memref<2x16x80x128xi32, #tpu.memory_space<hbm>> -> memref<1x1x80x128xi32, #tpu.memory_space<hbm>>
      %dma_start3A_11 = tpu.memref_squeeze %dma_start3A_10 : memref<1x1x80x128xi32, #tpu.memory_space<hbm>> -> memref<80x128xi32, #tpu.memory_space<hbm>>
      tpu.enqueue_dma source(%dma_start3A_11 : memref<80x128xi32, #tpu.memory_space<hbm>>) target(%arg8 : memref<80x128xi32, #tpu.memory_space<vmem>>) target_semaphore(%run_scoped3A : memref<!tpu.dma_semaphore, #tpu.memory_space<semaphore_mem>>)
      %dma_wait3A = arith.constant 0 : i32
      %dma_wait3A_12 = arith.constant 0 : i32
      %dma_wait3A_13 = tpu.memref_slice %arg4[%arg0, %arg1, %dma_wait3A, %dma_wait3A_12] : memref<2x16x80x128xi32, #tpu.memory_space<hbm>> -> memref<1x1x80x128xi32, #tpu.memory_space<hbm>>
      %dma_wait3A_14 = tpu.memref_squeeze %dma_wait3A_13 : memref<1x1x80x128xi32, #tpu.memory_space<hbm>> -> memref<80x128xi32, #tpu.memory_space<hbm>>
      %dma_wait3A_15 = arith.constant 0 : i32
      %dma_wait3A_16 = arith.constant 0 : i32
      %dma_wait3A_17 = tpu.memref_slice %arg4[%arg0, %arg1, %dma_wait3A_15, %dma_wait3A_16] : memref<2x16x80x128xi32, #tpu.memory_space<hbm>> -> memref<1x1x80x128xi32, #tpu.memory_space<hbm>>
      %dma_wait3A_18 = tpu.memref_squeeze %dma_wait3A_17 : memref<1x1x80x128xi32, #tpu.memory_space<hbm>> -> memref<80x128xi32, #tpu.memory_space<hbm>>
      tpu.wait_dma2 semaphore(%run_scoped3A : memref<!tpu.dma_semaphore, #tpu.memory_space<semaphore_mem>>) src(%dma_wait3A_18 : memref<80x128xi32, #tpu.memory_space<hbm>>) dst(%arg8 : memref<80x128xi32, #tpu.memory_space<vmem>>)
      tpu.yield
    }) : () -> ()
    %scan3A = arith.constant 0 : i32
    %scan3A_0 = arith.constant 0 : i32
    %scan3A_1 = arith.constant 80 : i32
    %scan3A_2 = arith.addi %scan3A_0, %scan3A_1 : i32
    %scan3A_3 = arith.constant 1 : i32
    scf.for %scan3A_5 = %scan3A_0 to %scan3A_2 step %scan3A_3  : i32 {
      %get3A = arith.index_cast %scan3A_5 : i32 to index
      %get3A_6 = arith.constant 0 : index
      %get3A_7 = tpu.vector_load %arg7[%get3A, %get3A_6] {strides = array<i32>} : memref<80x128xi32, #tpu.memory_space<vmem>>, vector<16xi32>,
      %mul3A = arith.constant 2 : i32
      %mul3A_8 = vector.broadcast %mul3A : i32 to vector<16xi32>
      %mul3A_9 = arith.muli %get3A_7, %mul3A_8 : vector<16xi32>
      %get3A_10 = arith.index_cast %scan3A_5 : i32 to index
      %get3A_11 = arith.constant 0 : index
      %get3A_12 = tpu.vector_load %arg8[%get3A_10, %get3A_11] {strides = array<i32>} : memref<80x128xi32, #tpu.memory_space<vmem>>, vector<16xi32>,
      %mul3A_13 = arith.constant 2 : i32
      %mul3A_14 = vector.broadcast %mul3A_13 : i32 to vector<16xi32>
      %mul3A_15 = arith.muli %get3A_12, %mul3A_14 : vector<16xi32>
      %gather3A = tpu.vector_load_idx %arg9[%mul3A_9] : memref<20480xf32, #tpu.memory_space<vmem>>[vector<16xi32>], vector<16xf32>,
      %add3A = arith.constant 1 : i32
      %add3A_16 = vector.broadcast %add3A : i32 to vector<16xi32>
      %add3A_17 = arith.addi %mul3A_9, %add3A_16 : vector<16xi32>
      %gather3A_18 = tpu.vector_load_idx %arg9[%add3A_17] : memref<20480xf32, #tpu.memory_space<vmem>>[vector<16xi32>], vector<16xf32>,
      tpu.vector_store_idx %arg10[%mul3A_15], %gather3A {add = true} : memref<20480xf32, #tpu.memory_space<vmem>>[vector<16xi32>], vector<16xf32>,
      %add3A_19 = arith.constant 1 : i32
      %add3A_20 = vector.broadcast %add3A_19 : i32 to vector<16xi32>
      %add3A_21 = arith.addi %mul3A_15, %add3A_20 : vector<16xi32>
      tpu.vector_store_idx %arg10[%add3A_21], %gather3A_18 {add = true} : memref<20480xf32, #tpu.memory_space<vmem>>[vector<16xi32>], vector<16xf32>,
      %get3A_22 = arith.index_cast %scan3A_5 : i32 to index
      %get3A_23 = arith.constant 16 : index
      %get3A_24 = tpu.vector_load %arg7[%get3A_22, %get3A_23] {strides = array<i32>} : memref<80x128xi32, #tpu.memory_space<vmem>>, vector<16xi32>,
      %mul3A_25 = arith.constant 2 : i32
      %mul3A_26 = vector.broadcast %mul3A_25 : i32 to vector<16xi32>
      %mul3A_27 = arith.muli %get3A_24, %mul3A_26 : vector<16xi32>
      %get3A_28 = arith.index_cast %scan3A_5 : i32 to index
      %get3A_29 = arith.constant 16 : index
      %get3A_30 = tpu.vector_load %arg8[%get3A_28, %get3A_29] {strides = array<i32>} : memref<80x128xi32, #tpu.memory_space<vmem>>, vector<16xi32>,
      %mul3A_31 = arith.constant 2 : i32
      %mul3A_32 = vector.broadcast %mul3A_31 : i32 to vector<16xi32>
      %mul3A_33 = arith.muli %get3A_30, %mul3A_32 : vector<16xi32>
      %gather3A_34 = tpu.vector_load_idx %arg9[%mul3A_27] : memref<20480xf32, #tpu.memory_space<vmem>>[vector<16xi32>], vector<16xf32>,
      %add3A_35 = arith.constant 1 : i32
      %add3A_36 = vector.broadcast %add3A_35 : i32 to vector<16xi32>
      %add3A_37 = arith.addi %mul3A_27, %add3A_36 : vector<16xi32>
      %gather3A_38 = tpu.vector_load_idx %arg9[%add3A_37] : memref<20480xf32, #tpu.memory_space<vmem>>[vector<16xi32>], vector<16xf32>,
      tpu.vector_store_idx %arg10[%mul3A_33], %gather3A_34 {add = true} : memref<20480xf32, #tpu.memory_space<vmem>>[vector<16xi32>], vector<16xf32>,
      %add3A_39 = arith.constant 1 : i32
      %add3A_40 = vector.broadcast %add3A_39 : i32 to vector<16xi32>
      %add3A_41 = arith.addi %mul3A_33, %add3A_40 : vector<16xi32>
      tpu.vector_store_idx %arg10[%add3A_41], %gather3A_38 {add = true} : memref<20480xf32, #tpu.memory_space<vmem>>[vector<16xi32>], vector<16xf32>,
      %get3A_42 = arith.index_cast %scan3A_5 : i32 to index
      %get3A_43 = arith.constant 32 : index
      %get3A_44 = tpu.vector_load %arg7[%get3A_42, %get3A_43] {strides = array<i32>} : memref<80x128xi32, #tpu.memory_space<vmem>>, vector<16xi32>,
      %mul3A_45 = arith.constant 2 : i32
      %mul3A_46 = vector.broadcast %mul3A_45 : i32 to vector<16xi32>
      %mul3A_47 = arith.muli %get3A_44, %mul3A_46 : vector<16xi32>
      %get3A_48 = arith.index_cast %scan3A_5 : i32 to index
      %get3A_49 = arith.constant 32 : index
      %get3A_50 = tpu.vector_load %arg8[%get3A_48, %get3A_49] {strides = array<i32>} : memref<80x128xi32, #tpu.memory_space<vmem>>, vector<16xi32>,
      %mul3A_51 = arith.constant 2 : i32
      %mul3A_52 = vector.broadcast %mul3A_51 : i32 to vector<16xi32>
      %mul3A_53 = arith.muli %get3A_50, %mul3A_52 : vector<16xi32>
      %gather3A_54 = tpu.vector_load_idx %arg9[%mul3A_47] : memref<20480xf32, #tpu.memory_space<vmem>>[vector<16xi32>], vector<16xf32>,
      %add3A_55 = arith.constant 1 : i32
      %add3A_56 = vector.broadcast %add3A_55 : i32 to vector<16xi32>
      %add3A_57 = arith.addi %mul3A_47, %add3A_56 : vector<16xi32>
      %gather3A_58 = tpu.vector_load_idx %arg9[%add3A_57] : memref<20480xf32, #tpu.memory_space<vmem>>[vector<16xi32>], vector<16xf32>,
      tpu.vector_store_idx %arg10[%mul3A_53], %gather3A_54 {add = true} : memref<20480xf32, #tpu.memory_space<vmem>>[vector<16xi32>], vector<16xf32>,
      %add3A_59 = arith.constant 1 : i32
      %add3A_60 = vector.broadcast %add3A_59 : i32 to vector<16xi32>
      %add3A_61 = arith.addi %mul3A_53, %add3A_60 : vector<16xi32>
      tpu.vector_store_idx %arg10[%add3A_61], %gather3A_58 {add = true} : memref<20480xf32, #tpu.memory_space<vmem>>[vector<16xi32>], vector<16xf32>,
      %get3A_62 = arith.index_cast %scan3A_5 : i32 to index
      %get3A_63 = arith.constant 48 : index
      %get3A_64 = tpu.vector_load %arg7[%get3A_62, %get3A_63] {strides = array<i32>} : memref<80x128xi32, #tpu.memory_space<vmem>>, vector<16xi32>,
      %mul3A_65 = arith.constant 2 : i32
      %mul3A_66 = vector.broadcast %mul3A_65 : i32 to vector<16xi32>
      %mul3A_67 = arith.muli %get3A_64, %mul3A_66 : vector<16xi32>
      %get3A_68 = arith.index_cast %scan3A_5 : i32 to index
      %get3A_69 = arith.constant 48 : index
      %get3A_70 = tpu.vector_load %arg8[%get3A_68, %get3A_69] {strides = array<i32>} : memref<80x128xi32, #tpu.memory_space<vmem>>, vector<16xi32>,
      %mul3A_71 = arith.constant 2 : i32
      %mul3A_72 = vector.broadcast %mul3A_71 : i32 to vector<16xi32>
      %mul3A_73 = arith.muli %get3A_70, %mul3A_72 : vector<16xi32>
      %gather3A_74 = tpu.vector_load_idx %arg9[%mul3A_67] : memref<20480xf32, #tpu.memory_space<vmem>>[vector<16xi32>], vector<16xf32>,
      %add3A_75 = arith.constant 1 : i32
      %add3A_76 = vector.broadcast %add3A_75 : i32 to vector<16xi32>
      %add3A_77 = arith.addi %mul3A_67, %add3A_76 : vector<16xi32>
      %gather3A_78 = tpu.vector_load_idx %arg9[%add3A_77] : memref<20480xf32, #tpu.memory_space<vmem>>[vector<16xi32>], vector<16xf32>,
      tpu.vector_store_idx %arg10[%mul3A_73], %gather3A_74 {add = true} : memref<20480xf32, #tpu.memory_space<vmem>>[vector<16xi32>], vector<16xf32>,
      %add3A_79 = arith.constant 1 : i32
      %add3A_80 = vector.broadcast %add3A_79 : i32 to vector<16xi32>
      %add3A_81 = arith.addi %mul3A_73, %add3A_80 : vector<16xi32>
      tpu.vector_store_idx %arg10[%add3A_81], %gather3A_78 {add = true} : memref<20480xf32, #tpu.memory_space<vmem>>[vector<16xi32>], vector<16xf32>,
      %get3A_82 = arith.index_cast %scan3A_5 : i32 to index
      %get3A_83 = arith.constant 64 : index
      %get3A_84 = tpu.vector_load %arg7[%get3A_82, %get3A_83] {strides = array<i32>} : memref<80x128xi32, #tpu.memory_space<vmem>>, vector<16xi32>,
      %mul3A_85 = arith.constant 2 : i32
      %mul3A_86 = vector.broadcast %mul3A_85 : i32 to vector<16xi32>
      %mul3A_87 = arith.muli %get3A_84, %mul3A_86 : vector<16xi32>
      %get3A_88 = arith.index_cast %scan3A_5 : i32 to index
      %get3A_89 = arith.constant 64 : index
      %get3A_90 = tpu.vector_load %arg8[%get3A_88, %get3A_89] {strides = array<i32>} : memref<80x128xi32, #tpu.memory_space<vmem>>, vector<16xi32>,
      %mul3A_91 = arith.constant 2 : i32
      %mul3A_92 = vector.broadcast %mul3A_91 : i32 to vector<16xi32>
      %mul3A_93 = arith.muli %get3A_90, %mul3A_92 : vector<16xi32>
      %gather3A_94 = tpu.vector_load_idx %arg9[%mul3A_87] : memref<20480xf32, #tpu.memory_space<vmem>>[vector<16xi32>], vector<16xf32>,
      %add3A_95 = arith.constant 1 : i32
      %add3A_96 = vector.broadcast %add3A_95 : i32 to vector<16xi32>
      %add3A_97 = arith.addi %mul3A_87, %add3A_96 : vector<16xi32>
      %gather3A_98 = tpu.vector_load_idx %arg9[%add3A_97] : memref<20480xf32, #tpu.memory_space<vmem>>[vector<16xi32>], vector<16xf32>,
      tpu.vector_store_idx %arg10[%mul3A_93], %gather3A_94 {add = true} : memref<20480xf32, #tpu.memory_space<vmem>>[vector<16xi32>], vector<16xf32>,
      %add3A_99 = arith.constant 1 : i32
      %add3A_100 = vector.broadcast %add3A_99 : i32 to vector<16xi32>
      %add3A_101 = arith.addi %mul3A_93, %add3A_100 : vector<16xi32>
      tpu.vector_store_idx %arg10[%add3A_101], %gather3A_98 {add = true} : memref<20480xf32, #tpu.memory_space<vmem>>[vector<16xi32>], vector<16xf32>,
      %get3A_102 = arith.index_cast %scan3A_5 : i32 to index
      %get3A_103 = arith.constant 80 : index
      %get3A_104 = tpu.vector_load %arg7[%get3A_102, %get3A_103] {strides = array<i32>} : memref<80x128xi32, #tpu.memory_space<vmem>>, vector<16xi32>,
      %mul3A_105 = arith.constant 2 : i32
      %mul3A_106 = vector.broadcast %mul3A_105 : i32 to vector<16xi32>
      %mul3A_107 = arith.muli %get3A_104, %mul3A_106 : vector<16xi32>
      %get3A_108 = arith.index_cast %scan3A_5 : i32 to index
      %get3A_109 = arith.constant 80 : index
      %get3A_110 = tpu.vector_load %arg8[%get3A_108, %get3A_109] {strides = array<i32>} : memref<80x128xi32, #tpu.memory_space<vmem>>, vector<16xi32>,
      %mul3A_111 = arith.constant 2 : i32
      %mul3A_112 = vector.broadcast %mul3A_111 : i32 to vector<16xi32>
      %mul3A_113 = arith.muli %get3A_110, %mul3A_112 : vector<16xi32>
      %gather3A_114 = tpu.vector_load_idx %arg9[%mul3A_107] : memref<20480xf32, #tpu.memory_space<vmem>>[vector<16xi32>], vector<16xf32>,
      %add3A_115 = arith.constant 1 : i32
      %add3A_116 = vector.broadcast %add3A_115 : i32 to vector<16xi32>
      %add3A_117 = arith.addi %mul3A_107, %add3A_116 : vector<16xi32>
      %gather3A_118 = tpu.vector_load_idx %arg9[%add3A_117] : memref<20480xf32, #tpu.memory_space<vmem>>[vector<16xi32>], vector<16xf32>,
      tpu.vector_store_idx %arg10[%mul3A_113], %gather3A_114 {add = true} : memref<20480xf32, #tpu.memory_space<vmem>>[vector<16xi32>], vector<16xf32>,
      %add3A_119 = arith.constant 1 : i32
      %add3A_120 = vector.broadcast %add3A_119 : i32 to vector<16xi32>
      %add3A_121 = arith.addi %mul3A_113, %add3A_120 : vector<16xi32>
      tpu.vector_store_idx %arg10[%add3A_121], %gather3A_118 {add = true} : memref<20480xf32, #tpu.memory_space<vmem>>[vector<16xi32>], vector<16xf32>,
      %get3A_122 = arith.index_cast %scan3A_5 : i32 to index
      %get3A_123 = arith.constant 96 : index
      %get3A_124 = tpu.vector_load %arg7[%get3A_122, %get3A_123] {strides = array<i32>} : memref<80x128xi32, #tpu.memory_space<vmem>>, vector<16xi32>,
      %mul3A_125 = arith.constant 2 : i32
      %mul3A_126 = vector.broadcast %mul3A_125 : i32 to vector<16xi32>
      %mul3A_127 = arith.muli %get3A_124, %mul3A_126 : vector<16xi32>
      %get3A_128 = arith.index_cast %scan3A_5 : i32 to index
      %get3A_129 = arith.constant 96 : index
      %get3A_130 = tpu.vector_load %arg8[%get3A_128, %get3A_129] {strides = array<i32>} : memref<80x128xi32, #tpu.memory_space<vmem>>, vector<16xi32>,
      %mul3A_131 = arith.constant 2 : i32
      %mul3A_132 = vector.broadcast %mul3A_131 : i32 to vector<16xi32>
      %mul3A_133 = arith.muli %get3A_130, %mul3A_132 : vector<16xi32>
      %gather3A_134 = tpu.vector_load_idx %arg9[%mul3A_127] : memref<20480xf32, #tpu.memory_space<vmem>>[vector<16xi32>], vector<16xf32>,
      %add3A_135 = arith.constant 1 : i32
      %add3A_136 = vector.broadcast %add3A_135 : i32 to vector<16xi32>
      %add3A_137 = arith.addi %mul3A_127, %add3A_136 : vector<16xi32>
      %gather3A_138 = tpu.vector_load_idx %arg9[%add3A_137] : memref<20480xf32, #tpu.memory_space<vmem>>[vector<16xi32>], vector<16xf32>,
      tpu.vector_store_idx %arg10[%mul3A_133], %gather3A_134 {add = true} : memref<20480xf32, #tpu.memory_space<vmem>>[vector<16xi32>], vector<16xf32>,
      %add3A_139 = arith.constant 1 : i32
      %add3A_140 = vector.broadcast %add3A_139 : i32 to vector<16xi32>
      %add3A_141 = arith.addi %mul3A_133, %add3A_140 : vector<16xi32>
      tpu.vector_store_idx %arg10[%add3A_141], %gather3A_138 {add = true} : memref<20480xf32, #tpu.memory_space<vmem>>[vector<16xi32>], vector<16xf32>,
      %get3A_142 = arith.index_cast %scan3A_5 : i32 to index
      %get3A_143 = arith.constant 112 : index
      %get3A_144 = tpu.vector_load %arg7[%get3A_142, %get3A_143] {strides = array<i32>} : memref<80x128xi32, #tpu.memory_space<vmem>>, vector<16xi32>,
      %mul3A_145 = arith.constant 2 : i32
      %mul3A_146 = vector.broadcast %mul3A_145 : i32 to vector<16xi32>
      %mul3A_147 = arith.muli %get3A_144, %mul3A_146 : vector<16xi32>
      %get3A_148 = arith.index_cast %scan3A_5 : i32 to index
      %get3A_149 = arith.constant 112 : index
      %get3A_150 = tpu.vector_load %arg8[%get3A_148, %get3A_149] {strides = array<i32>} : memref<80x128xi32, #tpu.memory_space<vmem>>, vector<16xi32>,
      %mul3A_151 = arith.constant 2 : i32
      %mul3A_152 = vector.broadcast %mul3A_151 : i32 to vector<16xi32>
      %mul3A_153 = arith.muli %get3A_150, %mul3A_152 : vector<16xi32>
      %gather3A_154 = tpu.vector_load_idx %arg9[%mul3A_147] : memref<20480xf32, #tpu.memory_space<vmem>>[vector<16xi32>], vector<16xf32>,
      %add3A_155 = arith.constant 1 : i32
      %add3A_156 = vector.broadcast %add3A_155 : i32 to vector<16xi32>
      %add3A_157 = arith.addi %mul3A_147, %add3A_156 : vector<16xi32>
      %gather3A_158 = tpu.vector_load_idx %arg9[%add3A_157] : memref<20480xf32, #tpu.memory_space<vmem>>[vector<16xi32>], vector<16xf32>,
      tpu.vector_store_idx %arg10[%mul3A_153], %gather3A_154 {add = true} : memref<20480xf32, #tpu.memory_space<vmem>>[vector<16xi32>], vector<16xf32>,
      %add3A_159 = arith.constant 1 : i32
      %add3A_160 = vector.broadcast %add3A_159 : i32 to vector<16xi32>
      %add3A_161 = arith.addi %mul3A_153, %add3A_160 : vector<16xi32>
      tpu.vector_store_idx %arg10[%add3A_161], %gather3A_158 {add = true} : memref<20480xf32, #tpu.memory_space<vmem>>[vector<16xi32>], vector<16xf32>,
    }
    %scan3A_4 = arith.constant 80 : i32
    "tpu.region"() ({
      %run_scoped3A = tpu.sem_alloc : memref<!tpu.dma_semaphore, #tpu.memory_space<semaphore_mem>>
      %dma_start3A = arith.constant 0 : i32
      %dma_start3A_5 = tpu.memref_slice %arg6[%arg0, %arg1, %dma_start3A] : memref<2x16x20480xf32, #tpu.memory_space<hbm>> -> memref<1x1x20480xf32, #tpu.memory_space<hbm>>
      %dma_start3A_6 = tpu.memref_squeeze %dma_start3A_5 : memref<1x1x20480xf32, #tpu.memory_space<hbm>> -> memref<20480xf32, #tpu.memory_space<hbm>>
      %dma_start3A_7 = arith.constant 0 : i32
      %dma_start3A_8 = tpu.memref_slice %arg6[%arg0, %arg1, %dma_start3A_7] : memref<2x16x20480xf32, #tpu.memory_space<hbm>> -> memref<1x1x20480xf32, #tpu.memory_space<hbm>>
      %dma_start3A_9 = tpu.memref_squeeze %dma_start3A_8 : memref<1x1x20480xf32, #tpu.memory_space<hbm>> -> memref<20480xf32, #tpu.memory_space<hbm>>
      tpu.enqueue_dma source(%arg10 : memref<20480xf32, #tpu.memory_space<vmem>>) target(%dma_start3A_9 : memref<20480xf32, #tpu.memory_space<hbm>>) target_semaphore(%run_scoped3A : memref<!tpu.dma_semaphore, #tpu.memory_space<semaphore_mem>>)
      %dma_wait3A = arith.constant 0 : i32
      %dma_wait3A_10 = tpu.memref_slice %arg6[%arg0, %arg1, %dma_wait3A] : memref<2x16x20480xf32, #tpu.memory_space<hbm>> -> memref<1x1x20480xf32, #tpu.memory_space<hbm>>
      %dma_wait3A_11 = tpu.memref_squeeze %dma_wait3A_10 : memref<1x1x20480xf32, #tpu.memory_space<hbm>> -> memref<20480xf32, #tpu.memory_space<hbm>>
      %dma_wait3A_12 = arith.constant 0 : i32
      %dma_wait3A_13 = tpu.memref_slice %arg6[%arg0, %arg1, %dma_wait3A_12] : memref<2x16x20480xf32, #tpu.memory_space<hbm>> -> memref<1x1x20480xf32, #tpu.memory_space<hbm>>
      %dma_wait3A_14 = tpu.memref_squeeze %dma_wait3A_13 : memref<1x1x20480xf32, #tpu.memory_space<hbm>> -> memref<20480xf32, #tpu.memory_space<hbm>>
      tpu.wait_dma2 semaphore(%run_scoped3A : memref<!tpu.dma_semaphore, #tpu.memory_space<semaphore_mem>>) src(%arg10 : memref<20480xf32, #tpu.memory_space<vmem>>) dst(%dma_wait3A_14 : memref<20480xf32, #tpu.memory_space<hbm>>)
      tpu.yield
    }) : () -> ()
    return
  }
}

module attributes {stable_mosaic.version = 14 : i64} {
  func.func @_tc_hs(%arg0: i32, %arg1: memref<256x128xf32, #tpu.memory_space<vmem>>, %arg2: memref<128x128xf32, #tpu.memory_space<vmem>>, %arg3: memref<256x32xf32, #tpu.memory_space<vmem>>, %arg4: memref<256x128xf32, #tpu.memory_space<vmem>>) attributes {dimension_semantics = [#tpu.dimension_semantics<arbitrary>], iteration_bounds = array<i64: 40>, scalar_prefetch = 0 : i64, scratch_operands = 0 : i64, tpu.core_type = #tpu.core_type<tc>, window_params = [{transform_indices = @transform_0, window_bounds = array<i64: 256, 128>}, {pipeline_mode = #tpu.pipeline_mode<synchronous>, transform_indices = @transform_1, window_bounds = array<i64: 128, 128>}, {transform_indices = @transform_2, window_bounds = array<i64: 256, 32>}, {transform_indices = @transform_3, window_bounds = array<i64: 256, 128>}]} {
    %get3A = arith.constant 0 : index
    %get3A_0 = arith.constant 0 : index
    %get3A_1 = vector.load %arg3[%get3A, %get3A_0] : memref<256x32xf32, #tpu.memory_space<vmem>>, vector<256x32xf32>
    %reduce_sum3A = arith.constant dense<0.000000e+00> : vector<256xf32>
    %reduce_sum3A_2 = vector.multi_reduction <add>, %get3A_1, %reduce_sum3A [1] : vector<256x32xf32> to vector<256xf32>
    %broadcast_in_dim3A = vector.shape_cast %reduce_sum3A_2 : vector<256xf32> to vector<256x1xf32>
    %add3A = arith.constant 1.000000e+00 : f32
    %add3A_3 = vector.broadcast %add3A : f32 to vector<256x1xf32>
    %add3A_4 = arith.addf %broadcast_in_dim3A, %add3A_3 : vector<256x1xf32>
    %rsqrt3A = math.rsqrt %add3A_4 : vector<256x1xf32>
    %get3A_5 = arith.constant 0 : index
    %get3A_6 = arith.constant 0 : index
    %get3A_7 = vector.load %arg1[%get3A_5, %get3A_6] : memref<256x128xf32, #tpu.memory_space<vmem>>, vector<256x128xf32>
    %get3A_8 = arith.constant 0 : index
    %get3A_9 = arith.constant 0 : index
    %get3A_10 = vector.load %arg2[%get3A_8, %get3A_9] : memref<128x128xf32, #tpu.memory_space<vmem>>, vector<128x128xf32>
    %dot_general3A = arith.constant dense<0.000000e+00> : vector<256x128xf32>
    %dot_general3A_11 = tpu.matmul %get3A_7, %get3A_10, %dot_general3A {dimension_numbers = #tpu.dot_dimension_numbers<[1], [0], [0], [1], [0, 0, 1, 1], [], []>, transpose_lhs_hint = false} : vector<256x128xf32>, vector<128x128xf32>, vector<256x128xf32> -> vector<256x128xf32>
    %mul3A = vector.broadcast %rsqrt3A : vector<256x1xf32> to vector<256x128xf32>
    %mul3A_12 = arith.mulf %dot_general3A_11, %mul3A : vector<256x128xf32>
    %swap3A = arith.constant 0 : index
    %swap3A_13 = arith.constant 0 : index
    %swap3A_14 = vector.load %arg4[%swap3A, %swap3A_13] : memref<256x128xf32, #tpu.memory_space<vmem>>, vector<256x128xf32>
    tpu.vector_store %arg4[%swap3A, %swap3A_13], %mul3A_12 {strides = array<i32>} : memref<256x128xf32, #tpu.memory_space<vmem>>, vector<256x128xf32>,
    return
  }
  func.func @transform_0(%arg0: i32) -> (i32, i32) {
    %c0_i32 = arith.constant 0 : i32
    %c0_i32_0 = arith.constant 0 : i32
    return %arg0, %c0_i32 : i32, i32
  }
  func.func @transform_1(%arg0: i32) -> (i32, i32) {
    %c0_i32 = arith.constant 0 : i32
    %c0_i32_0 = arith.constant 0 : i32
    %c0_i32_1 = arith.constant 0 : i32
    return %c0_i32, %c0_i32_0 : i32, i32
  }
  func.func @transform_2(%arg0: i32) -> (i32, i32) {
    %c0_i32 = arith.constant 0 : i32
    %c0_i32_0 = arith.constant 0 : i32
    return %arg0, %c0_i32 : i32, i32
  }
  func.func @transform_3(%arg0: i32) -> (i32, i32) {
    %c0_i32 = arith.constant 0 : i32
    %c0_i32_0 = arith.constant 0 : i32
    return %arg0, %c0_i32 : i32, i32
  }
}

module attributes {stable_mosaic.version = 14 : i64} {
  func.func @_tc_layer2(%arg0: i32, %arg1: memref<2x256x128xf32, #tpu.memory_space<vmem>>, %arg2: memref<256x128xf32, #tpu.memory_space<vmem>>, %arg3: memref<256x32xf32, #tpu.memory_space<vmem>>, %arg4: memref<128x2xf32, #tpu.memory_space<vmem>>, %arg5: memref<1x128xf32, #tpu.memory_space<vmem>>, %arg6: memref<256x2xf32, #tpu.memory_space<vmem>>) attributes {dimension_semantics = [#tpu.dimension_semantics<arbitrary>], iteration_bounds = array<i64: 40>, scalar_prefetch = 0 : i64, scratch_operands = 0 : i64, tpu.core_type = #tpu.core_type<tc>, window_params = [{transform_indices = @transform_0, window_bounds = array<i64: 2, 256, 128>}, {transform_indices = @transform_1, window_bounds = array<i64: 256, 128>}, {transform_indices = @transform_2, window_bounds = array<i64: 256, 32>}, {pipeline_mode = #tpu.pipeline_mode<synchronous>, transform_indices = @transform_3, window_bounds = array<i64: 128, 2>}, {pipeline_mode = #tpu.pipeline_mode<synchronous>, transform_indices = @transform_4, window_bounds = array<i64: 1, 128>}, {transform_indices = @transform_5, window_bounds = array<i64: 256, 2>}]} {
    %get3A = arith.constant 0 : index
    %get3A_0 = arith.constant 0 : index
    %get3A_1 = vector.load %arg3[%get3A, %get3A_0] : memref<256x32xf32, #tpu.memory_space<vmem>>, vector<256x32xf32>
    %reduce_sum3A = arith.constant dense<0.000000e+00> : vector<256xf32>
    %reduce_sum3A_2 = vector.multi_reduction <add>, %get3A_1, %reduce_sum3A [1] : vector<256x32xf32> to vector<256xf32>
    %broadcast_in_dim3A = vector.shape_cast %reduce_sum3A_2 : vector<256xf32> to vector<256x1xf32>
    %add3A = arith.constant 1.000000e+00 : f32
    %add3A_3 = vector.broadcast %add3A : f32 to vector<256x1xf32>
    %add3A_4 = arith.addf %broadcast_in_dim3A, %add3A_3 : vector<256x1xf32>
    %rsqrt3A = math.rsqrt %add3A_4 : vector<256x1xf32>
    %get3A_5 = arith.constant 0 : index
    %get3A_6 = arith.constant 0 : index
    %get3A_7 = arith.constant 0 : index
    %get3A_8 = vector.load %arg1[%get3A_5, %get3A_6, %get3A_7] : memref<2x256x128xf32, #tpu.memory_space<vmem>>, vector<1x256x128xf32>
    %get3A_9 = vector.shape_cast %get3A_8 : vector<1x256x128xf32> to vector<256x128xf32>
    %get3A_10 = arith.constant 1 : index
    %get3A_11 = arith.constant 0 : index
    %get3A_12 = arith.constant 0 : index
    %get3A_13 = vector.load %arg1[%get3A_10, %get3A_11, %get3A_12] : memref<2x256x128xf32, #tpu.memory_space<vmem>>, vector<1x256x128xf32>
    %get3A_14 = vector.shape_cast %get3A_13 : vector<1x256x128xf32> to vector<256x128xf32>
    %add3A_15 = arith.addf %get3A_9, %get3A_14 : vector<256x128xf32>
    %get3A_16 = arith.constant 0 : index
    %get3A_17 = arith.constant 0 : index
    %get3A_18 = vector.load %arg2[%get3A_16, %get3A_17] : memref<256x128xf32, #tpu.memory_space<vmem>>, vector<256x128xf32>
    %add3A_19 = arith.addf %add3A_15, %get3A_18 : vector<256x128xf32>
    %mul3A = vector.broadcast %rsqrt3A : vector<256x1xf32> to vector<256x128xf32>
    %mul3A_20 = arith.mulf %mul3A, %add3A_19 : vector<256x128xf32>
    %get3A_21 = arith.constant 0 : index
    %get3A_22 = arith.constant 0 : index
    %get3A_23 = vector.load %arg5[%get3A_21, %get3A_22] : memref<1x128xf32, #tpu.memory_space<vmem>>, vector<1x128xf32>
    %add3A_24 = vector.broadcast %get3A_23 : vector<1x128xf32> to vector<256x128xf32>
    %add3A_25 = arith.addf %mul3A_20, %add3A_24 : vector<256x128xf32>
    %max3A = arith.constant 0.000000e+00 : f32
    %max3A_26 = vector.broadcast %max3A : f32 to vector<256x128xf32>
    %max3A_27 = arith.maximumf %add3A_25, %max3A_26 : vector<256x128xf32>
    %get3A_28 = arith.constant 0 : index
    %get3A_29 = arith.constant 0 : index
    %get3A_30 = vector.load %arg4[%get3A_28, %get3A_29] : memref<128x2xf32, #tpu.memory_space<vmem>>, vector<128x2xf32>
    %dot_general3A = arith.constant dense<0.000000e+00> : vector<256x2xf32>
    %dot_general3A_31 = tpu.matmul %max3A_27, %get3A_30, %dot_general3A {dimension_numbers = #tpu.dot_dimension_numbers<[1], [0], [0], [1], [0, 0, 1, 1], [], []>, transpose_lhs_hint = false} : vector<256x128xf32>, vector<128x2xf32>, vector<256x2xf32> -> vector<256x2xf32>
    %mul3A_32 = vector.broadcast %rsqrt3A : vector<256x1xf32> to vector<256x2xf32>
    %mul3A_33 = arith.mulf %dot_general3A_31, %mul3A_32 : vector<256x2xf32>
    %swap3A = arith.constant 0 : index
    %swap3A_34 = arith.constant 0 : index
    %swap3A_35 = vector.load %arg6[%swap3A, %swap3A_34] : memref<256x2xf32, #tpu.memory_space<vmem>>, vector<256x2xf32>
    tpu.vector_store %arg6[%swap3A, %swap3A_34], %mul3A_33 {strides = array<i32>} : memref<256x2xf32, #tpu.memory_space<vmem>>, vector<256x2xf32>,
    return
  }
  func.func @transform_0(%arg0: i32) -> (i32, i32, i32) {
    %c0_i32 = arith.constant 0 : i32
    %c0_i32_0 = arith.constant 0 : i32
    %c0_i32_1 = arith.constant 0 : i32
    return %c0_i32, %arg0, %c0_i32_0 : i32, i32, i32
  }
  func.func @transform_1(%arg0: i32) -> (i32, i32) {
    %c0_i32 = arith.constant 0 : i32
    %c0_i32_0 = arith.constant 0 : i32
    return %arg0, %c0_i32 : i32, i32
  }
  func.func @transform_2(%arg0: i32) -> (i32, i32) {
    %c0_i32 = arith.constant 0 : i32
    %c0_i32_0 = arith.constant 0 : i32
    return %arg0, %c0_i32 : i32, i32
  }
  func.func @transform_3(%arg0: i32) -> (i32, i32) {
    %c0_i32 = arith.constant 0 : i32
    %c0_i32_0 = arith.constant 0 : i32
    %c0_i32_1 = arith.constant 0 : i32
    return %c0_i32, %c0_i32_0 : i32, i32
  }
  func.func @transform_4(%arg0: i32) -> (i32, i32) {
    %c0_i32 = arith.constant 0 : i32
    %c0_i32_0 = arith.constant 0 : i32
    %c0_i32_1 = arith.constant 0 : i32
    return %c0_i32, %c0_i32_0 : i32, i32
  }
  func.func @transform_5(%arg0: i32) -> (i32, i32) {
    %c0_i32 = arith.constant 0 : i32
    %c0_i32_0 = arith.constant 0 : i32
    return %arg0, %c0_i32 : i32, i32
  }
}

module attributes {stable_mosaic.version = 14 : i64} {
  func.func @_tc_softmax(%arg0: i32, %arg1: memref<256x2x32xf32, #tpu.memory_space<vmem>>, %arg2: memref<256x2xf32, #tpu.memory_space<vmem>>, %arg3: memref<256x32xf32, #tpu.memory_space<vmem>>, %arg4: memref<1x2xf32, #tpu.memory_space<vmem>>, %arg5: memref<256x2xf32, #tpu.memory_space<vmem>>) attributes {dimension_semantics = [#tpu.dimension_semantics<arbitrary>], iteration_bounds = array<i64: 40>, scalar_prefetch = 0 : i64, scratch_operands = 0 : i64, tpu.core_type = #tpu.core_type<tc>, window_params = [{transform_indices = @transform_0, window_bounds = array<i64: 256, 2, 32>}, {transform_indices = @transform_1, window_bounds = array<i64: 256, 2>}, {transform_indices = @transform_2, window_bounds = array<i64: 256, 32>}, {pipeline_mode = #tpu.pipeline_mode<synchronous>, transform_indices = @transform_3, window_bounds = array<i64: 1, 2>}, {transform_indices = @transform_4, window_bounds = array<i64: 256, 2>}]} {
    %get3A = arith.constant 0 : index
    %get3A_0 = arith.constant 0 : index
    %get3A_1 = vector.load %arg3[%get3A, %get3A_0] : memref<256x32xf32, #tpu.memory_space<vmem>>, vector<256x32xf32>
    %reduce_sum3A = arith.constant dense<0.000000e+00> : vector<256xf32>
    %reduce_sum3A_2 = vector.multi_reduction <add>, %get3A_1, %reduce_sum3A [1] : vector<256x32xf32> to vector<256xf32>
    %broadcast_in_dim3A = vector.shape_cast %reduce_sum3A_2 : vector<256xf32> to vector<256x1xf32>
    %add3A = arith.constant 1.000000e+00 : f32
    %add3A_3 = vector.broadcast %add3A : f32 to vector<256x1xf32>
    %add3A_4 = arith.addf %broadcast_in_dim3A, %add3A_3 : vector<256x1xf32>
    %rsqrt3A = math.rsqrt %add3A_4 : vector<256x1xf32>
    %get3A_5 = arith.constant 0 : index
    %get3A_6 = arith.constant 0 : index
    %get3A_7 = arith.constant 0 : index
    %get3A_8 = vector.load %arg1[%get3A_5, %get3A_6, %get3A_7] : memref<256x2x32xf32, #tpu.memory_space<vmem>>, vector<256x2x32xf32>
    %reduce_sum3A_9 = arith.constant dense<0.000000e+00> : vector<256x2xf32>
    %reduce_sum3A_10 = vector.multi_reduction <add>, %get3A_8, %reduce_sum3A_9 [2] : vector<256x2x32xf32> to vector<256x2xf32>
    %get3A_11 = arith.constant 0 : index
    %get3A_12 = arith.constant 0 : index
    %get3A_13 = vector.load %arg2[%get3A_11, %get3A_12] : memref<256x2xf32, #tpu.memory_space<vmem>>, vector<256x2xf32>
    %add3A_14 = arith.addf %reduce_sum3A_10, %get3A_13 : vector<256x2xf32>
    %mul3A = vector.broadcast %rsqrt3A : vector<256x1xf32> to vector<256x2xf32>
    %mul3A_15 = arith.mulf %mul3A, %add3A_14 : vector<256x2xf32>
    %get3A_16 = arith.constant 0 : index
    %get3A_17 = arith.constant 0 : index
    %get3A_18 = vector.load %arg4[%get3A_16, %get3A_17] : memref<1x2xf32, #tpu.memory_space<vmem>>, vector<1x2xf32>
    %add3A_19 = vector.broadcast %get3A_18 : vector<1x2xf32> to vector<256x2xf32>
    %add3A_20 = arith.addf %mul3A_15, %add3A_19 : vector<256x2xf32>
    %slice3A = vector.extract_strided_slice %add3A_20 {offsets = [0, 0], sizes = [256, 1], strides = [1, 1]} : vector<256x2xf32> to vector<256x1xf32>
    %slice3A_21 = vector.extract_strided_slice %add3A_20 {offsets = [0, 1], sizes = [256, 1], strides = [1, 1]} : vector<256x2xf32> to vector<256x1xf32>
    %max3A = arith.maximumf %slice3A, %slice3A_21 : vector<256x1xf32>
    %sub3A = arith.subf %slice3A, %max3A : vector<256x1xf32>
    %exp3A = math.exp %sub3A : vector<256x1xf32>
    %sub3A_22 = arith.subf %slice3A_21, %max3A : vector<256x1xf32>
    %exp3A_23 = math.exp %sub3A_22 : vector<256x1xf32>
    %add3A_24 = arith.addf %exp3A, %exp3A_23 : vector<256x1xf32>
    %div3A = arith.constant 1.000000e+00 : f32
    %div3A_25 = vector.broadcast %div3A : f32 to vector<256x1xf32>
    %div3A_26 = arith.divf %div3A_25, %add3A_24 : vector<256x1xf32>
    %mul3A_27 = arith.mulf %exp3A, %div3A_26 : vector<256x1xf32>
    %mul3A_28 = arith.mulf %exp3A_23, %div3A_26 : vector<256x1xf32>
    %concatenate3A = tpu.concatenate %mul3A_27, %mul3A_28 in 1 : vector<256x1xf32>, vector<256x1xf32> -> vector<256x2xf32>
    %swap3A = arith.constant 0 : index
    %swap3A_29 = arith.constant 0 : index
    %swap3A_30 = vector.load %arg5[%swap3A, %swap3A_29] : memref<256x2xf32, #tpu.memory_space<vmem>>, vector<256x2xf32>
    tpu.vector_store %arg5[%swap3A, %swap3A_29], %concatenate3A {strides = array<i32>} : memref<256x2xf32, #tpu.memory_space<vmem>>, vector<256x2xf32>,
    return
  }
  func.func @transform_0(%arg0: i32) -> (i32, i32, i32) {
    %c0_i32 = arith.constant 0 : i32
    %c0_i32_0 = arith.constant 0 : i32
    %c0_i32_1 = arith.constant 0 : i32
    return %arg0, %c0_i32, %c0_i32_0 : i32, i32, i32
  }
  func.func @transform_1(%arg0: i32) -> (i32, i32) {
    %c0_i32 = arith.constant 0 : i32
    %c0_i32_0 = arith.constant 0 : i32
    return %arg0, %c0_i32 : i32, i32
  }
  func.func @transform_2(%arg0: i32) -> (i32, i32) {
    %c0_i32 = arith.constant 0 : i32
    %c0_i32_0 = arith.constant 0 : i32
    return %arg0, %c0_i32 : i32, i32
  }
  func.func @transform_3(%arg0: i32) -> (i32, i32) {
    %c0_i32 = arith.constant 0 : i32
    %c0_i32_0 = arith.constant 0 : i32
    %c0_i32_1 = arith.constant 0 : i32
    return %c0_i32, %c0_i32_0 : i32, i32
  }
  func.func @transform_4(%arg0: i32) -> (i32, i32) {
    %c0_i32 = arith.constant 0 : i32
    %c0_i32_0 = arith.constant 0 : i32
    return %arg0, %c0_i32 : i32, i32
  }
}

</mosaic_0001>

<sc_bundles>
// kernel: kernel.11.cloned.1.call-start
scs
__scs_entry_jumppad:
0x0: {  	(pc) =	sbr.rel $0x88, $3  }
0x1: {  	(tag) =	ssettag $0x0;
	lr =	simm.s32 $0x1  }
0x2: {  	[smem:$0x3F9B] =	sst lr;
	_ =	strace $0xD0000000  }
0x3: {  	_ = 	snop  }
0x4: {  	_ = 	snop  }
0x5: {  	_ = 	snop  }
0x6: {  	_ = 	snop  }
0x7: {  	_ = 	snop  }
__scs_overlays_trampoline_lowered:
0x8: {  	[smem:$0x3FAA] =	sst s0  }
0x9: {  	[smem:$0x3FAB] =	sst s1  }
0xa: {  	[smem:$0x3FAC] =	sst s2  }
0xb: {  	[smem:$0x3FAD] =	sst s3  }
0xc: {  	[smem:$0x3FAE] =	sst s4  }
0xd: {  	[smem:$0x3FAF] =	sst s5  }
0xe: {  	[smem:$0x3FB0] =	sst s6  }
0xf: {  	[smem:$0x3FB1] =	sst s7  }
0x10: {  	[smem:$0x3FB2] =	sst s8  }
0x11: {  	[smem:$0x3FB3] =	sst s9;
	s0 =	simm.s32 @!p0 $0x0  }
0x12: {  	s1 =	sld [smem:$0x3F99];
	s0 =	simm.s32 @p0 $0x1  }
0x13: {  	[smem:$0x3FB4] =	sst s0;
	s0 =	simm.s32 @!p1 $0x0  }
0x14: {  	s2 =	sld [smem:$0x3F98];
	s0 =	simm.s32 @p1 $0x1  }
0x15: {  	[smem:$0x3FB5] =	sst s0;
	s0 =	simm.s32 @!p2 $0x0  }
0x16: {  	s3 =	sld [smem:$0x3FDB];
	s0 =	simm.s32 @p2 $0x1  }
0x17: {  	s4 =	simm.s32 $0x1BF5;
	[smem:$0x3FB7] =	sst s0  }
0x18: {  	s0 =	sld [smem:$0x3F9A];
	_ =	swait.ge [sflag:s4], $0x0  }
0x19: {  	s7 =	sld [smem:$0x3F9B]  }
0x1a: {  	s8 =	sadd.s32 $0xFFFFE003, lr  }
0x1b: {  	s9 =	sadd.s32 $0xFFFFFEF7, lr;
	s5 =	simm.s32 $0xFFFFFFFF;
	p2 =	slt.u32 s8, $0xFFFFF086  }
0x1c: {  	p1 =	slt.u32 s9, $0xF7A;
	s5 =	simm.s32 @!p2 $0x0  }
0x1d: {  	s5 =	simm.s32 @p1 $0x1;
	p0 =	seq.s32 s7, s2  }
0x1e: {  	s7 =	smul.u32 @!p0 $0xF7A, s2;
	p2 =	seq.s32 @!p0 s5, $0x0  }
0x1f: {  	s9 =	smul.u32 $0xF7A, s1;
	s8 =	simm.s32 @!p0 $0x1BF5;
	p2 =	por !p2, p0  }
0x20: {  	[sflag:s8] =	ssyncset.s32 @!p0 $0xFFFFF086;
	s6 =	sadd.s32 @!p0 s3, s7;
	s7 =	simm.s32 @!p0 $0x108  }
0x21: {  	s3 =	sadd.s32 s3, s9;
	s6 =	sadd.s32 @!p0 $0x88, s6;
	s7 =	simm.s32 @p2 $0x1082  }
0x22: {  	[simem:s7], [sflag:s8] =	dma.local @!p0 [hbm:s6], $0xF7A  }
0x23: {  	s9 =	sor.u32 $0xD0000000, s2;
	s6 =	simm.s32 $0x108;
	_ =	swait.ge @!p0 [sflag:s8], $0x0  }
0x24: {  	s3 =	sadd.s32 $0x88, s3;
	s6 =	simm.s32 @!p1 $0x1082;
	[sflag:s4] =	ssyncset.s32 $0xFFFFF086  }
0x25: {  	[simem:s6], [sflag:s4] =	dma.local [hbm:s3], $0xF7A  }
0x26: {  	[smem:$0x3F9B] =	sst s1;
	(tag) =	ssettag s2;
	_ =	strace s9  }
0x27: {  	s1 =	sld [smem:$0x3FAB]  }
0x28: {  	s2 =	sld [smem:$0x3FAC]  }
0x29: {  	s4 =	sld [smem:$0x3FAE]  }
0x2a: {  	p0 =	seq.s32 s5, $0x0;
	s5 =	sld [smem:$0x3FAF]  }
0x2b: {  	s6 =	sld [smem:$0x3FB0]  }
0x2c: {  	s7 =	sld [smem:$0x3FB1]  }
0x2d: {  	s3 =	simm.s32 $0x108;
	s8 =	sld [smem:$0x3FB2]  }
0x2e: {  	s3 =	simm.s32 @!p0 $0x1082;
	s9 =	sld [smem:$0x3FB3]  }
0x2f: {  	lr =	sadd.s32 s0, s3;
	s0 =	sld [smem:$0x3FAA]  }
0x30: {  	s3 =	sld [smem:$0x3FAD]  }
0x31: {  	[smem:$0x3FB6] =	sst s10  }
0x32: {  	s10 =	sld [smem:$0x3FB4];
	_ =	sdelay $0x3  }
0x33: {  	p0 =	seq.s32 s10, $0x1;
	s10 =	sld [smem:$0x3FB6];
	_ =	sdelay $0x3  }
0x34: {  	[smem:$0x3FB6] =	sst s10  }
0x35: {  	s10 =	sld [smem:$0x3FB5];
	_ =	sdelay $0x3  }
0x36: {  	p1 =	seq.s32 s10, $0x1;
	s10 =	sld [smem:$0x3FB6];
	_ =	sdelay $0x3  }
0x37: {  	[smem:$0x3FB6] =	sst s10  }
0x38: {  	s10 =	sld [smem:$0x3FB7]  }
0x39: {  	_ = 	snop;
	(pc) =	sbr.ind lr, $3  }
0x3a: {  	_ = 	snop  }
0x3b: {  	_ = 	snop  }
0x3c: {  	p2 =	seq.s32 s10, $0x1;
	s10 =	sld [smem:$0x3FB6]  }
0x3d: {  	_ =	shalt  }
0x3e: {  	_ =	shalt  }
0x3f: {  	_ =	shalt  }
0x40: {  	_ =	shalt  }
0x41: {  	_ =	shalt  }
0x42: {  	_ =	shalt  }
0x43: {  	_ =	shalt  }
0x44: {  	_ =	shalt  }
0x45: {  	_ =	shalt  }
0x46: {  	_ =	shalt  }
0x47: {  	_ =	shalt  }
0x48: {  	_ =	shalt  }
0x49: {  	_ =	shalt  }
0x4a: {  	_ =	shalt  }
0x4b: {  	_ =	shalt  }
0x4c: {  	_ =	shalt  }
0x4d: {  	_ =	shalt  }
0x4e: {  	_ =	shalt  }
0x4f: {  	_ =	shalt  }
0x50: {  	_ =	shalt  }
0x51: {  	_ =	shalt  }
0x52: {  	_ =	shalt  }
0x53: {  	_ =	shalt  }
0x54: {  	_ =	shalt  }
0x55: {  	_ =	shalt  }
0x56: {  	_ =	shalt  }
0x57: {  	_ =	shalt  }
0x58: {  	_ =	shalt  }
0x59: {  	_ =	shalt  }
0x5a: {  	_ =	shalt  }
0x5b: {  	_ =	shalt  }
0x5c: {  	_ =	shalt  }
0x5d: {  	_ =	shalt  }
0x5e: {  	_ =	shalt  }
0x5f: {  	_ =	shalt  }
0x60: {  	_ =	shalt  }
0x61: {  	_ =	shalt  }
0x62: {  	_ =	shalt  }
0x63: {  	_ =	shalt  }
0x64: {  	_ =	shalt  }
0x65: {  	_ =	shalt  }
0x66: {  	_ =	shalt  }
0x67: {  	_ =	shalt  }
0x68: {  	_ =	shalt  }
0x69: {  	_ =	shalt  }
0x6a: {  	_ =	shalt  }
0x6b: {  	_ =	shalt  }
0x6c: {  	_ =	shalt  }
0x6d: {  	_ =	shalt  }
0x6e: {  	_ =	shalt  }
0x6f: {  	_ =	shalt  }
0x70: {  	_ =	shalt  }
0x71: {  	_ =	shalt  }
0x72: {  	_ =	shalt  }
0x73: {  	_ =	shalt  }
0x74: {  	_ =	shalt  }
0x75: {  	_ =	shalt  }
0x76: {  	_ =	shalt  }
0x77: {  	_ =	shalt  }
0x78: {  	_ =	shalt  }
0x79: {  	_ =	shalt  }
0x7a: {  	_ =	shalt  }
0x7b: {  	_ =	shalt  }
0x7c: {  	_ =	shalt  }
0x7d: {  	_ =	shalt  }
0x7e: {  	_ =	shalt  }
0x7f: {  	_ =	shalt  }
0x80: {  	_ =	shalt  }
0x81: {  	_ =	shalt  }
0x82: {  	_ =	shalt  }
0x83: {  	_ =	shalt  }
0x84: {  	_ =	shalt  }
0x85: {  	_ =	shalt  }
0x86: {  	_ =	shalt  }
0x87: {  	_ =	shalt  }
.Lfunc_end0:
.L_simem_size_0:
called_computation.1_lowered:
.L_overlay_start_0:
0x88: {  	s2 =	sld [smem:$0x3FD9]  }
0x89: {  	s3 =	sld [smem:$0x3FFE];
	_ =	sdelay $0x1  }
0x8a: {  	s1 =	srdreg.scid  }
0x8b: {  	s0 =	sand.u32 $0x1, s1  }
0x8c: {  	s16 =	sshll.u32 s0, $0xA;
	s2 =	sadd.s32 s3, s2  }
0x8d: {  	s2 =	sadd.s32 s2, s16  }
0x8e: {  	[smem:$0x3FC2] =	sst s2  }
0x8f: {  	_ = 	snop  }
0x90: {  	(tm) =	ssettm $0x1  }
0x91: {  	s17 =	sld [smem:$0x3FFB];
	_ =	sdelay $0x3  }
0x92: {  	_ =	strace s17  }
0x93: {  	s2 =	sld [smem:$0x3FFC];
	_ =	sdelay $0x3  }
0x94: {  	_ =	strace s2  }
0x95: {  	s2 =	sld [smem:$0x3FFD];
	_ =	sdelay $0x3  }
0x96: {  	_ =	strace s2  }
0x97: {  	_ =	strace $0x8FFFFFFF  }
0x98: {  	s18 =	sld [smem:$0x3FDB];
	_ =	sdelay $0x1  }
0x99: {  	s19 =	simm.s32 $_scs_section_size  }
0x9a: {  	s4 =	simm.s32 $_size__tile_overlayer_lowered;
	s5 =	simm.s32 $_tile_overlayer_lowered  }
0x9b: {  	s22 =	simm.s32 $0x1BFF;
	s21 =	sshll.u32 s5, $0x1;
	s2 =	sadd.s32 s19, s18  }
0x9c: {  	s6 =	simm.s32 $0x0;
	s20 =	sshll.u32 s4, $0x1;
	s4 =	sadd.s32 s21, s2  }
0x9d: {  	[timem:s6], [sflag:s22] =	dma.local [hbm:s4], s20  }
0x9e: {  	_ =	swait.ge [sflag:s22], s20  }
0x9f: {  	s3 =	ssub.s32 $0x0, s20;
	[sflag:s22] =	ssyncset.done $0x0  }
0xa0: {  	[sflag:s22] =	ssyncadd.s32 s3;
	_ =	sdelay $0x1  }
0xa1: {  	s23 =	simm.s32 $0x1B8B  }
0xa2: {  	_ =	swait.ge [sflag:s23], $0x1  }
0xa3: {  	[sflag:s23] =	ssyncset.done $0x0  }
0xa4: {  	s25 =	simm.s32 $0x1B8E;
	s24 =	sld [smem:$0x3FFE];
	[sflag:s23] =	ssyncadd.s32 $0xFFFFFFFF  }
0xa5: {  	s26 =	simm.s32 $execute0_lowered;
	[smem:$0x3FD2] =	sst s25  }
0xa6: {  	s4 =	sshll.u32 s26, $0x1;
	_ =	strace $0x80000049;
	[dreg:$0x1] =	wrdreg $0xFFFFFFFF  }
0xa7: {  	s28 =	simm.s32 $_size_execute0_lowered;
	s2 =	sadd.s32 s2, s4;
	[dreg:$0x0] =	wrdreg $0x0  }
0xa8: {  	s4 =	sshll.u32 s28, $0x1;
	[dreg:$0x2] =	wrdreg s2  }
0xa9: {  	[dreg:$0x3] =	wrdreg s4  }
0xaa: {  	[dreg:$0x4] =	wrdreg $0xC0  }
0xab: {  	_ =	task [dreg:s6], $0x5FFFF  }
0xac: {  	[dreg:$0x1] =	wrdreg $0xFFFFFFFF  }
0xad: {  	[dreg:$0x0] =	wrdreg $0x60  }
0xae: {  	[dreg:$0x2] =	wrdreg s24  }
0xaf: {  	[dreg:$0x3] =	wrdreg $0x90000  }
0xb0: {  	[dreg:$0x4] =	wrdreg $0x9  }
0xb1: {  	_ =	task.clear_ibuf [dreg:s6], $0x5FFFF;
	_ =	strace $0x90000049  }
0xb2: {  	s29 =	simm.s32 $0x9;
	_ =	strace $0x8000004B  }
0xb3: {  	_ =	swait.ge [sflag:s29], $0x1  }
0xb4: {  	[sflag:s29] =	ssyncadd.s32 $0xFFFFFFFF  }
0xb5: {  	_ =	strace $0x9000004B  }
0xb6: {  	_ =	sfence  }
0xb7: {  	s30 =	sld [smem:$0x0];
	_ =	sdelay $0x2  }
0xb8: {  	s31 =	sshll.u32 s1, $0xD;
	s1 =	sshrl.u32 s1, $0x2  }
0xb9: {  	s3 =	sand.u32 $0x4000, s31;
	s1 =	sadd.s32 s1, s30  }
0xba: {  	s0 =	sor.u32 s3, s0;
	s1 =	sshll.u32 s1, $0x11  }
0xbb: {  	s0 =	sor.u32 s1, s0  }
0xbc: {  	s0 =	sadd.s32 $0x8F2B, s0  }
0xbd: {  	[sflag:s0] =	ssyncadd.remote.s32 $0x1  }
0xbe: {  	_ =	sfence.sel $0xFFFF  }
0xbf: {  	[dreg:$0x0] =	wrdreg $0xFFFFFFFF;
	(pc) =	sbr.abs _section_cstart, $3  }
0xc0: {  	[dreg:$0x1] =	wrdreg $0xFFFFFFFF  }
0xc1: {  	_ =	task.clear_ibuf [dreg:s6], $0x2FFFF;
	_ =	strace $0x9FFFFFFF  }
0xc2: {  	(tm) =	ssettm $0x7FFFFFFF  }
0xc3: {  	_ =	shalt  }
tec
execute0_lowered:
.L_overlay_start_1:
0x0: {  	(tag) =	ssettag $0x1  }
0x1: {  	s0 =	rddreg [dreg:$0x0]  }
0x2: {  	s2 =	rddreg [dreg:$0x1];
	s1 =	srdreg.scid;
	s13 =	simm.s32 $0x0  }
0x3: {  	s10 =	stileid.u32;
	s6 =	sand.u32 $0x1, s1;
	[smem:$0x7FF] =	sst s13  }
0x4: {  	s4 =	smul.u32 $0x2800, s10;
	s5 =	sadd.s32 $0x15E00, s0;
	s3 =	sadd.s32 $0x1E00, s0  }
0x5: {  	s30 =	sadd.s32 $0xBE00, s0;
	s18 =	smul.u32 $0x50000, s10;
	s23 =	sshll.u32 s10, $0x6  }
0x6: {  	[dreg:$0x11] =	wrdreg s6;
	s1 =	smul.u32 $0x28000, s6;
	s25 =	sor.u32 $0x1C03, s23  }
0x7: {  	_ =	strace $0x8000004A;
	[dreg:$0x3] =	wrdreg s30;
	s21 =	sshrl.u32 s18, $0x2  }
0x8: {  	[dreg:$0xf] =	wrdreg s25;
	s1 =	sadd.s32 s4, s1;
	s22 =	sadd.s32 s21, s2  }
0x9: {  	s24 =	rddreg [dreg:$0x3];
	s1 =	sshrl.u32 s1, $0x3;
	s28 =	sshrl.u32 s22, $0x3  }
0xa: {  	s7 =	smul.u32 $0x140000, s6;
	s8 =	sadd.s32 s5, s1;
	[dreg:$0x10] =	wrdreg s28  }
0xb: {  	s6 =	sadd.s32 s3, s1;
	s9 =	sadd.s32 $0x100, s1;
	[dreg:$0x4] =	wrdreg s8  }
0xc: {  	[dreg:$0x5] =	wrdreg s6;
	s11 =	sadd.s32 s5, s9  }
0xd: {  	s14 =	sadd.s32 $0x200, s1;
	s12 =	sadd.s32 s3, s9;
	[dreg:$0x6] =	wrdreg s11  }
0xe: {  	s31 =	smul.u32 $0x14000, s10;
	s15 =	sadd.s32 s5, s14;
	[dreg:$0x7] =	wrdreg s12  }
0xf: {  	s17 =	sadd.s32 $0x300, s1;
	s16 =	sadd.s32 s3, s14;
	[dreg:$0x8] =	wrdreg s15  }
0x10: {  	s4 =	sadd.s32 s31, s7;
	s19 =	sadd.s32 s5, s17;
	[dreg:$0x9] =	wrdreg s16  }
0x11: {  	s1 =	sadd.s32 $0x400, s1;
	s20 =	sadd.s32 s3, s17;
	[dreg:$0xa] =	wrdreg s19  }
0x12: {  	s4 =	sshrl.u32 s4, $0x3;
	s5 =	sadd.s32 s5, s1;
	[dreg:$0xb] =	wrdreg s20  }
0x13: {  	s4 =	sadd.s32 s4, s0;
	s1 =	sadd.s32 s3, s1;
	[dreg:$0xc] =	wrdreg s5  }
0x14: {  	s26 =	sadd.s32 $0x47E00, s4;
	[dreg:$0xd] =	wrdreg s1  }
0x15: {  	[dreg:$0xe] =	wrdreg s26;
	s5 =	simm.s32 $0x3  }
0x16: {  	[spmem:s28], [sflag:s25] =	dma.local [hbm:s24], $0x2800  }
0x17: {  	_ =	swait.ge [sflag:s5], $0x2800  }
0x18: {  	[sflag:s5] =	ssyncset.done $0x0  }
0x19: {  	[sflag:s5] =	ssyncadd.s32 $0xFFFFD800  }
0x1a: {  	[bflag:$0x0] =	sbarrier.arrive $0xFFFF  }
0x1b: {  	s29 =	rddreg [dreg:$0x4]  }
0x1c: {  	[tilespmem:s13], [sflag:$0x3] =	stream.linear.gather [hbm4b:s29+s13], $0x800, $0x38;
	[tilespmem:$0x1D000] =	vst v63  }
0x1d: {  	_ =	swait.ge [sflag:s5], $0x800  }
0x1e: {  	[sflag:s5] =	ssyncset.done $0x0  }
0x1f: {  	s31 =	simm.s32 $0x800;
	s30 =	rddreg [dreg:$0x5];
	[sflag:s5] =	ssyncadd.s32 $0xFFFFF800  }
0x20: {  	[tilespmem:s31], [sflag:$0x3] =	stream.linear.gather [hbm4b:s30+s13], $0x800, $0x38;
	[tilespmem:$0x1D000] =	vst v63  }
0x21: {  	_ =	swait.ge [sflag:s5], $0x800  }
0x22: {  	s10 =	simm.s32 $0x1000;
	[sflag:s5] =	ssyncset.done $0x0  }
0x23: {  	s8 =	sadd.s32 $0x1FE00, s0;
	s9 =	simm.s32 $0x80;
	[sflag:s5] =	ssyncadd.s32 $0xFFFFF800  }
0x24: {  	[tilespmem:s10], [sflag:$0x1] =	stream.indirect.gather [hbm4b:s8+s9], $0x80, s13, s9, $0xb8;
	[tilespmem:$0x1D000] =	vst v63  }
0x25: {  	s11 =	simm.s32 $0x5000;
	s12 =	simm.s32 $0x1  }
0x26: {  	[tilespmem:s11], [sflag:$0x2] =	stream.indirect.gather [hbm4b:s8+s9], $0x80, s9, s9, $0xb8;
	[tilespmem:$0x1D000] =	vst v63  }
0x27: {  	_ =	swait.ge [sflag:s12], $0x4000  }
0x28: {  	[sflag:s12] =	ssyncset.done $0x0  }
0x29: {  	[sflag:s12] =	ssyncadd.s32 $0xFFFFC000  }
0x2a: {  	[spmem:s2] =	stream.indirect.scatter.add.f32 [tilespmem:s10], [sflag:$0x1], $0x80, s31, s9, $0xb8;
	[tilespmem:$0x1D000] =	vst v63  }
0x2b: {  	_ =	swait.ge [sflag:s12], $0x4000  }
0x2c: {  	[sflag:s12] =	ssyncset.done $0x0  }
0x2d: {  	s3 =	simm.s32 $0x100;
	s14 =	simm.s32 $0x2;
	[sflag:s12] =	ssyncadd.s32 $0xFFFFC000  }
0x2e: {  	[tilespmem:s10], [sflag:$0x1] =	stream.indirect.gather [hbm4b:s8+s9], $0x80, s3, s9, $0xb8;
	[tilespmem:$0x1D000] =	vst v63  }
0x2f: {  	_ =	swait.ge [sflag:s14], $0x4000  }
0x30: {  	[sflag:s14] =	ssyncset.done $0x0  }
0x31: {  	s4 =	simm.s32 $0x880;
	[sflag:s14] =	ssyncadd.s32 $0xFFFFC000  }
0x32: {  	[spmem:s2] =	stream.indirect.scatter.add.f32 [tilespmem:s11], [sflag:$0x2], $0x80, s4, s9, $0xb8;
	[tilespmem:$0x1D000] =	vst v63  }
0x33: {  	_ =	swait.ge [sflag:s14], $0x4000  }
0x34: {  	[sflag:s14] =	ssyncset.done $0x0  }
0x35: {  	s6 =	simm.s32 $0x180;
	[sflag:s14] =	ssyncadd.s32 $0xFFFFC000  }
0x36: {  	[tilespmem:s11], [sflag:$0x2] =	stream.indirect.gather [hbm4b:s8+s9], $0x80, s6, s9, $0xb8;
	[tilespmem:$0x1D000] =	vst v63  }
0x37: {  	_ =	swait.ge [sflag:s12], $0x4000  }
0x38: {  	[sflag:s12] =	ssyncset.done $0x0  }
0x39: {  	s7 =	simm.s32 $0x900;
	[sflag:s12] =	ssyncadd.s32 $0xFFFFC000  }
0x3a: {  	[spmem:s2] =	stream.indirect.scatter.add.f32 [tilespmem:s10], [sflag:$0x1], $0x80, s7, s9, $0xb8;
	[tilespmem:$0x1D000] =	vst v63  }
0x3b: {  	_ =	swait.ge [sflag:s12], $0x4000  }
0x3c: {  	[sflag:s12] =	ssyncset.done $0x0  }
0x3d: {  	s15 =	simm.s32 $0x200;
	[sflag:s12] =	ssyncadd.s32 $0xFFFFC000  }
0x3e: {  	[tilespmem:s10], [sflag:$0x1] =	stream.indirect.gather [hbm4b:s8+s9], $0x80, s15, s9, $0xb8;
	[tilespmem:$0x1D000] =	vst v63  }
0x3f: {  	_ =	swait.ge [sflag:s14], $0x4000  }
0x40: {  	[sflag:s14] =	ssyncset.done $0x0  }
0x41: {  	s16 =	simm.s32 $0x980;
	[sflag:s14] =	ssyncadd.s32 $0xFFFFC000  }
0x42: {  	[spmem:s2] =	stream.indirect.scatter.add.f32 [tilespmem:s11], [sflag:$0x2], $0x80, s16, s9, $0xb8;
	[tilespmem:$0x1D000] =	vst v63  }
0x43: {  	_ =	swait.ge [sflag:s14], $0x4000  }
0x44: {  	[sflag:s14] =	ssyncset.done $0x0  }
0x45: {  	s17 =	simm.s32 $0x280;
	[sflag:s14] =	ssyncadd.s32 $0xFFFFC000  }
0x46: {  	[tilespmem:s11], [sflag:$0x2] =	stream.indirect.gather [hbm4b:s8+s9], $0x80, s17, s9, $0xb8;
	[tilespmem:$0x1D000] =	vst v63  }
0x47: {  	_ =	swait.ge [sflag:s12], $0x4000  }
0x48: {  	[sflag:s12] =	ssyncset.done $0x0  }
0x49: {  	s18 =	simm.s32 $0xA00;
	[sflag:s12] =	ssyncadd.s32 $0xFFFFC000  }
0x4a: {  	[spmem:s2] =	stream.indirect.scatter.add.f32 [tilespmem:s10], [sflag:$0x1], $0x80, s18, s9, $0xb8;
	[tilespmem:$0x1D000] =	vst v63  }
0x4b: {  	_ =	swait.ge [sflag:s12], $0x4000  }
0x4c: {  	[sflag:s12] =	ssyncset.done $0x0  }
0x4d: {  	s19 =	simm.s32 $0x300;
	[sflag:s12] =	ssyncadd.s32 $0xFFFFC000  }
0x4e: {  	[tilespmem:s10], [sflag:$0x1] =	stream.indirect.gather [hbm4b:s8+s9], $0x80, s19, s9, $0xb8;
	[tilespmem:$0x1D000] =	vst v63  }
0x4f: {  	_ =	swait.ge [sflag:s14], $0x4000  }
0x50: {  	[sflag:s14] =	ssyncset.done $0x0  }
0x51: {  	s20 =	simm.s32 $0xA80;
	[sflag:s14] =	ssyncadd.s32 $0xFFFFC000  }
0x52: {  	[spmem:s2] =	stream.indirect.scatter.add.f32 [tilespmem:s11], [sflag:$0x2], $0x80, s20, s9, $0xb8;
	[tilespmem:$0x1D000] =	vst v63  }
0x53: {  	_ =	swait.ge [sflag:s14], $0x4000  }
0x54: {  	[sflag:s14] =	ssyncset.done $0x0  }
0x55: {  	s21 =	simm.s32 $0x380;
	[sflag:s14] =	ssyncadd.s32 $0xFFFFC000  }
0x56: {  	[tilespmem:s11], [sflag:$0x2] =	stream.indirect.gather [hbm4b:s8+s9], $0x80, s21, s9, $0xb8;
	[tilespmem:$0x1D000] =	vst v63  }
0x57: {  	_ =	swait.ge [sflag:s12], $0x4000  }
0x58: {  	[sflag:s12] =	ssyncset.done $0x0  }
0x59: {  	s22 =	simm.s32 $0xB00;
	[sflag:s12] =	ssyncadd.s32 $0xFFFFC000  }
0x5a: {  	[spmem:s2] =	stream.indirect.scatter.add.f32 [tilespmem:s10], [sflag:$0x1], $0x80, s22, s9, $0xb8;
	[tilespmem:$0x1D000] =	vst v63  }
0x5b: {  	_ =	swait.ge [sflag:s12], $0x4000  }
0x5c: {  	[sflag:s12] =	ssyncset.done $0x0  }
0x5d: {  	s23 =	simm.s32 $0x400;
	[sflag:s12] =	ssyncadd.s32 $0xFFFFC000  }
0x5e: {  	[tilespmem:s10], [sflag:$0x1] =	stream.indirect.gather [hbm4b:s8+s9], $0x80, s23, s9, $0xb8;
	[tilespmem:$0x1D000] =	vst v63  }
0x5f: {  	_ =	swait.ge [sflag:s14], $0x4000  }
0x60: {  	[sflag:s14] =	ssyncset.done $0x0  }
0x61: {  	s24 =	simm.s32 $0xB80;
	[sflag:s14] =	ssyncadd.s32 $0xFFFFC000  }
0x62: {  	[spmem:s2] =	stream.indirect.scatter.add.f32 [tilespmem:s11], [sflag:$0x2], $0x80, s24, s9, $0xb8;
	[tilespmem:$0x1D000] =	vst v63  }
0x63: {  	_ =	swait.ge [sflag:s14], $0x4000  }
0x64: {  	[sflag:s14] =	ssyncset.done $0x0  }
0x65: {  	s25 =	simm.s32 $0x480;
	[sflag:s14] =	ssyncadd.s32 $0xFFFFC000  }
0x66: {  	[tilespmem:s11], [sflag:$0x2] =	stream.indirect.gather [hbm4b:s8+s9], $0x80, s25, s9, $0xb8;
	[tilespmem:$0x1D000] =	vst v63  }
0x67: {  	_ =	swait.ge [sflag:s12], $0x4000  }
0x68: {  	[sflag:s12] =	ssyncset.done $0x0  }
0x69: {  	s26 =	simm.s32 $0xC00;
	[sflag:s12] =	ssyncadd.s32 $0xFFFFC000  }
0x6a: {  	[spmem:s2] =	stream.indirect.scatter.add.f32 [tilespmem:s10], [sflag:$0x1], $0x80, s26, s9, $0xb8;
	[tilespmem:$0x1D000] =	vst v63  }
0x6b: {  	_ =	swait.ge [sflag:s12], $0x4000  }
0x6c: {  	[sflag:s12] =	ssyncset.done $0x0  }
0x6d: {  	s28 =	simm.s32 $0x500;
	[sflag:s12] =	ssyncadd.s32 $0xFFFFC000  }
0x6e: {  	[tilespmem:s10], [sflag:$0x1] =	stream.indirect.gather [hbm4b:s8+s9], $0x80, s28, s9, $0xb8;
	[tilespmem:$0x1D000] =	vst v63  }
0x6f: {  	_ =	swait.ge [sflag:s14], $0x4000  }
0x70: {  	[sflag:s14] =	ssyncset.done $0x0  }
0x71: {  	s29 =	simm.s32 $0xC80;
	[sflag:s14] =	ssyncadd.s32 $0xFFFFC000  }
0x72: {  	[spmem:s2] =	stream.indirect.scatter.add.f32 [tilespmem:s11], [sflag:$0x2], $0x80, s29, s9, $0xb8;
	[tilespmem:$0x1D000] =	vst v63  }
0x73: {  	_ =	swait.ge [sflag:s14], $0x4000  }
0x74: {  	[sflag:s14] =	ssyncset.done $0x0  }
0x75: {  	s30 =	simm.s32 $0x580;
	[sflag:s14] =	ssyncadd.s32 $0xFFFFC000  }
0x76: {  	[tilespmem:s11], [sflag:$0x2] =	stream.indirect.gather [hbm4b:s8+s9], $0x80, s30, s9, $0xb8;
	[tilespmem:$0x1D000] =	vst v63  }
0x77: {  	_ =	swait.ge [sflag:s12], $0x4000  }
0x78: {  	[sflag:s12] =	ssyncset.done $0x0  }
0x79: {  	s31 =	simm.s32 $0xD00;
	[sflag:s12] =	ssyncadd.s32 $0xFFFFC000  }
0x7a: {  	[spmem:s2] =	stream.indirect.scatter.add.f32 [tilespmem:s10], [sflag:$0x1], $0x80, s31, s9, $0xb8;
	[tilespmem:$0x1D000] =	vst v63  }
0x7b: {  	_ =	swait.ge [sflag:s12], $0x4000  }
0x7c: {  	[sflag:s12] =	ssyncset.done $0x0  }
0x7d: {  	s1 =	simm.s32 $0x600;
	[sflag:s12] =	ssyncadd.s32 $0xFFFFC000  }
0x7e: {  	[tilespmem:s10], [sflag:$0x1] =	stream.indirect.gather [hbm4b:s8+s9], $0x80, s1, s9, $0xb8;
	[tilespmem:$0x1D000] =	vst v63  }
0x7f: {  	_ =	swait.ge [sflag:s14], $0x4000  }
0x80: {  	[sflag:s14] =	ssyncset.done $0x0  }
0x81: {  	s3 =	simm.s32 $0xD80;
	[sflag:s14] =	ssyncadd.s32 $0xFFFFC000  }
0x82: {  	[spmem:s2] =	stream.indirect.scatter.add.f32 [tilespmem:s11], [sflag:$0x2], $0x80, s3, s9, $0xb8;
	[tilespmem:$0x1D000] =	vst v63  }
0x83: {  	_ =	swait.ge [sflag:s14], $0x4000  }
0x84: {  	[sflag:s14] =	ssyncset.done $0x0  }
0x85: {  	s4 =	simm.s32 $0x680;
	[sflag:s14] =	ssyncadd.s32 $0xFFFFC000  }
0x86: {  	[tilespmem:s11], [sflag:$0x2] =	stream.indirect.gather [hbm4b:s8+s9], $0x80, s4, s9, $0xb8;
	[tilespmem:$0x1D000] =	vst v63  }
0x87: {  	_ =	swait.ge [sflag:s12], $0x4000  }
0x88: {  	[sflag:s12] =	ssyncset.done $0x0  }
0x89: {  	s6 =	simm.s32 $0xE00;
	[sflag:s12] =	ssyncadd.s32 $0xFFFFC000  }
0x8a: {  	[spmem:s2] =	stream.indirect.scatter.add.f32 [tilespmem:s10], [sflag:$0x1], $0x80, s6, s9, $0xb8;
	[tilespmem:$0x1D000] =	vst v63  }
0x8b: {  	_ =	swait.ge [sflag:s12], $0x4000  }
0x8c: {  	[sflag:s12] =	ssyncset.done $0x0  }
0x8d: {  	s7 =	simm.s32 $0x700;
	[sflag:s12] =	ssyncadd.s32 $0xFFFFC000  }
0x8e: {  	[tilespmem:s10], [sflag:$0x1] =	stream.indirect.gather [hbm4b:s8+s9], $0x80, s7, s9, $0xb8;
	[tilespmem:$0x1D000] =	vst v63  }
0x8f: {  	_ =	swait.ge [sflag:s14], $0x4000  }
0x90: {  	[sflag:s14] =	ssyncset.done $0x0  }
0x91: {  	s15 =	simm.s32 $0xE80;
	[sflag:s14] =	ssyncadd.s32 $0xFFFFC000  }
0x92: {  	[spmem:s2] =	stream.indirect.scatter.add.f32 [tilespmem:s11], [sflag:$0x2], $0x80, s15, s9, $0xb8;
	[tilespmem:$0x1D000] =	vst v63  }
0x93: {  	_ =	swait.ge [sflag:s14], $0x4000  }
0x94: {  	[sflag:s14] =	ssyncset.done $0x0  }
0x95: {  	s16 =	simm.s32 $0x780;
	[sflag:s14] =	ssyncadd.s32 $0xFFFFC000  }
0x96: {  	[tilespmem:s11], [sflag:$0x2] =	stream.indirect.gather [hbm4b:s8+s9], $0x80, s16, s9, $0xb8;
	[tilespmem:$0x1D000] =	vst v63  }
0x97: {  	_ =	swait.ge [sflag:s12], $0x4000  }
0x98: {  	[sflag:s12] =	ssyncset.done $0x0  }
0x99: {  	s17 =	simm.s32 $0xF00;
	[sflag:s12] =	ssyncadd.s32 $0xFFFFC000  }
0x9a: {  	[spmem:s2] =	stream.indirect.scatter.add.f32 [tilespmem:s10], [sflag:$0x1], $0x80, s17, s9, $0xb8;
	[tilespmem:$0x1D000] =	vst v63  }
0x9b: {  	_ =	swait.ge [sflag:s12], $0x4000  }
0x9c: {  	[sflag:s12] =	ssyncset.done $0x0  }
0x9d: {  	[sflag:s12] =	ssyncadd.s32 $0xFFFFC000  }
0x9e: {  	_ =	swait.ge [sflag:s14], $0x4000  }
0x9f: {  	[sflag:s14] =	ssyncset.done $0x0  }
0xa0: {  	s18 =	simm.s32 $0xF80;
	[sflag:s14] =	ssyncadd.s32 $0xFFFFC000  }
0xa1: {  	[spmem:s2] =	stream.indirect.scatter.add.f32 [tilespmem:s11], [sflag:$0x2], $0x80, s18, s9, $0xb8;
	[tilespmem:$0x1D000] =	vst v63  }
0xa2: {  	_ =	swait.ge [sflag:s14], $0x4000  }
0xa3: {  	[sflag:s14] =	ssyncset.done $0x0  }
0xa4: {  	s22 =	rddreg [dreg:$0x6];
	[sflag:s14] =	ssyncadd.s32 $0xFFFFC000  }
0xa5: {  	[tilespmem:s13], [sflag:$0x3] =	stream.linear.gather [hbm4b:s22+s13], $0x800, $0x38;
	[tilespmem:$0x1D000] =	vst v63  }
0xa6: {  	_ =	swait.ge [sflag:s5], $0x800  }
0xa7: {  	[sflag:s5] =	ssyncset.done $0x0  }
0xa8: {  	s20 =	simm.s32 $0x800;
	s19 =	rddreg [dreg:$0x7];
	[sflag:s5] =	ssyncadd.s32 $0xFFFFF800  }
0xa9: {  	[tilespmem:s20], [sflag:$0x3] =	stream.linear.gather [hbm4b:s19+s13], $0x800, $0x38;
	[tilespmem:$0x1D000] =	vst v63  }
0xaa: {  	_ =	swait.ge [sflag:s5], $0x800  }
0xab: {  	[sflag:s5] =	ssyncset.done $0x0  }
0xac: {  	[sflag:s5] =	ssyncadd.s32 $0xFFFFF800  }
0xad: {  	[tilespmem:s10], [sflag:$0x1] =	stream.indirect.gather [hbm4b:s8+s9], $0x80, s13, s9, $0xb8;
	[tilespmem:$0x1D000] =	vst v63  }
0xae: {  	_ = 	snop  }
0xaf: {  	[tilespmem:s11], [sflag:$0x2] =	stream.indirect.gather [hbm4b:s8+s9], $0x80, s9, s9, $0xb8;
	[tilespmem:$0x1D000] =	vst v63  }
0xb0: {  	_ =	swait.ge [sflag:s12], $0x4000  }
0xb1: {  	[sflag:s12] =	ssyncset.done $0x0  }
0xb2: {  	[sflag:s12] =	ssyncadd.s32 $0xFFFFC000  }
0xb3: {  	[spmem:s2] =	stream.indirect.scatter.add.f32 [tilespmem:s10], [sflag:$0x1], $0x80, s20, s9, $0xb8;
	[tilespmem:$0x1D000] =	vst v63  }
0xb4: {  	_ =	swait.ge [sflag:s12], $0x4000  }
0xb5: {  	[sflag:s12] =	ssyncset.done $0x0  }
0xb6: {  	s21 =	simm.s32 $0x100;
	[sflag:s12] =	ssyncadd.s32 $0xFFFFC000  }
0xb7: {  	[tilespmem:s10], [sflag:$0x1] =	stream.indirect.gather [hbm4b:s8+s9], $0x80, s21, s9, $0xb8;
	[tilespmem:$0x1D000] =	vst v63  }
0xb8: {  	_ =	swait.ge [sflag:s14], $0x4000  }
0xb9: {  	[sflag:s14] =	ssyncset.done $0x0  }
0xba: {  	s1 =	simm.s32 $0x880;
	[sflag:s14] =	ssyncadd.s32 $0xFFFFC000  }
0xbb: {  	[spmem:s2] =	stream.indirect.scatter.add.f32 [tilespmem:s11], [sflag:$0x2], $0x80, s1, s9, $0xb8;
	[tilespmem:$0x1D000] =	vst v63  }
0xbc: {  	_ =	swait.ge [sflag:s14], $0x4000  }
0xbd: {  	[sflag:s14] =	ssyncset.done $0x0  }
0xbe: {  	s3 =	simm.s32 $0x180;
	[sflag:s14] =	ssyncadd.s32 $0xFFFFC000  }
0xbf: {  	[tilespmem:s11], [sflag:$0x2] =	stream.indirect.gather [hbm4b:s8+s9], $0x80, s3, s9, $0xb8;
	[tilespmem:$0x1D000] =	vst v63  }
0xc0: {  	_ =	swait.ge [sflag:s12], $0x4000  }
0xc1: {  	[sflag:s12] =	ssyncset.done $0x0  }
0xc2: {  	s4 =	simm.s32 $0x900;
	[sflag:s12] =	ssyncadd.s32 $0xFFFFC000  }
0xc3: {  	[spmem:s2] =	stream.indirect.scatter.add.f32 [tilespmem:s10], [sflag:$0x1], $0x80, s4, s9, $0xb8;
	[tilespmem:$0x1D000] =	vst v63  }
0xc4: {  	_ =	swait.ge [sflag:s12], $0x4000  }
0xc5: {  	[sflag:s12] =	ssyncset.done $0x0  }
0xc6: {  	s6 =	simm.s32 $0x200;
	[sflag:s12] =	ssyncadd.s32 $0xFFFFC000  }
0xc7: {  	[tilespmem:s10], [sflag:$0x1] =	stream.indirect.gather [hbm4b:s8+s9], $0x80, s6, s9, $0xb8;
	[tilespmem:$0x1D000] =	vst v63  }
0xc8: {  	_ =	swait.ge [sflag:s14], $0x4000  }
0xc9: {  	[sflag:s14] =	ssyncset.done $0x0  }
0xca: {  	s7 =	simm.s32 $0x980;
	[sflag:s14] =	ssyncadd.s32 $0xFFFFC000  }
0xcb: {  	[spmem:s2] =	stream.indirect.scatter.add.f32 [tilespmem:s11], [sflag:$0x2], $0x80, s7, s9, $0xb8;
	[tilespmem:$0x1D000] =	vst v63  }
0xcc: {  	_ =	swait.ge [sflag:s14], $0x4000  }
0xcd: {  	[sflag:s14] =	ssyncset.done $0x0  }
0xce: {  	s15 =	simm.s32 $0x280;
	[sflag:s14] =	ssyncadd.s32 $0xFFFFC000  }
0xcf: {  	[tilespmem:s11], [sflag:$0x2] =	stream.indirect.gather [hbm4b:s8+s9], $0x80, s15, s9, $0xb8;
	[tilespmem:$0x1D000] =	vst v63  }
0xd0: {  	_ =	swait.ge [sflag:s12], $0x4000  }
0xd1: {  	[sflag:s12] =	ssyncset.done $0x0  }
0xd2: {  	s16 =	simm.s32 $0xA00;
	[sflag:s12] =	ssyncadd.s32 $0xFFFFC000  }
0xd3: {  	[spmem:s2] =	stream.indirect.scatter.add.f32 [tilespmem:s10], [sflag:$0x1], $0x80, s16, s9, $0xb8;
	[tilespmem:$0x1D000] =	vst v63  }
0xd4: {  	_ =	swait.ge [sflag:s12], $0x4000  }
0xd5: {  	[sflag:s12] =	ssyncset.done $0x0  }
0xd6: {  	s17 =	simm.s32 $0x300;
	[sflag:s12] =	ssyncadd.s32 $0xFFFFC000  }
0xd7: {  	[tilespmem:s10], [sflag:$0x1] =	stream.indirect.gather [hbm4b:s8+s9], $0x80, s17, s9, $0xb8;
	[tilespmem:$0x1D000] =	vst v63  }
0xd8: {  	_ =	swait.ge [sflag:s14], $0x4000  }
0xd9: {  	[sflag:s14] =	ssyncset.done $0x0  }
0xda: {  	s18 =	simm.s32 $0xA80;
	[sflag:s14] =	ssyncadd.s32 $0xFFFFC000  }
0xdb: {  	[spmem:s2] =	stream.indirect.scatter.add.f32 [tilespmem:s11], [sflag:$0x2], $0x80, s18, s9, $0xb8;
	[tilespmem:$0x1D000] =	vst v63  }
0xdc: {  	_ =	swait.ge [sflag:s14], $0x4000  }
0xdd: {  	[sflag:s14] =	ssyncset.done $0x0  }
0xde: {  	s19 =	simm.s32 $0x380;
	[sflag:s14] =	ssyncadd.s32 $0xFFFFC000  }
0xdf: {  	[tilespmem:s11], [sflag:$0x2] =	stream.indirect.gather [hbm4b:s8+s9], $0x80, s19, s9, $0xb8;
	[tilespmem:$0x1D000] =	vst v63  }
0xe0: {  	_ =	swait.ge [sflag:s12], $0x4000  }
0xe1: {  	[sflag:s12] =	ssyncset.done $0x0  }
0xe2: {  	s20 =	simm.s32 $0xB00;
	[sflag:s12] =	ssyncadd.s32 $0xFFFFC000  }
0xe3: {  	[spmem:s2] =	stream.indirect.scatter.add.f32 [tilespmem:s10], [sflag:$0x1], $0x80, s20, s9, $0xb8;
	[tilespmem:$0x1D000] =	vst v63  }
0xe4: {  	_ =	swait.ge [sflag:s12], $0x4000  }
0xe5: {  	[sflag:s12] =	ssyncset.done $0x0  }
0xe6: {  	s21 =	simm.s32 $0x400;
	[sflag:s12] =	ssyncadd.s32 $0xFFFFC000  }
0xe7: {  	[tilespmem:s10], [sflag:$0x1] =	stream.indirect.gather [hbm4b:s8+s9], $0x80, s21, s9, $0xb8;
	[tilespmem:$0x1D000] =	vst v63  }
0xe8: {  	_ =	swait.ge [sflag:s14], $0x4000  }
0xe9: {  	[sflag:s14] =	ssyncset.done $0x0  }
0xea: {  	s23 =	simm.s32 $0xB80;
	[sflag:s14] =	ssyncadd.s32 $0xFFFFC000  }
0xeb: {  	[spmem:s2] =	stream.indirect.scatter.add.f32 [tilespmem:s11], [sflag:$0x2], $0x80, s23, s9, $0xb8;
	[tilespmem:$0x1D000] =	vst v63  }
0xec: {  	_ =	swait.ge [sflag:s14], $0x4000  }
0xed: {  	[sflag:s14] =	ssyncset.done $0x0  }
0xee: {  	s24 =	simm.s32 $0x480;
	[sflag:s14] =	ssyncadd.s32 $0xFFFFC000  }
0xef: {  	[tilespmem:s11], [sflag:$0x2] =	stream.indirect.gather [hbm4b:s8+s9], $0x80, s24, s9, $0xb8;
	[tilespmem:$0x1D000] =	vst v63  }
0xf0: {  	_ =	swait.ge [sflag:s12], $0x4000  }
0xf1: {  	[sflag:s12] =	ssyncset.done $0x0  }
0xf2: {  	s25 =	simm.s32 $0xC00;
	[sflag:s12] =	ssyncadd.s32 $0xFFFFC000  }
0xf3: {  	[spmem:s2] =	stream.indirect.scatter.add.f32 [tilespmem:s10], [sflag:$0x1], $0x80, s25, s9, $0xb8;
	[tilespmem:$0x1D000] =	vst v63  }
0xf4: {  	_ =	swait.ge [sflag:s12], $0x4000  }
0xf5: {  	[sflag:s12] =	ssyncset.done $0x0  }
0xf6: {  	s26 =	simm.s32 $0x500;
	[sflag:s12] =	ssyncadd.s32 $0xFFFFC000  }
0xf7: {  	[tilespmem:s10], [sflag:$0x1] =	stream.indirect.gather [hbm4b:s8+s9], $0x80, s26, s9, $0xb8;
	[tilespmem:$0x1D000] =	vst v63  }
0xf8: {  	_ =	swait.ge [sflag:s14], $0x4000  }
0xf9: {  	[sflag:s14] =	ssyncset.done $0x0  }
0xfa: {  	s28 =	simm.s32 $0xC80;
	[sflag:s14] =	ssyncadd.s32 $0xFFFFC000  }
0xfb: {  	[spmem:s2] =	stream.indirect.scatter.add.f32 [tilespmem:s11], [sflag:$0x2], $0x80, s28, s9, $0xb8;
	[tilespmem:$0x1D000] =	vst v63  }
0xfc: {  	_ =	swait.ge [sflag:s14], $0x4000  }
0xfd: {  	[sflag:s14] =	ssyncset.done $0x0  }
0xfe: {  	s29 =	simm.s32 $0x580;
	[sflag:s14] =	ssyncadd.s32 $0xFFFFC000  }
0xff: {  	[tilespmem:s11], [sflag:$0x2] =	stream.indirect.gather [hbm4b:s8+s9], $0x80, s29, s9, $0xb8;
	[tilespmem:$0x1D000] =	vst v63  }
0x100: {  	_ =	swait.ge [sflag:s12], $0x4000  }
0x101: {  	[sflag:s12] =	ssyncset.done $0x0  }
0x102: {  	s30 =	simm.s32 $0xD00;
	[sflag:s12] =	ssyncadd.s32 $0xFFFFC000  }
0x103: {  	[spmem:s2] =	stream.indirect.scatter.add.f32 [tilespmem:s10], [sflag:$0x1], $0x80, s30, s9, $0xb8;
	[tilespmem:$0x1D000] =	vst v63  }
0x104: {  	_ =	swait.ge [sflag:s12], $0x4000  }
0x105: {  	[sflag:s12] =	ssyncset.done $0x0  }
0x106: {  	s31 =	simm.s32 $0x600;
	[sflag:s12] =	ssyncadd.s32 $0xFFFFC000  }
0x107: {  	[tilespmem:s10], [sflag:$0x1] =	stream.indirect.gather [hbm4b:s8+s9], $0x80, s31, s9, $0xb8;
	[tilespmem:$0x1D000] =	vst v63  }
0x108: {  	_ =	swait.ge [sflag:s14], $0x4000  }
0x109: {  	[sflag:s14] =	ssyncset.done $0x0  }
0x10a: {  	s22 =	simm.s32 $0xD80;
	[sflag:s14] =	ssyncadd.s32 $0xFFFFC000  }
0x10b: {  	[spmem:s2] =	stream.indirect.scatter.add.f32 [tilespmem:s11], [sflag:$0x2], $0x80, s22, s9, $0xb8;
	[tilespmem:$0x1D000] =	vst v63  }
0x10c: {  	_ =	swait.ge [sflag:s14], $0x4000  }
0x10d: {  	[sflag:s14] =	ssyncset.done $0x0  }
0x10e: {  	s22 =	simm.s32 $0x680;
	[sflag:s14] =	ssyncadd.s32 $0xFFFFC000  }
0x10f: {  	[tilespmem:s11], [sflag:$0x2] =	stream.indirect.gather [hbm4b:s8+s9], $0x80, s22, s9, $0xb8;
	[tilespmem:$0x1D000] =	vst v63  }
0x110: {  	_ =	swait.ge [sflag:s12], $0x4000  }
0x111: {  	[sflag:s12] =	ssyncset.done $0x0  }
0x112: {  	s22 =	simm.s32 $0xE00;
	[sflag:s12] =	ssyncadd.s32 $0xFFFFC000  }
0x113: {  	[spmem:s2] =	stream.indirect.scatter.add.f32 [tilespmem:s10], [sflag:$0x1], $0x80, s22, s9, $0xb8;
	[tilespmem:$0x1D000] =	vst v63  }
0x114: {  	_ =	swait.ge [sflag:s12], $0x4000  }
0x115: {  	[sflag:s12] =	ssyncset.done $0x0  }
0x116: {  	s22 =	simm.s32 $0x700;
	[sflag:s12] =	ssyncadd.s32 $0xFFFFC000  }
0x117: {  	[tilespmem:s10], [sflag:$0x1] =	stream.indirect.gather [hbm4b:s8+s9], $0x80, s22, s9, $0xb8;
	[tilespmem:$0x1D000] =	vst v63  }
0x118: {  	_ =	swait.ge [sflag:s14], $0x4000  }
0x119: {  	[sflag:s14] =	ssyncset.done $0x0  }
0x11a: {  	s22 =	simm.s32 $0xE80;
	[sflag:s14] =	ssyncadd.s32 $0xFFFFC000  }
0x11b: {  	[spmem:s2] =	stream.indirect.scatter.add.f32 [tilespmem:s11], [sflag:$0x2], $0x80, s22, s9, $0xb8;
	[tilespmem:$0x1D000] =	vst v63  }
0x11c: {  	_ =	swait.ge [sflag:s14], $0x4000  }
0x11d: {  	[sflag:s14] =	ssyncset.done $0x0  }
0x11e: {  	s22 =	simm.s32 $0x780;
	[sflag:s14] =	ssyncadd.s32 $0xFFFFC000  }
0x11f: {  	[tilespmem:s11], [sflag:$0x2] =	stream.indirect.gather [hbm4b:s8+s9], $0x80, s22, s9, $0xb8;
	[tilespmem:$0x1D000] =	vst v63  }
0x120: {  	_ =	swait.ge [sflag:s12], $0x4000  }
0x121: {  	[sflag:s12] =	ssyncset.done $0x0  }
0x122: {  	s22 =	simm.s32 $0xF00;
	[sflag:s12] =	ssyncadd.s32 $0xFFFFC000  }
0x123: {  	[spmem:s2] =	stream.indirect.scatter.add.f32 [tilespmem:s10], [sflag:$0x1], $0x80, s22, s9, $0xb8;
	[tilespmem:$0x1D000] =	vst v63  }
0x124: {  	_ =	swait.ge [sflag:s12], $0x4000  }
0x125: {  	[sflag:s12] =	ssyncset.done $0x0  }
0x126: {  	[sflag:s12] =	ssyncadd.s32 $0xFFFFC000  }
0x127: {  	_ =	swait.ge [sflag:s14], $0x4000  }
0x128: {  	[sflag:s14] =	ssyncset.done $0x0  }
0x129: {  	s22 =	simm.s32 $0xF80;
	[sflag:s14] =	ssyncadd.s32 $0xFFFFC000  }
0x12a: {  	[spmem:s2] =	stream.indirect.scatter.add.f32 [tilespmem:s11], [sflag:$0x2], $0x80, s22, s9, $0xb8;
	[tilespmem:$0x1D000] =	vst v63  }
0x12b: {  	_ =	swait.ge [sflag:s14], $0x4000  }
0x12c: {  	[sflag:s14] =	ssyncset.done $0x0  }
0x12d: {  	s22 =	rddreg [dreg:$0x8];
	[sflag:s14] =	ssyncadd.s32 $0xFFFFC000  }
0x12e: {  	[tilespmem:s13], [sflag:$0x3] =	stream.linear.gather [hbm4b:s22+s13], $0x800, $0x38;
	[tilespmem:$0x1D000] =	vst v63  }
0x12f: {  	_ =	swait.ge [sflag:s5], $0x800  }
0x130: {  	[sflag:s5] =	ssyncset.done $0x0  }
0x131: {  	s0 =	simm.s32 $0x800;
	s22 =	rddreg [dreg:$0x9];
	[sflag:s5] =	ssyncadd.s32 $0xFFFFF800  }
0x132: {  	[tilespmem:s0], [sflag:$0x3] =	stream.linear.gather [hbm4b:s22+s13], $0x800, $0x38;
	[tilespmem:$0x1D000] =	vst v63  }
0x133: {  	_ =	swait.ge [sflag:s5], $0x800  }
0x134: {  	[sflag:s5] =	ssyncset.done $0x0  }
0x135: {  	[sflag:s5] =	ssyncadd.s32 $0xFFFFF800  }
0x136: {  	[tilespmem:s10], [sflag:$0x1] =	stream.indirect.gather [hbm4b:s8+s9], $0x80, s13, s9, $0xb8;
	[tilespmem:$0x1D000] =	vst v63  }
0x137: {  	_ = 	snop  }
0x138: {  	[tilespmem:s11], [sflag:$0x2] =	stream.indirect.gather [hbm4b:s8+s9], $0x80, s9, s9, $0xb8;
	[tilespmem:$0x1D000] =	vst v63  }
0x139: {  	_ =	swait.ge [sflag:s12], $0x4000  }
0x13a: {  	[sflag:s12] =	ssyncset.done $0x0  }
0x13b: {  	[sflag:s12] =	ssyncadd.s32 $0xFFFFC000  }
0x13c: {  	[spmem:s2] =	stream.indirect.scatter.add.f32 [tilespmem:s10], [sflag:$0x1], $0x80, s0, s9, $0xb8;
	[tilespmem:$0x1D000] =	vst v63  }
0x13d: {  	_ =	swait.ge [sflag:s12], $0x4000  }
0x13e: {  	[sflag:s12] =	ssyncset.done $0x0  }
0x13f: {  	s22 =	simm.s32 $0x100;
	[sflag:s12] =	ssyncadd.s32 $0xFFFFC000  }
0x140: {  	[tilespmem:s10], [sflag:$0x1] =	stream.indirect.gather [hbm4b:s8+s9], $0x80, s22, s9, $0xb8;
	[tilespmem:$0x1D000] =	vst v63  }
0x141: {  	_ =	swait.ge [sflag:s14], $0x4000  }
0x142: {  	[sflag:s14] =	ssyncset.done $0x0  }
0x143: {  	[sflag:s14] =	ssyncadd.s32 $0xFFFFC000  }
0x144: {  	[spmem:s2] =	stream.indirect.scatter.add.f32 [tilespmem:s11], [sflag:$0x2], $0x80, s1, s9, $0xb8;
	[tilespmem:$0x1D000] =	vst v63  }
0x145: {  	_ =	swait.ge [sflag:s14], $0x4000  }
0x146: {  	[sflag:s14] =	ssyncset.done $0x0  }
0x147: {  	[sflag:s14] =	ssyncadd.s32 $0xFFFFC000  }
0x148: {  	[tilespmem:s11], [sflag:$0x2] =	stream.indirect.gather [hbm4b:s8+s9], $0x80, s3, s9, $0xb8;
	[tilespmem:$0x1D000] =	vst v63  }
0x149: {  	_ =	swait.ge [sflag:s12], $0x4000  }
0x14a: {  	[sflag:s12] =	ssyncset.done $0x0  }
0x14b: {  	[sflag:s12] =	ssyncadd.s32 $0xFFFFC000  }
0x14c: {  	[spmem:s2] =	stream.indirect.scatter.add.f32 [tilespmem:s10], [sflag:$0x1], $0x80, s4, s9, $0xb8;
	[tilespmem:$0x1D000] =	vst v63  }
0x14d: {  	_ =	swait.ge [sflag:s12], $0x4000  }
0x14e: {  	[sflag:s12] =	ssyncset.done $0x0  }
0x14f: {  	[sflag:s12] =	ssyncadd.s32 $0xFFFFC000  }
0x150: {  	[tilespmem:s10], [sflag:$0x1] =	stream.indirect.gather [hbm4b:s8+s9], $0x80, s6, s9, $0xb8;
	[tilespmem:$0x1D000] =	vst v63  }
0x151: {  	_ =	swait.ge [sflag:s14], $0x4000  }
0x152: {  	[sflag:s14] =	ssyncset.done $0x0  }
0x153: {  	[sflag:s14] =	ssyncadd.s32 $0xFFFFC000  }
0x154: {  	[spmem:s2] =	stream.indirect.scatter.add.f32 [tilespmem:s11], [sflag:$0x2], $0x80, s7, s9, $0xb8;
	[tilespmem:$0x1D000] =	vst v63  }
0x155: {  	_ =	swait.ge [sflag:s14], $0x4000  }
0x156: {  	[sflag:s14] =	ssyncset.done $0x0  }
0x157: {  	[sflag:s14] =	ssyncadd.s32 $0xFFFFC000  }
0x158: {  	[tilespmem:s11], [sflag:$0x2] =	stream.indirect.gather [hbm4b:s8+s9], $0x80, s15, s9, $0xb8;
	[tilespmem:$0x1D000] =	vst v63  }
0x159: {  	_ =	swait.ge [sflag:s12], $0x4000  }
0x15a: {  	[sflag:s12] =	ssyncset.done $0x0  }
0x15b: {  	[sflag:s12] =	ssyncadd.s32 $0xFFFFC000  }
0x15c: {  	[spmem:s2] =	stream.indirect.scatter.add.f32 [tilespmem:s10], [sflag:$0x1], $0x80, s16, s9, $0xb8;
	[tilespmem:$0x1D000] =	vst v63  }
0x15d: {  	_ =	swait.ge [sflag:s12], $0x4000  }
0x15e: {  	[sflag:s12] =	ssyncset.done $0x0  }
0x15f: {  	[sflag:s12] =	ssyncadd.s32 $0xFFFFC000  }
0x160: {  	[tilespmem:s10], [sflag:$0x1] =	stream.indirect.gather [hbm4b:s8+s9], $0x80, s17, s9, $0xb8;
	[tilespmem:$0x1D000] =	vst v63  }
0x161: {  	_ =	swait.ge [sflag:s14], $0x4000  }
0x162: {  	[sflag:s14] =	ssyncset.done $0x0  }
0x163: {  	[sflag:s14] =	ssyncadd.s32 $0xFFFFC000  }
0x164: {  	[spmem:s2] =	stream.indirect.scatter.add.f32 [tilespmem:s11], [sflag:$0x2], $0x80, s18, s9, $0xb8;
	[tilespmem:$0x1D000] =	vst v63  }
0x165: {  	_ =	swait.ge [sflag:s14], $0x4000  }
0x166: {  	[sflag:s14] =	ssyncset.done $0x0  }
0x167: {  	[sflag:s14] =	ssyncadd.s32 $0xFFFFC000  }
0x168: {  	[tilespmem:s11], [sflag:$0x2] =	stream.indirect.gather [hbm4b:s8+s9], $0x80, s19, s9, $0xb8;
	[tilespmem:$0x1D000] =	vst v63  }
0x169: {  	_ =	swait.ge [sflag:s12], $0x4000  }
0x16a: {  	[sflag:s12] =	ssyncset.done $0x0  }
0x16b: {  	[sflag:s12] =	ssyncadd.s32 $0xFFFFC000  }
0x16c: {  	[spmem:s2] =	stream.indirect.scatter.add.f32 [tilespmem:s10], [sflag:$0x1], $0x80, s20, s9, $0xb8;
	[tilespmem:$0x1D000] =	vst v63  }
0x16d: {  	_ =	swait.ge [sflag:s12], $0x4000  }
0x16e: {  	[sflag:s12] =	ssyncset.done $0x0  }
0x16f: {  	[sflag:s12] =	ssyncadd.s32 $0xFFFFC000  }
0x170: {  	[tilespmem:s10], [sflag:$0x1] =	stream.indirect.gather [hbm4b:s8+s9], $0x80, s21, s9, $0xb8;
	[tilespmem:$0x1D000] =	vst v63  }
0x171: {  	_ =	swait.ge [sflag:s14], $0x4000  }
0x172: {  	[sflag:s14] =	ssyncset.done $0x0  }
0x173: {  	[sflag:s14] =	ssyncadd.s32 $0xFFFFC000  }
0x174: {  	[spmem:s2] =	stream.indirect.scatter.add.f32 [tilespmem:s11], [sflag:$0x2], $0x80, s23, s9, $0xb8;
	[tilespmem:$0x1D000] =	vst v63  }
0x175: {  	_ =	swait.ge [sflag:s14], $0x4000  }
0x176: {  	[sflag:s14] =	ssyncset.done $0x0  }
0x177: {  	[sflag:s14] =	ssyncadd.s32 $0xFFFFC000  }
0x178: {  	[tilespmem:s11], [sflag:$0x2] =	stream.indirect.gather [hbm4b:s8+s9], $0x80, s24, s9, $0xb8;
	[tilespmem:$0x1D000] =	vst v63  }
0x179: {  	_ =	swait.ge [sflag:s12], $0x4000  }
0x17a: {  	[sflag:s12] =	ssyncset.done $0x0  }
0x17b: {  	[sflag:s12] =	ssyncadd.s32 $0xFFFFC000  }
0x17c: {  	[spmem:s2] =	stream.indirect.scatter.add.f32 [tilespmem:s10], [sflag:$0x1], $0x80, s25, s9, $0xb8;
	[tilespmem:$0x1D000] =	vst v63  }
0x17d: {  	_ =	swait.ge [sflag:s12], $0x4000  }
0x17e: {  	[sflag:s12] =	ssyncset.done $0x0  }
0x17f: {  	[sflag:s12] =	ssyncadd.s32 $0xFFFFC000  }
0x180: {  	[tilespmem:s10], [sflag:$0x1] =	stream.indirect.gather [hbm4b:s8+s9], $0x80, s26, s9, $0xb8;
	[tilespmem:$0x1D000] =	vst v63  }
0x181: {  	_ =	swait.ge [sflag:s14], $0x4000  }
0x182: {  	[sflag:s14] =	ssyncset.done $0x0  }
0x183: {  	[sflag:s14] =	ssyncadd.s32 $0xFFFFC000  }
0x184: {  	[spmem:s2] =	stream.indirect.scatter.add.f32 [tilespmem:s11], [sflag:$0x2], $0x80, s28, s9, $0xb8;
	[tilespmem:$0x1D000] =	vst v63  }
0x185: {  	_ =	swait.ge [sflag:s14], $0x4000  }
0x186: {  	[sflag:s14] =	ssyncset.done $0x0  }
0x187: {  	[sflag:s14] =	ssyncadd.s32 $0xFFFFC000  }
0x188: {  	[tilespmem:s11], [sflag:$0x2] =	stream.indirect.gather [hbm4b:s8+s9], $0x80, s29, s9, $0xb8;
	[tilespmem:$0x1D000] =	vst v63  }
0x189: {  	_ =	swait.ge [sflag:s12], $0x4000  }
0x18a: {  	[sflag:s12] =	ssyncset.done $0x0  }
0x18b: {  	[sflag:s12] =	ssyncadd.s32 $0xFFFFC000  }
0x18c: {  	[spmem:s2] =	stream.indirect.scatter.add.f32 [tilespmem:s10], [sflag:$0x1], $0x80, s30, s9, $0xb8;
	[tilespmem:$0x1D000] =	vst v63  }
0x18d: {  	_ =	swait.ge [sflag:s12], $0x4000  }
0x18e: {  	[sflag:s12] =	ssyncset.done $0x0  }
0x18f: {  	[sflag:s12] =	ssyncadd.s32 $0xFFFFC000  }
0x190: {  	[tilespmem:s10], [sflag:$0x1] =	stream.indirect.gather [hbm4b:s8+s9], $0x80, s31, s9, $0xb8;
	[tilespmem:$0x1D000] =	vst v63  }
0x191: {  	_ =	swait.ge [sflag:s14], $0x4000  }
0x192: {  	[sflag:s14] =	ssyncset.done $0x0  }
0x193: {  	s24 =	simm.s32 $0xD80;
	[sflag:s14] =	ssyncadd.s32 $0xFFFFC000  }
0x194: {  	[spmem:s2] =	stream.indirect.scatter.add.f32 [tilespmem:s11], [sflag:$0x2], $0x80, s24, s9, $0xb8;
	[tilespmem:$0x1D000] =	vst v63  }
0x195: {  	_ =	swait.ge [sflag:s14], $0x4000  }
0x196: {  	[sflag:s14] =	ssyncset.done $0x0  }
0x197: {  	s25 =	simm.s32 $0x680;
	[sflag:s14] =	ssyncadd.s32 $0xFFFFC000  }
0x198: {  	[tilespmem:s11], [sflag:$0x2] =	stream.indirect.gather [hbm4b:s8+s9], $0x80, s25, s9, $0xb8;
	[tilespmem:$0x1D000] =	vst v63  }
0x199: {  	_ =	swait.ge [sflag:s12], $0x4000  }
0x19a: {  	[sflag:s12] =	ssyncset.done $0x0  }
0x19b: {  	s26 =	simm.s32 $0xE00;
	[sflag:s12] =	ssyncadd.s32 $0xFFFFC000  }
0x19c: {  	[spmem:s2] =	stream.indirect.scatter.add.f32 [tilespmem:s10], [sflag:$0x1], $0x80, s26, s9, $0xb8;
	[tilespmem:$0x1D000] =	vst v63  }
0x19d: {  	_ =	swait.ge [sflag:s12], $0x4000  }
0x19e: {  	[sflag:s12] =	ssyncset.done $0x0  }
0x19f: {  	s28 =	simm.s32 $0x700;
	[sflag:s12] =	ssyncadd.s32 $0xFFFFC000  }
0x1a0: {  	[tilespmem:s10], [sflag:$0x1] =	stream.indirect.gather [hbm4b:s8+s9], $0x80, s28, s9, $0xb8;
	[tilespmem:$0x1D000] =	vst v63  }
0x1a1: {  	_ =	swait.ge [sflag:s14], $0x4000  }
0x1a2: {  	[sflag:s14] =	ssyncset.done $0x0  }
0x1a3: {  	s29 =	simm.s32 $0xE80;
	[sflag:s14] =	ssyncadd.s32 $0xFFFFC000  }
0x1a4: {  	[spmem:s2] =	stream.indirect.scatter.add.f32 [tilespmem:s11], [sflag:$0x2], $0x80, s29, s9, $0xb8;
	[tilespmem:$0x1D000] =	vst v63  }
0x1a5: {  	_ =	swait.ge [sflag:s14], $0x4000  }
0x1a6: {  	[sflag:s14] =	ssyncset.done $0x0  }
0x1a7: {  	s30 =	simm.s32 $0x780;
	[sflag:s14] =	ssyncadd.s32 $0xFFFFC000  }
0x1a8: {  	[tilespmem:s11], [sflag:$0x2] =	stream.indirect.gather [hbm4b:s8+s9], $0x80, s30, s9, $0xb8;
	[tilespmem:$0x1D000] =	vst v63  }
0x1a9: {  	_ =	swait.ge [sflag:s12], $0x4000  }
0x1aa: {  	[sflag:s12] =	ssyncset.done $0x0  }
0x1ab: {  	s31 =	simm.s32 $0xF00;
	[sflag:s12] =	ssyncadd.s32 $0xFFFFC000  }
0x1ac: {  	[spmem:s2] =	stream.indirect.scatter.add.f32 [tilespmem:s10], [sflag:$0x1], $0x80, s31, s9, $0xb8;
	[tilespmem:$0x1D000] =	vst v63  }
0x1ad: {  	_ =	swait.ge [sflag:s12], $0x4000  }
0x1ae: {  	[sflag:s12] =	ssyncset.done $0x0  }
0x1af: {  	[sflag:s12] =	ssyncadd.s32 $0xFFFFC000  }
0x1b0: {  	_ =	swait.ge [sflag:s14], $0x4000  }
0x1b1: {  	[sflag:s14] =	ssyncset.done $0x0  }
0x1b2: {  	s1 =	simm.s32 $0xF80;
	[sflag:s14] =	ssyncadd.s32 $0xFFFFC000  }
0x1b3: {  	[spmem:s2] =	stream.indirect.scatter.add.f32 [tilespmem:s11], [sflag:$0x2], $0x80, s1, s9, $0xb8;
	[tilespmem:$0x1D000] =	vst v63  }
0x1b4: {  	_ =	swait.ge [sflag:s14], $0x4000  }
0x1b5: {  	[sflag:s14] =	ssyncset.done $0x0  }
0x1b6: {  	s3 =	rddreg [dreg:$0xa];
	[sflag:s14] =	ssyncadd.s32 $0xFFFFC000  }
0x1b7: {  	[tilespmem:s13], [sflag:$0x3] =	stream.linear.gather [hbm4b:s3+s13], $0x800, $0x38;
	[tilespmem:$0x1D000] =	vst v63  }
0x1b8: {  	_ =	swait.ge [sflag:s5], $0x800  }
0x1b9: {  	[sflag:s5] =	ssyncset.done $0x0  }
0x1ba: {  	s6 =	simm.s32 $0x800;
	s4 =	rddreg [dreg:$0xb];
	[sflag:s5] =	ssyncadd.s32 $0xFFFFF800  }
0x1bb: {  	[tilespmem:s6], [sflag:$0x3] =	stream.linear.gather [hbm4b:s4+s13], $0x800, $0x38;
	[tilespmem:$0x1D000] =	vst v63  }
0x1bc: {  	_ =	swait.ge [sflag:s5], $0x800  }
0x1bd: {  	[sflag:s5] =	ssyncset.done $0x0  }
0x1be: {  	[sflag:s5] =	ssyncadd.s32 $0xFFFFF800  }
0x1bf: {  	[tilespmem:s10], [sflag:$0x1] =	stream.indirect.gather [hbm4b:s8+s9], $0x80, s13, s9, $0xb8;
	[tilespmem:$0x1D000] =	vst v63  }
0x1c0: {  	_ = 	snop  }
0x1c1: {  	[tilespmem:s11], [sflag:$0x2] =	stream.indirect.gather [hbm4b:s8+s9], $0x80, s9, s9, $0xb8;
	[tilespmem:$0x1D000] =	vst v63  }
0x1c2: {  	_ =	swait.ge [sflag:s12], $0x4000  }
0x1c3: {  	[sflag:s12] =	ssyncset.done $0x0  }
0x1c4: {  	[sflag:s12] =	ssyncadd.s32 $0xFFFFC000  }
0x1c5: {  	[spmem:s2] =	stream.indirect.scatter.add.f32 [tilespmem:s10], [sflag:$0x1], $0x80, s6, s9, $0xb8;
	[tilespmem:$0x1D000] =	vst v63  }
0x1c6: {  	_ =	swait.ge [sflag:s12], $0x4000  }
0x1c7: {  	[sflag:s12] =	ssyncset.done $0x0  }
0x1c8: {  	s7 =	simm.s32 $0x100;
	[sflag:s12] =	ssyncadd.s32 $0xFFFFC000  }
0x1c9: {  	[tilespmem:s10], [sflag:$0x1] =	stream.indirect.gather [hbm4b:s8+s9], $0x80, s7, s9, $0xb8;
	[tilespmem:$0x1D000] =	vst v63  }
0x1ca: {  	_ =	swait.ge [sflag:s14], $0x4000  }
0x1cb: {  	[sflag:s14] =	ssyncset.done $0x0  }
0x1cc: {  	s1 =	simm.s32 $0x880;
	[sflag:s14] =	ssyncadd.s32 $0xFFFFC000  }
0x1cd: {  	[spmem:s2] =	stream.indirect.scatter.add.f32 [tilespmem:s11], [sflag:$0x2], $0x80, s1, s9, $0xb8;
	[tilespmem:$0x1D000] =	vst v63  }
0x1ce: {  	_ =	swait.ge [sflag:s14], $0x4000  }
0x1cf: {  	[sflag:s14] =	ssyncset.done $0x0  }
0x1d0: {  	s15 =	simm.s32 $0x180;
	[sflag:s14] =	ssyncadd.s32 $0xFFFFC000  }
0x1d1: {  	[tilespmem:s11], [sflag:$0x2] =	stream.indirect.gather [hbm4b:s8+s9], $0x80, s15, s9, $0xb8;
	[tilespmem:$0x1D000] =	vst v63  }
0x1d2: {  	_ =	swait.ge [sflag:s12], $0x4000  }
0x1d3: {  	[sflag:s12] =	ssyncset.done $0x0  }
0x1d4: {  	s3 =	simm.s32 $0x900;
	[sflag:s12] =	ssyncadd.s32 $0xFFFFC000  }
0x1d5: {  	[spmem:s2] =	stream.indirect.scatter.add.f32 [tilespmem:s10], [sflag:$0x1], $0x80, s3, s9, $0xb8;
	[tilespmem:$0x1D000] =	vst v63  }
0x1d6: {  	_ =	swait.ge [sflag:s12], $0x4000  }
0x1d7: {  	[sflag:s12] =	ssyncset.done $0x0  }
0x1d8: {  	s16 =	simm.s32 $0x200;
	[sflag:s12] =	ssyncadd.s32 $0xFFFFC000  }
0x1d9: {  	[tilespmem:s10], [sflag:$0x1] =	stream.indirect.gather [hbm4b:s8+s9], $0x80, s16, s9, $0xb8;
	[tilespmem:$0x1D000] =	vst v63  }
0x1da: {  	_ =	swait.ge [sflag:s14], $0x4000  }
0x1db: {  	[sflag:s14] =	ssyncset.done $0x0  }
0x1dc: {  	s4 =	simm.s32 $0x980;
	[sflag:s14] =	ssyncadd.s32 $0xFFFFC000  }
0x1dd: {  	[spmem:s2] =	stream.indirect.scatter.add.f32 [tilespmem:s11], [sflag:$0x2], $0x80, s4, s9, $0xb8;
	[tilespmem:$0x1D000] =	vst v63  }
0x1de: {  	_ =	swait.ge [sflag:s14], $0x4000  }
0x1df: {  	[sflag:s14] =	ssyncset.done $0x0  }
0x1e0: {  	s18 =	simm.s32 $0x280;
	[sflag:s14] =	ssyncadd.s32 $0xFFFFC000  }
0x1e1: {  	[tilespmem:s11], [sflag:$0x2] =	stream.indirect.gather [hbm4b:s8+s9], $0x80, s18, s9, $0xb8;
	[tilespmem:$0x1D000] =	vst v63  }
0x1e2: {  	_ =	swait.ge [sflag:s12], $0x4000  }
0x1e3: {  	[sflag:s12] =	ssyncset.done $0x0  }
0x1e4: {  	s6 =	simm.s32 $0xA00;
	[sflag:s12] =	ssyncadd.s32 $0xFFFFC000  }
0x1e5: {  	[spmem:s2] =	stream.indirect.scatter.add.f32 [tilespmem:s10], [sflag:$0x1], $0x80, s6, s9, $0xb8;
	[tilespmem:$0x1D000] =	vst v63  }
0x1e6: {  	_ =	swait.ge [sflag:s12], $0x4000  }
0x1e7: {  	[sflag:s12] =	ssyncset.done $0x0  }
0x1e8: {  	s20 =	simm.s32 $0x300;
	[sflag:s12] =	ssyncadd.s32 $0xFFFFC000  }
0x1e9: {  	[tilespmem:s10], [sflag:$0x1] =	stream.indirect.gather [hbm4b:s8+s9], $0x80, s20, s9, $0xb8;
	[tilespmem:$0x1D000] =	vst v63  }
0x1ea: {  	_ =	swait.ge [sflag:s14], $0x4000  }
0x1eb: {  	[sflag:s14] =	ssyncset.done $0x0  }
0x1ec: {  	s7 =	simm.s32 $0xA80;
	[sflag:s14] =	ssyncadd.s32 $0xFFFFC000  }
0x1ed: {  	[spmem:s2] =	stream.indirect.scatter.add.f32 [tilespmem:s11], [sflag:$0x2], $0x80, s7, s9, $0xb8;
	[tilespmem:$0x1D000] =	vst v63  }
0x1ee: {  	_ =	swait.ge [sflag:s14], $0x4000  }
0x1ef: {  	[sflag:s14] =	ssyncset.done $0x0  }
0x1f0: {  	s22 =	simm.s32 $0x380;
	[sflag:s14] =	ssyncadd.s32 $0xFFFFC000  }
0x1f1: {  	[tilespmem:s11], [sflag:$0x2] =	stream.indirect.gather [hbm4b:s8+s9], $0x80, s22, s9, $0xb8;
	[tilespmem:$0x1D000] =	vst v63  }
0x1f2: {  	_ =	swait.ge [sflag:s12], $0x4000  }
0x1f3: {  	[sflag:s12] =	ssyncset.done $0x0  }
0x1f4: {  	s15 =	simm.s32 $0xB00;
	[sflag:s12] =	ssyncadd.s32 $0xFFFFC000  }
0x1f5: {  	[spmem:s2] =	stream.indirect.scatter.add.f32 [tilespmem:s10], [sflag:$0x1], $0x80, s15, s9, $0xb8;
	[tilespmem:$0x1D000] =	vst v63  }
0x1f6: {  	_ =	swait.ge [sflag:s12], $0x4000  }
0x1f7: {  	[sflag:s12] =	ssyncset.done $0x0  }
0x1f8: {  	s23 =	simm.s32 $0x400;
	[sflag:s12] =	ssyncadd.s32 $0xFFFFC000  }
0x1f9: {  	[tilespmem:s10], [sflag:$0x1] =	stream.indirect.gather [hbm4b:s8+s9], $0x80, s23, s9, $0xb8;
	[tilespmem:$0x1D000] =	vst v63  }
0x1fa: {  	_ =	swait.ge [sflag:s14], $0x4000  }
0x1fb: {  	[sflag:s14] =	ssyncset.done $0x0  }
0x1fc: {  	s24 =	simm.s32 $0xB80;
	[sflag:s14] =	ssyncadd.s32 $0xFFFFC000  }
0x1fd: {  	[spmem:s2] =	stream.indirect.scatter.add.f32 [tilespmem:s11], [sflag:$0x2], $0x80, s24, s9, $0xb8;
	[tilespmem:$0x1D000] =	vst v63  }
0x1fe: {  	_ =	swait.ge [sflag:s14], $0x4000  }
0x1ff: {  	[sflag:s14] =	ssyncset.done $0x0  }
0x200: {  	s25 =	simm.s32 $0x480;
	[sflag:s14] =	ssyncadd.s32 $0xFFFFC000  }
0x201: {  	[tilespmem:s11], [sflag:$0x2] =	stream.indirect.gather [hbm4b:s8+s9], $0x80, s25, s9, $0xb8;
	[tilespmem:$0x1D000] =	vst v63  }
0x202: {  	_ =	swait.ge [sflag:s12], $0x4000  }
0x203: {  	[sflag:s12] =	ssyncset.done $0x0  }
0x204: {  	s26 =	simm.s32 $0xC00;
	[sflag:s12] =	ssyncadd.s32 $0xFFFFC000  }
0x205: {  	[spmem:s2] =	stream.indirect.scatter.add.f32 [tilespmem:s10], [sflag:$0x1], $0x80, s26, s9, $0xb8;
	[tilespmem:$0x1D000] =	vst v63  }
0x206: {  	_ =	swait.ge [sflag:s12], $0x4000  }
0x207: {  	[sflag:s12] =	ssyncset.done $0x0  }
0x208: {  	s28 =	simm.s32 $0x500;
	[sflag:s12] =	ssyncadd.s32 $0xFFFFC000  }
0x209: {  	[tilespmem:s10], [sflag:$0x1] =	stream.indirect.gather [hbm4b:s8+s9], $0x80, s28, s9, $0xb8;
	[tilespmem:$0x1D000] =	vst v63  }
0x20a: {  	_ =	swait.ge [sflag:s14], $0x4000  }
0x20b: {  	[sflag:s14] =	ssyncset.done $0x0  }
0x20c: {  	s29 =	simm.s32 $0xC80;
	[sflag:s14] =	ssyncadd.s32 $0xFFFFC000  }
0x20d: {  	[spmem:s2] =	stream.indirect.scatter.add.f32 [tilespmem:s11], [sflag:$0x2], $0x80, s29, s9, $0xb8;
	[tilespmem:$0x1D000] =	vst v63  }
0x20e: {  	_ =	swait.ge [sflag:s14], $0x4000  }
0x20f: {  	[sflag:s14] =	ssyncset.done $0x0  }
0x210: {  	s30 =	simm.s32 $0x580;
	[sflag:s14] =	ssyncadd.s32 $0xFFFFC000  }
0x211: {  	[tilespmem:s11], [sflag:$0x2] =	stream.indirect.gather [hbm4b:s8+s9], $0x80, s30, s9, $0xb8;
	[tilespmem:$0x1D000] =	vst v63  }
0x212: {  	_ =	swait.ge [sflag:s12], $0x4000  }
0x213: {  	[sflag:s12] =	ssyncset.done $0x0  }
0x214: {  	s31 =	simm.s32 $0xD00;
	[sflag:s12] =	ssyncadd.s32 $0xFFFFC000  }
0x215: {  	[spmem:s2] =	stream.indirect.scatter.add.f32 [tilespmem:s10], [sflag:$0x1], $0x80, s31, s9, $0xb8;
	[tilespmem:$0x1D000] =	vst v63  }
0x216: {  	_ =	swait.ge [sflag:s12], $0x4000  }
0x217: {  	[sflag:s12] =	ssyncset.done $0x0  }
0x218: {  	s22 =	simm.s32 $0x600;
	[sflag:s12] =	ssyncadd.s32 $0xFFFFC000  }
0x219: {  	[tilespmem:s10], [sflag:$0x1] =	stream.indirect.gather [hbm4b:s8+s9], $0x80, s22, s9, $0xb8;
	[tilespmem:$0x1D000] =	vst v63  }
0x21a: {  	_ =	swait.ge [sflag:s14], $0x4000  }
0x21b: {  	[sflag:s14] =	ssyncset.done $0x0  }
0x21c: {  	s22 =	simm.s32 $0xD80;
	[sflag:s14] =	ssyncadd.s32 $0xFFFFC000  }
0x21d: {  	[spmem:s2] =	stream.indirect.scatter.add.f32 [tilespmem:s11], [sflag:$0x2], $0x80, s22, s9, $0xb8;
	[tilespmem:$0x1D000] =	vst v63  }
0x21e: {  	_ =	swait.ge [sflag:s14], $0x4000  }
0x21f: {  	[sflag:s14] =	ssyncset.done $0x0  }
0x220: {  	s22 =	simm.s32 $0x680;
	[sflag:s14] =	ssyncadd.s32 $0xFFFFC000  }
0x221: {  	[tilespmem:s11], [sflag:$0x2] =	stream.indirect.gather [hbm4b:s8+s9], $0x80, s22, s9, $0xb8;
	[tilespmem:$0x1D000] =	vst v63  }
0x222: {  	_ =	swait.ge [sflag:s12], $0x4000  }
0x223: {  	[sflag:s12] =	ssyncset.done $0x0  }
0x224: {  	s22 =	simm.s32 $0xE00;
	[sflag:s12] =	ssyncadd.s32 $0xFFFFC000  }
0x225: {  	[spmem:s2] =	stream.indirect.scatter.add.f32 [tilespmem:s10], [sflag:$0x1], $0x80, s22, s9, $0xb8;
	[tilespmem:$0x1D000] =	vst v63  }
0x226: {  	_ =	swait.ge [sflag:s12], $0x4000  }
0x227: {  	[sflag:s12] =	ssyncset.done $0x0  }
0x228: {  	s22 =	simm.s32 $0x700;
	[sflag:s12] =	ssyncadd.s32 $0xFFFFC000  }
0x229: {  	[tilespmem:s10], [sflag:$0x1] =	stream.indirect.gather [hbm4b:s8+s9], $0x80, s22, s9, $0xb8;
	[tilespmem:$0x1D000] =	vst v63  }
0x22a: {  	_ =	swait.ge [sflag:s14], $0x4000  }
0x22b: {  	[sflag:s14] =	ssyncset.done $0x0  }
0x22c: {  	s22 =	simm.s32 $0xE80;
	[sflag:s14] =	ssyncadd.s32 $0xFFFFC000  }
0x22d: {  	[spmem:s2] =	stream.indirect.scatter.add.f32 [tilespmem:s11], [sflag:$0x2], $0x80, s22, s9, $0xb8;
	[tilespmem:$0x1D000] =	vst v63  }
0x22e: {  	_ =	swait.ge [sflag:s14], $0x4000  }
0x22f: {  	[sflag:s14] =	ssyncset.done $0x0  }
0x230: {  	s22 =	simm.s32 $0x780;
	[sflag:s14] =	ssyncadd.s32 $0xFFFFC000  }
0x231: {  	[tilespmem:s11], [sflag:$0x2] =	stream.indirect.gather [hbm4b:s8+s9], $0x80, s22, s9, $0xb8;
	[tilespmem:$0x1D000] =	vst v63  }
0x232: {  	_ =	swait.ge [sflag:s12], $0x4000  }
0x233: {  	[sflag:s12] =	ssyncset.done $0x0  }
0x234: {  	s22 =	simm.s32 $0xF00;
	[sflag:s12] =	ssyncadd.s32 $0xFFFFC000  }
0x235: {  	[spmem:s2] =	stream.indirect.scatter.add.f32 [tilespmem:s10], [sflag:$0x1], $0x80, s22, s9, $0xb8;
	[tilespmem:$0x1D000] =	vst v63  }
0x236: {  	_ =	swait.ge [sflag:s12], $0x4000  }
0x237: {  	[sflag:s12] =	ssyncset.done $0x0  }
0x238: {  	[sflag:s12] =	ssyncadd.s32 $0xFFFFC000  }
0x239: {  	_ =	swait.ge [sflag:s14], $0x4000  }
0x23a: {  	[sflag:s14] =	ssyncset.done $0x0  }
0x23b: {  	s22 =	simm.s32 $0xF80;
	[sflag:s14] =	ssyncadd.s32 $0xFFFFC000  }
0x23c: {  	[spmem:s2] =	stream.indirect.scatter.add.f32 [tilespmem:s11], [sflag:$0x2], $0x80, s22, s9, $0xb8;
	[tilespmem:$0x1D000] =	vst v63  }
0x23d: {  	_ =	swait.ge [sflag:s14], $0x4000  }
0x23e: {  	[sflag:s14] =	ssyncset.done $0x0  }
0x23f: {  	s22 =	rddreg [dreg:$0xc];
	[sflag:s14] =	ssyncadd.s32 $0xFFFFC000  }
0x240: {  	[tilespmem:s13], [sflag:$0x3] =	stream.linear.gather [hbm4b:s22+s13], $0x800, $0x38;
	[tilespmem:$0x1D000] =	vst v63  }
0x241: {  	_ =	swait.ge [sflag:s5], $0x800  }
0x242: {  	[sflag:s5] =	ssyncset.done $0x0  }
0x243: {  	s0 =	simm.s32 $0x800;
	s22 =	rddreg [dreg:$0xd];
	[sflag:s5] =	ssyncadd.s32 $0xFFFFF800  }
0x244: {  	[tilespmem:s0], [sflag:$0x3] =	stream.linear.gather [hbm4b:s22+s13], $0x800, $0x38;
	[tilespmem:$0x1D000] =	vst v63  }
0x245: {  	_ =	swait.ge [sflag:s5], $0x800  }
0x246: {  	[sflag:s5] =	ssyncset.done $0x0  }
0x247: {  	[sflag:s5] =	ssyncadd.s32 $0xFFFFF800  }
0x248: {  	[tilespmem:s10], [sflag:$0x1] =	stream.indirect.gather [hbm4b:s8+s9], $0x80, s13, s9, $0xb8;
	[tilespmem:$0x1D000] =	vst v63  }
0x249: {  	_ = 	snop  }
0x24a: {  	[tilespmem:s11], [sflag:$0x2] =	stream.indirect.gather [hbm4b:s8+s9], $0x80, s9, s9, $0xb8;
	[tilespmem:$0x1D000] =	vst v63  }
0x24b: {  	_ =	swait.ge [sflag:s12], $0x4000  }
0x24c: {  	[sflag:s12] =	ssyncset.done $0x0  }
0x24d: {  	[sflag:s12] =	ssyncadd.s32 $0xFFFFC000  }
0x24e: {  	[spmem:s2] =	stream.indirect.scatter.add.f32 [tilespmem:s10], [sflag:$0x1], $0x80, s0, s9, $0xb8;
	[tilespmem:$0x1D000] =	vst v63  }
0x24f: {  	_ =	swait.ge [sflag:s12], $0x4000  }
0x250: {  	[sflag:s12] =	ssyncset.done $0x0  }
0x251: {  	s17 =	simm.s32 $0x100;
	[sflag:s12] =	ssyncadd.s32 $0xFFFFC000  }
0x252: {  	[tilespmem:s10], [sflag:$0x1] =	stream.indirect.gather [hbm4b:s8+s9], $0x80, s17, s9, $0xb8;
	[tilespmem:$0x1D000] =	vst v63  }
0x253: {  	_ =	swait.ge [sflag:s14], $0x4000  }
0x254: {  	[sflag:s14] =	ssyncset.done $0x0  }
0x255: {  	[sflag:s14] =	ssyncadd.s32 $0xFFFFC000  }
0x256: {  	[spmem:s2] =	stream.indirect.scatter.add.f32 [tilespmem:s11], [sflag:$0x2], $0x80, s1, s9, $0xb8;
	[tilespmem:$0x1D000] =	vst v63  }
0x257: {  	_ =	swait.ge [sflag:s14], $0x4000  }
0x258: {  	[sflag:s14] =	ssyncset.done $0x0  }
0x259: {  	s21 =	simm.s32 $0x180;
	[sflag:s14] =	ssyncadd.s32 $0xFFFFC000  }
0x25a: {  	[tilespmem:s11], [sflag:$0x2] =	stream.indirect.gather [hbm4b:s8+s9], $0x80, s21, s9, $0xb8;
	[tilespmem:$0x1D000] =	vst v63  }
0x25b: {  	_ =	swait.ge [sflag:s12], $0x4000  }
0x25c: {  	[sflag:s12] =	ssyncset.done $0x0  }
0x25d: {  	[sflag:s12] =	ssyncadd.s32 $0xFFFFC000  }
0x25e: {  	[spmem:s2] =	stream.indirect.scatter.add.f32 [tilespmem:s10], [sflag:$0x1], $0x80, s3, s9, $0xb8;
	[tilespmem:$0x1D000] =	vst v63  }
0x25f: {  	_ =	swait.ge [sflag:s12], $0x4000  }
0x260: {  	[sflag:s12] =	ssyncset.done $0x0  }
0x261: {  	s19 =	simm.s32 $0x200;
	[sflag:s12] =	ssyncadd.s32 $0xFFFFC000  }
0x262: {  	[tilespmem:s10], [sflag:$0x1] =	stream.indirect.gather [hbm4b:s8+s9], $0x80, s19, s9, $0xb8;
	[tilespmem:$0x1D000] =	vst v63  }
0x263: {  	_ =	swait.ge [sflag:s14], $0x4000  }
0x264: {  	[sflag:s14] =	ssyncset.done $0x0  }
0x265: {  	[sflag:s14] =	ssyncadd.s32 $0xFFFFC000  }
0x266: {  	[spmem:s2] =	stream.indirect.scatter.add.f32 [tilespmem:s11], [sflag:$0x2], $0x80, s4, s9, $0xb8;
	[tilespmem:$0x1D000] =	vst v63  }
0x267: {  	_ =	swait.ge [sflag:s14], $0x4000  }
0x268: {  	[sflag:s14] =	ssyncset.done $0x0  }
0x269: {  	s16 =	simm.s32 $0x280;
	[sflag:s14] =	ssyncadd.s32 $0xFFFFC000  }
0x26a: {  	[tilespmem:s11], [sflag:$0x2] =	stream.indirect.gather [hbm4b:s8+s9], $0x80, s16, s9, $0xb8;
	[tilespmem:$0x1D000] =	vst v63  }
0x26b: {  	_ =	swait.ge [sflag:s12], $0x4000  }
0x26c: {  	[sflag:s12] =	ssyncset.done $0x0  }
0x26d: {  	[sflag:s12] =	ssyncadd.s32 $0xFFFFC000  }
0x26e: {  	[spmem:s2] =	stream.indirect.scatter.add.f32 [tilespmem:s10], [sflag:$0x1], $0x80, s6, s9, $0xb8;
	[tilespmem:$0x1D000] =	vst v63  }
0x26f: {  	_ =	swait.ge [sflag:s12], $0x4000  }
0x270: {  	[sflag:s12] =	ssyncset.done $0x0  }
0x271: {  	s18 =	simm.s32 $0x300;
	[sflag:s12] =	ssyncadd.s32 $0xFFFFC000  }
0x272: {  	[tilespmem:s10], [sflag:$0x1] =	stream.indirect.gather [hbm4b:s8+s9], $0x80, s18, s9, $0xb8;
	[tilespmem:$0x1D000] =	vst v63  }
0x273: {  	_ =	swait.ge [sflag:s14], $0x4000  }
0x274: {  	[sflag:s14] =	ssyncset.done $0x0  }
0x275: {  	[sflag:s14] =	ssyncadd.s32 $0xFFFFC000  }
0x276: {  	[spmem:s2] =	stream.indirect.scatter.add.f32 [tilespmem:s11], [sflag:$0x2], $0x80, s7, s9, $0xb8;
	[tilespmem:$0x1D000] =	vst v63  }
0x277: {  	_ =	swait.ge [sflag:s14], $0x4000  }
0x278: {  	[sflag:s14] =	ssyncset.done $0x0  }
0x279: {  	s20 =	simm.s32 $0x380;
	[sflag:s14] =	ssyncadd.s32 $0xFFFFC000  }
0x27a: {  	[tilespmem:s11], [sflag:$0x2] =	stream.indirect.gather [hbm4b:s8+s9], $0x80, s20, s9, $0xb8;
	[tilespmem:$0x1D000] =	vst v63  }
0x27b: {  	_ =	swait.ge [sflag:s12], $0x4000  }
0x27c: {  	[sflag:s12] =	ssyncset.done $0x0  }
0x27d: {  	[sflag:s12] =	ssyncadd.s32 $0xFFFFC000  }
0x27e: {  	[spmem:s2] =	stream.indirect.scatter.add.f32 [tilespmem:s10], [sflag:$0x1], $0x80, s15, s9, $0xb8;
	[tilespmem:$0x1D000] =	vst v63  }
0x27f: {  	_ =	swait.ge [sflag:s12], $0x4000  }
0x280: {  	[sflag:s12] =	ssyncset.done $0x0  }
0x281: {  	s23 =	simm.s32 $0x400;
	[sflag:s12] =	ssyncadd.s32 $0xFFFFC000  }
0x282: {  	[tilespmem:s10], [sflag:$0x1] =	stream.indirect.gather [hbm4b:s8+s9], $0x80, s23, s9, $0xb8;
	[tilespmem:$0x1D000] =	vst v63  }
0x283: {  	_ =	swait.ge [sflag:s14], $0x4000  }
0x284: {  	[sflag:s14] =	ssyncset.done $0x0  }
0x285: {  	s24 =	simm.s32 $0xB80;
	[sflag:s14] =	ssyncadd.s32 $0xFFFFC000  }
0x286: {  	[spmem:s2] =	stream.indirect.scatter.add.f32 [tilespmem:s11], [sflag:$0x2], $0x80, s24, s9, $0xb8;
	[tilespmem:$0x1D000] =	vst v63  }
0x287: {  	_ =	swait.ge [sflag:s14], $0x4000  }
0x288: {  	[sflag:s14] =	ssyncset.done $0x0  }
0x289: {  	s25 =	simm.s32 $0x480;
	[sflag:s14] =	ssyncadd.s32 $0xFFFFC000  }
0x28a: {  	[tilespmem:s11], [sflag:$0x2] =	stream.indirect.gather [hbm4b:s8+s9], $0x80, s25, s9, $0xb8;
	[tilespmem:$0x1D000] =	vst v63  }
0x28b: {  	_ =	swait.ge [sflag:s12], $0x4000  }
0x28c: {  	[sflag:s12] =	ssyncset.done $0x0  }
0x28d: {  	s26 =	simm.s32 $0xC00;
	[sflag:s12] =	ssyncadd.s32 $0xFFFFC000  }
0x28e: {  	[spmem:s2] =	stream.indirect.scatter.add.f32 [tilespmem:s10], [sflag:$0x1], $0x80, s26, s9, $0xb8;
	[tilespmem:$0x1D000] =	vst v63  }
0x28f: {  	_ =	swait.ge [sflag:s12], $0x4000  }
0x290: {  	[sflag:s12] =	ssyncset.done $0x0  }
0x291: {  	s28 =	simm.s32 $0x500;
	[sflag:s12] =	ssyncadd.s32 $0xFFFFC000  }
0x292: {  	[tilespmem:s10], [sflag:$0x1] =	stream.indirect.gather [hbm4b:s8+s9], $0x80, s28, s9, $0xb8;
	[tilespmem:$0x1D000] =	vst v63  }
0x293: {  	_ =	swait.ge [sflag:s14], $0x4000  }
0x294: {  	[sflag:s14] =	ssyncset.done $0x0  }
0x295: {  	s29 =	simm.s32 $0xC80;
	[sflag:s14] =	ssyncadd.s32 $0xFFFFC000  }
0x296: {  	[spmem:s2] =	stream.indirect.scatter.add.f32 [tilespmem:s11], [sflag:$0x2], $0x80, s29, s9, $0xb8;
	[tilespmem:$0x1D000] =	vst v63  }
0x297: {  	_ =	swait.ge [sflag:s14], $0x4000  }
0x298: {  	[sflag:s14] =	ssyncset.done $0x0  }
0x299: {  	s30 =	simm.s32 $0x580;
	[sflag:s14] =	ssyncadd.s32 $0xFFFFC000  }
0x29a: {  	[tilespmem:s11], [sflag:$0x2] =	stream.indirect.gather [hbm4b:s8+s9], $0x80, s30, s9, $0xb8;
	[tilespmem:$0x1D000] =	vst v63  }
0x29b: {  	_ =	swait.ge [sflag:s12], $0x4000  }
0x29c: {  	[sflag:s12] =	ssyncset.done $0x0  }
0x29d: {  	s31 =	simm.s32 $0xD00;
	[sflag:s12] =	ssyncadd.s32 $0xFFFFC000  }
0x29e: {  	[spmem:s2] =	stream.indirect.scatter.add.f32 [tilespmem:s10], [sflag:$0x1], $0x80, s31, s9, $0xb8;
	[tilespmem:$0x1D000] =	vst v63  }
0x29f: {  	_ =	swait.ge [sflag:s12], $0x4000  }
0x2a0: {  	[sflag:s12] =	ssyncset.done $0x0  }
0x2a1: {  	s17 =	simm.s32 $0x600;
	[sflag:s12] =	ssyncadd.s32 $0xFFFFC000  }
0x2a2: {  	[tilespmem:s10], [sflag:$0x1] =	stream.indirect.gather [hbm4b:s8+s9], $0x80, s17, s9, $0xb8;
	[tilespmem:$0x1D000] =	vst v63  }
0x2a3: {  	_ =	swait.ge [sflag:s14], $0x4000  }
0x2a4: {  	[sflag:s14] =	ssyncset.done $0x0  }
0x2a5: {  	s18 =	simm.s32 $0xD80;
	[sflag:s14] =	ssyncadd.s32 $0xFFFFC000  }
0x2a6: {  	[spmem:s2] =	stream.indirect.scatter.add.f32 [tilespmem:s11], [sflag:$0x2], $0x80, s18, s9, $0xb8;
	[tilespmem:$0x1D000] =	vst v63  }
0x2a7: {  	_ =	swait.ge [sflag:s14], $0x4000  }
0x2a8: {  	[sflag:s14] =	ssyncset.done $0x0  }
0x2a9: {  	s19 =	simm.s32 $0x680;
	[sflag:s14] =	ssyncadd.s32 $0xFFFFC000  }
0x2aa: {  	[tilespmem:s11], [sflag:$0x2] =	stream.indirect.gather [hbm4b:s8+s9], $0x80, s19, s9, $0xb8;
	[tilespmem:$0x1D000] =	vst v63  }
0x2ab: {  	_ =	swait.ge [sflag:s12], $0x4000  }
0x2ac: {  	[sflag:s12] =	ssyncset.done $0x0  }
0x2ad: {  	s20 =	simm.s32 $0xE00;
	[sflag:s12] =	ssyncadd.s32 $0xFFFFC000  }
0x2ae: {  	[spmem:s2] =	stream.indirect.scatter.add.f32 [tilespmem:s10], [sflag:$0x1], $0x80, s20, s9, $0xb8;
	[tilespmem:$0x1D000] =	vst v63  }
0x2af: {  	_ =	swait.ge [sflag:s12], $0x4000  }
0x2b0: {  	[sflag:s12] =	ssyncset.done $0x0  }
0x2b1: {  	s21 =	simm.s32 $0x700;
	[sflag:s12] =	ssyncadd.s32 $0xFFFFC000  }
0x2b2: {  	[tilespmem:s10], [sflag:$0x1] =	stream.indirect.gather [hbm4b:s8+s9], $0x80, s21, s9, $0xb8;
	[tilespmem:$0x1D000] =	vst v63  }
0x2b3: {  	_ =	swait.ge [sflag:s14], $0x4000  }
0x2b4: {  	[sflag:s14] =	ssyncset.done $0x0  }
0x2b5: {  	s22 =	simm.s32 $0xE80;
	[sflag:s14] =	ssyncadd.s32 $0xFFFFC000  }
0x2b6: {  	[spmem:s2] =	stream.indirect.scatter.add.f32 [tilespmem:s11], [sflag:$0x2], $0x80, s22, s9, $0xb8;
	[tilespmem:$0x1D000] =	vst v63  }
0x2b7: {  	_ =	swait.ge [sflag:s14], $0x4000  }
0x2b8: {  	[sflag:s14] =	ssyncset.done $0x0  }
0x2b9: {  	s23 =	simm.s32 $0x780;
	[sflag:s14] =	ssyncadd.s32 $0xFFFFC000  }
0x2ba: {  	[tilespmem:s11], [sflag:$0x2] =	stream.indirect.gather [hbm4b:s8+s9], $0x80, s23, s9, $0xb8;
	[tilespmem:$0x1D000] =	vst v63  }
0x2bb: {  	_ =	swait.ge [sflag:s12], $0x4000  }
0x2bc: {  	[sflag:s12] =	ssyncset.done $0x0  }
0x2bd: {  	s24 =	simm.s32 $0xF00;
	[sflag:s12] =	ssyncadd.s32 $0xFFFFC000  }
0x2be: {  	[spmem:s2] =	stream.indirect.scatter.add.f32 [tilespmem:s10], [sflag:$0x1], $0x80, s24, s9, $0xb8;
	[tilespmem:$0x1D000] =	vst v63  }
0x2bf: {  	_ =	swait.ge [sflag:s12], $0x4000  }
0x2c0: {  	[sflag:s12] =	ssyncset.done $0x0  }
0x2c1: {  	[sflag:s12] =	ssyncadd.s32 $0xFFFFC000  }
0x2c2: {  	_ =	swait.ge [sflag:s14], $0x4000  }
0x2c3: {  	[sflag:s14] =	ssyncset.done $0x0  }
0x2c4: {  	s25 =	simm.s32 $0xF80;
	[sflag:s14] =	ssyncadd.s32 $0xFFFFC000  }
0x2c5: {  	[spmem:s2] =	stream.indirect.scatter.add.f32 [tilespmem:s11], [sflag:$0x2], $0x80, s25, s9, $0xb8;
	[tilespmem:$0x1D000] =	vst v63  }
0x2c6: {  	_ =	swait.ge [sflag:s14], $0x4000  }
0x2c7: {  	[sflag:s14] =	ssyncset.done $0x0  }
0x2c8: {  	[sflag:s14] =	ssyncadd.s32 $0xFFFFC000  }
0x2c9: {  	[bflag:$0x0] =	sbarrier.arrive $0xFFFF  }
0x2ca: {  	s26 =	rddreg [dreg:$0x11]  }
0x2cb: {  	s0 =	ssub.s32 $0x2, s26  }
0x2cc: {  	s29 =	sshrl.u32 s0, $0x1  }
0x2cd: {  	s22 =	ssub.s32 s0, s29  }
0x2ce: {  	s22 =	smax.u32 s22, $0x1  }
0x2cf: {  	p0 =	sne.s32 s22, $0x1  }
.Ltmp0:
0x2d0: {  	s28 =	rddreg [dreg:$0xe];
	(pc) =	sbr.rel @!p0 .LBB2_2-.Ltmp0, $4  }
0x2d1: {  	s30 =	rddreg [dreg:$0xf]  }
0x2d2: {  	s31 =	rddreg [dreg:$0x10]  }
0x2d3: {  	[hbm:s28], [sflag:s30] =	dma.local [spmem:s31], $0x2800  }
0x2d4: {  	_ =	swait.ge [sflag:s5], $0x2800;
	s22 =	sadd.s32 $0xFFFFFFFF, s22  }
.LBB2_1:
0x2d5: {  	s23 =	rddreg [dreg:$0x3]  }
0x2d6: {  	[sflag:s5] =	ssyncset.done $0x0;
	s0 =	rddreg [dreg:$0xf]  }
0x2d7: {  	s1 =	rddreg [dreg:$0x10];
	[sflag:s5] =	ssyncadd.s32 $0xFFFFD800  }
0x2d8: {  	[spmem:s1], [sflag:s0] =	dma.local [hbm:s23], $0x2800  }
0x2d9: {  	_ =	swait.ge [sflag:s5], $0x2800  }
0x2da: {  	[sflag:s5] =	ssyncset.done $0x0  }
0x2db: {  	[sflag:s5] =	ssyncadd.s32 $0xFFFFD800  }
0x2dc: {  	[bflag:$0x0] =	sbarrier.arrive $0xFFFF  }
0x2dd: {  	s25 =	rddreg [dreg:$0x4]  }
0x2de: {  	[tilespmem:s13], [sflag:$0x3] =	stream.linear.gather [hbm4b:s25+s13], $0x800, $0x38;
	[tilespmem:$0x1D000] =	vst v63  }
0x2df: {  	_ =	swait.ge [sflag:s5], $0x800  }
0x2e0: {  	[sflag:s5] =	ssyncset.done $0x0  }
0x2e1: {  	s0 =	simm.s32 $0x800;
	s26 =	rddreg [dreg:$0x5];
	[sflag:s5] =	ssyncadd.s32 $0xFFFFF800  }
0x2e2: {  	[tilespmem:s0], [sflag:$0x3] =	stream.linear.gather [hbm4b:s26+s13], $0x800, $0x38;
	[tilespmem:$0x1D000] =	vst v63  }
0x2e3: {  	_ =	swait.ge [sflag:s5], $0x800  }
0x2e4: {  	[sflag:s5] =	ssyncset.done $0x0  }
0x2e5: {  	[sflag:s5] =	ssyncadd.s32 $0xFFFFF800  }
0x2e6: {  	[tilespmem:s10], [sflag:$0x1] =	stream.indirect.gather [hbm4b:s8+s9], $0x80, s13, s9, $0xb8;
	[tilespmem:$0x1D000] =	vst v63  }
0x2e7: {  	_ = 	snop  }
0x2e8: {  	[tilespmem:s11], [sflag:$0x2] =	stream.indirect.gather [hbm4b:s8+s9], $0x80, s9, s9, $0xb8;
	[tilespmem:$0x1D000] =	vst v63  }
0x2e9: {  	_ =	swait.ge [sflag:s12], $0x4000  }
0x2ea: {  	[sflag:s12] =	ssyncset.done $0x0  }
0x2eb: {  	[sflag:s12] =	ssyncadd.s32 $0xFFFFC000  }
0x2ec: {  	[spmem:s2] =	stream.indirect.scatter.add.f32 [tilespmem:s10], [sflag:$0x1], $0x80, s0, s9, $0xb8;
	[tilespmem:$0x1D000] =	vst v63  }
0x2ed: {  	_ =	swait.ge [sflag:s12], $0x4000  }
0x2ee: {  	[sflag:s12] =	ssyncset.done $0x0  }
0x2ef: {  	s28 =	simm.s32 $0x100;
	[sflag:s12] =	ssyncadd.s32 $0xFFFFC000  }
0x2f0: {  	[tilespmem:s10], [sflag:$0x1] =	stream.indirect.gather [hbm4b:s8+s9], $0x80, s28, s9, $0xb8;
	[tilespmem:$0x1D000] =	vst v63  }
0x2f1: {  	_ =	swait.ge [sflag:s14], $0x4000  }
0x2f2: {  	[sflag:s14] =	ssyncset.done $0x0  }
0x2f3: {  	s29 =	simm.s32 $0x880;
	[sflag:s14] =	ssyncadd.s32 $0xFFFFC000  }
0x2f4: {  	[spmem:s2] =	stream.indirect.scatter.add.f32 [tilespmem:s11], [sflag:$0x2], $0x80, s29, s9, $0xb8;
	[tilespmem:$0x1D000] =	vst v63  }
0x2f5: {  	_ =	swait.ge [sflag:s14], $0x4000  }
0x2f6: {  	[sflag:s14] =	ssyncset.done $0x0  }
0x2f7: {  	s30 =	simm.s32 $0x180;
	[sflag:s14] =	ssyncadd.s32 $0xFFFFC000  }
0x2f8: {  	[tilespmem:s11], [sflag:$0x2] =	stream.indirect.gather [hbm4b:s8+s9], $0x80, s30, s9, $0xb8;
	[tilespmem:$0x1D000] =	vst v63  }
0x2f9: {  	_ =	swait.ge [sflag:s12], $0x4000  }
0x2fa: {  	[sflag:s12] =	ssyncset.done $0x0  }
0x2fb: {  	s31 =	simm.s32 $0x900;
	[sflag:s12] =	ssyncadd.s32 $0xFFFFC000  }
0x2fc: {  	[spmem:s2] =	stream.indirect.scatter.add.f32 [tilespmem:s10], [sflag:$0x1], $0x80, s31, s9, $0xb8;
	[tilespmem:$0x1D000] =	vst v63  }
0x2fd: {  	_ =	swait.ge [sflag:s12], $0x4000  }
0x2fe: {  	[sflag:s12] =	ssyncset.done $0x0  }
0x2ff: {  	s3 =	simm.s32 $0x200;
	[sflag:s12] =	ssyncadd.s32 $0xFFFFC000  }
0x300: {  	[tilespmem:s10], [sflag:$0x1] =	stream.indirect.gather [hbm4b:s8+s9], $0x80, s3, s9, $0xb8;
	[tilespmem:$0x1D000] =	vst v63  }
0x301: {  	_ =	swait.ge [sflag:s14], $0x4000  }
0x302: {  	[sflag:s14] =	ssyncset.done $0x0  }
0x303: {  	s4 =	simm.s32 $0x980;
	[sflag:s14] =	ssyncadd.s32 $0xFFFFC000  }
0x304: {  	[spmem:s2] =	stream.indirect.scatter.add.f32 [tilespmem:s11], [sflag:$0x2], $0x80, s4, s9, $0xb8;
	[tilespmem:$0x1D000] =	vst v63  }
0x305: {  	_ =	swait.ge [sflag:s14], $0x4000  }
0x306: {  	[sflag:s14] =	ssyncset.done $0x0  }
0x307: {  	s4 =	simm.s32 $0x280;
	[sflag:s14] =	ssyncadd.s32 $0xFFFFC000  }
0x308: {  	[tilespmem:s11], [sflag:$0x2] =	stream.indirect.gather [hbm4b:s8+s9], $0x80, s4, s9, $0xb8;
	[tilespmem:$0x1D000] =	vst v63  }
0x309: {  	_ =	swait.ge [sflag:s12], $0x4000  }
0x30a: {  	[sflag:s12] =	ssyncset.done $0x0  }
0x30b: {  	s7 =	simm.s32 $0xA00;
	[sflag:s12] =	ssyncadd.s32 $0xFFFFC000  }
0x30c: {  	[spmem:s2] =	stream.indirect.scatter.add.f32 [tilespmem:s10], [sflag:$0x1], $0x80, s7, s9, $0xb8;
	[tilespmem:$0x1D000] =	vst v63  }
0x30d: {  	_ =	swait.ge [sflag:s12], $0x4000  }
0x30e: {  	[sflag:s12] =	ssyncset.done $0x0  }
0x30f: {  	s15 =	simm.s32 $0x300;
	[sflag:s12] =	ssyncadd.s32 $0xFFFFC000  }
0x310: {  	[tilespmem:s10], [sflag:$0x1] =	stream.indirect.gather [hbm4b:s8+s9], $0x80, s15, s9, $0xb8;
	[tilespmem:$0x1D000] =	vst v63  }
0x311: {  	_ =	swait.ge [sflag:s14], $0x4000  }
0x312: {  	[sflag:s14] =	ssyncset.done $0x0  }
0x313: {  	s16 =	simm.s32 $0xA80;
	[sflag:s14] =	ssyncadd.s32 $0xFFFFC000  }
0x314: {  	[spmem:s2] =	stream.indirect.scatter.add.f32 [tilespmem:s11], [sflag:$0x2], $0x80, s16, s9, $0xb8;
	[tilespmem:$0x1D000] =	vst v63  }
0x315: {  	_ =	swait.ge [sflag:s14], $0x4000  }
0x316: {  	[sflag:s14] =	ssyncset.done $0x0  }
0x317: {  	s17 =	simm.s32 $0x380;
	[sflag:s14] =	ssyncadd.s32 $0xFFFFC000  }
0x318: {  	[tilespmem:s11], [sflag:$0x2] =	stream.indirect.gather [hbm4b:s8+s9], $0x80, s17, s9, $0xb8;
	[tilespmem:$0x1D000] =	vst v63  }
0x319: {  	_ =	swait.ge [sflag:s12], $0x4000  }
0x31a: {  	[sflag:s12] =	ssyncset.done $0x0  }
0x31b: {  	s18 =	simm.s32 $0xB00;
	[sflag:s12] =	ssyncadd.s32 $0xFFFFC000  }
0x31c: {  	[spmem:s2] =	stream.indirect.scatter.add.f32 [tilespmem:s10], [sflag:$0x1], $0x80, s18, s9, $0xb8;
	[tilespmem:$0x1D000] =	vst v63  }
0x31d: {  	_ =	swait.ge [sflag:s12], $0x4000  }
0x31e: {  	[sflag:s12] =	ssyncset.done $0x0  }
0x31f: {  	s19 =	simm.s32 $0x400;
	[sflag:s12] =	ssyncadd.s32 $0xFFFFC000  }
0x320: {  	[tilespmem:s10], [sflag:$0x1] =	stream.indirect.gather [hbm4b:s8+s9], $0x80, s19, s9, $0xb8;
	[tilespmem:$0x1D000] =	vst v63  }
0x321: {  	_ =	swait.ge [sflag:s14], $0x4000  }
0x322: {  	[sflag:s14] =	ssyncset.done $0x0  }
0x323: {  	s23 =	simm.s32 $0xB80;
	[sflag:s14] =	ssyncadd.s32 $0xFFFFC000  }
0x324: {  	[spmem:s2] =	stream.indirect.scatter.add.f32 [tilespmem:s11], [sflag:$0x2], $0x80, s23, s9, $0xb8;
	[tilespmem:$0x1D000] =	vst v63  }
0x325: {  	_ =	swait.ge [sflag:s14], $0x4000  }
0x326: {  	[sflag:s14] =	ssyncset.done $0x0  }
0x327: {  	s28 =	simm.s32 $0x480;
	[sflag:s14] =	ssyncadd.s32 $0xFFFFC000  }
0x328: {  	[tilespmem:s11], [sflag:$0x2] =	stream.indirect.gather [hbm4b:s8+s9], $0x80, s28, s9, $0xb8;
	[tilespmem:$0x1D000] =	vst v63  }
0x329: {  	_ =	swait.ge [sflag:s12], $0x4000  }
0x32a: {  	[sflag:s12] =	ssyncset.done $0x0  }
0x32b: {  	s3 =	simm.s32 $0xC00;
	[sflag:s12] =	ssyncadd.s32 $0xFFFFC000  }
0x32c: {  	[spmem:s2] =	stream.indirect.scatter.add.f32 [tilespmem:s10], [sflag:$0x1], $0x80, s3, s9, $0xb8;
	[tilespmem:$0x1D000] =	vst v63  }
0x32d: {  	_ =	swait.ge [sflag:s12], $0x4000  }
0x32e: {  	[sflag:s12] =	ssyncset.done $0x0  }
0x32f: {  	s29 =	simm.s32 $0x500;
	[sflag:s12] =	ssyncadd.s32 $0xFFFFC000  }
0x330: {  	[tilespmem:s10], [sflag:$0x1] =	stream.indirect.gather [hbm4b:s8+s9], $0x80, s29, s9, $0xb8;
	[tilespmem:$0x1D000] =	vst v63  }
0x331: {  	_ =	swait.ge [sflag:s14], $0x4000  }
0x332: {  	[sflag:s14] =	ssyncset.done $0x0  }
0x333: {  	s30 =	simm.s32 $0xC80;
	[sflag:s14] =	ssyncadd.s32 $0xFFFFC000  }
0x334: {  	[spmem:s2] =	stream.indirect.scatter.add.f32 [tilespmem:s11], [sflag:$0x2], $0x80, s30, s9, $0xb8;
	[tilespmem:$0x1D000] =	vst v63  }
0x335: {  	_ =	swait.ge [sflag:s14], $0x4000  }
0x336: {  	[sflag:s14] =	ssyncset.done $0x0  }
0x337: {  	s31 =	simm.s32 $0x580;
	[sflag:s14] =	ssyncadd.s32 $0xFFFFC000  }
0x338: {  	[tilespmem:s11], [sflag:$0x2] =	stream.indirect.gather [hbm4b:s8+s9], $0x80, s31, s9, $0xb8;
	[tilespmem:$0x1D000] =	vst v63  }
0x339: {  	_ =	swait.ge [sflag:s12], $0x4000  }
0x33a: {  	[sflag:s12] =	ssyncset.done $0x0  }
0x33b: {  	s4 =	simm.s32 $0xD00;
	[sflag:s12] =	ssyncadd.s32 $0xFFFFC000  }
0x33c: {  	[spmem:s2] =	stream.indirect.scatter.add.f32 [tilespmem:s10], [sflag:$0x1], $0x80, s4, s9, $0xb8;
	[tilespmem:$0x1D000] =	vst v63  }
0x33d: {  	_ =	swait.ge [sflag:s12], $0x4000  }
0x33e: {  	[sflag:s12] =	ssyncset.done $0x0  }
0x33f: {  	s7 =	simm.s32 $0x600;
	[sflag:s12] =	ssyncadd.s32 $0xFFFFC000  }
0x340: {  	[tilespmem:s10], [sflag:$0x1] =	stream.indirect.gather [hbm4b:s8+s9], $0x80, s7, s9, $0xb8;
	[tilespmem:$0x1D000] =	vst v63  }
0x341: {  	_ =	swait.ge [sflag:s14], $0x4000  }
0x342: {  	[sflag:s14] =	ssyncset.done $0x0  }
0x343: {  	s15 =	simm.s32 $0xD80;
	[sflag:s14] =	ssyncadd.s32 $0xFFFFC000  }
0x344: {  	[spmem:s2] =	stream.indirect.scatter.add.f32 [tilespmem:s11], [sflag:$0x2], $0x80, s15, s9, $0xb8;
	[tilespmem:$0x1D000] =	vst v63  }
0x345: {  	_ =	swait.ge [sflag:s14], $0x4000  }
0x346: {  	[sflag:s14] =	ssyncset.done $0x0  }
0x347: {  	s16 =	simm.s32 $0x680;
	[sflag:s14] =	ssyncadd.s32 $0xFFFFC000  }
0x348: {  	[tilespmem:s11], [sflag:$0x2] =	stream.indirect.gather [hbm4b:s8+s9], $0x80, s16, s9, $0xb8;
	[tilespmem:$0x1D000] =	vst v63  }
0x349: {  	_ =	swait.ge [sflag:s12], $0x4000  }
0x34a: {  	[sflag:s12] =	ssyncset.done $0x0  }
0x34b: {  	s17 =	simm.s32 $0xE00;
	[sflag:s12] =	ssyncadd.s32 $0xFFFFC000  }
0x34c: {  	[spmem:s2] =	stream.indirect.scatter.add.f32 [tilespmem:s10], [sflag:$0x1], $0x80, s17, s9, $0xb8;
	[tilespmem:$0x1D000] =	vst v63  }
0x34d: {  	_ =	swait.ge [sflag:s12], $0x4000  }
0x34e: {  	[sflag:s12] =	ssyncset.done $0x0  }
0x34f: {  	s18 =	simm.s32 $0x700;
	[sflag:s12] =	ssyncadd.s32 $0xFFFFC000  }
0x350: {  	[tilespmem:s10], [sflag:$0x1] =	stream.indirect.gather [hbm4b:s8+s9], $0x80, s18, s9, $0xb8;
	[tilespmem:$0x1D000] =	vst v63  }
0x351: {  	_ =	swait.ge [sflag:s14], $0x4000  }
0x352: {  	[sflag:s14] =	ssyncset.done $0x0  }
0x353: {  	s19 =	simm.s32 $0xE80;
	[sflag:s14] =	ssyncadd.s32 $0xFFFFC000  }
0x354: {  	[spmem:s2] =	stream.indirect.scatter.add.f32 [tilespmem:s11], [sflag:$0x2], $0x80, s19, s9, $0xb8;
	[tilespmem:$0x1D000] =	vst v63  }
0x355: {  	_ =	swait.ge [sflag:s14], $0x4000  }
0x356: {  	[sflag:s14] =	ssyncset.done $0x0  }
0x357: {  	s28 =	simm.s32 $0x780;
	[sflag:s14] =	ssyncadd.s32 $0xFFFFC000  }
0x358: {  	[tilespmem:s11], [sflag:$0x2] =	stream.indirect.gather [hbm4b:s8+s9], $0x80, s28, s9, $0xb8;
	[tilespmem:$0x1D000] =	vst v63  }
0x359: {  	_ =	swait.ge [sflag:s12], $0x4000  }
0x35a: {  	[sflag:s12] =	ssyncset.done $0x0  }
0x35b: {  	s29 =	simm.s32 $0xF00;
	[sflag:s12] =	ssyncadd.s32 $0xFFFFC000  }
0x35c: {  	[spmem:s2] =	stream.indirect.scatter.add.f32 [tilespmem:s10], [sflag:$0x1], $0x80, s29, s9, $0xb8;
	[tilespmem:$0x1D000] =	vst v63  }
0x35d: {  	_ =	swait.ge [sflag:s12], $0x4000  }
0x35e: {  	[sflag:s12] =	ssyncset.done $0x0  }
0x35f: {  	[sflag:s12] =	ssyncadd.s32 $0xFFFFC000  }
0x360: {  	_ =	swait.ge [sflag:s14], $0x4000  }
0x361: {  	[sflag:s14] =	ssyncset.done $0x0  }
0x362: {  	s30 =	simm.s32 $0xF80;
	[sflag:s14] =	ssyncadd.s32 $0xFFFFC000  }
0x363: {  	[spmem:s2] =	stream.indirect.scatter.add.f32 [tilespmem:s11], [sflag:$0x2], $0x80, s30, s9, $0xb8;
	[tilespmem:$0x1D000] =	vst v63  }
0x364: {  	_ =	swait.ge [sflag:s14], $0x4000  }
0x365: {  	[sflag:s14] =	ssyncset.done $0x0  }
0x366: {  	s31 =	rddreg [dreg:$0x6];
	[sflag:s14] =	ssyncadd.s32 $0xFFFFC000  }
0x367: {  	[tilespmem:s13], [sflag:$0x3] =	stream.linear.gather [hbm4b:s31+s13], $0x800, $0x38;
	[tilespmem:$0x1D000] =	vst v63  }
0x368: {  	_ =	swait.ge [sflag:s5], $0x800  }
0x369: {  	[sflag:s5] =	ssyncset.done $0x0  }
0x36a: {  	s3 =	rddreg [dreg:$0x7];
	[sflag:s5] =	ssyncadd.s32 $0xFFFFF800  }
0x36b: {  	[tilespmem:s0], [sflag:$0x3] =	stream.linear.gather [hbm4b:s3+s13], $0x800, $0x38;
	[tilespmem:$0x1D000] =	vst v63  }
0x36c: {  	_ =	swait.ge [sflag:s5], $0x800  }
0x36d: {  	[sflag:s5] =	ssyncset.done $0x0  }
0x36e: {  	[sflag:s5] =	ssyncadd.s32 $0xFFFFF800  }
0x36f: {  	[tilespmem:s10], [sflag:$0x1] =	stream.indirect.gather [hbm4b:s8+s9], $0x80, s13, s9, $0xb8;
	[tilespmem:$0x1D000] =	vst v63  }
0x370: {  	_ = 	snop  }
0x371: {  	[tilespmem:s11], [sflag:$0x2] =	stream.indirect.gather [hbm4b:s8+s9], $0x80, s9, s9, $0xb8;
	[tilespmem:$0x1D000] =	vst v63  }
0x372: {  	_ =	swait.ge [sflag:s12], $0x4000  }
0x373: {  	[sflag:s12] =	ssyncset.done $0x0  }
0x374: {  	[sflag:s12] =	ssyncadd.s32 $0xFFFFC000  }
0x375: {  	[spmem:s2] =	stream.indirect.scatter.add.f32 [tilespmem:s10], [sflag:$0x1], $0x80, s0, s9, $0xb8;
	[tilespmem:$0x1D000] =	vst v63  }
0x376: {  	_ =	swait.ge [sflag:s12], $0x4000  }
0x377: {  	[sflag:s12] =	ssyncset.done $0x0  }
0x378: {  	s6 =	simm.s32 $0x100;
	[sflag:s12] =	ssyncadd.s32 $0xFFFFC000  }
0x379: {  	[tilespmem:s10], [sflag:$0x1] =	stream.indirect.gather [hbm4b:s8+s9], $0x80, s6, s9, $0xb8;
	[tilespmem:$0x1D000] =	vst v63  }
0x37a: {  	_ =	swait.ge [sflag:s14], $0x4000  }
0x37b: {  	[sflag:s14] =	ssyncset.done $0x0  }
0x37c: {  	s20 =	simm.s32 $0x880;
	[sflag:s14] =	ssyncadd.s32 $0xFFFFC000  }
0x37d: {  	[spmem:s2] =	stream.indirect.scatter.add.f32 [tilespmem:s11], [sflag:$0x2], $0x80, s20, s9, $0xb8;
	[tilespmem:$0x1D000] =	vst v63  }
0x37e: {  	_ =	swait.ge [sflag:s14], $0x4000  }
0x37f: {  	[sflag:s14] =	ssyncset.done $0x0  }
0x380: {  	s21 =	simm.s32 $0x180;
	[sflag:s14] =	ssyncadd.s32 $0xFFFFC000  }
0x381: {  	[tilespmem:s11], [sflag:$0x2] =	stream.indirect.gather [hbm4b:s8+s9], $0x80, s21, s9, $0xb8;
	[tilespmem:$0x1D000] =	vst v63  }
0x382: {  	_ =	swait.ge [sflag:s12], $0x4000  }
0x383: {  	[sflag:s12] =	ssyncset.done $0x0  }
0x384: {  	s25 =	simm.s32 $0x900;
	[sflag:s12] =	ssyncadd.s32 $0xFFFFC000  }
0x385: {  	[spmem:s2] =	stream.indirect.scatter.add.f32 [tilespmem:s10], [sflag:$0x1], $0x80, s25, s9, $0xb8;
	[tilespmem:$0x1D000] =	vst v63  }
0x386: {  	_ =	swait.ge [sflag:s12], $0x4000  }
0x387: {  	[sflag:s12] =	ssyncset.done $0x0  }
0x388: {  	s26 =	simm.s32 $0x200;
	[sflag:s12] =	ssyncadd.s32 $0xFFFFC000  }
0x389: {  	[tilespmem:s10], [sflag:$0x1] =	stream.indirect.gather [hbm4b:s8+s9], $0x80, s26, s9, $0xb8;
	[tilespmem:$0x1D000] =	vst v63  }
0x38a: {  	_ =	swait.ge [sflag:s14], $0x4000  }
0x38b: {  	[sflag:s14] =	ssyncset.done $0x0  }
0x38c: {  	s1 =	simm.s32 $0x980;
	[sflag:s14] =	ssyncadd.s32 $0xFFFFC000  }
0x38d: {  	[spmem:s2] =	stream.indirect.scatter.add.f32 [tilespmem:s11], [sflag:$0x2], $0x80, s1, s9, $0xb8;
	[tilespmem:$0x1D000] =	vst v63  }
0x38e: {  	_ =	swait.ge [sflag:s14], $0x4000  }
0x38f: {  	[sflag:s14] =	ssyncset.done $0x0  }
0x390: {  	s3 =	simm.s32 $0x280;
	[sflag:s14] =	ssyncadd.s32 $0xFFFFC000  }
0x391: {  	[tilespmem:s11], [sflag:$0x2] =	stream.indirect.gather [hbm4b:s8+s9], $0x80, s3, s9, $0xb8;
	[tilespmem:$0x1D000] =	vst v63  }
0x392: {  	_ =	swait.ge [sflag:s12], $0x4000  }
0x393: {  	[sflag:s12] =	ssyncset.done $0x0  }
0x394: {  	s20 =	simm.s32 $0xA00;
	[sflag:s12] =	ssyncadd.s32 $0xFFFFC000  }
0x395: {  	[spmem:s2] =	stream.indirect.scatter.add.f32 [tilespmem:s10], [sflag:$0x1], $0x80, s20, s9, $0xb8;
	[tilespmem:$0x1D000] =	vst v63  }
0x396: {  	_ =	swait.ge [sflag:s12], $0x4000  }
0x397: {  	[sflag:s12] =	ssyncset.done $0x0  }
0x398: {  	s21 =	simm.s32 $0x300;
	[sflag:s12] =	ssyncadd.s32 $0xFFFFC000  }
0x399: {  	[tilespmem:s10], [sflag:$0x1] =	stream.indirect.gather [hbm4b:s8+s9], $0x80, s21, s9, $0xb8;
	[tilespmem:$0x1D000] =	vst v63  }
0x39a: {  	_ =	swait.ge [sflag:s14], $0x4000  }
0x39b: {  	[sflag:s14] =	ssyncset.done $0x0  }
0x39c: {  	s24 =	simm.s32 $0xA80;
	[sflag:s14] =	ssyncadd.s32 $0xFFFFC000  }
0x39d: {  	[spmem:s2] =	stream.indirect.scatter.add.f32 [tilespmem:s11], [sflag:$0x2], $0x80, s24, s9, $0xb8;
	[tilespmem:$0x1D000] =	vst v63  }
0x39e: {  	_ =	swait.ge [sflag:s14], $0x4000  }
0x39f: {  	[sflag:s14] =	ssyncset.done $0x0  }
0x3a0: {  	s1 =	simm.s32 $0x380;
	[sflag:s14] =	ssyncadd.s32 $0xFFFFC000  }
0x3a1: {  	[tilespmem:s11], [sflag:$0x2] =	stream.indirect.gather [hbm4b:s8+s9], $0x80, s1, s9, $0xb8;
	[tilespmem:$0x1D000] =	vst v63  }
0x3a2: {  	_ =	swait.ge [sflag:s12], $0x4000  }
0x3a3: {  	[sflag:s12] =	ssyncset.done $0x0  }
0x3a4: {  	s25 =	simm.s32 $0xB00;
	[sflag:s12] =	ssyncadd.s32 $0xFFFFC000  }
0x3a5: {  	[spmem:s2] =	stream.indirect.scatter.add.f32 [tilespmem:s10], [sflag:$0x1], $0x80, s25, s9, $0xb8;
	[tilespmem:$0x1D000] =	vst v63  }
0x3a6: {  	_ =	swait.ge [sflag:s12], $0x4000  }
0x3a7: {  	[sflag:s12] =	ssyncset.done $0x0  }
0x3a8: {  	s26 =	simm.s32 $0x400;
	[sflag:s12] =	ssyncadd.s32 $0xFFFFC000  }
0x3a9: {  	[tilespmem:s10], [sflag:$0x1] =	stream.indirect.gather [hbm4b:s8+s9], $0x80, s26, s9, $0xb8;
	[tilespmem:$0x1D000] =	vst v63  }
0x3aa: {  	_ =	swait.ge [sflag:s14], $0x4000  }
0x3ab: {  	[sflag:s14] =	ssyncset.done $0x0  }
0x3ac: {  	s28 =	simm.s32 $0xB80;
	[sflag:s14] =	ssyncadd.s32 $0xFFFFC000  }
0x3ad: {  	[spmem:s2] =	stream.indirect.scatter.add.f32 [tilespmem:s11], [sflag:$0x2], $0x80, s28, s9, $0xb8;
	[tilespmem:$0x1D000] =	vst v63  }
0x3ae: {  	_ =	swait.ge [sflag:s14], $0x4000  }
0x3af: {  	[sflag:s14] =	ssyncset.done $0x0  }
0x3b0: {  	s29 =	simm.s32 $0x480;
	[sflag:s14] =	ssyncadd.s32 $0xFFFFC000  }
0x3b1: {  	[tilespmem:s11], [sflag:$0x2] =	stream.indirect.gather [hbm4b:s8+s9], $0x80, s29, s9, $0xb8;
	[tilespmem:$0x1D000] =	vst v63  }
0x3b2: {  	_ =	swait.ge [sflag:s12], $0x4000  }
0x3b3: {  	[sflag:s12] =	ssyncset.done $0x0  }
0x3b4: {  	s30 =	simm.s32 $0xC00;
	[sflag:s12] =	ssyncadd.s32 $0xFFFFC000  }
0x3b5: {  	[spmem:s2] =	stream.indirect.scatter.add.f32 [tilespmem:s10], [sflag:$0x1], $0x80, s30, s9, $0xb8;
	[tilespmem:$0x1D000] =	vst v63  }
0x3b6: {  	_ =	swait.ge [sflag:s12], $0x4000  }
0x3b7: {  	[sflag:s12] =	ssyncset.done $0x0  }
0x3b8: {  	s31 =	simm.s32 $0x500;
	[sflag:s12] =	ssyncadd.s32 $0xFFFFC000  }
0x3b9: {  	[tilespmem:s10], [sflag:$0x1] =	stream.indirect.gather [hbm4b:s8+s9], $0x80, s31, s9, $0xb8;
	[tilespmem:$0x1D000] =	vst v63  }
0x3ba: {  	_ =	swait.ge [sflag:s14], $0x4000  }
0x3bb: {  	[sflag:s14] =	ssyncset.done $0x0  }
0x3bc: {  	s24 =	simm.s32 $0xC80;
	[sflag:s14] =	ssyncadd.s32 $0xFFFFC000  }
0x3bd: {  	[spmem:s2] =	stream.indirect.scatter.add.f32 [tilespmem:s11], [sflag:$0x2], $0x80, s24, s9, $0xb8;
	[tilespmem:$0x1D000] =	vst v63  }
0x3be: {  	_ =	swait.ge [sflag:s14], $0x4000  }
0x3bf: {  	[sflag:s14] =	ssyncset.done $0x0  }
0x3c0: {  	s6 =	simm.s32 $0x580;
	[sflag:s14] =	ssyncadd.s32 $0xFFFFC000  }
0x3c1: {  	[tilespmem:s11], [sflag:$0x2] =	stream.indirect.gather [hbm4b:s8+s9], $0x80, s6, s9, $0xb8;
	[tilespmem:$0x1D000] =	vst v63  }
0x3c2: {  	_ =	swait.ge [sflag:s12], $0x4000  }
0x3c3: {  	[sflag:s12] =	ssyncset.done $0x0  }
0x3c4: {  	s23 =	simm.s32 $0xD00;
	[sflag:s12] =	ssyncadd.s32 $0xFFFFC000  }
0x3c5: {  	[spmem:s2] =	stream.indirect.scatter.add.f32 [tilespmem:s10], [sflag:$0x1], $0x80, s23, s9, $0xb8;
	[tilespmem:$0x1D000] =	vst v63  }
0x3c6: {  	_ =	swait.ge [sflag:s12], $0x4000  }
0x3c7: {  	[sflag:s12] =	ssyncset.done $0x0  }
0x3c8: {  	s4 =	simm.s32 $0x600;
	[sflag:s12] =	ssyncadd.s32 $0xFFFFC000  }
0x3c9: {  	[tilespmem:s10], [sflag:$0x1] =	stream.indirect.gather [hbm4b:s8+s9], $0x80, s4, s9, $0xb8;
	[tilespmem:$0x1D000] =	vst v63  }
0x3ca: {  	_ =	swait.ge [sflag:s14], $0x4000  }
0x3cb: {  	[sflag:s14] =	ssyncset.done $0x0  }
0x3cc: {  	s23 =	simm.s32 $0xD80;
	[sflag:s14] =	ssyncadd.s32 $0xFFFFC000  }
0x3cd: {  	[spmem:s2] =	stream.indirect.scatter.add.f32 [tilespmem:s11], [sflag:$0x2], $0x80, s23, s9, $0xb8;
	[tilespmem:$0x1D000] =	vst v63  }
0x3ce: {  	_ =	swait.ge [sflag:s14], $0x4000  }
0x3cf: {  	[sflag:s14] =	ssyncset.done $0x0  }
0x3d0: {  	s7 =	simm.s32 $0x680;
	[sflag:s14] =	ssyncadd.s32 $0xFFFFC000  }
0x3d1: {  	[tilespmem:s11], [sflag:$0x2] =	stream.indirect.gather [hbm4b:s8+s9], $0x80, s7, s9, $0xb8;
	[tilespmem:$0x1D000] =	vst v63  }
0x3d2: {  	_ =	swait.ge [sflag:s12], $0x4000  }
0x3d3: {  	[sflag:s12] =	ssyncset.done $0x0  }
0x3d4: {  	s23 =	simm.s32 $0xE00;
	[sflag:s12] =	ssyncadd.s32 $0xFFFFC000  }
0x3d5: {  	[spmem:s2] =	stream.indirect.scatter.add.f32 [tilespmem:s10], [sflag:$0x1], $0x80, s23, s9, $0xb8;
	[tilespmem:$0x1D000] =	vst v63  }
0x3d6: {  	_ =	swait.ge [sflag:s12], $0x4000  }
0x3d7: {  	[sflag:s12] =	ssyncset.done $0x0  }
0x3d8: {  	s15 =	simm.s32 $0x700;
	[sflag:s12] =	ssyncadd.s32 $0xFFFFC000  }
0x3d9: {  	[tilespmem:s10], [sflag:$0x1] =	stream.indirect.gather [hbm4b:s8+s9], $0x80, s15, s9, $0xb8;
	[tilespmem:$0x1D000] =	vst v63  }
0x3da: {  	_ =	swait.ge [sflag:s14], $0x4000  }
0x3db: {  	[sflag:s14] =	ssyncset.done $0x0  }
0x3dc: {  	s16 =	simm.s32 $0xE80;
	[sflag:s14] =	ssyncadd.s32 $0xFFFFC000  }
0x3dd: {  	[spmem:s2] =	stream.indirect.scatter.add.f32 [tilespmem:s11], [sflag:$0x2], $0x80, s16, s9, $0xb8;
	[tilespmem:$0x1D000] =	vst v63  }
0x3de: {  	_ =	swait.ge [sflag:s14], $0x4000  }
0x3df: {  	[sflag:s14] =	ssyncset.done $0x0  }
0x3e0: {  	s17 =	simm.s32 $0x780;
	[sflag:s14] =	ssyncadd.s32 $0xFFFFC000  }
0x3e1: {  	[tilespmem:s11], [sflag:$0x2] =	stream.indirect.gather [hbm4b:s8+s9], $0x80, s17, s9, $0xb8;
	[tilespmem:$0x1D000] =	vst v63  }
0x3e2: {  	_ =	swait.ge [sflag:s12], $0x4000  }
0x3e3: {  	[sflag:s12] =	ssyncset.done $0x0  }
0x3e4: {  	s18 =	simm.s32 $0xF00;
	[sflag:s12] =	ssyncadd.s32 $0xFFFFC000  }
0x3e5: {  	[spmem:s2] =	stream.indirect.scatter.add.f32 [tilespmem:s10], [sflag:$0x1], $0x80, s18, s9, $0xb8;
	[tilespmem:$0x1D000] =	vst v63  }
0x3e6: {  	_ =	swait.ge [sflag:s12], $0x4000  }
0x3e7: {  	[sflag:s12] =	ssyncset.done $0x0  }
0x3e8: {  	[sflag:s12] =	ssyncadd.s32 $0xFFFFC000  }
0x3e9: {  	_ =	swait.ge [sflag:s14], $0x4000  }
0x3ea: {  	[sflag:s14] =	ssyncset.done $0x0  }
0x3eb: {  	s19 =	simm.s32 $0xF80;
	[sflag:s14] =	ssyncadd.s32 $0xFFFFC000  }
0x3ec: {  	[spmem:s2] =	stream.indirect.scatter.add.f32 [tilespmem:s11], [sflag:$0x2], $0x80, s19, s9, $0xb8;
	[tilespmem:$0x1D000] =	vst v63  }
0x3ed: {  	_ =	swait.ge [sflag:s14], $0x4000  }
0x3ee: {  	[sflag:s14] =	ssyncset.done $0x0  }
0x3ef: {  	s23 =	rddreg [dreg:$0x8];
	[sflag:s14] =	ssyncadd.s32 $0xFFFFC000  }
0x3f0: {  	[tilespmem:s13], [sflag:$0x3] =	stream.linear.gather [hbm4b:s23+s13], $0x800, $0x38;
	[tilespmem:$0x1D000] =	vst v63  }
0x3f1: {  	_ =	swait.ge [sflag:s5], $0x800  }
0x3f2: {  	[sflag:s5] =	ssyncset.done $0x0  }
0x3f3: {  	s23 =	rddreg [dreg:$0x9];
	[sflag:s5] =	ssyncadd.s32 $0xFFFFF800  }
0x3f4: {  	[tilespmem:s0], [sflag:$0x3] =	stream.linear.gather [hbm4b:s23+s13], $0x800, $0x38;
	[tilespmem:$0x1D000] =	vst v63  }
0x3f5: {  	_ =	swait.ge [sflag:s5], $0x800  }
0x3f6: {  	[sflag:s5] =	ssyncset.done $0x0  }
0x3f7: {  	[sflag:s5] =	ssyncadd.s32 $0xFFFFF800  }
0x3f8: {  	[tilespmem:s10], [sflag:$0x1] =	stream.indirect.gather [hbm4b:s8+s9], $0x80, s13, s9, $0xb8;
	[tilespmem:$0x1D000] =	vst v63  }
0x3f9: {  	_ = 	snop  }
0x3fa: {  	[tilespmem:s11], [sflag:$0x2] =	stream.indirect.gather [hbm4b:s8+s9], $0x80, s9, s9, $0xb8;
	[tilespmem:$0x1D000] =	vst v63  }
0x3fb: {  	_ =	swait.ge [sflag:s12], $0x4000  }
0x3fc: {  	[sflag:s12] =	ssyncset.done $0x0  }
0x3fd: {  	[sflag:s12] =	ssyncadd.s32 $0xFFFFC000  }
0x3fe: {  	[spmem:s2] =	stream.indirect.scatter.add.f32 [tilespmem:s10], [sflag:$0x1], $0x80, s0, s9, $0xb8;
	[tilespmem:$0x1D000] =	vst v63  }
0x3ff: {  	_ =	swait.ge [sflag:s12], $0x4000  }
0x400: {  	[sflag:s12] =	ssyncset.done $0x0  }
0x401: {  	s23 =	simm.s32 $0x100;
	[sflag:s12] =	ssyncadd.s32 $0xFFFFC000  }
0x402: {  	[tilespmem:s10], [sflag:$0x1] =	stream.indirect.gather [hbm4b:s8+s9], $0x80, s23, s9, $0xb8;
	[tilespmem:$0x1D000] =	vst v63  }
0x403: {  	_ =	swait.ge [sflag:s14], $0x4000  }
0x404: {  	[sflag:s14] =	ssyncset.done $0x0  }
0x405: {  	s23 =	simm.s32 $0x880;
	[sflag:s14] =	ssyncadd.s32 $0xFFFFC000  }
0x406: {  	[spmem:s2] =	stream.indirect.scatter.add.f32 [tilespmem:s11], [sflag:$0x2], $0x80, s23, s9, $0xb8;
	[tilespmem:$0x1D000] =	vst v63  }
0x407: {  	_ =	swait.ge [sflag:s14], $0x4000  }
0x408: {  	[sflag:s14] =	ssyncset.done $0x0  }
0x409: {  	s23 =	simm.s32 $0x180;
	[sflag:s14] =	ssyncadd.s32 $0xFFFFC000  }
0x40a: {  	[tilespmem:s11], [sflag:$0x2] =	stream.indirect.gather [hbm4b:s8+s9], $0x80, s23, s9, $0xb8;
	[tilespmem:$0x1D000] =	vst v63  }
0x40b: {  	_ =	swait.ge [sflag:s12], $0x4000  }
0x40c: {  	[sflag:s12] =	ssyncset.done $0x0  }
0x40d: {  	s23 =	simm.s32 $0x900;
	[sflag:s12] =	ssyncadd.s32 $0xFFFFC000  }
0x40e: {  	[spmem:s2] =	stream.indirect.scatter.add.f32 [tilespmem:s10], [sflag:$0x1], $0x80, s23, s9, $0xb8;
	[tilespmem:$0x1D000] =	vst v63  }
0x40f: {  	_ =	swait.ge [sflag:s12], $0x4000  }
0x410: {  	[sflag:s12] =	ssyncset.done $0x0  }
0x411: {  	s23 =	simm.s32 $0x200;
	[sflag:s12] =	ssyncadd.s32 $0xFFFFC000  }
0x412: {  	[tilespmem:s10], [sflag:$0x1] =	stream.indirect.gather [hbm4b:s8+s9], $0x80, s23, s9, $0xb8;
	[tilespmem:$0x1D000] =	vst v63  }
0x413: {  	_ =	swait.ge [sflag:s14], $0x4000  }
0x414: {  	[sflag:s14] =	ssyncset.done $0x0  }
0x415: {  	s23 =	simm.s32 $0x980;
	[sflag:s14] =	ssyncadd.s32 $0xFFFFC000  }
0x416: {  	[spmem:s2] =	stream.indirect.scatter.add.f32 [tilespmem:s11], [sflag:$0x2], $0x80, s23, s9, $0xb8;
	[tilespmem:$0x1D000] =	vst v63  }
0x417: {  	_ =	swait.ge [sflag:s14], $0x4000  }
0x418: {  	[sflag:s14] =	ssyncset.done $0x0  }
0x419: {  	[sflag:s14] =	ssyncadd.s32 $0xFFFFC000  }
0x41a: {  	[tilespmem:s11], [sflag:$0x2] =	stream.indirect.gather [hbm4b:s8+s9], $0x80, s3, s9, $0xb8;
	[tilespmem:$0x1D000] =	vst v63  }
0x41b: {  	_ =	swait.ge [sflag:s12], $0x4000  }
0x41c: {  	[sflag:s12] =	ssyncset.done $0x0  }
0x41d: {  	[sflag:s12] =	ssyncadd.s32 $0xFFFFC000  }
0x41e: {  	[spmem:s2] =	stream.indirect.scatter.add.f32 [tilespmem:s10], [sflag:$0x1], $0x80, s20, s9, $0xb8;
	[tilespmem:$0x1D000] =	vst v63  }
0x41f: {  	_ =	swait.ge [sflag:s12], $0x4000  }
0x420: {  	[sflag:s12] =	ssyncset.done $0x0  }
0x421: {  	[sflag:s12] =	ssyncadd.s32 $0xFFFFC000  }
0x422: {  	[tilespmem:s10], [sflag:$0x1] =	stream.indirect.gather [hbm4b:s8+s9], $0x80, s21, s9, $0xb8;
	[tilespmem:$0x1D000] =	vst v63  }
0x423: {  	_ =	swait.ge [sflag:s14], $0x4000  }
0x424: {  	[sflag:s14] =	ssyncset.done $0x0  }
0x425: {  	s23 =	simm.s32 $0xA80;
	[sflag:s14] =	ssyncadd.s32 $0xFFFFC000  }
0x426: {  	[spmem:s2] =	stream.indirect.scatter.add.f32 [tilespmem:s11], [sflag:$0x2], $0x80, s23, s9, $0xb8;
	[tilespmem:$0x1D000] =	vst v63  }
0x427: {  	_ =	swait.ge [sflag:s14], $0x4000  }
0x428: {  	[sflag:s14] =	ssyncset.done $0x0  }
0x429: {  	[sflag:s14] =	ssyncadd.s32 $0xFFFFC000  }
0x42a: {  	[tilespmem:s11], [sflag:$0x2] =	stream.indirect.gather [hbm4b:s8+s9], $0x80, s1, s9, $0xb8;
	[tilespmem:$0x1D000] =	vst v63  }
0x42b: {  	_ =	swait.ge [sflag:s12], $0x4000  }
0x42c: {  	[sflag:s12] =	ssyncset.done $0x0  }
0x42d: {  	[sflag:s12] =	ssyncadd.s32 $0xFFFFC000  }
0x42e: {  	[spmem:s2] =	stream.indirect.scatter.add.f32 [tilespmem:s10], [sflag:$0x1], $0x80, s25, s9, $0xb8;
	[tilespmem:$0x1D000] =	vst v63  }
0x42f: {  	_ =	swait.ge [sflag:s12], $0x4000  }
0x430: {  	[sflag:s12] =	ssyncset.done $0x0  }
0x431: {  	[sflag:s12] =	ssyncadd.s32 $0xFFFFC000  }
0x432: {  	[tilespmem:s10], [sflag:$0x1] =	stream.indirect.gather [hbm4b:s8+s9], $0x80, s26, s9, $0xb8;
	[tilespmem:$0x1D000] =	vst v63  }
0x433: {  	_ =	swait.ge [sflag:s14], $0x4000  }
0x434: {  	[sflag:s14] =	ssyncset.done $0x0  }
0x435: {  	[sflag:s14] =	ssyncadd.s32 $0xFFFFC000  }
0x436: {  	[spmem:s2] =	stream.indirect.scatter.add.f32 [tilespmem:s11], [sflag:$0x2], $0x80, s28, s9, $0xb8;
	[tilespmem:$0x1D000] =	vst v63  }
0x437: {  	_ =	swait.ge [sflag:s14], $0x4000  }
0x438: {  	[sflag:s14] =	ssyncset.done $0x0  }
0x439: {  	[sflag:s14] =	ssyncadd.s32 $0xFFFFC000  }
0x43a: {  	[tilespmem:s11], [sflag:$0x2] =	stream.indirect.gather [hbm4b:s8+s9], $0x80, s29, s9, $0xb8;
	[tilespmem:$0x1D000] =	vst v63  }
0x43b: {  	_ =	swait.ge [sflag:s12], $0x4000  }
0x43c: {  	[sflag:s12] =	ssyncset.done $0x0  }
0x43d: {  	[sflag:s12] =	ssyncadd.s32 $0xFFFFC000  }
0x43e: {  	[spmem:s2] =	stream.indirect.scatter.add.f32 [tilespmem:s10], [sflag:$0x1], $0x80, s30, s9, $0xb8;
	[tilespmem:$0x1D000] =	vst v63  }
0x43f: {  	_ =	swait.ge [sflag:s12], $0x4000  }
0x440: {  	[sflag:s12] =	ssyncset.done $0x0  }
0x441: {  	[sflag:s12] =	ssyncadd.s32 $0xFFFFC000  }
0x442: {  	[tilespmem:s10], [sflag:$0x1] =	stream.indirect.gather [hbm4b:s8+s9], $0x80, s31, s9, $0xb8;
	[tilespmem:$0x1D000] =	vst v63  }
0x443: {  	_ =	swait.ge [sflag:s14], $0x4000  }
0x444: {  	[sflag:s14] =	ssyncset.done $0x0  }
0x445: {  	[sflag:s14] =	ssyncadd.s32 $0xFFFFC000  }
0x446: {  	[spmem:s2] =	stream.indirect.scatter.add.f32 [tilespmem:s11], [sflag:$0x2], $0x80, s24, s9, $0xb8;
	[tilespmem:$0x1D000] =	vst v63  }
0x447: {  	_ =	swait.ge [sflag:s14], $0x4000  }
0x448: {  	[sflag:s14] =	ssyncset.done $0x0  }
0x449: {  	[sflag:s14] =	ssyncadd.s32 $0xFFFFC000  }
0x44a: {  	[tilespmem:s11], [sflag:$0x2] =	stream.indirect.gather [hbm4b:s8+s9], $0x80, s6, s9, $0xb8;
	[tilespmem:$0x1D000] =	vst v63  }
0x44b: {  	_ =	swait.ge [sflag:s12], $0x4000  }
0x44c: {  	[sflag:s12] =	ssyncset.done $0x0  }
0x44d: {  	s24 =	simm.s32 $0xD00;
	[sflag:s12] =	ssyncadd.s32 $0xFFFFC000  }
0x44e: {  	[spmem:s2] =	stream.indirect.scatter.add.f32 [tilespmem:s10], [sflag:$0x1], $0x80, s24, s9, $0xb8;
	[tilespmem:$0x1D000] =	vst v63  }
0x44f: {  	_ =	swait.ge [sflag:s12], $0x4000  }
0x450: {  	[sflag:s12] =	ssyncset.done $0x0  }
0x451: {  	s4 =	simm.s32 $0x600;
	[sflag:s12] =	ssyncadd.s32 $0xFFFFC000  }
0x452: {  	[tilespmem:s10], [sflag:$0x1] =	stream.indirect.gather [hbm4b:s8+s9], $0x80, s4, s9, $0xb8;
	[tilespmem:$0x1D000] =	vst v63  }
0x453: {  	_ =	swait.ge [sflag:s14], $0x4000  }
0x454: {  	[sflag:s14] =	ssyncset.done $0x0  }
0x455: {  	s6 =	simm.s32 $0xD80;
	[sflag:s14] =	ssyncadd.s32 $0xFFFFC000  }
0x456: {  	[spmem:s2] =	stream.indirect.scatter.add.f32 [tilespmem:s11], [sflag:$0x2], $0x80, s6, s9, $0xb8;
	[tilespmem:$0x1D000] =	vst v63  }
0x457: {  	_ =	swait.ge [sflag:s14], $0x4000  }
0x458: {  	[sflag:s14] =	ssyncset.done $0x0  }
0x459: {  	s7 =	simm.s32 $0x680;
	[sflag:s14] =	ssyncadd.s32 $0xFFFFC000  }
0x45a: {  	[tilespmem:s11], [sflag:$0x2] =	stream.indirect.gather [hbm4b:s8+s9], $0x80, s7, s9, $0xb8;
	[tilespmem:$0x1D000] =	vst v63  }
0x45b: {  	_ =	swait.ge [sflag:s12], $0x4000  }
0x45c: {  	[sflag:s12] =	ssyncset.done $0x0  }
0x45d: {  	s7 =	simm.s32 $0xE00;
	[sflag:s12] =	ssyncadd.s32 $0xFFFFC000  }
0x45e: {  	[spmem:s2] =	stream.indirect.scatter.add.f32 [tilespmem:s10], [sflag:$0x1], $0x80, s7, s9, $0xb8;
	[tilespmem:$0x1D000] =	vst v63  }
0x45f: {  	_ =	swait.ge [sflag:s12], $0x4000  }
0x460: {  	[sflag:s12] =	ssyncset.done $0x0  }
0x461: {  	s15 =	simm.s32 $0x700;
	[sflag:s12] =	ssyncadd.s32 $0xFFFFC000  }
0x462: {  	[tilespmem:s10], [sflag:$0x1] =	stream.indirect.gather [hbm4b:s8+s9], $0x80, s15, s9, $0xb8;
	[tilespmem:$0x1D000] =	vst v63  }
0x463: {  	_ =	swait.ge [sflag:s14], $0x4000  }
0x464: {  	[sflag:s14] =	ssyncset.done $0x0  }
0x465: {  	s16 =	simm.s32 $0xE80;
	[sflag:s14] =	ssyncadd.s32 $0xFFFFC000  }
0x466: {  	[spmem:s2] =	stream.indirect.scatter.add.f32 [tilespmem:s11], [sflag:$0x2], $0x80, s16, s9, $0xb8;
	[tilespmem:$0x1D000] =	vst v63  }
0x467: {  	_ =	swait.ge [sflag:s14], $0x4000  }
0x468: {  	[sflag:s14] =	ssyncset.done $0x0  }
0x469: {  	s17 =	simm.s32 $0x780;
	[sflag:s14] =	ssyncadd.s32 $0xFFFFC000  }
0x46a: {  	[tilespmem:s11], [sflag:$0x2] =	stream.indirect.gather [hbm4b:s8+s9], $0x80, s17, s9, $0xb8;
	[tilespmem:$0x1D000] =	vst v63  }
0x46b: {  	_ =	swait.ge [sflag:s12], $0x4000  }
0x46c: {  	[sflag:s12] =	ssyncset.done $0x0  }
0x46d: {  	s18 =	simm.s32 $0xF00;
	[sflag:s12] =	ssyncadd.s32 $0xFFFFC000  }
0x46e: {  	[spmem:s2] =	stream.indirect.scatter.add.f32 [tilespmem:s10], [sflag:$0x1], $0x80, s18, s9, $0xb8;
	[tilespmem:$0x1D000] =	vst v63  }
0x46f: {  	_ =	swait.ge [sflag:s12], $0x4000  }
0x470: {  	[sflag:s12] =	ssyncset.done $0x0  }
0x471: {  	[sflag:s12] =	ssyncadd.s32 $0xFFFFC000  }
0x472: {  	_ =	swait.ge [sflag:s14], $0x4000  }
0x473: {  	[sflag:s14] =	ssyncset.done $0x0  }
0x474: {  	s19 =	simm.s32 $0xF80;
	[sflag:s14] =	ssyncadd.s32 $0xFFFFC000  }
0x475: {  	[spmem:s2] =	stream.indirect.scatter.add.f32 [tilespmem:s11], [sflag:$0x2], $0x80, s19, s9, $0xb8;
	[tilespmem:$0x1D000] =	vst v63  }
0x476: {  	_ =	swait.ge [sflag:s14], $0x4000  }
0x477: {  	[sflag:s14] =	ssyncset.done $0x0  }
0x478: {  	s16 =	rddreg [dreg:$0xa];
	[sflag:s14] =	ssyncadd.s32 $0xFFFFC000  }
0x479: {  	[tilespmem:s13], [sflag:$0x3] =	stream.linear.gather [hbm4b:s16+s13], $0x800, $0x38;
	[tilespmem:$0x1D000] =	vst v63  }
0x47a: {  	_ =	swait.ge [sflag:s5], $0x800  }
0x47b: {  	[sflag:s5] =	ssyncset.done $0x0  }
0x47c: {  	s17 =	rddreg [dreg:$0xb];
	[sflag:s5] =	ssyncadd.s32 $0xFFFFF800  }
0x47d: {  	[tilespmem:s0], [sflag:$0x3] =	stream.linear.gather [hbm4b:s17+s13], $0x800, $0x38;
	[tilespmem:$0x1D000] =	vst v63  }
0x47e: {  	_ =	swait.ge [sflag:s5], $0x800  }
0x47f: {  	[sflag:s5] =	ssyncset.done $0x0  }
0x480: {  	[sflag:s5] =	ssyncadd.s32 $0xFFFFF800  }
0x481: {  	[tilespmem:s10], [sflag:$0x1] =	stream.indirect.gather [hbm4b:s8+s9], $0x80, s13, s9, $0xb8;
	[tilespmem:$0x1D000] =	vst v63  }
0x482: {  	_ = 	snop  }
0x483: {  	[tilespmem:s11], [sflag:$0x2] =	stream.indirect.gather [hbm4b:s8+s9], $0x80, s9, s9, $0xb8;
	[tilespmem:$0x1D000] =	vst v63  }
0x484: {  	_ =	swait.ge [sflag:s12], $0x4000  }
0x485: {  	[sflag:s12] =	ssyncset.done $0x0  }
0x486: {  	[sflag:s12] =	ssyncadd.s32 $0xFFFFC000  }
0x487: {  	[spmem:s2] =	stream.indirect.scatter.add.f32 [tilespmem:s10], [sflag:$0x1], $0x80, s0, s9, $0xb8;
	[tilespmem:$0x1D000] =	vst v63  }
0x488: {  	_ =	swait.ge [sflag:s12], $0x4000  }
0x489: {  	[sflag:s12] =	ssyncset.done $0x0  }
0x48a: {  	s18 =	simm.s32 $0x100;
	[sflag:s12] =	ssyncadd.s32 $0xFFFFC000  }
0x48b: {  	[tilespmem:s10], [sflag:$0x1] =	stream.indirect.gather [hbm4b:s8+s9], $0x80, s18, s9, $0xb8;
	[tilespmem:$0x1D000] =	vst v63  }
0x48c: {  	_ =	swait.ge [sflag:s14], $0x4000  }
0x48d: {  	[sflag:s14] =	ssyncset.done $0x0  }
0x48e: {  	s19 =	simm.s32 $0x880;
	[sflag:s14] =	ssyncadd.s32 $0xFFFFC000  }
0x48f: {  	[spmem:s2] =	stream.indirect.scatter.add.f32 [tilespmem:s11], [sflag:$0x2], $0x80, s19, s9, $0xb8;
	[tilespmem:$0x1D000] =	vst v63  }
0x490: {  	_ =	swait.ge [sflag:s14], $0x4000  }
0x491: {  	[sflag:s14] =	ssyncset.done $0x0  }
0x492: {  	s23 =	simm.s32 $0x180;
	[sflag:s14] =	ssyncadd.s32 $0xFFFFC000  }
0x493: {  	[tilespmem:s11], [sflag:$0x2] =	stream.indirect.gather [hbm4b:s8+s9], $0x80, s23, s9, $0xb8;
	[tilespmem:$0x1D000] =	vst v63  }
0x494: {  	_ =	swait.ge [sflag:s12], $0x4000  }
0x495: {  	[sflag:s12] =	ssyncset.done $0x0  }
0x496: {  	s6 =	simm.s32 $0x900;
	[sflag:s12] =	ssyncadd.s32 $0xFFFFC000  }
0x497: {  	[spmem:s2] =	stream.indirect.scatter.add.f32 [tilespmem:s10], [sflag:$0x1], $0x80, s6, s9, $0xb8;
	[tilespmem:$0x1D000] =	vst v63  }
0x498: {  	_ =	swait.ge [sflag:s12], $0x4000  }
0x499: {  	[sflag:s12] =	ssyncset.done $0x0  }
0x49a: {  	s7 =	simm.s32 $0x200;
	[sflag:s12] =	ssyncadd.s32 $0xFFFFC000  }
0x49b: {  	[tilespmem:s10], [sflag:$0x1] =	stream.indirect.gather [hbm4b:s8+s9], $0x80, s7, s9, $0xb8;
	[tilespmem:$0x1D000] =	vst v63  }
0x49c: {  	_ =	swait.ge [sflag:s14], $0x4000  }
0x49d: {  	[sflag:s14] =	ssyncset.done $0x0  }
0x49e: {  	s15 =	simm.s32 $0x980;
	[sflag:s14] =	ssyncadd.s32 $0xFFFFC000  }
0x49f: {  	[spmem:s2] =	stream.indirect.scatter.add.f32 [tilespmem:s11], [sflag:$0x2], $0x80, s15, s9, $0xb8;
	[tilespmem:$0x1D000] =	vst v63  }
0x4a0: {  	_ =	swait.ge [sflag:s14], $0x4000  }
0x4a1: {  	[sflag:s14] =	ssyncset.done $0x0  }
0x4a2: {  	s3 =	simm.s32 $0x280;
	[sflag:s14] =	ssyncadd.s32 $0xFFFFC000  }
0x4a3: {  	[tilespmem:s11], [sflag:$0x2] =	stream.indirect.gather [hbm4b:s8+s9], $0x80, s3, s9, $0xb8;
	[tilespmem:$0x1D000] =	vst v63  }
0x4a4: {  	_ =	swait.ge [sflag:s12], $0x4000  }
0x4a5: {  	[sflag:s12] =	ssyncset.done $0x0  }
0x4a6: {  	s20 =	simm.s32 $0xA00;
	[sflag:s12] =	ssyncadd.s32 $0xFFFFC000  }
0x4a7: {  	[spmem:s2] =	stream.indirect.scatter.add.f32 [tilespmem:s10], [sflag:$0x1], $0x80, s20, s9, $0xb8;
	[tilespmem:$0x1D000] =	vst v63  }
0x4a8: {  	_ =	swait.ge [sflag:s12], $0x4000  }
0x4a9: {  	[sflag:s12] =	ssyncset.done $0x0  }
0x4aa: {  	s21 =	simm.s32 $0x300;
	[sflag:s12] =	ssyncadd.s32 $0xFFFFC000  }
0x4ab: {  	[tilespmem:s10], [sflag:$0x1] =	stream.indirect.gather [hbm4b:s8+s9], $0x80, s21, s9, $0xb8;
	[tilespmem:$0x1D000] =	vst v63  }
0x4ac: {  	_ =	swait.ge [sflag:s14], $0x4000  }
0x4ad: {  	[sflag:s14] =	ssyncset.done $0x0  }
0x4ae: {  	s16 =	simm.s32 $0xA80;
	[sflag:s14] =	ssyncadd.s32 $0xFFFFC000  }
0x4af: {  	[spmem:s2] =	stream.indirect.scatter.add.f32 [tilespmem:s11], [sflag:$0x2], $0x80, s16, s9, $0xb8;
	[tilespmem:$0x1D000] =	vst v63  }
0x4b0: {  	_ =	swait.ge [sflag:s14], $0x4000  }
0x4b1: {  	[sflag:s14] =	ssyncset.done $0x0  }
0x4b2: {  	s17 =	simm.s32 $0x380;
	[sflag:s14] =	ssyncadd.s32 $0xFFFFC000  }
0x4b3: {  	[tilespmem:s11], [sflag:$0x2] =	stream.indirect.gather [hbm4b:s8+s9], $0x80, s17, s9, $0xb8;
	[tilespmem:$0x1D000] =	vst v63  }
0x4b4: {  	_ =	swait.ge [sflag:s12], $0x4000  }
0x4b5: {  	[sflag:s12] =	ssyncset.done $0x0  }
0x4b6: {  	s25 =	simm.s32 $0xB00;
	[sflag:s12] =	ssyncadd.s32 $0xFFFFC000  }
0x4b7: {  	[spmem:s2] =	stream.indirect.scatter.add.f32 [tilespmem:s10], [sflag:$0x1], $0x80, s25, s9, $0xb8;
	[tilespmem:$0x1D000] =	vst v63  }
0x4b8: {  	_ =	swait.ge [sflag:s12], $0x4000  }
0x4b9: {  	[sflag:s12] =	ssyncset.done $0x0  }
0x4ba: {  	s26 =	simm.s32 $0x400;
	[sflag:s12] =	ssyncadd.s32 $0xFFFFC000  }
0x4bb: {  	[tilespmem:s10], [sflag:$0x1] =	stream.indirect.gather [hbm4b:s8+s9], $0x80, s26, s9, $0xb8;
	[tilespmem:$0x1D000] =	vst v63  }
0x4bc: {  	_ =	swait.ge [sflag:s14], $0x4000  }
0x4bd: {  	[sflag:s14] =	ssyncset.done $0x0  }
0x4be: {  	s28 =	simm.s32 $0xB80;
	[sflag:s14] =	ssyncadd.s32 $0xFFFFC000  }
0x4bf: {  	[spmem:s2] =	stream.indirect.scatter.add.f32 [tilespmem:s11], [sflag:$0x2], $0x80, s28, s9, $0xb8;
	[tilespmem:$0x1D000] =	vst v63  }
0x4c0: {  	_ =	swait.ge [sflag:s14], $0x4000  }
0x4c1: {  	[sflag:s14] =	ssyncset.done $0x0  }
0x4c2: {  	s29 =	simm.s32 $0x480;
	[sflag:s14] =	ssyncadd.s32 $0xFFFFC000  }
0x4c3: {  	[tilespmem:s11], [sflag:$0x2] =	stream.indirect.gather [hbm4b:s8+s9], $0x80, s29, s9, $0xb8;
	[tilespmem:$0x1D000] =	vst v63  }
0x4c4: {  	_ =	swait.ge [sflag:s12], $0x4000  }
0x4c5: {  	[sflag:s12] =	ssyncset.done $0x0  }
0x4c6: {  	s30 =	simm.s32 $0xC00;
	[sflag:s12] =	ssyncadd.s32 $0xFFFFC000  }
0x4c7: {  	[spmem:s2] =	stream.indirect.scatter.add.f32 [tilespmem:s10], [sflag:$0x1], $0x80, s30, s9, $0xb8;
	[tilespmem:$0x1D000] =	vst v63  }
0x4c8: {  	_ =	swait.ge [sflag:s12], $0x4000  }
0x4c9: {  	[sflag:s12] =	ssyncset.done $0x0  }
0x4ca: {  	s31 =	simm.s32 $0x500;
	[sflag:s12] =	ssyncadd.s32 $0xFFFFC000  }
0x4cb: {  	[tilespmem:s10], [sflag:$0x1] =	stream.indirect.gather [hbm4b:s8+s9], $0x80, s31, s9, $0xb8;
	[tilespmem:$0x1D000] =	vst v63  }
0x4cc: {  	_ =	swait.ge [sflag:s14], $0x4000  }
0x4cd: {  	[sflag:s14] =	ssyncset.done $0x0  }
0x4ce: {  	s1 =	simm.s32 $0xC80;
	[sflag:s14] =	ssyncadd.s32 $0xFFFFC000  }
0x4cf: {  	[spmem:s2] =	stream.indirect.scatter.add.f32 [tilespmem:s11], [sflag:$0x2], $0x80, s1, s9, $0xb8;
	[tilespmem:$0x1D000] =	vst v63  }
0x4d0: {  	_ =	swait.ge [sflag:s14], $0x4000  }
0x4d1: {  	[sflag:s14] =	ssyncset.done $0x0  }
0x4d2: {  	s18 =	simm.s32 $0x580;
	[sflag:s14] =	ssyncadd.s32 $0xFFFFC000  }
0x4d3: {  	[tilespmem:s11], [sflag:$0x2] =	stream.indirect.gather [hbm4b:s8+s9], $0x80, s18, s9, $0xb8;
	[tilespmem:$0x1D000] =	vst v63  }
0x4d4: {  	_ =	swait.ge [sflag:s12], $0x4000  }
0x4d5: {  	[sflag:s12] =	ssyncset.done $0x0  }
0x4d6: {  	s23 =	simm.s32 $0xD00;
	[sflag:s12] =	ssyncadd.s32 $0xFFFFC000  }
0x4d7: {  	[spmem:s2] =	stream.indirect.scatter.add.f32 [tilespmem:s10], [sflag:$0x1], $0x80, s23, s9, $0xb8;
	[tilespmem:$0x1D000] =	vst v63  }
0x4d8: {  	_ =	swait.ge [sflag:s12], $0x4000  }
0x4d9: {  	[sflag:s12] =	ssyncset.done $0x0  }
0x4da: {  	s24 =	simm.s32 $0x600;
	[sflag:s12] =	ssyncadd.s32 $0xFFFFC000  }
0x4db: {  	[tilespmem:s10], [sflag:$0x1] =	stream.indirect.gather [hbm4b:s8+s9], $0x80, s24, s9, $0xb8;
	[tilespmem:$0x1D000] =	vst v63  }
0x4dc: {  	_ =	swait.ge [sflag:s14], $0x4000  }
0x4dd: {  	[sflag:s14] =	ssyncset.done $0x0  }
0x4de: {  	s15 =	simm.s32 $0xD80;
	[sflag:s14] =	ssyncadd.s32 $0xFFFFC000  }
0x4df: {  	[spmem:s2] =	stream.indirect.scatter.add.f32 [tilespmem:s11], [sflag:$0x2], $0x80, s15, s9, $0xb8;
	[tilespmem:$0x1D000] =	vst v63  }
0x4e0: {  	_ =	swait.ge [sflag:s14], $0x4000  }
0x4e1: {  	[sflag:s14] =	ssyncset.done $0x0  }
0x4e2: {  	s16 =	simm.s32 $0x680;
	[sflag:s14] =	ssyncadd.s32 $0xFFFFC000  }
0x4e3: {  	[tilespmem:s11], [sflag:$0x2] =	stream.indirect.gather [hbm4b:s8+s9], $0x80, s16, s9, $0xb8;
	[tilespmem:$0x1D000] =	vst v63  }
0x4e4: {  	_ =	swait.ge [sflag:s12], $0x4000  }
0x4e5: {  	[sflag:s12] =	ssyncset.done $0x0  }
0x4e6: {  	s17 =	simm.s32 $0xE00;
	[sflag:s12] =	ssyncadd.s32 $0xFFFFC000  }
0x4e7: {  	[spmem:s2] =	stream.indirect.scatter.add.f32 [tilespmem:s10], [sflag:$0x1], $0x80, s17, s9, $0xb8;
	[tilespmem:$0x1D000] =	vst v63  }
0x4e8: {  	_ =	swait.ge [sflag:s12], $0x4000  }
0x4e9: {  	[sflag:s12] =	ssyncset.done $0x0  }
0x4ea: {  	s18 =	simm.s32 $0x700;
	[sflag:s12] =	ssyncadd.s32 $0xFFFFC000  }
0x4eb: {  	[tilespmem:s10], [sflag:$0x1] =	stream.indirect.gather [hbm4b:s8+s9], $0x80, s18, s9, $0xb8;
	[tilespmem:$0x1D000] =	vst v63  }
0x4ec: {  	_ =	swait.ge [sflag:s14], $0x4000  }
0x4ed: {  	[sflag:s14] =	ssyncset.done $0x0  }
0x4ee: {  	s23 =	simm.s32 $0xE80;
	[sflag:s14] =	ssyncadd.s32 $0xFFFFC000  }
0x4ef: {  	[spmem:s2] =	stream.indirect.scatter.add.f32 [tilespmem:s11], [sflag:$0x2], $0x80, s23, s9, $0xb8;
	[tilespmem:$0x1D000] =	vst v63  }
0x4f0: {  	_ =	swait.ge [sflag:s14], $0x4000  }
0x4f1: {  	[sflag:s14] =	ssyncset.done $0x0  }
0x4f2: {  	s23 =	simm.s32 $0x780;
	[sflag:s14] =	ssyncadd.s32 $0xFFFFC000  }
0x4f3: {  	[tilespmem:s11], [sflag:$0x2] =	stream.indirect.gather [hbm4b:s8+s9], $0x80, s23, s9, $0xb8;
	[tilespmem:$0x1D000] =	vst v63  }
0x4f4: {  	_ =	swait.ge [sflag:s12], $0x4000  }
0x4f5: {  	[sflag:s12] =	ssyncset.done $0x0  }
0x4f6: {  	s23 =	simm.s32 $0xF00;
	[sflag:s12] =	ssyncadd.s32 $0xFFFFC000  }
0x4f7: {  	[spmem:s2] =	stream.indirect.scatter.add.f32 [tilespmem:s10], [sflag:$0x1], $0x80, s23, s9, $0xb8;
	[tilespmem:$0x1D000] =	vst v63  }
0x4f8: {  	_ =	swait.ge [sflag:s12], $0x4000  }
0x4f9: {  	[sflag:s12] =	ssyncset.done $0x0  }
0x4fa: {  	[sflag:s12] =	ssyncadd.s32 $0xFFFFC000  }
0x4fb: {  	_ =	swait.ge [sflag:s14], $0x4000  }
0x4fc: {  	[sflag:s14] =	ssyncset.done $0x0  }
0x4fd: {  	s23 =	simm.s32 $0xF80;
	[sflag:s14] =	ssyncadd.s32 $0xFFFFC000  }
0x4fe: {  	[spmem:s2] =	stream.indirect.scatter.add.f32 [tilespmem:s11], [sflag:$0x2], $0x80, s23, s9, $0xb8;
	[tilespmem:$0x1D000] =	vst v63  }
0x4ff: {  	_ =	swait.ge [sflag:s14], $0x4000  }
0x500: {  	[sflag:s14] =	ssyncset.done $0x0  }
0x501: {  	s23 =	rddreg [dreg:$0xc];
	[sflag:s14] =	ssyncadd.s32 $0xFFFFC000  }
0x502: {  	[tilespmem:s13], [sflag:$0x3] =	stream.linear.gather [hbm4b:s23+s13], $0x800, $0x38;
	[tilespmem:$0x1D000] =	vst v63  }
0x503: {  	_ =	swait.ge [sflag:s5], $0x800  }
0x504: {  	[sflag:s5] =	ssyncset.done $0x0  }
0x505: {  	s23 =	rddreg [dreg:$0xd];
	[sflag:s5] =	ssyncadd.s32 $0xFFFFF800  }
0x506: {  	[tilespmem:s0], [sflag:$0x3] =	stream.linear.gather [hbm4b:s23+s13], $0x800, $0x38;
	[tilespmem:$0x1D000] =	vst v63  }
0x507: {  	_ =	swait.ge [sflag:s5], $0x800  }
0x508: {  	[sflag:s5] =	ssyncset.done $0x0  }
0x509: {  	[sflag:s5] =	ssyncadd.s32 $0xFFFFF800  }
0x50a: {  	[tilespmem:s10], [sflag:$0x1] =	stream.indirect.gather [hbm4b:s8+s9], $0x80, s13, s9, $0xb8;
	[tilespmem:$0x1D000] =	vst v63  }
0x50b: {  	_ = 	snop  }
0x50c: {  	[tilespmem:s11], [sflag:$0x2] =	stream.indirect.gather [hbm4b:s8+s9], $0x80, s9, s9, $0xb8;
	[tilespmem:$0x1D000] =	vst v63  }
0x50d: {  	_ =	swait.ge [sflag:s12], $0x4000  }
0x50e: {  	[sflag:s12] =	ssyncset.done $0x0  }
0x50f: {  	[sflag:s12] =	ssyncadd.s32 $0xFFFFC000  }
0x510: {  	[spmem:s2] =	stream.indirect.scatter.add.f32 [tilespmem:s10], [sflag:$0x1], $0x80, s0, s9, $0xb8;
	[tilespmem:$0x1D000] =	vst v63  }
0x511: {  	_ =	swait.ge [sflag:s12], $0x4000  }
0x512: {  	[sflag:s12] =	ssyncset.done $0x0  }
0x513: {  	s23 =	simm.s32 $0x100;
	[sflag:s12] =	ssyncadd.s32 $0xFFFFC000  }
0x514: {  	[tilespmem:s10], [sflag:$0x1] =	stream.indirect.gather [hbm4b:s8+s9], $0x80, s23, s9, $0xb8;
	[tilespmem:$0x1D000] =	vst v63  }
0x515: {  	_ =	swait.ge [sflag:s14], $0x4000  }
0x516: {  	[sflag:s14] =	ssyncset.done $0x0  }
0x517: {  	s23 =	simm.s32 $0x880;
	[sflag:s14] =	ssyncadd.s32 $0xFFFFC000  }
0x518: {  	[spmem:s2] =	stream.indirect.scatter.add.f32 [tilespmem:s11], [sflag:$0x2], $0x80, s23, s9, $0xb8;
	[tilespmem:$0x1D000] =	vst v63  }
0x519: {  	_ =	swait.ge [sflag:s14], $0x4000  }
0x51a: {  	[sflag:s14] =	ssyncset.done $0x0  }
0x51b: {  	s23 =	simm.s32 $0x180;
	[sflag:s14] =	ssyncadd.s32 $0xFFFFC000  }
0x51c: {  	[tilespmem:s11], [sflag:$0x2] =	stream.indirect.gather [hbm4b:s8+s9], $0x80, s23, s9, $0xb8;
	[tilespmem:$0x1D000] =	vst v63  }
0x51d: {  	_ =	swait.ge [sflag:s12], $0x4000  }
0x51e: {  	[sflag:s12] =	ssyncset.done $0x0  }
0x51f: {  	s23 =	simm.s32 $0x900;
	[sflag:s12] =	ssyncadd.s32 $0xFFFFC000  }
0x520: {  	[spmem:s2] =	stream.indirect.scatter.add.f32 [tilespmem:s10], [sflag:$0x1], $0x80, s23, s9, $0xb8;
	[tilespmem:$0x1D000] =	vst v63  }
0x521: {  	_ =	swait.ge [sflag:s12], $0x4000  }
0x522: {  	[sflag:s12] =	ssyncset.done $0x0  }
0x523: {  	s23 =	simm.s32 $0x200;
	[sflag:s12] =	ssyncadd.s32 $0xFFFFC000  }
0x524: {  	[tilespmem:s10], [sflag:$0x1] =	stream.indirect.gather [hbm4b:s8+s9], $0x80, s23, s9, $0xb8;
	[tilespmem:$0x1D000] =	vst v63  }
0x525: {  	_ =	swait.ge [sflag:s14], $0x4000  }
0x526: {  	[sflag:s14] =	ssyncset.done $0x0  }
0x527: {  	s7 =	simm.s32 $0x980;
	[sflag:s14] =	ssyncadd.s32 $0xFFFFC000  }
0x528: {  	[spmem:s2] =	stream.indirect.scatter.add.f32 [tilespmem:s11], [sflag:$0x2], $0x80, s7, s9, $0xb8;
	[tilespmem:$0x1D000] =	vst v63  }
0x529: {  	_ =	swait.ge [sflag:s14], $0x4000  }
0x52a: {  	[sflag:s14] =	ssyncset.done $0x0  }
0x52b: {  	s19 =	simm.s32 $0x280;
	[sflag:s14] =	ssyncadd.s32 $0xFFFFC000  }
0x52c: {  	[tilespmem:s11], [sflag:$0x2] =	stream.indirect.gather [hbm4b:s8+s9], $0x80, s19, s9, $0xb8;
	[tilespmem:$0x1D000] =	vst v63  }
0x52d: {  	_ =	swait.ge [sflag:s12], $0x4000  }
0x52e: {  	[sflag:s12] =	ssyncset.done $0x0  }
0x52f: {  	s3 =	simm.s32 $0xA00;
	[sflag:s12] =	ssyncadd.s32 $0xFFFFC000  }
0x530: {  	[spmem:s2] =	stream.indirect.scatter.add.f32 [tilespmem:s10], [sflag:$0x1], $0x80, s3, s9, $0xb8;
	[tilespmem:$0x1D000] =	vst v63  }
0x531: {  	_ =	swait.ge [sflag:s12], $0x4000  }
0x532: {  	[sflag:s12] =	ssyncset.done $0x0  }
0x533: {  	s20 =	simm.s32 $0x300;
	[sflag:s12] =	ssyncadd.s32 $0xFFFFC000  }
0x534: {  	[tilespmem:s10], [sflag:$0x1] =	stream.indirect.gather [hbm4b:s8+s9], $0x80, s20, s9, $0xb8;
	[tilespmem:$0x1D000] =	vst v63  }
0x535: {  	_ =	swait.ge [sflag:s14], $0x4000  }
0x536: {  	[sflag:s14] =	ssyncset.done $0x0  }
0x537: {  	s20 =	simm.s32 $0xA80;
	[sflag:s14] =	ssyncadd.s32 $0xFFFFC000  }
0x538: {  	[spmem:s2] =	stream.indirect.scatter.add.f32 [tilespmem:s11], [sflag:$0x2], $0x80, s20, s9, $0xb8;
	[tilespmem:$0x1D000] =	vst v63  }
0x539: {  	_ =	swait.ge [sflag:s14], $0x4000  }
0x53a: {  	[sflag:s14] =	ssyncset.done $0x0  }
0x53b: {  	s4 =	simm.s32 $0x380;
	[sflag:s14] =	ssyncadd.s32 $0xFFFFC000  }
0x53c: {  	[tilespmem:s11], [sflag:$0x2] =	stream.indirect.gather [hbm4b:s8+s9], $0x80, s4, s9, $0xb8;
	[tilespmem:$0x1D000] =	vst v63  }
0x53d: {  	_ =	swait.ge [sflag:s12], $0x4000  }
0x53e: {  	[sflag:s12] =	ssyncset.done $0x0  }
0x53f: {  	s6 =	simm.s32 $0xB00;
	[sflag:s12] =	ssyncadd.s32 $0xFFFFC000  }
0x540: {  	[spmem:s2] =	stream.indirect.scatter.add.f32 [tilespmem:s10], [sflag:$0x1], $0x80, s6, s9, $0xb8;
	[tilespmem:$0x1D000] =	vst v63  }
0x541: {  	_ =	swait.ge [sflag:s12], $0x4000  }
0x542: {  	[sflag:s12] =	ssyncset.done $0x0  }
0x543: {  	s25 =	simm.s32 $0x400;
	[sflag:s12] =	ssyncadd.s32 $0xFFFFC000  }
0x544: {  	[tilespmem:s10], [sflag:$0x1] =	stream.indirect.gather [hbm4b:s8+s9], $0x80, s25, s9, $0xb8;
	[tilespmem:$0x1D000] =	vst v63  }
0x545: {  	_ =	swait.ge [sflag:s14], $0x4000  }
0x546: {  	[sflag:s14] =	ssyncset.done $0x0  }
0x547: {  	s26 =	simm.s32 $0xB80;
	[sflag:s14] =	ssyncadd.s32 $0xFFFFC000  }
0x548: {  	[spmem:s2] =	stream.indirect.scatter.add.f32 [tilespmem:s11], [sflag:$0x2], $0x80, s26, s9, $0xb8;
	[tilespmem:$0x1D000] =	vst v63  }
0x549: {  	_ =	swait.ge [sflag:s14], $0x4000  }
0x54a: {  	[sflag:s14] =	ssyncset.done $0x0  }
0x54b: {  	s28 =	simm.s32 $0x480;
	[sflag:s14] =	ssyncadd.s32 $0xFFFFC000  }
0x54c: {  	[tilespmem:s11], [sflag:$0x2] =	stream.indirect.gather [hbm4b:s8+s9], $0x80, s28, s9, $0xb8;
	[tilespmem:$0x1D000] =	vst v63  }
0x54d: {  	_ =	swait.ge [sflag:s12], $0x4000  }
0x54e: {  	[sflag:s12] =	ssyncset.done $0x0  }
0x54f: {  	s29 =	simm.s32 $0xC00;
	[sflag:s12] =	ssyncadd.s32 $0xFFFFC000  }
0x550: {  	[spmem:s2] =	stream.indirect.scatter.add.f32 [tilespmem:s10], [sflag:$0x1], $0x80, s29, s9, $0xb8;
	[tilespmem:$0x1D000] =	vst v63  }
0x551: {  	_ =	swait.ge [sflag:s12], $0x4000  }
0x552: {  	[sflag:s12] =	ssyncset.done $0x0  }
0x553: {  	s30 =	simm.s32 $0x500;
	[sflag:s12] =	ssyncadd.s32 $0xFFFFC000  }
0x554: {  	[tilespmem:s10], [sflag:$0x1] =	stream.indirect.gather [hbm4b:s8+s9], $0x80, s30, s9, $0xb8;
	[tilespmem:$0x1D000] =	vst v63  }
0x555: {  	_ =	swait.ge [sflag:s14], $0x4000  }
0x556: {  	[sflag:s14] =	ssyncset.done $0x0  }
0x557: {  	s21 =	simm.s32 $0xC80;
	[sflag:s14] =	ssyncadd.s32 $0xFFFFC000  }
0x558: {  	[spmem:s2] =	stream.indirect.scatter.add.f32 [tilespmem:s11], [sflag:$0x2], $0x80, s21, s9, $0xb8;
	[tilespmem:$0x1D000] =	vst v63  }
0x559: {  	_ =	swait.ge [sflag:s14], $0x4000  }
0x55a: {  	[sflag:s14] =	ssyncset.done $0x0  }
0x55b: {  	s31 =	simm.s32 $0x580;
	[sflag:s14] =	ssyncadd.s32 $0xFFFFC000  }
0x55c: {  	[tilespmem:s11], [sflag:$0x2] =	stream.indirect.gather [hbm4b:s8+s9], $0x80, s31, s9, $0xb8;
	[tilespmem:$0x1D000] =	vst v63  }
0x55d: {  	_ =	swait.ge [sflag:s12], $0x4000  }
0x55e: {  	[sflag:s12] =	ssyncset.done $0x0  }
0x55f: {  	s23 =	simm.s32 $0xD00;
	[sflag:s12] =	ssyncadd.s32 $0xFFFFC000  }
0x560: {  	[spmem:s2] =	stream.indirect.scatter.add.f32 [tilespmem:s10], [sflag:$0x1], $0x80, s23, s9, $0xb8;
	[tilespmem:$0x1D000] =	vst v63  }
0x561: {  	_ =	swait.ge [sflag:s12], $0x4000  }
0x562: {  	[sflag:s12] =	ssyncset.done $0x0  }
0x563: {  	s1 =	simm.s32 $0x600;
	[sflag:s12] =	ssyncadd.s32 $0xFFFFC000  }
0x564: {  	[tilespmem:s10], [sflag:$0x1] =	stream.indirect.gather [hbm4b:s8+s9], $0x80, s1, s9, $0xb8;
	[tilespmem:$0x1D000] =	vst v63  }
0x565: {  	_ =	swait.ge [sflag:s14], $0x4000  }
0x566: {  	[sflag:s14] =	ssyncset.done $0x0  }
0x567: {  	s24 =	simm.s32 $0xD80;
	[sflag:s14] =	ssyncadd.s32 $0xFFFFC000  }
0x568: {  	[spmem:s2] =	stream.indirect.scatter.add.f32 [tilespmem:s11], [sflag:$0x2], $0x80, s24, s9, $0xb8;
	[tilespmem:$0x1D000] =	vst v63  }
0x569: {  	_ =	swait.ge [sflag:s14], $0x4000  }
0x56a: {  	[sflag:s14] =	ssyncset.done $0x0  }
0x56b: {  	s15 =	simm.s32 $0x680;
	[sflag:s14] =	ssyncadd.s32 $0xFFFFC000  }
0x56c: {  	[tilespmem:s11], [sflag:$0x2] =	stream.indirect.gather [hbm4b:s8+s9], $0x80, s15, s9, $0xb8;
	[tilespmem:$0x1D000] =	vst v63  }
0x56d: {  	_ =	swait.ge [sflag:s12], $0x4000  }
0x56e: {  	[sflag:s12] =	ssyncset.done $0x0  }
0x56f: {  	s16 =	simm.s32 $0xE00;
	[sflag:s12] =	ssyncadd.s32 $0xFFFFC000  }
0x570: {  	[spmem:s2] =	stream.indirect.scatter.add.f32 [tilespmem:s10], [sflag:$0x1], $0x80, s16, s9, $0xb8;
	[tilespmem:$0x1D000] =	vst v63  }
0x571: {  	_ =	swait.ge [sflag:s12], $0x4000  }
0x572: {  	[sflag:s12] =	ssyncset.done $0x0  }
0x573: {  	s17 =	simm.s32 $0x700;
	[sflag:s12] =	ssyncadd.s32 $0xFFFFC000  }
0x574: {  	[tilespmem:s10], [sflag:$0x1] =	stream.indirect.gather [hbm4b:s8+s9], $0x80, s17, s9, $0xb8;
	[tilespmem:$0x1D000] =	vst v63  }
0x575: {  	_ =	swait.ge [sflag:s14], $0x4000  }
0x576: {  	[sflag:s14] =	ssyncset.done $0x0  }
0x577: {  	s18 =	simm.s32 $0xE80;
	[sflag:s14] =	ssyncadd.s32 $0xFFFFC000  }
0x578: {  	[spmem:s2] =	stream.indirect.scatter.add.f32 [tilespmem:s11], [sflag:$0x2], $0x80, s18, s9, $0xb8;
	[tilespmem:$0x1D000] =	vst v63  }
0x579: {  	_ =	swait.ge [sflag:s14], $0x4000  }
0x57a: {  	[sflag:s14] =	ssyncset.done $0x0  }
0x57b: {  	s25 =	simm.s32 $0x780;
	[sflag:s14] =	ssyncadd.s32 $0xFFFFC000  }
0x57c: {  	[tilespmem:s11], [sflag:$0x2] =	stream.indirect.gather [hbm4b:s8+s9], $0x80, s25, s9, $0xb8;
	[tilespmem:$0x1D000] =	vst v63  }
0x57d: {  	_ =	swait.ge [sflag:s12], $0x4000  }
0x57e: {  	[sflag:s12] =	ssyncset.done $0x0  }
0x57f: {  	s26 =	simm.s32 $0xF00;
	[sflag:s12] =	ssyncadd.s32 $0xFFFFC000  }
0x580: {  	[spmem:s2] =	stream.indirect.scatter.add.f32 [tilespmem:s10], [sflag:$0x1], $0x80, s26, s9, $0xb8;
	[tilespmem:$0x1D000] =	vst v63  }
0x581: {  	_ =	swait.ge [sflag:s12], $0x4000  }
0x582: {  	[sflag:s12] =	ssyncset.done $0x0  }
0x583: {  	[sflag:s12] =	ssyncadd.s32 $0xFFFFC000  }
0x584: {  	_ =	swait.ge [sflag:s14], $0x4000  }
0x585: {  	[sflag:s14] =	ssyncset.done $0x0  }
0x586: {  	s28 =	simm.s32 $0xF80;
	[sflag:s14] =	ssyncadd.s32 $0xFFFFC000  }
0x587: {  	[spmem:s2] =	stream.indirect.scatter.add.f32 [tilespmem:s11], [sflag:$0x2], $0x80, s28, s9, $0xb8;
	[tilespmem:$0x1D000] =	vst v63  }
0x588: {  	_ =	swait.ge [sflag:s14], $0x4000  }
0x589: {  	[sflag:s14] =	ssyncset.done $0x0  }
0x58a: {  	[sflag:s14] =	ssyncadd.s32 $0xFFFFC000  }
0x58b: {  	p0 =	sne.s32 s22, $0x1;
	[bflag:$0x0] =	sbarrier.arrive $0xFFFF  }
.Ltmp1:
0x58c: {  	s29 =	rddreg [dreg:$0xe];
	(pc) =	sbr.rel @p0 .LBB2_1-.Ltmp1, $4  }
0x58d: {  	s30 =	rddreg [dreg:$0x10]  }
0x58e: {  	s31 =	rddreg [dreg:$0xf]  }
0x58f: {  	[hbm:s29], [sflag:s31] =	dma.local [spmem:s30], $0x2800  }
0x590: {  	s22 =	sadd.s32 $0xFFFFFFFF, s22;
	_ =	swait.ge [sflag:s5], $0x2800  }
.LBB2_2:
0x591: {  	[sflag:s5] =	ssyncset.done $0x0  }
0x592: {  	[sflag:s5] =	ssyncadd.s32 $0xFFFFD800  }
0x593: {  	_ =	sfence.sel $0x180000  }
0x594: {  	[bflag:$0x0] =	sbarrier.arrive $0xFFFF  }
0x595: {  	_ =	strace $0x9000004A  }
0x596: {  	s0 =	stileid.u32;
	[bflag:$0x2] =	sbarrier.arrive $0xFFFF  }
0x597: {  	p0 =	sne.s32 s0, $0x0;
	s0 =	rddreg [dreg:$0x2]  }
0x598: {  	s0 =	sadd.s32 @!p0 $0x100000, s0  }
0x599: {  	[sflag:s0] =	ssyncadd.tile.s32 @!p0 $0x1;
	_ =	shalt  }
.Lfunc_end2:
_tile_overlayer_lowered:
.L_overlay_start_2:
0x59a: {  	(tag) =	ssettag $0x2  }
0x59b: {  	s0 =	rddreg [dreg:$0x0];
	s2 =	stileid.u32  }
0x59c: {  	s1 =	rddreg [dreg:$0x1];
	p0 =	sne.s32 s2, $0x0  }
0x59d: {  	s3 =	rddreg [dreg:$0x2];
	[bflag:$0x3] =	sbarrier.arrive $0xFFFF;
	s2 =	simm.s32 @!p0 $0x1C03  }
0x59e: {  	[timem:s3], [sflag:s2] =	dma.local @!p0 [hbm:s0], s1  }
0x59f: {  	s0 =	simm.s32 @!p0 $0x3  }
0x5a0: {  	_ =	swait.ge @!p0 [sflag:s0], s1  }
0x5a1: {  	s1 =	ssub.s32 @!p0 $0x0, s1;
	[sflag:s0] =	ssyncset.done @!p0 $0x0  }
0x5a2: {  	[sflag:s0] =	ssyncadd.s32 @!p0 s1  }
0x5a3: {  	[bflag:$0x3] =	sbarrier.arrive $0xFFFF  }
0x5a4: {  	_ =	shalt  }

// kernel: kernel.14.cloned.1.call-start
scs
__scs_entry_jumppad:
0x0: {  	(pc) =	sbr.rel $0x88, $3  }
0x1: {  	(tag) =	ssettag $0x0;
	lr =	simm.s32 $0x1  }
0x2: {  	[smem:$0x3F9B] =	sst lr;
	_ =	strace $0xD0000000  }
0x3: {  	_ = 	snop  }
0x4: {  	_ = 	snop  }
0x5: {  	_ = 	snop  }
0x6: {  	_ = 	snop  }
0x7: {  	_ = 	snop  }
__scs_overlays_trampoline_lowered:
0x8: {  	[smem:$0x3FAA] =	sst s0  }
0x9: {  	[smem:$0x3FAB] =	sst s1  }
0xa: {  	[smem:$0x3FAC] =	sst s2  }
0xb: {  	[smem:$0x3FAD] =	sst s3  }
0xc: {  	[smem:$0x3FAE] =	sst s4  }
0xd: {  	[smem:$0x3FAF] =	sst s5  }
0xe: {  	[smem:$0x3FB0] =	sst s6  }
0xf: {  	[smem:$0x3FB1] =	sst s7  }
0x10: {  	[smem:$0x3FB2] =	sst s8  }
0x11: {  	[smem:$0x3FB3] =	sst s9;
	s0 =	simm.s32 @!p0 $0x0  }
0x12: {  	s1 =	sld [smem:$0x3F99];
	s0 =	simm.s32 @p0 $0x1  }
0x13: {  	[smem:$0x3FB4] =	sst s0;
	s0 =	simm.s32 @!p1 $0x0  }
0x14: {  	s2 =	sld [smem:$0x3F98];
	s0 =	simm.s32 @p1 $0x1  }
0x15: {  	[smem:$0x3FB5] =	sst s0;
	s0 =	simm.s32 @!p2 $0x0  }
0x16: {  	s3 =	sld [smem:$0x3FDB];
	s0 =	simm.s32 @p2 $0x1  }
0x17: {  	s4 =	simm.s32 $0x1BF5;
	[smem:$0x3FB7] =	sst s0  }
0x18: {  	s0 =	sld [smem:$0x3F9A];
	_ =	swait.ge [sflag:s4], $0x0  }
0x19: {  	s7 =	sld [smem:$0x3F9B]  }
0x1a: {  	s8 =	sadd.s32 $0xFFFFE003, lr  }
0x1b: {  	s9 =	sadd.s32 $0xFFFFFEF7, lr;
	s5 =	simm.s32 $0xFFFFFFFF;
	p2 =	slt.u32 s8, $0xFFFFF086  }
0x1c: {  	p1 =	slt.u32 s9, $0xF7A;
	s5 =	simm.s32 @!p2 $0x0  }
0x1d: {  	s5 =	simm.s32 @p1 $0x1;
	p0 =	seq.s32 s7, s2  }
0x1e: {  	s7 =	smul.u32 @!p0 $0xF7A, s2;
	p2 =	seq.s32 @!p0 s5, $0x0  }
0x1f: {  	s9 =	smul.u32 $0xF7A, s1;
	s8 =	simm.s32 @!p0 $0x1BF5;
	p2 =	por !p2, p0  }
0x20: {  	[sflag:s8] =	ssyncset.s32 @!p0 $0xFFFFF086;
	s6 =	sadd.s32 @!p0 s3, s7;
	s7 =	simm.s32 @!p0 $0x108  }
0x21: {  	s3 =	sadd.s32 s3, s9;
	s6 =	sadd.s32 @!p0 $0x88, s6;
	s7 =	simm.s32 @p2 $0x1082  }
0x22: {  	[simem:s7], [sflag:s8] =	dma.local @!p0 [hbm:s6], $0xF7A  }
0x23: {  	s9 =	sor.u32 $0xD0000000, s2;
	s6 =	simm.s32 $0x108;
	_ =	swait.ge @!p0 [sflag:s8], $0x0  }
0x24: {  	s3 =	sadd.s32 $0x88, s3;
	s6 =	simm.s32 @!p1 $0x1082;
	[sflag:s4] =	ssyncset.s32 $0xFFFFF086  }
0x25: {  	[simem:s6], [sflag:s4] =	dma.local [hbm:s3], $0xF7A  }
0x26: {  	[smem:$0x3F9B] =	sst s1;
	(tag) =	ssettag s2;
	_ =	strace s9  }
0x27: {  	s1 =	sld [smem:$0x3FAB]  }
0x28: {  	s2 =	sld [smem:$0x3FAC]  }
0x29: {  	s4 =	sld [smem:$0x3FAE]  }
0x2a: {  	p0 =	seq.s32 s5, $0x0;
	s5 =	sld [smem:$0x3FAF]  }
0x2b: {  	s6 =	sld [smem:$0x3FB0]  }
0x2c: {  	s7 =	sld [smem:$0x3FB1]  }
0x2d: {  	s3 =	simm.s32 $0x108;
	s8 =	sld [smem:$0x3FB2]  }
0x2e: {  	s3 =	simm.s32 @!p0 $0x1082;
	s9 =	sld [smem:$0x3FB3]  }
0x2f: {  	lr =	sadd.s32 s0, s3;
	s0 =	sld [smem:$0x3FAA]  }
0x30: {  	s3 =	sld [smem:$0x3FAD]  }
0x31: {  	[smem:$0x3FB6] =	sst s10  }
0x32: {  	s10 =	sld [smem:$0x3FB4];
	_ =	sdelay $0x3  }
0x33: {  	p0 =	seq.s32 s10, $0x1;
	s10 =	sld [smem:$0x3FB6];
	_ =	sdelay $0x3  }
0x34: {  	[smem:$0x3FB6] =	sst s10  }
0x35: {  	s10 =	sld [smem:$0x3FB5];
	_ =	sdelay $0x3  }
0x36: {  	p1 =	seq.s32 s10, $0x1;
	s10 =	sld [smem:$0x3FB6];
	_ =	sdelay $0x3  }
0x37: {  	[smem:$0x3FB6] =	sst s10  }
0x38: {  	s10 =	sld [smem:$0x3FB7]  }
0x39: {  	_ = 	snop;
	(pc) =	sbr.ind lr, $3  }
0x3a: {  	_ = 	snop  }
0x3b: {  	_ = 	snop  }
0x3c: {  	p2 =	seq.s32 s10, $0x1;
	s10 =	sld [smem:$0x3FB6]  }
0x3d: {  	_ =	shalt  }
0x3e: {  	_ =	shalt  }
0x3f: {  	_ =	shalt  }
0x40: {  	_ =	shalt  }
0x41: {  	_ =	shalt  }
0x42: {  	_ =	shalt  }
0x43: {  	_ =	shalt  }
0x44: {  	_ =	shalt  }
0x45: {  	_ =	shalt  }
0x46: {  	_ =	shalt  }
0x47: {  	_ =	shalt  }
0x48: {  	_ =	shalt  }
0x49: {  	_ =	shalt  }
0x4a: {  	_ =	shalt  }
0x4b: {  	_ =	shalt  }
0x4c: {  	_ =	shalt  }
0x4d: {  	_ =	shalt  }
0x4e: {  	_ =	shalt  }
0x4f: {  	_ =	shalt  }
0x50: {  	_ =	shalt  }
0x51: {  	_ =	shalt  }
0x52: {  	_ =	shalt  }
0x53: {  	_ =	shalt  }
0x54: {  	_ =	shalt  }
0x55: {  	_ =	shalt  }
0x56: {  	_ =	shalt  }
0x57: {  	_ =	shalt  }
0x58: {  	_ =	shalt  }
0x59: {  	_ =	shalt  }
0x5a: {  	_ =	shalt  }
0x5b: {  	_ =	shalt  }
0x5c: {  	_ =	shalt  }
0x5d: {  	_ =	shalt  }
0x5e: {  	_ =	shalt  }
0x5f: {  	_ =	shalt  }
0x60: {  	_ =	shalt  }
0x61: {  	_ =	shalt  }
0x62: {  	_ =	shalt  }
0x63: {  	_ =	shalt  }
0x64: {  	_ =	shalt  }
0x65: {  	_ =	shalt  }
0x66: {  	_ =	shalt  }
0x67: {  	_ =	shalt  }
0x68: {  	_ =	shalt  }
0x69: {  	_ =	shalt  }
0x6a: {  	_ =	shalt  }
0x6b: {  	_ =	shalt  }
0x6c: {  	_ =	shalt  }
0x6d: {  	_ =	shalt  }
0x6e: {  	_ =	shalt  }
0x6f: {  	_ =	shalt  }
0x70: {  	_ =	shalt  }
0x71: {  	_ =	shalt  }
0x72: {  	_ =	shalt  }
0x73: {  	_ =	shalt  }
0x74: {  	_ =	shalt  }
0x75: {  	_ =	shalt  }
0x76: {  	_ =	shalt  }
0x77: {  	_ =	shalt  }
0x78: {  	_ =	shalt  }
0x79: {  	_ =	shalt  }
0x7a: {  	_ =	shalt  }
0x7b: {  	_ =	shalt  }
0x7c: {  	_ =	shalt  }
0x7d: {  	_ =	shalt  }
0x7e: {  	_ =	shalt  }
0x7f: {  	_ =	shalt  }
0x80: {  	_ =	shalt  }
0x81: {  	_ =	shalt  }
0x82: {  	_ =	shalt  }
0x83: {  	_ =	shalt  }
0x84: {  	_ =	shalt  }
0x85: {  	_ =	shalt  }
0x86: {  	_ =	shalt  }
0x87: {  	_ =	shalt  }
.Lfunc_end0:
.L_simem_size_0:
called_computation.2_lowered:
.L_overlay_start_0:
0x88: {  	s2 =	sld [smem:$0x3FD9]  }
0x89: {  	s3 =	sld [smem:$0x3FFE];
	_ =	sdelay $0x1  }
0x8a: {  	s1 =	srdreg.scid  }
0x8b: {  	s0 =	sand.u32 $0x1, s1  }
0x8c: {  	s16 =	sshll.u32 s0, $0xA;
	s2 =	sadd.s32 s3, s2  }
0x8d: {  	s2 =	sadd.s32 s2, s16  }
0x8e: {  	[smem:$0x3FC2] =	sst s2  }
0x8f: {  	_ = 	snop  }
0x90: {  	(tm) =	ssettm $0x1  }
0x91: {  	s17 =	sld [smem:$0x3FFB];
	_ =	sdelay $0x3  }
0x92: {  	_ =	strace s17  }
0x93: {  	s2 =	sld [smem:$0x3FFC];
	_ =	sdelay $0x3  }
0x94: {  	_ =	strace s2  }
0x95: {  	s2 =	sld [smem:$0x3FFD];
	_ =	sdelay $0x3  }
0x96: {  	_ =	strace s2  }
0x97: {  	_ =	strace $0x8FFFFFFF  }
0x98: {  	s18 =	sld [smem:$0x3FDB];
	_ =	sdelay $0x1  }
0x99: {  	s19 =	simm.s32 $_scs_section_size  }
0x9a: {  	s4 =	simm.s32 $_size__tile_overlayer_lowered;
	s5 =	simm.s32 $_tile_overlayer_lowered  }
0x9b: {  	s22 =	simm.s32 $0x1BFF;
	s21 =	sshll.u32 s5, $0x1;
	s2 =	sadd.s32 s19, s18  }
0x9c: {  	s6 =	simm.s32 $0x0;
	s20 =	sshll.u32 s4, $0x1;
	s4 =	sadd.s32 s21, s2  }
0x9d: {  	[timem:s6], [sflag:s22] =	dma.local [hbm:s4], s20  }
0x9e: {  	_ =	swait.ge [sflag:s22], s20  }
0x9f: {  	s3 =	ssub.s32 $0x0, s20;
	[sflag:s22] =	ssyncset.done $0x0  }
0xa0: {  	[sflag:s22] =	ssyncadd.s32 s3;
	_ =	sdelay $0x1  }
0xa1: {  	s23 =	simm.s32 $0x1B8B  }
0xa2: {  	_ =	swait.ge [sflag:s23], $0x1  }
0xa3: {  	[sflag:s23] =	ssyncset.done $0x0  }
0xa4: {  	s25 =	simm.s32 $0x1B8E;
	s24 =	sld [smem:$0x3FFE];
	[sflag:s23] =	ssyncadd.s32 $0xFFFFFFFF  }
0xa5: {  	s26 =	simm.s32 $execute0_lowered;
	[smem:$0x3FD2] =	sst s25  }
0xa6: {  	s4 =	sshll.u32 s26, $0x1;
	_ =	strace $0x8000004C;
	[dreg:$0x1] =	wrdreg $0xFFFFFFFF  }
0xa7: {  	s28 =	simm.s32 $_size_execute0_lowered;
	s2 =	sadd.s32 s2, s4;
	[dreg:$0x0] =	wrdreg $0x0  }
0xa8: {  	s4 =	sshll.u32 s28, $0x1;
	[dreg:$0x2] =	wrdreg s2  }
0xa9: {  	[dreg:$0x3] =	wrdreg s4  }
0xaa: {  	[dreg:$0x4] =	wrdreg $0xC0  }
0xab: {  	_ =	task [dreg:s6], $0x5FFFF  }
0xac: {  	[dreg:$0x1] =	wrdreg $0xFFFFFFFF  }
0xad: {  	[dreg:$0x0] =	wrdreg $0x60  }
0xae: {  	[dreg:$0x2] =	wrdreg s24  }
0xaf: {  	[dreg:$0x3] =	wrdreg $0x9  }
0xb0: {  	_ =	task.clear_ibuf [dreg:s6], $0x4FFFF;
	_ =	strace $0x9000004C  }
0xb1: {  	s29 =	simm.s32 $0x9;
	_ =	strace $0x8000004E  }
0xb2: {  	_ =	swait.ge [sflag:s29], $0x1  }
0xb3: {  	[sflag:s29] =	ssyncadd.s32 $0xFFFFFFFF  }
0xb4: {  	_ =	strace $0x9000004E  }
0xb5: {  	_ =	sfence  }
0xb6: {  	s30 =	sld [smem:$0x0];
	_ =	sdelay $0x2  }
0xb7: {  	s31 =	sshll.u32 s1, $0xD;
	s1 =	sshrl.u32 s1, $0x2  }
0xb8: {  	s3 =	sand.u32 $0x4000, s31;
	s1 =	sadd.s32 s1, s30  }
0xb9: {  	s0 =	sor.u32 s3, s0;
	s1 =	sshll.u32 s1, $0x11  }
0xba: {  	s0 =	sor.u32 s1, s0  }
0xbb: {  	s0 =	sadd.s32 $0x8F2B, s0  }
0xbc: {  	[sflag:s0] =	ssyncadd.remote.s32 $0x1  }
0xbd: {  	_ =	sfence.sel $0xFFFF  }
0xbe: {  	[dreg:$0x0] =	wrdreg $0xFFFFFFFF;
	(pc) =	sbr.abs _section_cstart, $3  }
0xbf: {  	[dreg:$0x1] =	wrdreg $0xFFFFFFFF  }
0xc0: {  	_ =	task.clear_ibuf [dreg:s6], $0x2FFFF;
	_ =	strace $0x9FFFFFFF  }
0xc1: {  	(tm) =	ssettm $0x7FFFFFFF  }
tec
execute0_lowered:
.L_overlay_start_1:
0x0: {  	(tag) =	ssettag $0x1  }
0x1: {  	s0 =	srdreg.scid;
	s5 =	rddreg [dreg:$0x0]  }
0x2: {  	s1 =	stileid.u32;
	s2 =	simm.s32 $0x0;
	s10 =	simm.s32 $0x1  }
0x3: {  	s11 =	simm.s32 $0xA000;
	s12 =	simm.s32 $0x2800;
	s13 =	simm.s32 $0x80  }
0x4: {  	s14 =	simm.s32 $0x400;
	s4 =	sand.u32 $0x1, s0;
	s6 =	smul.u32 $0x2800, s1  }
0x5: {  	s15 =	simm.s32 $0x0;
	s0 =	rddreg [dreg:$0x1];
	s3 =	smul.u32 $0x28000, s4  }
0x6: {  	s8 =	sshrl.u32 s1, $0x3;
	[smem:$0x7FF] =	sst s2;
	s7 =	smul.u32 $0x50000, s4  }
0x7: {  	s9 =	sshll.u32 s1, $0x7;
	s8 =	smul.u32 $0x28000, s8;
	_ =	strace $0x8000004D  }
0x8: {  	s29 =	sand.u32 $0x380, s9;
	s30 =	ssub.s32 $0x2, s4;
	s4 =	sadd.s32 $0xC800, s5  }
0x9: {  	s9 =	simm.s32 $0x5000;
	s31 =	sshrl.u32 s30, $0x1;
	s7 =	sadd.s32 s7, s8  }
0xa: {  	s6 =	sadd.s32 s6, s3;
	s3 =	sadd.s32 $0xBE00, s5;
	s7 =	sor.u32 s29, s7  }
0xb: {  	s8 =	ssub.s32 s30, s31;
	s6 =	sshrl.u32 s6, $0x3;
	s7 =	sshrl.u32 s7, $0x3  }
0xc: {  	s8 =	smax.u32 s8, $0x1;
	s6 =	sadd.s32 s6, s5;
	s7 =	sadd.s32 s7, s5  }
0xd: {  	s5 =	sadd.s32 $0x15E00, s6;
	s6 =	sadd.s32 $0x1E00, s6;
	s7 =	sadd.s32 $0x1FE00, s7  }
.LBB2_1:
0xe: {  	[tilespmem:s9], [sflag:$0x1] =	stream.linear.gather [hbm4b:s3+s2], $0x5000, $0x38;
	[tilespmem:$0xF000] =	vst v63  }
0xf: {  	_ =	swait.ge [sflag:s10], $0x5000  }
0x10: {  	[sflag:s10] =	ssyncset.done $0x0  }
0x11: {  	[sflag:s10] =	ssyncadd.s32 $0xFFFFB000  }
0x12: {  	[tilespmem:s11], [sflag:$0x1] =	stream.linear.gather [hbm4b:s4+s2], $0x5000, $0x38;
	[tilespmem:$0xF000] =	vst v63  }
0x13: {  	_ =	swait.ge [sflag:s10], $0x5000  }
0x14: {  	[sflag:s10] =	ssyncset.done $0x0  }
0x15: {  	[sflag:s10] =	ssyncadd.s32 $0xFFFFB000  }
0x16: {  	[tilespmem:s2], [sflag:$0x1] =	stream.linear.gather [hbm4b:s5+s2], $0x2800, $0x38;
	[tilespmem:$0xF000] =	vst v63  }
0x17: {  	_ =	swait.ge [sflag:s10], $0x2800  }
0x18: {  	[sflag:s10] =	ssyncset.done $0x0  }
0x19: {  	[sflag:s10] =	ssyncadd.s32 $0xFFFFD800  }
0x1a: {  	[tilespmem:s12], [sflag:$0x1] =	stream.linear.gather [hbm4b:s6+s2], $0x2800, $0x38;
	[tilespmem:$0xF000] =	vst v63  }
0x1b: {  	_ =	swait.ge [sflag:s10], $0x2800  }
0x1c: {  	[sflag:s10] =	ssyncset.done $0x0  }
0x1d: {  	s16 =	simm.s32 $0x0;
	[sflag:s10] =	ssyncadd.s32 $0xFFFFD800  }
.LBB2_2:
0x1e: {  	s17 =	sshra.s32 s16, $0x2  }
0x1f: {  	v0 =	vld [tilespmem:s17+$0x0];
	_ =	sdelay $0x4  }
0x20: {  	v1 =	vld [tilespmem:s17+$0x2800];
	v0 =	vshll.u32 v0, $0x1  }
0x21: {  	v2 =	vor.u32 $0x1, v0;
	_ =	sdelay $0x3  }
0x22: {  	v1 =	vshll.u32 v1, $0x1;
	v0 =	vld.idx.msk [tilespmem:v0+s9+$0x0], $0xffff  }
0x23: {  	v3 =	vor.u32 $0x1, v1;
	v2 =	vld.idx.msk [tilespmem:v2+s9+$0x0], $0xffff;
	_ =	sdelay $0x3  }
0x24: {  	[tilespmem:v1+s11+$0x0] =	vst.idx.add.f32.msk $0xffff, v0  }
0x25: {  	[tilespmem:v3+s11+$0x0] =	vst.idx.add.f32.msk $0xffff, v2  }
0x26: {  	v0 =	vld [tilespmem:s17+$0x10];
	_ =	sdelay $0x4  }
0x27: {  	v1 =	vld [tilespmem:s17+$0x2810];
	v0 =	vshll.u32 v0, $0x1  }
0x28: {  	v50 =	vor.u32 $0x1, v0;
	_ =	sdelay $0x3  }
0x29: {  	v1 =	vshll.u32 v1, $0x1;
	v0 =	vld.idx.msk [tilespmem:v0+s9+$0x0], $0xffff  }
0x2a: {  	v51 =	vor.u32 $0x1, v1;
	v2 =	vld.idx.msk [tilespmem:v50+s9+$0x0], $0xffff;
	_ =	sdelay $0x3  }
0x2b: {  	[tilespmem:v1+s11+$0x0] =	vst.idx.add.f32.msk $0xffff, v0  }
0x2c: {  	[tilespmem:v51+s11+$0x0] =	vst.idx.add.f32.msk $0xffff, v2  }
0x2d: {  	v0 =	vld [tilespmem:s17+$0x20];
	_ =	sdelay $0x4  }
0x2e: {  	v1 =	vld [tilespmem:s17+$0x2820];
	v0 =	vshll.u32 v0, $0x1  }
0x2f: {  	v52 =	vor.u32 $0x1, v0;
	_ =	sdelay $0x3  }
0x30: {  	v1 =	vshll.u32 v1, $0x1;
	v0 =	vld.idx.msk [tilespmem:v0+s9+$0x0], $0xffff  }
0x31: {  	v53 =	vor.u32 $0x1, v1;
	v2 =	vld.idx.msk [tilespmem:v52+s9+$0x0], $0xffff;
	_ =	sdelay $0x3  }
0x32: {  	[tilespmem:v1+s11+$0x0] =	vst.idx.add.f32.msk $0xffff, v0  }
0x33: {  	[tilespmem:v53+s11+$0x0] =	vst.idx.add.f32.msk $0xffff, v2  }
0x34: {  	v0 =	vld [tilespmem:s17+$0x30];
	_ =	sdelay $0x4  }
0x35: {  	v1 =	vld [tilespmem:s17+$0x2830];
	v0 =	vshll.u32 v0, $0x1  }
0x36: {  	v54 =	vor.u32 $0x1, v0;
	_ =	sdelay $0x3  }
0x37: {  	v1 =	vshll.u32 v1, $0x1;
	v0 =	vld.idx.msk [tilespmem:v0+s9+$0x0], $0xffff  }
0x38: {  	v55 =	vor.u32 $0x1, v1;
	v2 =	vld.idx.msk [tilespmem:v54+s9+$0x0], $0xffff;
	_ =	sdelay $0x3  }
0x39: {  	[tilespmem:v1+s11+$0x0] =	vst.idx.add.f32.msk $0xffff, v0  }
0x3a: {  	[tilespmem:v55+s11+$0x0] =	vst.idx.add.f32.msk $0xffff, v2  }
0x3b: {  	v0 =	vld [tilespmem:s17+$0x40];
	_ =	sdelay $0x4  }
0x3c: {  	v1 =	vld [tilespmem:s17+$0x2840];
	v0 =	vshll.u32 v0, $0x1  }
0x3d: {  	v56 =	vor.u32 $0x1, v0;
	_ =	sdelay $0x3  }
0x3e: {  	v1 =	vshll.u32 v1, $0x1;
	v0 =	vld.idx.msk [tilespmem:v0+s9+$0x0], $0xffff  }
0x3f: {  	v57 =	vor.u32 $0x1, v1;
	v2 =	vld.idx.msk [tilespmem:v56+s9+$0x0], $0xffff;
	_ =	sdelay $0x3  }
0x40: {  	[tilespmem:v1+s11+$0x0] =	vst.idx.add.f32.msk $0xffff, v0  }
0x41: {  	[tilespmem:v57+s11+$0x0] =	vst.idx.add.f32.msk $0xffff, v2  }
0x42: {  	v0 =	vld [tilespmem:s17+$0x50];
	_ =	sdelay $0x4  }
0x43: {  	v1 =	vld [tilespmem:s17+$0x2850];
	v0 =	vshll.u32 v0, $0x1  }
0x44: {  	v58 =	vor.u32 $0x1, v0;
	_ =	sdelay $0x3  }
0x45: {  	v1 =	vshll.u32 v1, $0x1;
	v0 =	vld.idx.msk [tilespmem:v0+s9+$0x0], $0xffff  }
0x46: {  	v59 =	vor.u32 $0x1, v1;
	v2 =	vld.idx.msk [tilespmem:v58+s9+$0x0], $0xffff;
	_ =	sdelay $0x3  }
0x47: {  	[tilespmem:v1+s11+$0x0] =	vst.idx.add.f32.msk $0xffff, v0  }
0x48: {  	[tilespmem:v59+s11+$0x0] =	vst.idx.add.f32.msk $0xffff, v2  }
0x49: {  	v0 =	vld [tilespmem:s17+$0x60];
	_ =	sdelay $0x4  }
0x4a: {  	v1 =	vld [tilespmem:s17+$0x2860];
	v0 =	vshll.u32 v0, $0x1  }
0x4b: {  	v60 =	vor.u32 $0x1, v0;
	_ =	sdelay $0x3  }
0x4c: {  	v1 =	vshll.u32 v1, $0x1;
	v0 =	vld.idx.msk [tilespmem:v0+s9+$0x0], $0xffff  }
0x4d: {  	v61 =	vor.u32 $0x1, v1;
	v2 =	vld.idx.msk [tilespmem:v60+s9+$0x0], $0xffff;
	_ =	sdelay $0x3  }
0x4e: {  	[tilespmem:v1+s11+$0x0] =	vst.idx.add.f32.msk $0xffff, v0  }
0x4f: {  	[tilespmem:v61+s11+$0x0] =	vst.idx.add.f32.msk $0xffff, v2  }
0x50: {  	v0 =	vld [tilespmem:s17+$0x70];
	_ =	sdelay $0x4  }
0x51: {  	v1 =	vld [tilespmem:s17+$0x2870];
	v0 =	vshll.u32 v0, $0x1  }
0x52: {  	v62 =	vor.u32 $0x1, v0;
	_ =	sdelay $0x3  }
0x53: {  	v1 =	vshll.u32 v1, $0x1;
	v0 =	vld.idx.msk [tilespmem:v0+s9+$0x0], $0xffff  }
0x54: {  	p0 =	sne.s32 s16, $0x9E00;
	v63 =	vor.u32 $0x1, v1;
	v2 =	vld.idx.msk [tilespmem:v62+s9+$0x0], $0xffff  }
.Ltmp0:
0x55: {  	_ = 	snop;
	(pc) =	sbr.rel @p0 .LBB2_2-.Ltmp0, $3  }
0x56: {  	_ =	sdelay $0x1  }
0x57: {  	[tilespmem:v1+s11+$0x0] =	vst.idx.add.f32.msk $0xffff, v0  }
0x58: {  	s16 =	sadd.s32 $0x200, s16;
	[tilespmem:v63+s11+$0x0] =	vst.idx.add.f32.msk $0xffff, v2  }
0x59: {  	s15 =	sadd.s32 $0x1, s15  }
0x5a: {  	p0 =	sne.s32 s15, s8  }
.Ltmp1:
0x5b: {  	_ = 	snop;
	(pc) =	sbr.rel @p0 .LBB2_1-.Ltmp1, $4  }
0x5c: {  	[hbm4b:s7+s13] =	stream.strided.scatter [tilespmem:s11], [sflag:$0x1], $0x5000, s14, s13, $0x38;
	[tilespmem:$0xF000] =	vst v63  }
0x5d: {  	_ =	swait.ge [sflag:s10], $0x5000  }
0x5e: {  	[sflag:s10] =	ssyncset.done $0x0  }
0x5f: {  	[sflag:s10] =	ssyncadd.s32 $0xFFFFB000  }
0x60: {  	_ =	sfence.sel $0x180000  }
0x61: {  	[bflag:$0x0] =	sbarrier.arrive $0xFFFF  }
0x62: {  	p0 =	sne.s32 s1, $0x0;
	_ =	strace $0x9000004D  }
0x63: {  	s0 =	sadd.s32 @!p0 $0x100000, s0;
	[bflag:$0x2] =	sbarrier.arrive $0xFFFF  }
0x64: {  	[sflag:s0] =	ssyncadd.tile.s32 @!p0 $0x1;
	_ =	shalt  }
.Lfunc_end2:
_tile_overlayer_lowered:
.L_overlay_start_2:
0x65: {  	(tag) =	ssettag $0x2  }
0x66: {  	s0 =	rddreg [dreg:$0x0];
	s2 =	stileid.u32  }
0x67: {  	s1 =	rddreg [dreg:$0x1];
	p0 =	sne.s32 s2, $0x0  }
0x68: {  	s3 =	rddreg [dreg:$0x2];
	[bflag:$0x3] =	sbarrier.arrive $0xFFFF;
	s2 =	simm.s32 @!p0 $0x1C01  }
0x69: {  	[timem:s3], [sflag:s2] =	dma.local @!p0 [hbm:s0], s1  }
0x6a: {  	s0 =	simm.s32 @!p0 $0x1  }
0x6b: {  	_ =	swait.ge @!p0 [sflag:s0], s1  }
0x6c: {  	s1 =	ssub.s32 @!p0 $0x0, s1;
	[sflag:s0] =	ssyncset.done @!p0 $0x0  }
0x6d: {  	[sflag:s0] =	ssyncadd.s32 @!p0 s1  }
0x6e: {  	[bflag:$0x3] =	sbarrier.arrive $0xFFFF  }
0x6f: {  	_ =	shalt  }

// kernel: kernel.8.cloned.1.call-start
scs
__scs_entry_jumppad:
0x0: {  	(pc) =	sbr.rel $0x88, $3  }
0x1: {  	(tag) =	ssettag $0x0;
	lr =	simm.s32 $0x1  }
0x2: {  	[smem:$0x3F9B] =	sst lr;
	_ =	strace $0xD0000000  }
0x3: {  	_ = 	snop  }
0x4: {  	_ = 	snop  }
0x5: {  	_ = 	snop  }
0x6: {  	_ = 	snop  }
0x7: {  	_ = 	snop  }
__scs_overlays_trampoline_lowered:
0x8: {  	[smem:$0x3FAA] =	sst s0  }
0x9: {  	[smem:$0x3FAB] =	sst s1  }
0xa: {  	[smem:$0x3FAC] =	sst s2  }
0xb: {  	[smem:$0x3FAD] =	sst s3  }
0xc: {  	[smem:$0x3FAE] =	sst s4  }
0xd: {  	[smem:$0x3FAF] =	sst s5  }
0xe: {  	[smem:$0x3FB0] =	sst s6  }
0xf: {  	[smem:$0x3FB1] =	sst s7  }
0x10: {  	[smem:$0x3FB2] =	sst s8  }
0x11: {  	[smem:$0x3FB3] =	sst s9;
	s0 =	simm.s32 @!p0 $0x0  }
0x12: {  	s1 =	sld [smem:$0x3F99];
	s0 =	simm.s32 @p0 $0x1  }
0x13: {  	[smem:$0x3FB4] =	sst s0;
	s0 =	simm.s32 @!p1 $0x0  }
0x14: {  	s2 =	sld [smem:$0x3F98];
	s0 =	simm.s32 @p1 $0x1  }
0x15: {  	[smem:$0x3FB5] =	sst s0;
	s0 =	simm.s32 @!p2 $0x0  }
0x16: {  	s3 =	sld [smem:$0x3FDB];
	s0 =	simm.s32 @p2 $0x1  }
0x17: {  	s4 =	simm.s32 $0x1BF5;
	[smem:$0x3FB7] =	sst s0  }
0x18: {  	s0 =	sld [smem:$0x3F9A];
	_ =	swait.ge [sflag:s4], $0x0  }
0x19: {  	s7 =	sld [smem:$0x3F9B]  }
0x1a: {  	s8 =	sadd.s32 $0xFFFFE003, lr  }
0x1b: {  	s9 =	sadd.s32 $0xFFFFFEF7, lr;
	s5 =	simm.s32 $0xFFFFFFFF;
	p2 =	slt.u32 s8, $0xFFFFF086  }
0x1c: {  	p1 =	slt.u32 s9, $0xF7A;
	s5 =	simm.s32 @!p2 $0x0  }
0x1d: {  	s5 =	simm.s32 @p1 $0x1;
	p0 =	seq.s32 s7, s2  }
0x1e: {  	s7 =	smul.u32 @!p0 $0xF7A, s2;
	p2 =	seq.s32 @!p0 s5, $0x0  }
0x1f: {  	s9 =	smul.u32 $0xF7A, s1;
	s8 =	simm.s32 @!p0 $0x1BF5;
	p2 =	por !p2, p0  }
0x20: {  	[sflag:s8] =	ssyncset.s32 @!p0 $0xFFFFF086;
	s6 =	sadd.s32 @!p0 s3, s7;
	s7 =	simm.s32 @!p0 $0x108  }
0x21: {  	s3 =	sadd.s32 s3, s9;
	s6 =	sadd.s32 @!p0 $0x88, s6;
	s7 =	simm.s32 @p2 $0x1082  }
0x22: {  	[simem:s7], [sflag:s8] =	dma.local @!p0 [hbm:s6], $0xF7A  }
0x23: {  	s9 =	sor.u32 $0xD0000000, s2;
	s6 =	simm.s32 $0x108;
	_ =	swait.ge @!p0 [sflag:s8], $0x0  }
0x24: {  	s3 =	sadd.s32 $0x88, s3;
	s6 =	simm.s32 @!p1 $0x1082;
	[sflag:s4] =	ssyncset.s32 $0xFFFFF086  }
0x25: {  	[simem:s6], [sflag:s4] =	dma.local [hbm:s3], $0xF7A  }
0x26: {  	[smem:$0x3F9B] =	sst s1;
	(tag) =	ssettag s2;
	_ =	strace s9  }
0x27: {  	s1 =	sld [smem:$0x3FAB]  }
0x28: {  	s2 =	sld [smem:$0x3FAC]  }
0x29: {  	s4 =	sld [smem:$0x3FAE]  }
0x2a: {  	p0 =	seq.s32 s5, $0x0;
	s5 =	sld [smem:$0x3FAF]  }
0x2b: {  	s6 =	sld [smem:$0x3FB0]  }
0x2c: {  	s7 =	sld [smem:$0x3FB1]  }
0x2d: {  	s3 =	simm.s32 $0x108;
	s8 =	sld [smem:$0x3FB2]  }
0x2e: {  	s3 =	simm.s32 @!p0 $0x1082;
	s9 =	sld [smem:$0x3FB3]  }
0x2f: {  	lr =	sadd.s32 s0, s3;
	s0 =	sld [smem:$0x3FAA]  }
0x30: {  	s3 =	sld [smem:$0x3FAD]  }
0x31: {  	[smem:$0x3FB6] =	sst s10  }
0x32: {  	s10 =	sld [smem:$0x3FB4];
	_ =	sdelay $0x3  }
0x33: {  	p0 =	seq.s32 s10, $0x1;
	s10 =	sld [smem:$0x3FB6];
	_ =	sdelay $0x3  }
0x34: {  	[smem:$0x3FB6] =	sst s10  }
0x35: {  	s10 =	sld [smem:$0x3FB5];
	_ =	sdelay $0x3  }
0x36: {  	p1 =	seq.s32 s10, $0x1;
	s10 =	sld [smem:$0x3FB6];
	_ =	sdelay $0x3  }
0x37: {  	[smem:$0x3FB6] =	sst s10  }
0x38: {  	s10 =	sld [smem:$0x3FB7]  }
0x39: {  	_ = 	snop;
	(pc) =	sbr.ind lr, $3  }
0x3a: {  	_ = 	snop  }
0x3b: {  	_ = 	snop  }
0x3c: {  	p2 =	seq.s32 s10, $0x1;
	s10 =	sld [smem:$0x3FB6]  }
0x3d: {  	_ =	shalt  }
0x3e: {  	_ =	shalt  }
0x3f: {  	_ =	shalt  }
0x40: {  	_ =	shalt  }
0x41: {  	_ =	shalt  }
0x42: {  	_ =	shalt  }
0x43: {  	_ =	shalt  }
0x44: {  	_ =	shalt  }
0x45: {  	_ =	shalt  }
0x46: {  	_ =	shalt  }
0x47: {  	_ =	shalt  }
0x48: {  	_ =	shalt  }
0x49: {  	_ =	shalt  }
0x4a: {  	_ =	shalt  }
0x4b: {  	_ =	shalt  }
0x4c: {  	_ =	shalt  }
0x4d: {  	_ =	shalt  }
0x4e: {  	_ =	shalt  }
0x4f: {  	_ =	shalt  }
0x50: {  	_ =	shalt  }
0x51: {  	_ =	shalt  }
0x52: {  	_ =	shalt  }
0x53: {  	_ =	shalt  }
0x54: {  	_ =	shalt  }
0x55: {  	_ =	shalt  }
0x56: {  	_ =	shalt  }
0x57: {  	_ =	shalt  }
0x58: {  	_ =	shalt  }
0x59: {  	_ =	shalt  }
0x5a: {  	_ =	shalt  }
0x5b: {  	_ =	shalt  }
0x5c: {  	_ =	shalt  }
0x5d: {  	_ =	shalt  }
0x5e: {  	_ =	shalt  }
0x5f: {  	_ =	shalt  }
0x60: {  	_ =	shalt  }
0x61: {  	_ =	shalt  }
0x62: {  	_ =	shalt  }
0x63: {  	_ =	shalt  }
0x64: {  	_ =	shalt  }
0x65: {  	_ =	shalt  }
0x66: {  	_ =	shalt  }
0x67: {  	_ =	shalt  }
0x68: {  	_ =	shalt  }
0x69: {  	_ =	shalt  }
0x6a: {  	_ =	shalt  }
0x6b: {  	_ =	shalt  }
0x6c: {  	_ =	shalt  }
0x6d: {  	_ =	shalt  }
0x6e: {  	_ =	shalt  }
0x6f: {  	_ =	shalt  }
0x70: {  	_ =	shalt  }
0x71: {  	_ =	shalt  }
0x72: {  	_ =	shalt  }
0x73: {  	_ =	shalt  }
0x74: {  	_ =	shalt  }
0x75: {  	_ =	shalt  }
0x76: {  	_ =	shalt  }
0x77: {  	_ =	shalt  }
0x78: {  	_ =	shalt  }
0x79: {  	_ =	shalt  }
0x7a: {  	_ =	shalt  }
0x7b: {  	_ =	shalt  }
0x7c: {  	_ =	shalt  }
0x7d: {  	_ =	shalt  }
0x7e: {  	_ =	shalt  }
0x7f: {  	_ =	shalt  }
0x80: {  	_ =	shalt  }
0x81: {  	_ =	shalt  }
0x82: {  	_ =	shalt  }
0x83: {  	_ =	shalt  }
0x84: {  	_ =	shalt  }
0x85: {  	_ =	shalt  }
0x86: {  	_ =	shalt  }
0x87: {  	_ =	shalt  }
.Lfunc_end0:
.L_simem_size_0:
called_computation_lowered:
.L_overlay_start_0:
0x88: {  	s2 =	sld [smem:$0x3FD9]  }
0x89: {  	s3 =	sld [smem:$0x3FFE];
	_ =	sdelay $0x1  }
0x8a: {  	s1 =	srdreg.scid  }
0x8b: {  	s0 =	sand.u32 $0x1, s1  }
0x8c: {  	s17 =	sshll.u32 s0, $0xA;
	s2 =	sadd.s32 s3, s2  }
0x8d: {  	s2 =	sadd.s32 s2, s17  }
0x8e: {  	[smem:$0x3FC2] =	sst s2  }
0x8f: {  	_ = 	snop  }
0x90: {  	s2 =	sld [smem:$0x3FD0];
	(tm) =	ssettm $0x1  }
0x91: {  	s18 =	sld [smem:$0x3FFB];
	_ =	sdelay $0x3  }
0x92: {  	_ =	strace s18  }
0x93: {  	s3 =	sld [smem:$0x3FFC];
	_ =	sdelay $0x3  }
0x94: {  	_ =	strace s3  }
0x95: {  	s3 =	sld [smem:$0x3FFD];
	_ =	sdelay $0x3  }
0x96: {  	_ =	strace s3  }
0x97: {  	_ =	strace $0x8FFFFFFF  }
0x98: {  	s19 =	sld [smem:$0x3FDB];
	_ =	sdelay $0x1  }
0x99: {  	s4 =	simm.s32 $_scs_section_size  }
0x9a: {  	s5 =	simm.s32 $_size__tile_overlayer_lowered;
	s6 =	simm.s32 $_tile_overlayer_lowered  }
0x9b: {  	s22 =	simm.s32 $0x1BFF;
	s21 =	sshll.u32 s6, $0x1;
	s3 =	sadd.s32 s4, s19  }
0x9c: {  	s7 =	simm.s32 $0x0;
	s20 =	sshll.u32 s5, $0x1;
	s5 =	sadd.s32 s21, s3  }
0x9d: {  	[timem:s7], [sflag:s22] =	dma.local [hbm:s5], s20  }
0x9e: {  	_ =	swait.ge [sflag:s22], s20  }
0x9f: {  	s4 =	ssub.s32 $0x0, s20;
	[sflag:s22] =	ssyncset.done $0x0  }
0xa0: {  	[sflag:s22] =	ssyncadd.s32 s4;
	_ =	sdelay $0x1  }
0xa1: {  	s23 =	simm.s32 $0x1B8B  }
0xa2: {  	_ =	swait.ge [sflag:s23], $0x1  }
0xa3: {  	[sflag:s23] =	ssyncset.done $0x0  }
0xa4: {  	s25 =	simm.s32 $0x1B8E;
	s24 =	sld [smem:$0x3FFE];
	[sflag:s23] =	ssyncadd.s32 $0xFFFFFFFF  }
0xa5: {  	s26 =	simm.s32 $execute0_lowered;
	[smem:$0x3FD2] =	sst s25  }
0xa6: {  	s5 =	sshll.u32 s26, $0x1;
	_ =	strace $0x80000046;
	[dreg:$0x1] =	wrdreg $0xFFFFFFFF  }
0xa7: {  	s28 =	simm.s32 $_size_execute0_lowered;
	s3 =	sadd.s32 s3, s5;
	[dreg:$0x0] =	wrdreg $0x0  }
0xa8: {  	s5 =	sshll.u32 s28, $0x1;
	[dreg:$0x2] =	wrdreg s3  }
0xa9: {  	[dreg:$0x3] =	wrdreg s5  }
0xaa: {  	[dreg:$0x4] =	wrdreg $0xC0  }
0xab: {  	_ =	task [dreg:s7], $0x5FFFF  }
0xac: {  	[dreg:$0x1] =	wrdreg $0xFFFFFFFF  }
0xad: {  	[dreg:$0x0] =	wrdreg $0x60  }
0xae: {  	[dreg:$0x2] =	wrdreg s24  }
0xaf: {  	[dreg:$0x3] =	wrdreg s2  }
0xb0: {  	[dreg:$0x4] =	wrdreg $0x9  }
0xb1: {  	_ =	task.clear_ibuf [dreg:s7], $0x5FFFF;
	_ =	strace $0x90000046  }
0xb2: {  	s29 =	simm.s32 $0x9;
	_ =	strace $0x80000048  }
0xb3: {  	_ =	swait.ge [sflag:s29], $0x1  }
0xb4: {  	[sflag:s29] =	ssyncadd.s32 $0xFFFFFFFF  }
0xb5: {  	_ =	strace $0x90000048  }
0xb6: {  	_ =	sfence  }
0xb7: {  	s30 =	sld [smem:$0x0];
	_ =	sdelay $0x2  }
0xb8: {  	s31 =	sshll.u32 s1, $0xD;
	s1 =	sshrl.u32 s1, $0x2  }
0xb9: {  	s3 =	sand.u32 $0x4000, s31;
	s1 =	sadd.s32 s1, s30  }
0xba: {  	s0 =	sor.u32 s3, s0;
	s1 =	sshll.u32 s1, $0x11  }
0xbb: {  	s0 =	sor.u32 s1, s0  }
0xbc: {  	s0 =	sadd.s32 $0x8F2B, s0  }
0xbd: {  	[sflag:s0] =	ssyncadd.remote.s32 $0x1  }
0xbe: {  	_ =	sfence.sel $0xFFFF  }
0xbf: {  	[dreg:$0x0] =	wrdreg $0xFFFFFFFF;
	(pc) =	sbr.abs _section_cstart, $3  }
0xc0: {  	[dreg:$0x1] =	wrdreg $0xFFFFFFFF  }
0xc1: {  	_ =	task.clear_ibuf [dreg:s7], $0x2FFFF;
	_ =	strace $0x9FFFFFFF  }
0xc2: {  	(tm) =	ssettm $0x7FFFFFFF  }
0xc3: {  	_ =	shalt  }
tec
execute0_lowered:
.L_overlay_start_1:
0x0: {  	(tag) =	ssettag $0x1  }
0x1: {  	s1 =	srdreg.scid  }
0x2: {  	s4 =	rddreg [dreg:$0x0];
	s0 =	stileid.u32  }
0x3: {  	s2 =	rddreg [dreg:$0x1];
	s10 =	simm.s32 $0x400;
	s11 =	simm.s32 $0x0  }
0x4: {  	s5 =	sand.u32 $0x1, s1;
	s3 =	sshrl.u32 s0, $0x3;
	s8 =	smul.u32 $0x2800, s0  }
0x5: {  	s1 =	rddreg [dreg:$0x2];
	s9 =	sshll.u32 s0, $0x7;
	s6 =	smul.u32 $0x28000, s5  }
0x6: {  	s7 =	smul.u32 $0x14000, s3;
	s3 =	simm.s32 $0x0;
	s5 =	ssub.s32 $0x2, s5  }
0x7: {  	s9 =	sand.u32 $0x380, s9;
	[smem:$0x7FF] =	sst s3;
	s30 =	sshrl.u32 s5, $0x1  }
0x8: {  	s7 =	sadd.s32 s6, s7;
	_ =	strace $0x80000047;
	s6 =	sadd.s32 s8, s6  }
0x9: {  	s31 =	ssub.s32 s5, s30;
	s7 =	sor.u32 s9, s7;
	s6 =	sshrl.u32 s6, $0x3  }
0xa: {  	s8 =	simm.s32 $0x1;
	s7 =	sshrl.u32 s7, $0x3;
	s6 =	sadd.s32 s6, s4  }
0xb: {  	s9 =	simm.s32 $0x80;
	s7 =	sadd.s32 s7, s4;
	s4 =	sadd.s32 $0x1E00, s6  }
0xc: {  	v0 =	vimm.f32 $1.000000000e+00;
	s6 =	smax.u32 s31, $0x1;
	s5 =	sadd.s32 $0xBE00, s7;
	s7 =	simm.s32 $0x2800  }
.LBB2_1:
0xd: {  	[tilespmem:s7], [sflag:$0x1] =	stream.linear.gather [hbm4b:s2+s3], $0x2800, $0x38;
	[tilespmem:$0x5000] =	vst v63  }
0xe: {  	_ =	swait.ge [sflag:s8], $0x2800  }
0xf: {  	[sflag:s8] =	ssyncset.done $0x0  }
0x10: {  	[sflag:s8] =	ssyncadd.s32 $0xFFFFD800  }
0x11: {  	[tilespmem:s3], [sflag:$0x1] =	stream.linear.gather [hbm4b:s4+s3], $0x2800, $0x38;
	[tilespmem:$0x5000] =	vst v63  }
0x12: {  	_ =	swait.ge [sflag:s8], $0x2800  }
0x13: {  	[sflag:s8] =	ssyncset.done $0x0  }
0x14: {  	s12 =	simm.s32 $0x0;
	[sflag:s8] =	ssyncadd.s32 $0xFFFFD800  }
.LBB2_2:
0x15: {  	s13 =	sshra.s32 s12, $0x2  }
0x16: {  	v1 =	vld [tilespmem:s13+$0x0];
	_ =	sdelay $0x7  }
0x17: {  	[tilespmem:v1+s7+$0x0] =	vst.idx.add.f32.msk $0xffff, v0  }
0x18: {  	v1 =	vld [tilespmem:s13+$0x10];
	_ =	sdelay $0x7  }
0x19: {  	[tilespmem:v1+s7+$0x0] =	vst.idx.add.f32.msk $0xffff, v0  }
0x1a: {  	v1 =	vld [tilespmem:s13+$0x20];
	_ =	sdelay $0x7  }
0x1b: {  	[tilespmem:v1+s7+$0x0] =	vst.idx.add.f32.msk $0xffff, v0  }
0x1c: {  	v1 =	vld [tilespmem:s13+$0x30];
	_ =	sdelay $0x7  }
0x1d: {  	[tilespmem:v1+s7+$0x0] =	vst.idx.add.f32.msk $0xffff, v0  }
0x1e: {  	v1 =	vld [tilespmem:s13+$0x40];
	_ =	sdelay $0x7  }
0x1f: {  	[tilespmem:v1+s7+$0x0] =	vst.idx.add.f32.msk $0xffff, v0  }
0x20: {  	v1 =	vld [tilespmem:s13+$0x50];
	_ =	sdelay $0x7  }
0x21: {  	[tilespmem:v1+s7+$0x0] =	vst.idx.add.f32.msk $0xffff, v0  }
0x22: {  	v1 =	vld [tilespmem:s13+$0x60];
	_ =	sdelay $0x7  }
0x23: {  	[tilespmem:v1+s7+$0x0] =	vst.idx.add.f32.msk $0xffff, v0  }
0x24: {  	v1 =	vld [tilespmem:s13+$0x70];
	_ =	sdelay $0x2  }
0x25: {  	p0 =	sne.s32 s12, $0x9E00  }
.Ltmp0:
0x26: {  	_ = 	snop;
	(pc) =	sbr.rel @p0 .LBB2_2-.Ltmp0, $2  }
0x27: {  	_ =	sdelay $0x2  }
0x28: {  	s12 =	sadd.s32 $0x200, s12;
	[tilespmem:v1+s7+$0x0] =	vst.idx.add.f32.msk $0xffff, v0  }
0x29: {  	s11 =	sadd.s32 $0x1, s11  }
0x2a: {  	p0 =	sne.s32 s11, s6  }
.Ltmp1:
0x2b: {  	_ = 	snop;
	(pc) =	sbr.rel @p0 .LBB2_1-.Ltmp1, $4  }
0x2c: {  	[hbm4b:s5+s9] =	stream.strided.scatter [tilespmem:s7], [sflag:$0x1], $0x2800, s10, s9, $0x38;
	[tilespmem:$0x5000] =	vst v63  }
0x2d: {  	_ =	swait.ge [sflag:s8], $0x2800  }
0x2e: {  	[sflag:s8] =	ssyncset.done $0x0  }
0x2f: {  	[sflag:s8] =	ssyncadd.s32 $0xFFFFD800  }
0x30: {  	_ =	sfence.sel $0x180000  }
0x31: {  	[bflag:$0x0] =	sbarrier.arrive $0xFFFF  }
0x32: {  	p0 =	sne.s32 s0, $0x0;
	_ =	strace $0x90000047  }
0x33: {  	s0 =	sadd.s32 @!p0 $0x100000, s1;
	[bflag:$0x2] =	sbarrier.arrive $0xFFFF  }
0x34: {  	[sflag:s0] =	ssyncadd.tile.s32 @!p0 $0x1;
	_ =	shalt  }
.Lfunc_end2:
_tile_overlayer_lowered:
.L_overlay_start_2:
0x35: {  	(tag) =	ssettag $0x2  }
0x36: {  	s0 =	rddreg [dreg:$0x0];
	s2 =	stileid.u32  }
0x37: {  	s1 =	rddreg [dreg:$0x1];
	p0 =	sne.s32 s2, $0x0  }
0x38: {  	s3 =	rddreg [dreg:$0x2];
	[bflag:$0x3] =	sbarrier.arrive $0xFFFF;
	s2 =	simm.s32 @!p0 $0x1C01  }
0x39: {  	[timem:s3], [sflag:s2] =	dma.local @!p0 [hbm:s0], s1  }
0x3a: {  	s0 =	simm.s32 @!p0 $0x1  }
0x3b: {  	_ =	swait.ge @!p0 [sflag:s0], s1  }
0x3c: {  	s1 =	ssub.s32 @!p0 $0x0, s1;
	[sflag:s0] =	ssyncset.done @!p0 $0x0  }
0x3d: {  	[sflag:s0] =	ssyncadd.s32 @!p0 s1  }
0x3e: {  	[bflag:$0x3] =	sbarrier.arrive $0xFFFF  }
0x3f: {  	_ =	shalt  }

</sc_bundles>
